<compile_context>
chip_gen: v7x
topology: tpu7x:2x2x1
jax: 0.10.2.dev20260603
libtpu: 0.0.44.dev20260713+nightly
codegen_flags: <defaults>
</compile_context>

<pallas_src>
import jax
import jax.numpy as jnp
from jax import lax
from jax.experimental import pallas as pl
from jax.experimental.pallas import tpu as pltpu
from jax.experimental.pallas import tpu_sc as plsc

BATCH = 4096
DIM = 64
GRP = 8
INV_TEMP = 5.0

_NC = 2
_NS = 16
_NW = _NC * _NS
_BPW = BATCH // _NW
_CW = 16


def _lane(vec, j):
    return jnp.sum(jnp.where(lax.iota(jnp.int32, 16) == j, vec, 0))


def _sc_gather_body(ugid_hbm, igid_hbm, utab_hbm, itab_hbm, uout_hbm, iout_hbm,
                    idx_v, buf_a, buf_b, sem_a, sem_b, sem_o):
    wid = lax.axis_index("s") * _NC + lax.axis_index("c")
    base = wid * _BPW
    nchunk = _BPW // _CW
    for gid_hbm, tab, out in ((ugid_hbm, utab_hbm, uout_hbm),
                              (igid_hbm, itab_hbm, iout_hbm)):
        pltpu.sync_copy(gid_hbm.at[pl.ds(base, _BPW)], idx_v)

        def fire(c, buf, sem, tab=tab):
            vec = idx_v[pl.ds(c * _CW, _CW)]
            copies = []
            for j in range(_CW):
                g = _lane(vec, j)
                copies.append(pltpu.async_copy(
                    tab.at[pl.ds(g, 1)], buf.at[pl.ds(j, 1)], sem))
            return copies

        def drain(c, copies, buf, out=out):
            for cp in copies:
                cp.wait()
            pltpu.async_copy(
                buf, out.at[pl.ds(base + c * _CW, _CW)], sem_o).wait()

        def two_chunks(h, _, tab=tab, out=out):
            ca = fire(2 * h, buf_a, sem_a)
            cb = fire(2 * h + 1, buf_b, sem_b)
            drain(2 * h, ca, buf_a)
            drain(2 * h + 1, cb, buf_b)
            return 0

        lax.fori_loop(0, nchunk // 2, two_chunks, 0)


@jax.jit
def _sc_gather_groups(ugid, igid, utab3, itab3):
    mesh = plsc.VectorSubcoreMesh(core_axis_name="c", subcore_axis_name="s")
    return pl.kernel(
        _sc_gather_body,
        mesh=mesh,
        out_type=[
            jax.ShapeDtypeStruct((BATCH, GRP, DIM), jnp.float32),
            jax.ShapeDtypeStruct((BATCH, GRP, DIM), jnp.float32),
        ],
        scratch_types=[
            pltpu.VMEM((_BPW,), jnp.int32),
            pltpu.VMEM((_CW, GRP, DIM), jnp.float32),
            pltpu.VMEM((_CW, GRP, DIM), jnp.float32),
            pltpu.SemaphoreType.DMA,
            pltpu.SemaphoreType.DMA,
            pltpu.SemaphoreType.DMA,
        ],
        compiler_params=pltpu.CompilerParams(use_tc_tiling_on_sc=True,
                                             needs_layout_passes=False),
    )(ugid, igid, utab3, itab3)


def _select_norm_body(ug_ref, ig_ref, uoh_ref, ioh_ref, u_ref, i_ref):
    for g_ref, oh_ref, o_ref in ((ug_ref, uoh_ref, u_ref),
                                 (ig_ref, ioh_ref, i_ref)):
        g = g_ref[...]
        oh = oh_ref[...]
        x = jnp.sum(g * oh[:, :, None], axis=1)
        o_ref[...] = x / jnp.maximum(
            jnp.sqrt(jnp.sum(x * x, axis=1, keepdims=True)), 1e-12)


def _select_norm(ugroups, igroups, uoh, ioh, bm=1024):
    grid = (BATCH // bm,)
    return pl.pallas_call(
        _select_norm_body,
        grid=grid,
        in_specs=[
            pl.BlockSpec((bm, GRP, DIM), lambda i: (i, 0, 0)),
            pl.BlockSpec((bm, GRP, DIM), lambda i: (i, 0, 0)),
            pl.BlockSpec((bm, GRP), lambda i: (i, 0)),
            pl.BlockSpec((bm, GRP), lambda i: (i, 0)),
        ],
        out_specs=[
            pl.BlockSpec((bm, DIM), lambda i: (i, 0)),
            pl.BlockSpec((bm, DIM), lambda i: (i, 0)),
        ],
        out_shape=[
            jax.ShapeDtypeStruct((BATCH, DIM), jnp.float32),
            jax.ShapeDtypeStruct((BATCH, DIM), jnp.float32),
        ],
        compiler_params=pltpu.CompilerParams(
            dimension_semantics=("parallel",)),
    )(ugroups, igroups, uoh, ioh)


def _mm_body(u_ref, v_ref, o_ref):
    un = u_ref[...]
    vn = v_ref[...]
    o_ref[...] = lax.dot_general(
        un, vn, (((1,), (1,)), ((), ())),
        preferred_element_type=jnp.float32) * INV_TEMP


def _logits(user_emb, item_emb, bm=1024, bn=2048):
    grid = (BATCH // bm, BATCH // bn)
    return pl.pallas_call(
        _mm_body,
        grid=grid,
        in_specs=[
            pl.BlockSpec((bm, DIM), lambda i, j: (i, 0)),
            pl.BlockSpec((bn, DIM), lambda i, j: (j, 0)),
        ],
        out_specs=pl.BlockSpec((bm, bn), lambda i, j: (i, j)),
        out_shape=jax.ShapeDtypeStruct((BATCH, BATCH), jnp.float32),
        compiler_params=pltpu.CompilerParams(
            dimension_semantics=("parallel", "parallel")),
    )(user_emb, item_emb)


def kernel(user_ids, item_ids, user_table, item_table):
    uid = user_ids.astype(jnp.int32)
    iid = item_ids.astype(jnp.int32)
    ugid = uid // GRP
    igid = iid // GRP
    uoh = jax.nn.one_hot(uid % GRP, GRP, dtype=jnp.float32)
    ioh = jax.nn.one_hot(iid % GRP, GRP, dtype=jnp.float32)
    utab3 = user_table.reshape(-1, GRP, DIM)
    itab3 = item_table.reshape(-1, GRP, DIM)
    ugroups, igroups = _sc_gather_groups(ugid, igid, utab3, itab3)
    user_emb, item_emb = _select_norm(ugroups, igroups, uoh, ioh)
    return _logits(user_emb, item_emb)

# --- scband reference (transcript-rebuilt; emitter-appended) ---
"""Pipeline reference for scband-two-tower-model-58617713656072 (READ-ONLY COPY).

The authoritative reference and input builder live on the scoring server;
editing this copy changes nothing except your own understanding.
"""

import jax, jax.numpy as jnp
import numpy as np

NUM_USERS = 1000000
NUM_ITEMS = 1000000
EMBED_DIM = 64
BATCH = 4096
TEMPERATURE = 0.2

def setup_inputs(seed: int = 0) -> dict:
    key = jax.random.key(seed)
    k1, k2, k3, k4 = jax.random.split(key, 4)
    user_ids = jax.random.randint(k1, (BATCH,), 0, NUM_USERS, dtype=jnp.int64) if jax.config.jax_enable_x64 else jax.random.randint(k1, (BATCH,), 0, NUM_USERS, dtype=jnp.int32)
    item_ids = jax.random.randint(k2, (BATCH,), 0, NUM_ITEMS, dtype=jnp.int64) if jax.config.jax_enable_x64 else jax.random.randint(k2, (BATCH,), 0, NUM_ITEMS, dtype=jnp.int32)
    user_table = jax.random.normal(k3, (NUM_USERS, EMBED_DIM), dtype=jnp.float32)
    item_table = jax.random.normal(k4, (NUM_ITEMS, EMBED_DIM), dtype=jnp.float32)
    return {"user_ids": user_ids, "item_ids": item_ids, "user_table": user_table, "item_table": item_table}

def _normalize(x, eps=1e-12):
    # matches torch.nn.functional.normalize(p=2, dim=-1)
    norm = jnp.sqrt(jnp.sum(x * x, axis=-1, keepdims=True))
    return x / jnp.maximum(norm, eps)

def reference(user_ids, item_ids, user_table, item_table):
    user_emb = _normalize(jnp.take(user_table, user_ids, axis=0))
    item_emb = _normalize(jnp.take(item_table, item_ids, axis=0))
    logits = (user_emb @ item_emb.T) / TEMPERATURE
    return logits

if __name__ == "__main__":
    import jax
    _d = setup_inputs()
    print(jax.jit(kernel)(*tuple(_d.values())))

</pallas_src>

<mosaic_0001>
#map = affine_map<(d0, d1) -> (0)>
#map1 = affine_map<(d0, d1) -> (0, 0, 0)>
module attributes {stable_mosaic.version = 14 : i64} {
  func.func @_sc_gather_body(%arg0: i32, %arg1: i32, %arg2: memref<4096xi32, #tpu.memory_space<hbm>>, %arg3: memref<4096xi32, #tpu.memory_space<hbm>>, %arg4: memref<125000x8x64xf32, #tpu.memory_space<hbm>>, %arg5: memref<125000x8x64xf32, #tpu.memory_space<hbm>>, %arg6: memref<4096x8x64xf32, #tpu.memory_space<hbm>>, %arg7: memref<4096x8x64xf32, #tpu.memory_space<hbm>>, %arg8: memref<128xi32, #tpu.memory_space<vmem>>, %arg9: memref<16x8x64xf32, #tpu.memory_space<vmem>>, %arg10: memref<16x8x64xf32, #tpu.memory_space<vmem>>, %arg11: memref<!tpu.dma_semaphore, #tpu.memory_space<semaphore_mem>>, %arg12: memref<!tpu.dma_semaphore, #tpu.memory_space<semaphore_mem>>, %arg13: memref<!tpu.dma_semaphore, #tpu.memory_space<semaphore_mem>>) attributes {dimension_semantics = [#tpu.dimension_semantics<core_parallel>, #tpu.dimension_semantics<subcore_parallel>], iteration_bounds = array<i64: 2, 16>, scalar_prefetch = 0 : i64, scratch_operands = 6 : i64, tpu.core_type = #tpu.core_type<sc_vector_subcore>, window_params = [{transform_indices = #map}, {transform_indices = #map}, {transform_indices = #map1}, {transform_indices = #map1}, {transform_indices = #map1}, {transform_indices = #map1}]} {
    %mul3A = arith.constant 2 : i32
    %mul3A_0 = arith.muli %arg1, %mul3A : i32
    %add3A = arith.addi %mul3A_0, %arg0 : i32
    %mul3A_1 = arith.constant 128 : i32
    %mul3A_2 = arith.muli %add3A, %mul3A_1 : i32
    "tpu.region"() ({
      %run_scoped3A = tpu.sem_alloc : memref<!tpu.dma_semaphore, #tpu.memory_space<semaphore_mem>>
      %dma_start3A = tpu.memref_slice %arg2[%mul3A_2] : memref<4096xi32, #tpu.memory_space<hbm>> -> memref<128xi32, #tpu.memory_space<hbm>>
      %dma_start3A_16 = tpu.memref_slice %arg2[%mul3A_2] : memref<4096xi32, #tpu.memory_space<hbm>> -> memref<128xi32, #tpu.memory_space<hbm>>
      tpu.enqueue_dma source(%dma_start3A_16 : memref<128xi32, #tpu.memory_space<hbm>>) target(%arg8 : memref<128xi32, #tpu.memory_space<vmem>>) target_semaphore(%run_scoped3A : memref<!tpu.dma_semaphore, #tpu.memory_space<semaphore_mem>>)
      %dma_wait3A = tpu.memref_slice %arg2[%mul3A_2] : memref<4096xi32, #tpu.memory_space<hbm>> -> memref<128xi32, #tpu.memory_space<hbm>>
      %dma_wait3A_17 = tpu.memref_slice %arg2[%mul3A_2] : memref<4096xi32, #tpu.memory_space<hbm>> -> memref<128xi32, #tpu.memory_space<hbm>>
      tpu.wait_dma2 semaphore(%run_scoped3A : memref<!tpu.dma_semaphore, #tpu.memory_space<semaphore_mem>>) src(%dma_wait3A_17 : memref<128xi32, #tpu.memory_space<hbm>>) dst(%arg8 : memref<128xi32, #tpu.memory_space<vmem>>)
      tpu.yield
    }) : () -> ()
    %scan3A = arith.constant 0 : i32
    %scan3A_3 = arith.constant 0 : i32
    %scan3A_4 = arith.constant 4 : i32
    %scan3A_5 = arith.addi %scan3A_3, %scan3A_4 : i32
    %scan3A_6 = arith.constant 1 : i32
    %scan3A_7 = scf.for %scan3A_16 = %scan3A_3 to %scan3A_5 step %scan3A_6 iter_args(%scan3A_17 = %scan3A) -> (i32)  : i32 {
      %mul3A_18 = arith.constant 2 : i32
      %mul3A_19 = arith.muli %mul3A_18, %scan3A_16 : i32
      %mul3A_20 = arith.constant 16 : i32
      %mul3A_21 = arith.muli %mul3A_19, %mul3A_20 : i32
      %get3A = arith.index_cast %mul3A_21 : i32 to index
      %get3A_22 = tpu.vector_load %arg8[%get3A] {strides = array<i32>} : memref<128xi32, #tpu.memory_space<vmem>>, vector<16xi32>,
      %iota3A = tpu.iota {dimensions = array<i32: 0>} : vector<16xi32>
      %eq3A = arith.constant 0 : i32
      %eq3A_23 = vector.broadcast %eq3A : i32 to vector<16xi32>
      %eq3A_24 = arith.cmpi eq, %iota3A, %eq3A_23 : vector<16xi32>
      %jit3A = arith.constant 0 : i32
      %broadcast_in_dim3A = vector.broadcast %jit3A : i32 to vector<16xi32>
      %select_n3A = arith.select %eq3A_24, %get3A_22, %broadcast_in_dim3A : vector<16xi1>, vector<16xi32>
      %reduce_sum3A = arith.constant true
      %reduce_sum3A_25 = vector.broadcast %reduce_sum3A : i1 to vector<16xi1>
      %reduce_sum3A_26 = tpu.scan <sum>, %select_n3A masked %reduce_sum3A_25 : vector<16xi32>, vector<16xi1> -> vector<16xi32>
      %reduce_sum3A_27 = vector.extract %reduce_sum3A_26[15] : i32 from vector<16xi32>
      %dma_start3A = arith.constant 0 : i32
      %dma_start3A_28 = arith.constant 0 : i32
      %dma_start3A_29 = arith.constant 0 : i32
      %dma_start3A_30 = tpu.memref_slice %arg9[%dma_start3A, %dma_start3A_28, %dma_start3A_29] : memref<16x8x64xf32, #tpu.memory_space<vmem>> -> memref<1x8x64xf32, #tpu.memory_space<vmem>>
      %dma_start3A_31 = arith.constant 0 : i32
      %dma_start3A_32 = arith.constant 0 : i32
      %dma_start3A_33 = tpu.memref_slice %arg4[%reduce_sum3A_27, %dma_start3A_31, %dma_start3A_32] : memref<125000x8x64xf32, #tpu.memory_space<hbm>> -> memref<1x8x64xf32, #tpu.memory_space<hbm>>
      %dma_start3A_34 = arith.constant 0 : i32
      %dma_start3A_35 = arith.constant 0 : i32
      %dma_start3A_36 = arith.constant 0 : i32
      %dma_start3A_37 = tpu.memref_slice %arg9[%dma_start3A_34, %dma_start3A_35, %dma_start3A_36] : memref<16x8x64xf32, #tpu.memory_space<vmem>> -> memref<1x8x64xf32, #tpu.memory_space<vmem>>
      %dma_start3A_38 = arith.constant 0 : i32
      %dma_start3A_39 = arith.constant 0 : i32
      %dma_start3A_40 = tpu.memref_slice %arg4[%reduce_sum3A_27, %dma_start3A_38, %dma_start3A_39] : memref<125000x8x64xf32, #tpu.memory_space<hbm>> -> memref<1x8x64xf32, #tpu.memory_space<hbm>>
      tpu.enqueue_dma source(%dma_start3A_40 : memref<1x8x64xf32, #tpu.memory_space<hbm>>) target(%dma_start3A_37 : memref<1x8x64xf32, #tpu.memory_space<vmem>>) target_semaphore(%arg11 : memref<!tpu.dma_semaphore, #tpu.memory_space<semaphore_mem>>)
      %iota3A_41 = tpu.iota {dimensions = array<i32: 0>} : vector<16xi32>
      %eq3A_42 = arith.constant 1 : i32
      %eq3A_43 = vector.broadcast %eq3A_42 : i32 to vector<16xi32>
      %eq3A_44 = arith.cmpi eq, %iota3A_41, %eq3A_43 : vector<16xi32>
      %jit3A_45 = arith.constant 0 : i32
      %broadcast_in_dim3A_46 = vector.broadcast %jit3A_45 : i32 to vector<16xi32>
      %select_n3A_47 = arith.select %eq3A_44, %get3A_22, %broadcast_in_dim3A_46 : vector<16xi1>, vector<16xi32>
      %reduce_sum3A_48 = arith.constant true
      %reduce_sum3A_49 = vector.broadcast %reduce_sum3A_48 : i1 to vector<16xi1>
      %reduce_sum3A_50 = tpu.scan <sum>, %select_n3A_47 masked %reduce_sum3A_49 : vector<16xi32>, vector<16xi1> -> vector<16xi32>
      %reduce_sum3A_51 = vector.extract %reduce_sum3A_50[15] : i32 from vector<16xi32>
      %dma_start3A_52 = arith.constant 1 : i32
      %dma_start3A_53 = arith.constant 0 : i32
      %dma_start3A_54 = arith.constant 0 : i32
      %dma_start3A_55 = tpu.memref_slice %arg9[%dma_start3A_52, %dma_start3A_53, %dma_start3A_54] : memref<16x8x64xf32, #tpu.memory_space<vmem>> -> memref<1x8x64xf32, #tpu.memory_space<vmem>>
      %dma_start3A_56 = arith.constant 0 : i32
      %dma_start3A_57 = arith.constant 0 : i32
      %dma_start3A_58 = tpu.memref_slice %arg4[%reduce_sum3A_51, %dma_start3A_56, %dma_start3A_57] : memref<125000x8x64xf32, #tpu.memory_space<hbm>> -> memref<1x8x64xf32, #tpu.memory_space<hbm>>
      %dma_start3A_59 = arith.constant 1 : i32
      %dma_start3A_60 = arith.constant 0 : i32
      %dma_start3A_61 = arith.constant 0 : i32
      %dma_start3A_62 = tpu.memref_slice %arg9[%dma_start3A_59, %dma_start3A_60, %dma_start3A_61] : memref<16x8x64xf32, #tpu.memory_space<vmem>> -> memref<1x8x64xf32, #tpu.memory_space<vmem>>
      %dma_start3A_63 = arith.constant 0 : i32
      %dma_start3A_64 = arith.constant 0 : i32
      %dma_start3A_65 = tpu.memref_slice %arg4[%reduce_sum3A_51, %dma_start3A_63, %dma_start3A_64] : memref<125000x8x64xf32, #tpu.memory_space<hbm>> -> memref<1x8x64xf32, #tpu.memory_space<hbm>>
      tpu.enqueue_dma source(%dma_start3A_65 : memref<1x8x64xf32, #tpu.memory_space<hbm>>) target(%dma_start3A_62 : memref<1x8x64xf32, #tpu.memory_space<vmem>>) target_semaphore(%arg11 : memref<!tpu.dma_semaphore, #tpu.memory_space<semaphore_mem>>)
      %iota3A_66 = tpu.iota {dimensions = array<i32: 0>} : vector<16xi32>
      %eq3A_67 = arith.constant 2 : i32
      %eq3A_68 = vector.broadcast %eq3A_67 : i32 to vector<16xi32>
      %eq3A_69 = arith.cmpi eq, %iota3A_66, %eq3A_68 : vector<16xi32>
      %jit3A_70 = arith.constant 0 : i32
      %broadcast_in_dim3A_71 = vector.broadcast %jit3A_70 : i32 to vector<16xi32>
      %select_n3A_72 = arith.select %eq3A_69, %get3A_22, %broadcast_in_dim3A_71 : vector<16xi1>, vector<16xi32>
      %reduce_sum3A_73 = arith.constant true
      %reduce_sum3A_74 = vector.broadcast %reduce_sum3A_73 : i1 to vector<16xi1>
      %reduce_sum3A_75 = tpu.scan <sum>, %select_n3A_72 masked %reduce_sum3A_74 : vector<16xi32>, vector<16xi1> -> vector<16xi32>
      %reduce_sum3A_76 = vector.extract %reduce_sum3A_75[15] : i32 from vector<16xi32>
      %dma_start3A_77 = arith.constant 2 : i32
      %dma_start3A_78 = arith.constant 0 : i32
      %dma_start3A_79 = arith.constant 0 : i32
      %dma_start3A_80 = tpu.memref_slice %arg9[%dma_start3A_77, %dma_start3A_78, %dma_start3A_79] : memref<16x8x64xf32, #tpu.memory_space<vmem>> -> memref<1x8x64xf32, #tpu.memory_space<vmem>>
      %dma_start3A_81 = arith.constant 0 : i32
      %dma_start3A_82 = arith.constant 0 : i32
      %dma_start3A_83 = tpu.memref_slice %arg4[%reduce_sum3A_76, %dma_start3A_81, %dma_start3A_82] : memref<125000x8x64xf32, #tpu.memory_space<hbm>> -> memref<1x8x64xf32, #tpu.memory_space<hbm>>
      %dma_start3A_84 = arith.constant 2 : i32
      %dma_start3A_85 = arith.constant 0 : i32
      %dma_start3A_86 = arith.constant 0 : i32
      %dma_start3A_87 = tpu.memref_slice %arg9[%dma_start3A_84, %dma_start3A_85, %dma_start3A_86] : memref<16x8x64xf32, #tpu.memory_space<vmem>> -> memref<1x8x64xf32, #tpu.memory_space<vmem>>
      %dma_start3A_88 = arith.constant 0 : i32
      %dma_start3A_89 = arith.constant 0 : i32
      %dma_start3A_90 = tpu.memref_slice %arg4[%reduce_sum3A_76, %dma_start3A_88, %dma_start3A_89] : memref<125000x8x64xf32, #tpu.memory_space<hbm>> -> memref<1x8x64xf32, #tpu.memory_space<hbm>>
      tpu.enqueue_dma source(%dma_start3A_90 : memref<1x8x64xf32, #tpu.memory_space<hbm>>) target(%dma_start3A_87 : memref<1x8x64xf32, #tpu.memory_space<vmem>>) target_semaphore(%arg11 : memref<!tpu.dma_semaphore, #tpu.memory_space<semaphore_mem>>)
      %iota3A_91 = tpu.iota {dimensions = array<i32: 0>} : vector<16xi32>
      %eq3A_92 = arith.constant 3 : i32
      %eq3A_93 = vector.broadcast %eq3A_92 : i32 to vector<16xi32>
      %eq3A_94 = arith.cmpi eq, %iota3A_91, %eq3A_93 : vector<16xi32>
      %jit3A_95 = arith.constant 0 : i32
      %broadcast_in_dim3A_96 = vector.broadcast %jit3A_95 : i32 to vector<16xi32>
      %select_n3A_97 = arith.select %eq3A_94, %get3A_22, %broadcast_in_dim3A_96 : vector<16xi1>, vector<16xi32>
      %reduce_sum3A_98 = arith.constant true
      %reduce_sum3A_99 = vector.broadcast %reduce_sum3A_98 : i1 to vector<16xi1>
      %reduce_sum3A_100 = tpu.scan <sum>, %select_n3A_97 masked %reduce_sum3A_99 : vector<16xi32>, vector<16xi1> -> vector<16xi32>
      %reduce_sum3A_101 = vector.extract %reduce_sum3A_100[15] : i32 from vector<16xi32>
      %dma_start3A_102 = arith.constant 3 : i32
      %dma_start3A_103 = arith.constant 0 : i32
      %dma_start3A_104 = arith.constant 0 : i32
      %dma_start3A_105 = tpu.memref_slice %arg9[%dma_start3A_102, %dma_start3A_103, %dma_start3A_104] : memref<16x8x64xf32, #tpu.memory_space<vmem>> -> memref<1x8x64xf32, #tpu.memory_space<vmem>>
      %dma_start3A_106 = arith.constant 0 : i32
      %dma_start3A_107 = arith.constant 0 : i32
      %dma_start3A_108 = tpu.memref_slice %arg4[%reduce_sum3A_101, %dma_start3A_106, %dma_start3A_107] : memref<125000x8x64xf32, #tpu.memory_space<hbm>> -> memref<1x8x64xf32, #tpu.memory_space<hbm>>
      %dma_start3A_109 = arith.constant 3 : i32
      %dma_start3A_110 = arith.constant 0 : i32
      %dma_start3A_111 = arith.constant 0 : i32
      %dma_start3A_112 = tpu.memref_slice %arg9[%dma_start3A_109, %dma_start3A_110, %dma_start3A_111] : memref<16x8x64xf32, #tpu.memory_space<vmem>> -> memref<1x8x64xf32, #tpu.memory_space<vmem>>
      %dma_start3A_113 = arith.constant 0 : i32
      %dma_start3A_114 = arith.constant 0 : i32
      %dma_start3A_115 = tpu.memref_slice %arg4[%reduce_sum3A_101, %dma_start3A_113, %dma_start3A_114] : memref<125000x8x64xf32, #tpu.memory_space<hbm>> -> memref<1x8x64xf32, #tpu.memory_space<hbm>>
      tpu.enqueue_dma source(%dma_start3A_115 : memref<1x8x64xf32, #tpu.memory_space<hbm>>) target(%dma_start3A_112 : memref<1x8x64xf32, #tpu.memory_space<vmem>>) target_semaphore(%arg11 : memref<!tpu.dma_semaphore, #tpu.memory_space<semaphore_mem>>)
      %iota3A_116 = tpu.iota {dimensions = array<i32: 0>} : vector<16xi32>
      %eq3A_117 = arith.constant 4 : i32
      %eq3A_118 = vector.broadcast %eq3A_117 : i32 to vector<16xi32>
      %eq3A_119 = arith.cmpi eq, %iota3A_116, %eq3A_118 : vector<16xi32>
      %jit3A_120 = arith.constant 0 : i32
      %broadcast_in_dim3A_121 = vector.broadcast %jit3A_120 : i32 to vector<16xi32>
      %select_n3A_122 = arith.select %eq3A_119, %get3A_22, %broadcast_in_dim3A_121 : vector<16xi1>, vector<16xi32>
      %reduce_sum3A_123 = arith.constant true
      %reduce_sum3A_124 = vector.broadcast %reduce_sum3A_123 : i1 to vector<16xi1>
      %reduce_sum3A_125 = tpu.scan <sum>, %select_n3A_122 masked %reduce_sum3A_124 : vector<16xi32>, vector<16xi1> -> vector<16xi32>
      %reduce_sum3A_126 = vector.extract %reduce_sum3A_125[15] : i32 from vector<16xi32>
      %dma_start3A_127 = arith.constant 4 : i32
      %dma_start3A_128 = arith.constant 0 : i32
      %dma_start3A_129 = arith.constant 0 : i32
      %dma_start3A_130 = tpu.memref_slice %arg9[%dma_start3A_127, %dma_start3A_128, %dma_start3A_129] : memref<16x8x64xf32, #tpu.memory_space<vmem>> -> memref<1x8x64xf32, #tpu.memory_space<vmem>>
      %dma_start3A_131 = arith.constant 0 : i32
      %dma_start3A_132 = arith.constant 0 : i32
      %dma_start3A_133 = tpu.memref_slice %arg4[%reduce_sum3A_126, %dma_start3A_131, %dma_start3A_132] : memref<125000x8x64xf32, #tpu.memory_space<hbm>> -> memref<1x8x64xf32, #tpu.memory_space<hbm>>
      %dma_start3A_134 = arith.constant 4 : i32
      %dma_start3A_135 = arith.constant 0 : i32
      %dma_start3A_136 = arith.constant 0 : i32
      %dma_start3A_137 = tpu.memref_slice %arg9[%dma_start3A_134, %dma_start3A_135, %dma_start3A_136] : memref<16x8x64xf32, #tpu.memory_space<vmem>> -> memref<1x8x64xf32, #tpu.memory_space<vmem>>
      %dma_start3A_138 = arith.constant 0 : i32
      %dma_start3A_139 = arith.constant 0 : i32
      %dma_start3A_140 = tpu.memref_slice %arg4[%reduce_sum3A_126, %dma_start3A_138, %dma_start3A_139] : memref<125000x8x64xf32, #tpu.memory_space<hbm>> -> memref<1x8x64xf32, #tpu.memory_space<hbm>>
      tpu.enqueue_dma source(%dma_start3A_140 : memref<1x8x64xf32, #tpu.memory_space<hbm>>) target(%dma_start3A_137 : memref<1x8x64xf32, #tpu.memory_space<vmem>>) target_semaphore(%arg11 : memref<!tpu.dma_semaphore, #tpu.memory_space<semaphore_mem>>)
      %iota3A_141 = tpu.iota {dimensions = array<i32: 0>} : vector<16xi32>
      %eq3A_142 = arith.constant 5 : i32
      %eq3A_143 = vector.broadcast %eq3A_142 : i32 to vector<16xi32>
      %eq3A_144 = arith.cmpi eq, %iota3A_141, %eq3A_143 : vector<16xi32>
      %jit3A_145 = arith.constant 0 : i32
      %broadcast_in_dim3A_146 = vector.broadcast %jit3A_145 : i32 to vector<16xi32>
      %select_n3A_147 = arith.select %eq3A_144, %get3A_22, %broadcast_in_dim3A_146 : vector<16xi1>, vector<16xi32>
      %reduce_sum3A_148 = arith.constant true
      %reduce_sum3A_149 = vector.broadcast %reduce_sum3A_148 : i1 to vector<16xi1>
      %reduce_sum3A_150 = tpu.scan <sum>, %select_n3A_147 masked %reduce_sum3A_149 : vector<16xi32>, vector<16xi1> -> vector<16xi32>
      %reduce_sum3A_151 = vector.extract %reduce_sum3A_150[15] : i32 from vector<16xi32>
      %dma_start3A_152 = arith.constant 5 : i32
      %dma_start3A_153 = arith.constant 0 : i32
      %dma_start3A_154 = arith.constant 0 : i32
      %dma_start3A_155 = tpu.memref_slice %arg9[%dma_start3A_152, %dma_start3A_153, %dma_start3A_154] : memref<16x8x64xf32, #tpu.memory_space<vmem>> -> memref<1x8x64xf32, #tpu.memory_space<vmem>>
      %dma_start3A_156 = arith.constant 0 : i32
      %dma_start3A_157 = arith.constant 0 : i32
      %dma_start3A_158 = tpu.memref_slice %arg4[%reduce_sum3A_151, %dma_start3A_156, %dma_start3A_157] : memref<125000x8x64xf32, #tpu.memory_space<hbm>> -> memref<1x8x64xf32, #tpu.memory_space<hbm>>
      %dma_start3A_159 = arith.constant 5 : i32
      %dma_start3A_160 = arith.constant 0 : i32
      %dma_start3A_161 = arith.constant 0 : i32
      %dma_start3A_162 = tpu.memref_slice %arg9[%dma_start3A_159, %dma_start3A_160, %dma_start3A_161] : memref<16x8x64xf32, #tpu.memory_space<vmem>> -> memref<1x8x64xf32, #tpu.memory_space<vmem>>
      %dma_start3A_163 = arith.constant 0 : i32
      %dma_start3A_164 = arith.constant 0 : i32
      %dma_start3A_165 = tpu.memref_slice %arg4[%reduce_sum3A_151, %dma_start3A_163, %dma_start3A_164] : memref<125000x8x64xf32, #tpu.memory_space<hbm>> -> memref<1x8x64xf32, #tpu.memory_space<hbm>>
      tpu.enqueue_dma source(%dma_start3A_165 : memref<1x8x64xf32, #tpu.memory_space<hbm>>) target(%dma_start3A_162 : memref<1x8x64xf32, #tpu.memory_space<vmem>>) target_semaphore(%arg11 : memref<!tpu.dma_semaphore, #tpu.memory_space<semaphore_mem>>)
      %iota3A_166 = tpu.iota {dimensions = array<i32: 0>} : vector<16xi32>
      %eq3A_167 = arith.constant 6 : i32
      %eq3A_168 = vector.broadcast %eq3A_167 : i32 to vector<16xi32>
      %eq3A_169 = arith.cmpi eq, %iota3A_166, %eq3A_168 : vector<16xi32>
      %jit3A_170 = arith.constant 0 : i32
      %broadcast_in_dim3A_171 = vector.broadcast %jit3A_170 : i32 to vector<16xi32>
      %select_n3A_172 = arith.select %eq3A_169, %get3A_22, %broadcast_in_dim3A_171 : vector<16xi1>, vector<16xi32>
      %reduce_sum3A_173 = arith.constant true
      %reduce_sum3A_174 = vector.broadcast %reduce_sum3A_173 : i1 to vector<16xi1>
      %reduce_sum3A_175 = tpu.scan <sum>, %select_n3A_172 masked %reduce_sum3A_174 : vector<16xi32>, vector<16xi1> -> vector<16xi32>
      %reduce_sum3A_176 = vector.extract %reduce_sum3A_175[15] : i32 from vector<16xi32>
      %dma_start3A_177 = arith.constant 6 : i32
      %dma_start3A_178 = arith.constant 0 : i32
      %dma_start3A_179 = arith.constant 0 : i32
      %dma_start3A_180 = tpu.memref_slice %arg9[%dma_start3A_177, %dma_start3A_178, %dma_start3A_179] : memref<16x8x64xf32, #tpu.memory_space<vmem>> -> memref<1x8x64xf32, #tpu.memory_space<vmem>>
      %dma_start3A_181 = arith.constant 0 : i32
      %dma_start3A_182 = arith.constant 0 : i32
      %dma_start3A_183 = tpu.memref_slice %arg4[%reduce_sum3A_176, %dma_start3A_181, %dma_start3A_182] : memref<125000x8x64xf32, #tpu.memory_space<hbm>> -> memref<1x8x64xf32, #tpu.memory_space<hbm>>
      %dma_start3A_184 = arith.constant 6 : i32
      %dma_start3A_185 = arith.constant 0 : i32
      %dma_start3A_186 = arith.constant 0 : i32
      %dma_start3A_187 = tpu.memref_slice %arg9[%dma_start3A_184, %dma_start3A_185, %dma_start3A_186] : memref<16x8x64xf32, #tpu.memory_space<vmem>> -> memref<1x8x64xf32, #tpu.memory_space<vmem>>
      %dma_start3A_188 = arith.constant 0 : i32
      %dma_start3A_189 = arith.constant 0 : i32
      %dma_start3A_190 = tpu.memref_slice %arg4[%reduce_sum3A_176, %dma_start3A_188, %dma_start3A_189] : memref<125000x8x64xf32, #tpu.memory_space<hbm>> -> memref<1x8x64xf32, #tpu.memory_space<hbm>>
      tpu.enqueue_dma source(%dma_start3A_190 : memref<1x8x64xf32, #tpu.memory_space<hbm>>) target(%dma_start3A_187 : memref<1x8x64xf32, #tpu.memory_space<vmem>>) target_semaphore(%arg11 : memref<!tpu.dma_semaphore, #tpu.memory_space<semaphore_mem>>)
      %iota3A_191 = tpu.iota {dimensions = array<i32: 0>} : vector<16xi32>
      %eq3A_192 = arith.constant 7 : i32
      %eq3A_193 = vector.broadcast %eq3A_192 : i32 to vector<16xi32>
      %eq3A_194 = arith.cmpi eq, %iota3A_191, %eq3A_193 : vector<16xi32>
      %jit3A_195 = arith.constant 0 : i32
      %broadcast_in_dim3A_196 = vector.broadcast %jit3A_195 : i32 to vector<16xi32>
      %select_n3A_197 = arith.select %eq3A_194, %get3A_22, %broadcast_in_dim3A_196 : vector<16xi1>, vector<16xi32>
      %reduce_sum3A_198 = arith.constant true
      %reduce_sum3A_199 = vector.broadcast %reduce_sum3A_198 : i1 to vector<16xi1>
      %reduce_sum3A_200 = tpu.scan <sum>, %select_n3A_197 masked %reduce_sum3A_199 : vector<16xi32>, vector<16xi1> -> vector<16xi32>
      %reduce_sum3A_201 = vector.extract %reduce_sum3A_200[15] : i32 from vector<16xi32>
      %dma_start3A_202 = arith.constant 7 : i32
      %dma_start3A_203 = arith.constant 0 : i32
      %dma_start3A_204 = arith.constant 0 : i32
      %dma_start3A_205 = tpu.memref_slice %arg9[%dma_start3A_202, %dma_start3A_203, %dma_start3A_204] : memref<16x8x64xf32, #tpu.memory_space<vmem>> -> memref<1x8x64xf32, #tpu.memory_space<vmem>>
      %dma_start3A_206 = arith.constant 0 : i32
      %dma_start3A_207 = arith.constant 0 : i32
      %dma_start3A_208 = tpu.memref_slice %arg4[%reduce_sum3A_201, %dma_start3A_206, %dma_start3A_207] : memref<125000x8x64xf32, #tpu.memory_space<hbm>> -> memref<1x8x64xf32, #tpu.memory_space<hbm>>
      %dma_start3A_209 = arith.constant 7 : i32
      %dma_start3A_210 = arith.constant 0 : i32
      %dma_start3A_211 = arith.constant 0 : i32
      %dma_start3A_212 = tpu.memref_slice %arg9[%dma_start3A_209, %dma_start3A_210, %dma_start3A_211] : memref<16x8x64xf32, #tpu.memory_space<vmem>> -> memref<1x8x64xf32, #tpu.memory_space<vmem>>
      %dma_start3A_213 = arith.constant 0 : i32
      %dma_start3A_214 = arith.constant 0 : i32
      %dma_start3A_215 = tpu.memref_slice %arg4[%reduce_sum3A_201, %dma_start3A_213, %dma_start3A_214] : memref<125000x8x64xf32, #tpu.memory_space<hbm>> -> memref<1x8x64xf32, #tpu.memory_space<hbm>>
      tpu.enqueue_dma source(%dma_start3A_215 : memref<1x8x64xf32, #tpu.memory_space<hbm>>) target(%dma_start3A_212 : memref<1x8x64xf32, #tpu.memory_space<vmem>>) target_semaphore(%arg11 : memref<!tpu.dma_semaphore, #tpu.memory_space<semaphore_mem>>)
      %iota3A_216 = tpu.iota {dimensions = array<i32: 0>} : vector<16xi32>
      %eq3A_217 = arith.constant 8 : i32
      %eq3A_218 = vector.broadcast %eq3A_217 : i32 to vector<16xi32>
      %eq3A_219 = arith.cmpi eq, %iota3A_216, %eq3A_218 : vector<16xi32>
      %jit3A_220 = arith.constant 0 : i32
      %broadcast_in_dim3A_221 = vector.broadcast %jit3A_220 : i32 to vector<16xi32>
      %select_n3A_222 = arith.select %eq3A_219, %get3A_22, %broadcast_in_dim3A_221 : vector<16xi1>, vector<16xi32>
      %reduce_sum3A_223 = arith.constant true
      %reduce_sum3A_224 = vector.broadcast %reduce_sum3A_223 : i1 to vector<16xi1>
      %reduce_sum3A_225 = tpu.scan <sum>, %select_n3A_222 masked %reduce_sum3A_224 : vector<16xi32>, vector<16xi1> -> vector<16xi32>
      %reduce_sum3A_226 = vector.extract %reduce_sum3A_225[15] : i32 from vector<16xi32>
      %dma_start3A_227 = arith.constant 8 : i32
      %dma_start3A_228 = arith.constant 0 : i32
      %dma_start3A_229 = arith.constant 0 : i32
      %dma_start3A_230 = tpu.memref_slice %arg9[%dma_start3A_227, %dma_start3A_228, %dma_start3A_229] : memref<16x8x64xf32, #tpu.memory_space<vmem>> -> memref<1x8x64xf32, #tpu.memory_space<vmem>>
      %dma_start3A_231 = arith.constant 0 : i32
      %dma_start3A_232 = arith.constant 0 : i32
      %dma_start3A_233 = tpu.memref_slice %arg4[%reduce_sum3A_226, %dma_start3A_231, %dma_start3A_232] : memref<125000x8x64xf32, #tpu.memory_space<hbm>> -> memref<1x8x64xf32, #tpu.memory_space<hbm>>
      %dma_start3A_234 = arith.constant 8 : i32
      %dma_start3A_235 = arith.constant 0 : i32
      %dma_start3A_236 = arith.constant 0 : i32
      %dma_start3A_237 = tpu.memref_slice %arg9[%dma_start3A_234, %dma_start3A_235, %dma_start3A_236] : memref<16x8x64xf32, #tpu.memory_space<vmem>> -> memref<1x8x64xf32, #tpu.memory_space<vmem>>
      %dma_start3A_238 = arith.constant 0 : i32
      %dma_start3A_239 = arith.constant 0 : i32
      %dma_start3A_240 = tpu.memref_slice %arg4[%reduce_sum3A_226, %dma_start3A_238, %dma_start3A_239] : memref<125000x8x64xf32, #tpu.memory_space<hbm>> -> memref<1x8x64xf32, #tpu.memory_space<hbm>>
      tpu.enqueue_dma source(%dma_start3A_240 : memref<1x8x64xf32, #tpu.memory_space<hbm>>) target(%dma_start3A_237 : memref<1x8x64xf32, #tpu.memory_space<vmem>>) target_semaphore(%arg11 : memref<!tpu.dma_semaphore, #tpu.memory_space<semaphore_mem>>)
      %iota3A_241 = tpu.iota {dimensions = array<i32: 0>} : vector<16xi32>
      %eq3A_242 = arith.constant 9 : i32
      %eq3A_243 = vector.broadcast %eq3A_242 : i32 to vector<16xi32>
      %eq3A_244 = arith.cmpi eq, %iota3A_241, %eq3A_243 : vector<16xi32>
      %jit3A_245 = arith.constant 0 : i32
      %broadcast_in_dim3A_246 = vector.broadcast %jit3A_245 : i32 to vector<16xi32>
      %select_n3A_247 = arith.select %eq3A_244, %get3A_22, %broadcast_in_dim3A_246 : vector<16xi1>, vector<16xi32>
      %reduce_sum3A_248 = arith.constant true
      %reduce_sum3A_249 = vector.broadcast %reduce_sum3A_248 : i1 to vector<16xi1>
      %reduce_sum3A_250 = tpu.scan <sum>, %select_n3A_247 masked %reduce_sum3A_249 : vector<16xi32>, vector<16xi1> -> vector<16xi32>
      %reduce_sum3A_251 = vector.extract %reduce_sum3A_250[15] : i32 from vector<16xi32>
      %dma_start3A_252 = arith.constant 9 : i32
      %dma_start3A_253 = arith.constant 0 : i32
      %dma_start3A_254 = arith.constant 0 : i32
      %dma_start3A_255 = tpu.memref_slice %arg9[%dma_start3A_252, %dma_start3A_253, %dma_start3A_254] : memref<16x8x64xf32, #tpu.memory_space<vmem>> -> memref<1x8x64xf32, #tpu.memory_space<vmem>>
      %dma_start3A_256 = arith.constant 0 : i32
      %dma_start3A_257 = arith.constant 0 : i32
      %dma_start3A_258 = tpu.memref_slice %arg4[%reduce_sum3A_251, %dma_start3A_256, %dma_start3A_257] : memref<125000x8x64xf32, #tpu.memory_space<hbm>> -> memref<1x8x64xf32, #tpu.memory_space<hbm>>
      %dma_start3A_259 = arith.constant 9 : i32
      %dma_start3A_260 = arith.constant 0 : i32
      %dma_start3A_261 = arith.constant 0 : i32
      %dma_start3A_262 = tpu.memref_slice %arg9[%dma_start3A_259, %dma_start3A_260, %dma_start3A_261] : memref<16x8x64xf32, #tpu.memory_space<vmem>> -> memref<1x8x64xf32, #tpu.memory_space<vmem>>
      %dma_start3A_263 = arith.constant 0 : i32
      %dma_start3A_264 = arith.constant 0 : i32
      %dma_start3A_265 = tpu.memref_slice %arg4[%reduce_sum3A_251, %dma_start3A_263, %dma_start3A_264] : memref<125000x8x64xf32, #tpu.memory_space<hbm>> -> memref<1x8x64xf32, #tpu.memory_space<hbm>>
      tpu.enqueue_dma source(%dma_start3A_265 : memref<1x8x64xf32, #tpu.memory_space<hbm>>) target(%dma_start3A_262 : memref<1x8x64xf32, #tpu.memory_space<vmem>>) target_semaphore(%arg11 : memref<!tpu.dma_semaphore, #tpu.memory_space<semaphore_mem>>)
      %iota3A_266 = tpu.iota {dimensions = array<i32: 0>} : vector<16xi32>
      %eq3A_267 = arith.constant 10 : i32
      %eq3A_268 = vector.broadcast %eq3A_267 : i32 to vector<16xi32>
      %eq3A_269 = arith.cmpi eq, %iota3A_266, %eq3A_268 : vector<16xi32>
      %jit3A_270 = arith.constant 0 : i32
      %broadcast_in_dim3A_271 = vector.broadcast %jit3A_270 : i32 to vector<16xi32>
      %select_n3A_272 = arith.select %eq3A_269, %get3A_22, %broadcast_in_dim3A_271 : vector<16xi1>, vector<16xi32>
      %reduce_sum3A_273 = arith.constant true
      %reduce_sum3A_274 = vector.broadcast %reduce_sum3A_273 : i1 to vector<16xi1>
      %reduce_sum3A_275 = tpu.scan <sum>, %select_n3A_272 masked %reduce_sum3A_274 : vector<16xi32>, vector<16xi1> -> vector<16xi32>
      %reduce_sum3A_276 = vector.extract %reduce_sum3A_275[15] : i32 from vector<16xi32>
      %dma_start3A_277 = arith.constant 10 : i32
      %dma_start3A_278 = arith.constant 0 : i32
      %dma_start3A_279 = arith.constant 0 : i32
      %dma_start3A_280 = tpu.memref_slice %arg9[%dma_start3A_277, %dma_start3A_278, %dma_start3A_279] : memref<16x8x64xf32, #tpu.memory_space<vmem>> -> memref<1x8x64xf32, #tpu.memory_space<vmem>>
      %dma_start3A_281 = arith.constant 0 : i32
      %dma_start3A_282 = arith.constant 0 : i32
      %dma_start3A_283 = tpu.memref_slice %arg4[%reduce_sum3A_276, %dma_start3A_281, %dma_start3A_282] : memref<125000x8x64xf32, #tpu.memory_space<hbm>> -> memref<1x8x64xf32, #tpu.memory_space<hbm>>
      %dma_start3A_284 = arith.constant 10 : i32
      %dma_start3A_285 = arith.constant 0 : i32
      %dma_start3A_286 = arith.constant 0 : i32
      %dma_start3A_287 = tpu.memref_slice %arg9[%dma_start3A_284, %dma_start3A_285, %dma_start3A_286] : memref<16x8x64xf32, #tpu.memory_space<vmem>> -> memref<1x8x64xf32, #tpu.memory_space<vmem>>
      %dma_start3A_288 = arith.constant 0 : i32
      %dma_start3A_289 = arith.constant 0 : i32
      %dma_start3A_290 = tpu.memref_slice %arg4[%reduce_sum3A_276, %dma_start3A_288, %dma_start3A_289] : memref<125000x8x64xf32, #tpu.memory_space<hbm>> -> memref<1x8x64xf32, #tpu.memory_space<hbm>>
      tpu.enqueue_dma source(%dma_start3A_290 : memref<1x8x64xf32, #tpu.memory_space<hbm>>) target(%dma_start3A_287 : memref<1x8x64xf32, #tpu.memory_space<vmem>>) target_semaphore(%arg11 : memref<!tpu.dma_semaphore, #tpu.memory_space<semaphore_mem>>)
      %iota3A_291 = tpu.iota {dimensions = array<i32: 0>} : vector<16xi32>
      %eq3A_292 = arith.constant 11 : i32
      %eq3A_293 = vector.broadcast %eq3A_292 : i32 to vector<16xi32>
      %eq3A_294 = arith.cmpi eq, %iota3A_291, %eq3A_293 : vector<16xi32>
      %jit3A_295 = arith.constant 0 : i32
      %broadcast_in_dim3A_296 = vector.broadcast %jit3A_295 : i32 to vector<16xi32>
      %select_n3A_297 = arith.select %eq3A_294, %get3A_22, %broadcast_in_dim3A_296 : vector<16xi1>, vector<16xi32>
      %reduce_sum3A_298 = arith.constant true
      %reduce_sum3A_299 = vector.broadcast %reduce_sum3A_298 : i1 to vector<16xi1>
      %reduce_sum3A_300 = tpu.scan <sum>, %select_n3A_297 masked %reduce_sum3A_299 : vector<16xi32>, vector<16xi1> -> vector<16xi32>
      %reduce_sum3A_301 = vector.extract %reduce_sum3A_300[15] : i32 from vector<16xi32>
      %dma_start3A_302 = arith.constant 11 : i32
      %dma_start3A_303 = arith.constant 0 : i32
      %dma_start3A_304 = arith.constant 0 : i32
      %dma_start3A_305 = tpu.memref_slice %arg9[%dma_start3A_302, %dma_start3A_303, %dma_start3A_304] : memref<16x8x64xf32, #tpu.memory_space<vmem>> -> memref<1x8x64xf32, #tpu.memory_space<vmem>>
      %dma_start3A_306 = arith.constant 0 : i32
      %dma_start3A_307 = arith.constant 0 : i32
      %dma_start3A_308 = tpu.memref_slice %arg4[%reduce_sum3A_301, %dma_start3A_306, %dma_start3A_307] : memref<125000x8x64xf32, #tpu.memory_space<hbm>> -> memref<1x8x64xf32, #tpu.memory_space<hbm>>
      %dma_start3A_309 = arith.constant 11 : i32
      %dma_start3A_310 = arith.constant 0 : i32
      %dma_start3A_311 = arith.constant 0 : i32
      %dma_start3A_312 = tpu.memref_slice %arg9[%dma_start3A_309, %dma_start3A_310, %dma_start3A_311] : memref<16x8x64xf32, #tpu.memory_space<vmem>> -> memref<1x8x64xf32, #tpu.memory_space<vmem>>
      %dma_start3A_313 = arith.constant 0 : i32
      %dma_start3A_314 = arith.constant 0 : i32
      %dma_start3A_315 = tpu.memref_slice %arg4[%reduce_sum3A_301, %dma_start3A_313, %dma_start3A_314] : memref<125000x8x64xf32, #tpu.memory_space<hbm>> -> memref<1x8x64xf32, #tpu.memory_space<hbm>>
      tpu.enqueue_dma source(%dma_start3A_315 : memref<1x8x64xf32, #tpu.memory_space<hbm>>) target(%dma_start3A_312 : memref<1x8x64xf32, #tpu.memory_space<vmem>>) target_semaphore(%arg11 : memref<!tpu.dma_semaphore, #tpu.memory_space<semaphore_mem>>)
      %iota3A_316 = tpu.iota {dimensions = array<i32: 0>} : vector<16xi32>
      %eq3A_317 = arith.constant 12 : i32
      %eq3A_318 = vector.broadcast %eq3A_317 : i32 to vector<16xi32>
      %eq3A_319 = arith.cmpi eq, %iota3A_316, %eq3A_318 : vector<16xi32>
      %jit3A_320 = arith.constant 0 : i32
      %broadcast_in_dim3A_321 = vector.broadcast %jit3A_320 : i32 to vector<16xi32>
      %select_n3A_322 = arith.select %eq3A_319, %get3A_22, %broadcast_in_dim3A_321 : vector<16xi1>, vector<16xi32>
      %reduce_sum3A_323 = arith.constant true
      %reduce_sum3A_324 = vector.broadcast %reduce_sum3A_323 : i1 to vector<16xi1>
      %reduce_sum3A_325 = tpu.scan <sum>, %select_n3A_322 masked %reduce_sum3A_324 : vector<16xi32>, vector<16xi1> -> vector<16xi32>
      %reduce_sum3A_326 = vector.extract %reduce_sum3A_325[15] : i32 from vector<16xi32>
      %dma_start3A_327 = arith.constant 12 : i32
      %dma_start3A_328 = arith.constant 0 : i32
      %dma_start3A_329 = arith.constant 0 : i32
      %dma_start3A_330 = tpu.memref_slice %arg9[%dma_start3A_327, %dma_start3A_328, %dma_start3A_329] : memref<16x8x64xf32, #tpu.memory_space<vmem>> -> memref<1x8x64xf32, #tpu.memory_space<vmem>>
      %dma_start3A_331 = arith.constant 0 : i32
      %dma_start3A_332 = arith.constant 0 : i32
      %dma_start3A_333 = tpu.memref_slice %arg4[%reduce_sum3A_326, %dma_start3A_331, %dma_start3A_332] : memref<125000x8x64xf32, #tpu.memory_space<hbm>> -> memref<1x8x64xf32, #tpu.memory_space<hbm>>
      %dma_start3A_334 = arith.constant 12 : i32
      %dma_start3A_335 = arith.constant 0 : i32
      %dma_start3A_336 = arith.constant 0 : i32
      %dma_start3A_337 = tpu.memref_slice %arg9[%dma_start3A_334, %dma_start3A_335, %dma_start3A_336] : memref<16x8x64xf32, #tpu.memory_space<vmem>> -> memref<1x8x64xf32, #tpu.memory_space<vmem>>
      %dma_start3A_338 = arith.constant 0 : i32
      %dma_start3A_339 = arith.constant 0 : i32
      %dma_start3A_340 = tpu.memref_slice %arg4[%reduce_sum3A_326, %dma_start3A_338, %dma_start3A_339] : memref<125000x8x64xf32, #tpu.memory_space<hbm>> -> memref<1x8x64xf32, #tpu.memory_space<hbm>>
      tpu.enqueue_dma source(%dma_start3A_340 : memref<1x8x64xf32, #tpu.memory_space<hbm>>) target(%dma_start3A_337 : memref<1x8x64xf32, #tpu.memory_space<vmem>>) target_semaphore(%arg11 : memref<!tpu.dma_semaphore, #tpu.memory_space<semaphore_mem>>)
      %iota3A_341 = tpu.iota {dimensions = array<i32: 0>} : vector<16xi32>
      %eq3A_342 = arith.constant 13 : i32
      %eq3A_343 = vector.broadcast %eq3A_342 : i32 to vector<16xi32>
      %eq3A_344 = arith.cmpi eq, %iota3A_341, %eq3A_343 : vector<16xi32>
      %jit3A_345 = arith.constant 0 : i32
      %broadcast_in_dim3A_346 = vector.broadcast %jit3A_345 : i32 to vector<16xi32>
      %select_n3A_347 = arith.select %eq3A_344, %get3A_22, %broadcast_in_dim3A_346 : vector<16xi1>, vector<16xi32>
      %reduce_sum3A_348 = arith.constant true
      %reduce_sum3A_349 = vector.broadcast %reduce_sum3A_348 : i1 to vector<16xi1>
      %reduce_sum3A_350 = tpu.scan <sum>, %select_n3A_347 masked %reduce_sum3A_349 : vector<16xi32>, vector<16xi1> -> vector<16xi32>
      %reduce_sum3A_351 = vector.extract %reduce_sum3A_350[15] : i32 from vector<16xi32>
      %dma_start3A_352 = arith.constant 13 : i32
      %dma_start3A_353 = arith.constant 0 : i32
      %dma_start3A_354 = arith.constant 0 : i32
      %dma_start3A_355 = tpu.memref_slice %arg9[%dma_start3A_352, %dma_start3A_353, %dma_start3A_354] : memref<16x8x64xf32, #tpu.memory_space<vmem>> -> memref<1x8x64xf32, #tpu.memory_space<vmem>>
      %dma_start3A_356 = arith.constant 0 : i32
      %dma_start3A_357 = arith.constant 0 : i32
      %dma_start3A_358 = tpu.memref_slice %arg4[%reduce_sum3A_351, %dma_start3A_356, %dma_start3A_357] : memref<125000x8x64xf32, #tpu.memory_space<hbm>> -> memref<1x8x64xf32, #tpu.memory_space<hbm>>
      %dma_start3A_359 = arith.constant 13 : i32
      %dma_start3A_360 = arith.constant 0 : i32
      %dma_start3A_361 = arith.constant 0 : i32
      %dma_start3A_362 = tpu.memref_slice %arg9[%dma_start3A_359, %dma_start3A_360, %dma_start3A_361] : memref<16x8x64xf32, #tpu.memory_space<vmem>> -> memref<1x8x64xf32, #tpu.memory_space<vmem>>
      %dma_start3A_363 = arith.constant 0 : i32
      %dma_start3A_364 = arith.constant 0 : i32
      %dma_start3A_365 = tpu.memref_slice %arg4[%reduce_sum3A_351, %dma_start3A_363, %dma_start3A_364] : memref<125000x8x64xf32, #tpu.memory_space<hbm>> -> memref<1x8x64xf32, #tpu.memory_space<hbm>>
      tpu.enqueue_dma source(%dma_start3A_365 : memref<1x8x64xf32, #tpu.memory_space<hbm>>) target(%dma_start3A_362 : memref<1x8x64xf32, #tpu.memory_space<vmem>>) target_semaphore(%arg11 : memref<!tpu.dma_semaphore, #tpu.memory_space<semaphore_mem>>)
      %iota3A_366 = tpu.iota {dimensions = array<i32: 0>} : vector<16xi32>
      %eq3A_367 = arith.constant 14 : i32
      %eq3A_368 = vector.broadcast %eq3A_367 : i32 to vector<16xi32>
      %eq3A_369 = arith.cmpi eq, %iota3A_366, %eq3A_368 : vector<16xi32>
      %jit3A_370 = arith.constant 0 : i32
      %broadcast_in_dim3A_371 = vector.broadcast %jit3A_370 : i32 to vector<16xi32>
      %select_n3A_372 = arith.select %eq3A_369, %get3A_22, %broadcast_in_dim3A_371 : vector<16xi1>, vector<16xi32>
      %reduce_sum3A_373 = arith.constant true
      %reduce_sum3A_374 = vector.broadcast %reduce_sum3A_373 : i1 to vector<16xi1>
      %reduce_sum3A_375 = tpu.scan <sum>, %select_n3A_372 masked %reduce_sum3A_374 : vector<16xi32>, vector<16xi1> -> vector<16xi32>
      %reduce_sum3A_376 = vector.extract %reduce_sum3A_375[15] : i32 from vector<16xi32>
      %dma_start3A_377 = arith.constant 14 : i32
      %dma_start3A_378 = arith.constant 0 : i32
      %dma_start3A_379 = arith.constant 0 : i32
      %dma_start3A_380 = tpu.memref_slice %arg9[%dma_start3A_377, %dma_start3A_378, %dma_start3A_379] : memref<16x8x64xf32, #tpu.memory_space<vmem>> -> memref<1x8x64xf32, #tpu.memory_space<vmem>>
      %dma_start3A_381 = arith.constant 0 : i32
      %dma_start3A_382 = arith.constant 0 : i32
      %dma_start3A_383 = tpu.memref_slice %arg4[%reduce_sum3A_376, %dma_start3A_381, %dma_start3A_382] : memref<125000x8x64xf32, #tpu.memory_space<hbm>> -> memref<1x8x64xf32, #tpu.memory_space<hbm>>
      %dma_start3A_384 = arith.constant 14 : i32
      %dma_start3A_385 = arith.constant 0 : i32
      %dma_start3A_386 = arith.constant 0 : i32
      %dma_start3A_387 = tpu.memref_slice %arg9[%dma_start3A_384, %dma_start3A_385, %dma_start3A_386] : memref<16x8x64xf32, #tpu.memory_space<vmem>> -> memref<1x8x64xf32, #tpu.memory_space<vmem>>
      %dma_start3A_388 = arith.constant 0 : i32
      %dma_start3A_389 = arith.constant 0 : i32
      %dma_start3A_390 = tpu.memref_slice %arg4[%reduce_sum3A_376, %dma_start3A_388, %dma_start3A_389] : memref<125000x8x64xf32, #tpu.memory_space<hbm>> -> memref<1x8x64xf32, #tpu.memory_space<hbm>>
      tpu.enqueue_dma source(%dma_start3A_390 : memref<1x8x64xf32, #tpu.memory_space<hbm>>) target(%dma_start3A_387 : memref<1x8x64xf32, #tpu.memory_space<vmem>>) target_semaphore(%arg11 : memref<!tpu.dma_semaphore, #tpu.memory_space<semaphore_mem>>)
      %iota3A_391 = tpu.iota {dimensions = array<i32: 0>} : vector<16xi32>
      %eq3A_392 = arith.constant 15 : i32
      %eq3A_393 = vector.broadcast %eq3A_392 : i32 to vector<16xi32>
      %eq3A_394 = arith.cmpi eq, %iota3A_391, %eq3A_393 : vector<16xi32>
      %jit3A_395 = arith.constant 0 : i32
      %broadcast_in_dim3A_396 = vector.broadcast %jit3A_395 : i32 to vector<16xi32>
      %select_n3A_397 = arith.select %eq3A_394, %get3A_22, %broadcast_in_dim3A_396 : vector<16xi1>, vector<16xi32>
      %reduce_sum3A_398 = arith.constant true
      %reduce_sum3A_399 = vector.broadcast %reduce_sum3A_398 : i1 to vector<16xi1>
      %reduce_sum3A_400 = tpu.scan <sum>, %select_n3A_397 masked %reduce_sum3A_399 : vector<16xi32>, vector<16xi1> -> vector<16xi32>
      %reduce_sum3A_401 = vector.extract %reduce_sum3A_400[15] : i32 from vector<16xi32>
      %dma_start3A_402 = arith.constant 15 : i32
      %dma_start3A_403 = arith.constant 0 : i32
      %dma_start3A_404 = arith.constant 0 : i32
      %dma_start3A_405 = tpu.memref_slice %arg9[%dma_start3A_402, %dma_start3A_403, %dma_start3A_404] : memref<16x8x64xf32, #tpu.memory_space<vmem>> -> memref<1x8x64xf32, #tpu.memory_space<vmem>>
      %dma_start3A_406 = arith.constant 0 : i32
      %dma_start3A_407 = arith.constant 0 : i32
      %dma_start3A_408 = tpu.memref_slice %arg4[%reduce_sum3A_401, %dma_start3A_406, %dma_start3A_407] : memref<125000x8x64xf32, #tpu.memory_space<hbm>> -> memref<1x8x64xf32, #tpu.memory_space<hbm>>
      %dma_start3A_409 = arith.constant 15 : i32
      %dma_start3A_410 = arith.constant 0 : i32
      %dma_start3A_411 = arith.constant 0 : i32
      %dma_start3A_412 = tpu.memref_slice %arg9[%dma_start3A_409, %dma_start3A_410, %dma_start3A_411] : memref<16x8x64xf32, #tpu.memory_space<vmem>> -> memref<1x8x64xf32, #tpu.memory_space<vmem>>
      %dma_start3A_413 = arith.constant 0 : i32
      %dma_start3A_414 = arith.constant 0 : i32
      %dma_start3A_415 = tpu.memref_slice %arg4[%reduce_sum3A_401, %dma_start3A_413, %dma_start3A_414] : memref<125000x8x64xf32, #tpu.memory_space<hbm>> -> memref<1x8x64xf32, #tpu.memory_space<hbm>>
      tpu.enqueue_dma source(%dma_start3A_415 : memref<1x8x64xf32, #tpu.memory_space<hbm>>) target(%dma_start3A_412 : memref<1x8x64xf32, #tpu.memory_space<vmem>>) target_semaphore(%arg11 : memref<!tpu.dma_semaphore, #tpu.memory_space<semaphore_mem>>)
      %mul3A_416 = arith.constant 2 : i32
      %mul3A_417 = arith.muli %mul3A_416, %scan3A_16 : i32
      %add3A_418 = arith.constant 1 : i32
      %add3A_419 = arith.addi %mul3A_417, %add3A_418 : i32
      %mul3A_420 = arith.constant 16 : i32
      %mul3A_421 = arith.muli %add3A_419, %mul3A_420 : i32
      %get3A_422 = arith.index_cast %mul3A_421 : i32 to index
      %get3A_423 = tpu.vector_load %arg8[%get3A_422] {strides = array<i32>} : memref<128xi32, #tpu.memory_space<vmem>>, vector<16xi32>,
      %iota3A_424 = tpu.iota {dimensions = array<i32: 0>} : vector<16xi32>
      %eq3A_425 = arith.constant 0 : i32
      %eq3A_426 = vector.broadcast %eq3A_425 : i32 to vector<16xi32>
      %eq3A_427 = arith.cmpi eq, %iota3A_424, %eq3A_426 : vector<16xi32>
      %jit3A_428 = arith.constant 0 : i32
      %broadcast_in_dim3A_429 = vector.broadcast %jit3A_428 : i32 to vector<16xi32>
      %select_n3A_430 = arith.select %eq3A_427, %get3A_423, %broadcast_in_dim3A_429 : vector<16xi1>, vector<16xi32>
      %reduce_sum3A_431 = arith.constant true
      %reduce_sum3A_432 = vector.broadcast %reduce_sum3A_431 : i1 to vector<16xi1>
      %reduce_sum3A_433 = tpu.scan <sum>, %select_n3A_430 masked %reduce_sum3A_432 : vector<16xi32>, vector<16xi1> -> vector<16xi32>
      %reduce_sum3A_434 = vector.extract %reduce_sum3A_433[15] : i32 from vector<16xi32>
      %dma_start3A_435 = arith.constant 0 : i32
      %dma_start3A_436 = arith.constant 0 : i32
      %dma_start3A_437 = arith.constant 0 : i32
      %dma_start3A_438 = tpu.memref_slice %arg10[%dma_start3A_435, %dma_start3A_436, %dma_start3A_437] : memref<16x8x64xf32, #tpu.memory_space<vmem>> -> memref<1x8x64xf32, #tpu.memory_space<vmem>>
      %dma_start3A_439 = arith.constant 0 : i32
      %dma_start3A_440 = arith.constant 0 : i32
      %dma_start3A_441 = tpu.memref_slice %arg4[%reduce_sum3A_434, %dma_start3A_439, %dma_start3A_440] : memref<125000x8x64xf32, #tpu.memory_space<hbm>> -> memref<1x8x64xf32, #tpu.memory_space<hbm>>
      %dma_start3A_442 = arith.constant 0 : i32
      %dma_start3A_443 = arith.constant 0 : i32
      %dma_start3A_444 = arith.constant 0 : i32
      %dma_start3A_445 = tpu.memref_slice %arg10[%dma_start3A_442, %dma_start3A_443, %dma_start3A_444] : memref<16x8x64xf32, #tpu.memory_space<vmem>> -> memref<1x8x64xf32, #tpu.memory_space<vmem>>
      %dma_start3A_446 = arith.constant 0 : i32
      %dma_start3A_447 = arith.constant 0 : i32
      %dma_start3A_448 = tpu.memref_slice %arg4[%reduce_sum3A_434, %dma_start3A_446, %dma_start3A_447] : memref<125000x8x64xf32, #tpu.memory_space<hbm>> -> memref<1x8x64xf32, #tpu.memory_space<hbm>>
      tpu.enqueue_dma source(%dma_start3A_448 : memref<1x8x64xf32, #tpu.memory_space<hbm>>) target(%dma_start3A_445 : memref<1x8x64xf32, #tpu.memory_space<vmem>>) target_semaphore(%arg12 : memref<!tpu.dma_semaphore, #tpu.memory_space<semaphore_mem>>)
      %iota3A_449 = tpu.iota {dimensions = array<i32: 0>} : vector<16xi32>
      %eq3A_450 = arith.constant 1 : i32
      %eq3A_451 = vector.broadcast %eq3A_450 : i32 to vector<16xi32>
      %eq3A_452 = arith.cmpi eq, %iota3A_449, %eq3A_451 : vector<16xi32>
      %jit3A_453 = arith.constant 0 : i32
      %broadcast_in_dim3A_454 = vector.broadcast %jit3A_453 : i32 to vector<16xi32>
      %select_n3A_455 = arith.select %eq3A_452, %get3A_423, %broadcast_in_dim3A_454 : vector<16xi1>, vector<16xi32>
      %reduce_sum3A_456 = arith.constant true
      %reduce_sum3A_457 = vector.broadcast %reduce_sum3A_456 : i1 to vector<16xi1>
      %reduce_sum3A_458 = tpu.scan <sum>, %select_n3A_455 masked %reduce_sum3A_457 : vector<16xi32>, vector<16xi1> -> vector<16xi32>
      %reduce_sum3A_459 = vector.extract %reduce_sum3A_458[15] : i32 from vector<16xi32>
      %dma_start3A_460 = arith.constant 1 : i32
      %dma_start3A_461 = arith.constant 0 : i32
      %dma_start3A_462 = arith.constant 0 : i32
      %dma_start3A_463 = tpu.memref_slice %arg10[%dma_start3A_460, %dma_start3A_461, %dma_start3A_462] : memref<16x8x64xf32, #tpu.memory_space<vmem>> -> memref<1x8x64xf32, #tpu.memory_space<vmem>>
      %dma_start3A_464 = arith.constant 0 : i32
      %dma_start3A_465 = arith.constant 0 : i32
      %dma_start3A_466 = tpu.memref_slice %arg4[%reduce_sum3A_459, %dma_start3A_464, %dma_start3A_465] : memref<125000x8x64xf32, #tpu.memory_space<hbm>> -> memref<1x8x64xf32, #tpu.memory_space<hbm>>
      %dma_start3A_467 = arith.constant 1 : i32
      %dma_start3A_468 = arith.constant 0 : i32
      %dma_start3A_469 = arith.constant 0 : i32
      %dma_start3A_470 = tpu.memref_slice %arg10[%dma_start3A_467, %dma_start3A_468, %dma_start3A_469] : memref<16x8x64xf32, #tpu.memory_space<vmem>> -> memref<1x8x64xf32, #tpu.memory_space<vmem>>
      %dma_start3A_471 = arith.constant 0 : i32
      %dma_start3A_472 = arith.constant 0 : i32
      %dma_start3A_473 = tpu.memref_slice %arg4[%reduce_sum3A_459, %dma_start3A_471, %dma_start3A_472] : memref<125000x8x64xf32, #tpu.memory_space<hbm>> -> memref<1x8x64xf32, #tpu.memory_space<hbm>>
      tpu.enqueue_dma source(%dma_start3A_473 : memref<1x8x64xf32, #tpu.memory_space<hbm>>) target(%dma_start3A_470 : memref<1x8x64xf32, #tpu.memory_space<vmem>>) target_semaphore(%arg12 : memref<!tpu.dma_semaphore, #tpu.memory_space<semaphore_mem>>)
      %iota3A_474 = tpu.iota {dimensions = array<i32: 0>} : vector<16xi32>
      %eq3A_475 = arith.constant 2 : i32
      %eq3A_476 = vector.broadcast %eq3A_475 : i32 to vector<16xi32>
      %eq3A_477 = arith.cmpi eq, %iota3A_474, %eq3A_476 : vector<16xi32>
      %jit3A_478 = arith.constant 0 : i32
      %broadcast_in_dim3A_479 = vector.broadcast %jit3A_478 : i32 to vector<16xi32>
      %select_n3A_480 = arith.select %eq3A_477, %get3A_423, %broadcast_in_dim3A_479 : vector<16xi1>, vector<16xi32>
      %reduce_sum3A_481 = arith.constant true
      %reduce_sum3A_482 = vector.broadcast %reduce_sum3A_481 : i1 to vector<16xi1>
      %reduce_sum3A_483 = tpu.scan <sum>, %select_n3A_480 masked %reduce_sum3A_482 : vector<16xi32>, vector<16xi1> -> vector<16xi32>
      %reduce_sum3A_484 = vector.extract %reduce_sum3A_483[15] : i32 from vector<16xi32>
      %dma_start3A_485 = arith.constant 2 : i32
      %dma_start3A_486 = arith.constant 0 : i32
      %dma_start3A_487 = arith.constant 0 : i32
      %dma_start3A_488 = tpu.memref_slice %arg10[%dma_start3A_485, %dma_start3A_486, %dma_start3A_487] : memref<16x8x64xf32, #tpu.memory_space<vmem>> -> memref<1x8x64xf32, #tpu.memory_space<vmem>>
      %dma_start3A_489 = arith.constant 0 : i32
      %dma_start3A_490 = arith.constant 0 : i32
      %dma_start3A_491 = tpu.memref_slice %arg4[%reduce_sum3A_484, %dma_start3A_489, %dma_start3A_490] : memref<125000x8x64xf32, #tpu.memory_space<hbm>> -> memref<1x8x64xf32, #tpu.memory_space<hbm>>
      %dma_start3A_492 = arith.constant 2 : i32
      %dma_start3A_493 = arith.constant 0 : i32
      %dma_start3A_494 = arith.constant 0 : i32
      %dma_start3A_495 = tpu.memref_slice %arg10[%dma_start3A_492, %dma_start3A_493, %dma_start3A_494] : memref<16x8x64xf32, #tpu.memory_space<vmem>> -> memref<1x8x64xf32, #tpu.memory_space<vmem>>
      %dma_start3A_496 = arith.constant 0 : i32
      %dma_start3A_497 = arith.constant 0 : i32
      %dma_start3A_498 = tpu.memref_slice %arg4[%reduce_sum3A_484, %dma_start3A_496, %dma_start3A_497] : memref<125000x8x64xf32, #tpu.memory_space<hbm>> -> memref<1x8x64xf32, #tpu.memory_space<hbm>>
      tpu.enqueue_dma source(%dma_start3A_498 : memref<1x8x64xf32, #tpu.memory_space<hbm>>) target(%dma_start3A_495 : memref<1x8x64xf32, #tpu.memory_space<vmem>>) target_semaphore(%arg12 : memref<!tpu.dma_semaphore, #tpu.memory_space<semaphore_mem>>)
      %iota3A_499 = tpu.iota {dimensions = array<i32: 0>} : vector<16xi32>
      %eq3A_500 = arith.constant 3 : i32
      %eq3A_501 = vector.broadcast %eq3A_500 : i32 to vector<16xi32>
      %eq3A_502 = arith.cmpi eq, %iota3A_499, %eq3A_501 : vector<16xi32>
      %jit3A_503 = arith.constant 0 : i32
      %broadcast_in_dim3A_504 = vector.broadcast %jit3A_503 : i32 to vector<16xi32>
      %select_n3A_505 = arith.select %eq3A_502, %get3A_423, %broadcast_in_dim3A_504 : vector<16xi1>, vector<16xi32>
      %reduce_sum3A_506 = arith.constant true
      %reduce_sum3A_507 = vector.broadcast %reduce_sum3A_506 : i1 to vector<16xi1>
      %reduce_sum3A_508 = tpu.scan <sum>, %select_n3A_505 masked %reduce_sum3A_507 : vector<16xi32>, vector<16xi1> -> vector<16xi32>
      %reduce_sum3A_509 = vector.extract %reduce_sum3A_508[15] : i32 from vector<16xi32>
      %dma_start3A_510 = arith.constant 3 : i32
      %dma_start3A_511 = arith.constant 0 : i32
      %dma_start3A_512 = arith.constant 0 : i32
      %dma_start3A_513 = tpu.memref_slice %arg10[%dma_start3A_510, %dma_start3A_511, %dma_start3A_512] : memref<16x8x64xf32, #tpu.memory_space<vmem>> -> memref<1x8x64xf32, #tpu.memory_space<vmem>>
      %dma_start3A_514 = arith.constant 0 : i32
      %dma_start3A_515 = arith.constant 0 : i32
      %dma_start3A_516 = tpu.memref_slice %arg4[%reduce_sum3A_509, %dma_start3A_514, %dma_start3A_515] : memref<125000x8x64xf32, #tpu.memory_space<hbm>> -> memref<1x8x64xf32, #tpu.memory_space<hbm>>
      %dma_start3A_517 = arith.constant 3 : i32
      %dma_start3A_518 = arith.constant 0 : i32
      %dma_start3A_519 = arith.constant 0 : i32
      %dma_start3A_520 = tpu.memref_slice %arg10[%dma_start3A_517, %dma_start3A_518, %dma_start3A_519] : memref<16x8x64xf32, #tpu.memory_space<vmem>> -> memref<1x8x64xf32, #tpu.memory_space<vmem>>
      %dma_start3A_521 = arith.constant 0 : i32
      %dma_start3A_522 = arith.constant 0 : i32
      %dma_start3A_523 = tpu.memref_slice %arg4[%reduce_sum3A_509, %dma_start3A_521, %dma_start3A_522] : memref<125000x8x64xf32, #tpu.memory_space<hbm>> -> memref<1x8x64xf32, #tpu.memory_space<hbm>>
      tpu.enqueue_dma source(%dma_start3A_523 : memref<1x8x64xf32, #tpu.memory_space<hbm>>) target(%dma_start3A_520 : memref<1x8x64xf32, #tpu.memory_space<vmem>>) target_semaphore(%arg12 : memref<!tpu.dma_semaphore, #tpu.memory_space<semaphore_mem>>)
      %iota3A_524 = tpu.iota {dimensions = array<i32: 0>} : vector<16xi32>
      %eq3A_525 = arith.constant 4 : i32
      %eq3A_526 = vector.broadcast %eq3A_525 : i32 to vector<16xi32>
      %eq3A_527 = arith.cmpi eq, %iota3A_524, %eq3A_526 : vector<16xi32>
      %jit3A_528 = arith.constant 0 : i32
      %broadcast_in_dim3A_529 = vector.broadcast %jit3A_528 : i32 to vector<16xi32>
      %select_n3A_530 = arith.select %eq3A_527, %get3A_423, %broadcast_in_dim3A_529 : vector<16xi1>, vector<16xi32>
      %reduce_sum3A_531 = arith.constant true
      %reduce_sum3A_532 = vector.broadcast %reduce_sum3A_531 : i1 to vector<16xi1>
      %reduce_sum3A_533 = tpu.scan <sum>, %select_n3A_530 masked %reduce_sum3A_532 : vector<16xi32>, vector<16xi1> -> vector<16xi32>
      %reduce_sum3A_534 = vector.extract %reduce_sum3A_533[15] : i32 from vector<16xi32>
      %dma_start3A_535 = arith.constant 4 : i32
      %dma_start3A_536 = arith.constant 0 : i32
      %dma_start3A_537 = arith.constant 0 : i32
      %dma_start3A_538 = tpu.memref_slice %arg10[%dma_start3A_535, %dma_start3A_536, %dma_start3A_537] : memref<16x8x64xf32, #tpu.memory_space<vmem>> -> memref<1x8x64xf32, #tpu.memory_space<vmem>>
      %dma_start3A_539 = arith.constant 0 : i32
      %dma_start3A_540 = arith.constant 0 : i32
      %dma_start3A_541 = tpu.memref_slice %arg4[%reduce_sum3A_534, %dma_start3A_539, %dma_start3A_540] : memref<125000x8x64xf32, #tpu.memory_space<hbm>> -> memref<1x8x64xf32, #tpu.memory_space<hbm>>
      %dma_start3A_542 = arith.constant 4 : i32
      %dma_start3A_543 = arith.constant 0 : i32
      %dma_start3A_544 = arith.constant 0 : i32
      %dma_start3A_545 = tpu.memref_slice %arg10[%dma_start3A_542, %dma_start3A_543, %dma_start3A_544] : memref<16x8x64xf32, #tpu.memory_space<vmem>> -> memref<1x8x64xf32, #tpu.memory_space<vmem>>
      %dma_start3A_546 = arith.constant 0 : i32
      %dma_start3A_547 = arith.constant 0 : i32
      %dma_start3A_548 = tpu.memref_slice %arg4[%reduce_sum3A_534, %dma_start3A_546, %dma_start3A_547] : memref<125000x8x64xf32, #tpu.memory_space<hbm>> -> memref<1x8x64xf32, #tpu.memory_space<hbm>>
      tpu.enqueue_dma source(%dma_start3A_548 : memref<1x8x64xf32, #tpu.memory_space<hbm>>) target(%dma_start3A_545 : memref<1x8x64xf32, #tpu.memory_space<vmem>>) target_semaphore(%arg12 : memref<!tpu.dma_semaphore, #tpu.memory_space<semaphore_mem>>)
      %iota3A_549 = tpu.iota {dimensions = array<i32: 0>} : vector<16xi32>
      %eq3A_550 = arith.constant 5 : i32
      %eq3A_551 = vector.broadcast %eq3A_550 : i32 to vector<16xi32>
      %eq3A_552 = arith.cmpi eq, %iota3A_549, %eq3A_551 : vector<16xi32>
      %jit3A_553 = arith.constant 0 : i32
      %broadcast_in_dim3A_554 = vector.broadcast %jit3A_553 : i32 to vector<16xi32>
      %select_n3A_555 = arith.select %eq3A_552, %get3A_423, %broadcast_in_dim3A_554 : vector<16xi1>, vector<16xi32>
      %reduce_sum3A_556 = arith.constant true
      %reduce_sum3A_557 = vector.broadcast %reduce_sum3A_556 : i1 to vector<16xi1>
      %reduce_sum3A_558 = tpu.scan <sum>, %select_n3A_555 masked %reduce_sum3A_557 : vector<16xi32>, vector<16xi1> -> vector<16xi32>
      %reduce_sum3A_559 = vector.extract %reduce_sum3A_558[15] : i32 from vector<16xi32>
      %dma_start3A_560 = arith.constant 5 : i32
      %dma_start3A_561 = arith.constant 0 : i32
      %dma_start3A_562 = arith.constant 0 : i32
      %dma_start3A_563 = tpu.memref_slice %arg10[%dma_start3A_560, %dma_start3A_561, %dma_start3A_562] : memref<16x8x64xf32, #tpu.memory_space<vmem>> -> memref<1x8x64xf32, #tpu.memory_space<vmem>>
      %dma_start3A_564 = arith.constant 0 : i32
      %dma_start3A_565 = arith.constant 0 : i32
      %dma_start3A_566 = tpu.memref_slice %arg4[%reduce_sum3A_559, %dma_start3A_564, %dma_start3A_565] : memref<125000x8x64xf32, #tpu.memory_space<hbm>> -> memref<1x8x64xf32, #tpu.memory_space<hbm>>
      %dma_start3A_567 = arith.constant 5 : i32
      %dma_start3A_568 = arith.constant 0 : i32
      %dma_start3A_569 = arith.constant 0 : i32
      %dma_start3A_570 = tpu.memref_slice %arg10[%dma_start3A_567, %dma_start3A_568, %dma_start3A_569] : memref<16x8x64xf32, #tpu.memory_space<vmem>> -> memref<1x8x64xf32, #tpu.memory_space<vmem>>
      %dma_start3A_571 = arith.constant 0 : i32
      %dma_start3A_572 = arith.constant 0 : i32
      %dma_start3A_573 = tpu.memref_slice %arg4[%reduce_sum3A_559, %dma_start3A_571, %dma_start3A_572] : memref<125000x8x64xf32, #tpu.memory_space<hbm>> -> memref<1x8x64xf32, #tpu.memory_space<hbm>>
      tpu.enqueue_dma source(%dma_start3A_573 : memref<1x8x64xf32, #tpu.memory_space<hbm>>) target(%dma_start3A_570 : memref<1x8x64xf32, #tpu.memory_space<vmem>>) target_semaphore(%arg12 : memref<!tpu.dma_semaphore, #tpu.memory_space<semaphore_mem>>)
      %iota3A_574 = tpu.iota {dimensions = array<i32: 0>} : vector<16xi32>
      %eq3A_575 = arith.constant 6 : i32
      %eq3A_576 = vector.broadcast %eq3A_575 : i32 to vector<16xi32>
      %eq3A_577 = arith.cmpi eq, %iota3A_574, %eq3A_576 : vector<16xi32>
      %jit3A_578 = arith.constant 0 : i32
      %broadcast_in_dim3A_579 = vector.broadcast %jit3A_578 : i32 to vector<16xi32>
      %select_n3A_580 = arith.select %eq3A_577, %get3A_423, %broadcast_in_dim3A_579 : vector<16xi1>, vector<16xi32>
      %reduce_sum3A_581 = arith.constant true
      %reduce_sum3A_582 = vector.broadcast %reduce_sum3A_581 : i1 to vector<16xi1>
      %reduce_sum3A_583 = tpu.scan <sum>, %select_n3A_580 masked %reduce_sum3A_582 : vector<16xi32>, vector<16xi1> -> vector<16xi32>
      %reduce_sum3A_584 = vector.extract %reduce_sum3A_583[15] : i32 from vector<16xi32>
      %dma_start3A_585 = arith.constant 6 : i32
      %dma_start3A_586 = arith.constant 0 : i32
      %dma_start3A_587 = arith.constant 0 : i32
      %dma_start3A_588 = tpu.memref_slice %arg10[%dma_start3A_585, %dma_start3A_586, %dma_start3A_587] : memref<16x8x64xf32, #tpu.memory_space<vmem>> -> memref<1x8x64xf32, #tpu.memory_space<vmem>>
      %dma_start3A_589 = arith.constant 0 : i32
      %dma_start3A_590 = arith.constant 0 : i32
      %dma_start3A_591 = tpu.memref_slice %arg4[%reduce_sum3A_584, %dma_start3A_589, %dma_start3A_590] : memref<125000x8x64xf32, #tpu.memory_space<hbm>> -> memref<1x8x64xf32, #tpu.memory_space<hbm>>
      %dma_start3A_592 = arith.constant 6 : i32
      %dma_start3A_593 = arith.constant 0 : i32
      %dma_start3A_594 = arith.constant 0 : i32
      %dma_start3A_595 = tpu.memref_slice %arg10[%dma_start3A_592, %dma_start3A_593, %dma_start3A_594] : memref<16x8x64xf32, #tpu.memory_space<vmem>> -> memref<1x8x64xf32, #tpu.memory_space<vmem>>
      %dma_start3A_596 = arith.constant 0 : i32
      %dma_start3A_597 = arith.constant 0 : i32
      %dma_start3A_598 = tpu.memref_slice %arg4[%reduce_sum3A_584, %dma_start3A_596, %dma_start3A_597] : memref<125000x8x64xf32, #tpu.memory_space<hbm>> -> memref<1x8x64xf32, #tpu.memory_space<hbm>>
      tpu.enqueue_dma source(%dma_start3A_598 : memref<1x8x64xf32, #tpu.memory_space<hbm>>) target(%dma_start3A_595 : memref<1x8x64xf32, #tpu.memory_space<vmem>>) target_semaphore(%arg12 : memref<!tpu.dma_semaphore, #tpu.memory_space<semaphore_mem>>)
      %iota3A_599 = tpu.iota {dimensions = array<i32: 0>} : vector<16xi32>
      %eq3A_600 = arith.constant 7 : i32
      %eq3A_601 = vector.broadcast %eq3A_600 : i32 to vector<16xi32>
      %eq3A_602 = arith.cmpi eq, %iota3A_599, %eq3A_601 : vector<16xi32>
      %jit3A_603 = arith.constant 0 : i32
      %broadcast_in_dim3A_604 = vector.broadcast %jit3A_603 : i32 to vector<16xi32>
      %select_n3A_605 = arith.select %eq3A_602, %get3A_423, %broadcast_in_dim3A_604 : vector<16xi1>, vector<16xi32>
      %reduce_sum3A_606 = arith.constant true
      %reduce_sum3A_607 = vector.broadcast %reduce_sum3A_606 : i1 to vector<16xi1>
      %reduce_sum3A_608 = tpu.scan <sum>, %select_n3A_605 masked %reduce_sum3A_607 : vector<16xi32>, vector<16xi1> -> vector<16xi32>
      %reduce_sum3A_609 = vector.extract %reduce_sum3A_608[15] : i32 from vector<16xi32>
      %dma_start3A_610 = arith.constant 7 : i32
      %dma_start3A_611 = arith.constant 0 : i32
      %dma_start3A_612 = arith.constant 0 : i32
      %dma_start3A_613 = tpu.memref_slice %arg10[%dma_start3A_610, %dma_start3A_611, %dma_start3A_612] : memref<16x8x64xf32, #tpu.memory_space<vmem>> -> memref<1x8x64xf32, #tpu.memory_space<vmem>>
      %dma_start3A_614 = arith.constant 0 : i32
      %dma_start3A_615 = arith.constant 0 : i32
      %dma_start3A_616 = tpu.memref_slice %arg4[%reduce_sum3A_609, %dma_start3A_614, %dma_start3A_615] : memref<125000x8x64xf32, #tpu.memory_space<hbm>> -> memref<1x8x64xf32, #tpu.memory_space<hbm>>
      %dma_start3A_617 = arith.constant 7 : i32
      %dma_start3A_618 = arith.constant 0 : i32
      %dma_start3A_619 = arith.constant 0 : i32
      %dma_start3A_620 = tpu.memref_slice %arg10[%dma_start3A_617, %dma_start3A_618, %dma_start3A_619] : memref<16x8x64xf32, #tpu.memory_space<vmem>> -> memref<1x8x64xf32, #tpu.memory_space<vmem>>
      %dma_start3A_621 = arith.constant 0 : i32
      %dma_start3A_622 = arith.constant 0 : i32
      %dma_start3A_623 = tpu.memref_slice %arg4[%reduce_sum3A_609, %dma_start3A_621, %dma_start3A_622] : memref<125000x8x64xf32, #tpu.memory_space<hbm>> -> memref<1x8x64xf32, #tpu.memory_space<hbm>>
      tpu.enqueue_dma source(%dma_start3A_623 : memref<1x8x64xf32, #tpu.memory_space<hbm>>) target(%dma_start3A_620 : memref<1x8x64xf32, #tpu.memory_space<vmem>>) target_semaphore(%arg12 : memref<!tpu.dma_semaphore, #tpu.memory_space<semaphore_mem>>)
      %iota3A_624 = tpu.iota {dimensions = array<i32: 0>} : vector<16xi32>
      %eq3A_625 = arith.constant 8 : i32
      %eq3A_626 = vector.broadcast %eq3A_625 : i32 to vector<16xi32>
      %eq3A_627 = arith.cmpi eq, %iota3A_624, %eq3A_626 : vector<16xi32>
      %jit3A_628 = arith.constant 0 : i32
      %broadcast_in_dim3A_629 = vector.broadcast %jit3A_628 : i32 to vector<16xi32>
      %select_n3A_630 = arith.select %eq3A_627, %get3A_423, %broadcast_in_dim3A_629 : vector<16xi1>, vector<16xi32>
      %reduce_sum3A_631 = arith.constant true
      %reduce_sum3A_632 = vector.broadcast %reduce_sum3A_631 : i1 to vector<16xi1>
      %reduce_sum3A_633 = tpu.scan <sum>, %select_n3A_630 masked %reduce_sum3A_632 : vector<16xi32>, vector<16xi1> -> vector<16xi32>
      %reduce_sum3A_634 = vector.extract %reduce_sum3A_633[15] : i32 from vector<16xi32>
      %dma_start3A_635 = arith.constant 8 : i32
      %dma_start3A_636 = arith.constant 0 : i32
      %dma_start3A_637 = arith.constant 0 : i32
      %dma_start3A_638 = tpu.memref_slice %arg10[%dma_start3A_635, %dma_start3A_636, %dma_start3A_637] : memref<16x8x64xf32, #tpu.memory_space<vmem>> -> memref<1x8x64xf32, #tpu.memory_space<vmem>>
      %dma_start3A_639 = arith.constant 0 : i32
      %dma_start3A_640 = arith.constant 0 : i32
      %dma_start3A_641 = tpu.memref_slice %arg4[%reduce_sum3A_634, %dma_start3A_639, %dma_start3A_640] : memref<125000x8x64xf32, #tpu.memory_space<hbm>> -> memref<1x8x64xf32, #tpu.memory_space<hbm>>
      %dma_start3A_642 = arith.constant 8 : i32
      %dma_start3A_643 = arith.constant 0 : i32
      %dma_start3A_644 = arith.constant 0 : i32
      %dma_start3A_645 = tpu.memref_slice %arg10[%dma_start3A_642, %dma_start3A_643, %dma_start3A_644] : memref<16x8x64xf32, #tpu.memory_space<vmem>> -> memref<1x8x64xf32, #tpu.memory_space<vmem>>
      %dma_start3A_646 = arith.constant 0 : i32
      %dma_start3A_647 = arith.constant 0 : i32
      %dma_start3A_648 = tpu.memref_slice %arg4[%reduce_sum3A_634, %dma_start3A_646, %dma_start3A_647] : memref<125000x8x64xf32, #tpu.memory_space<hbm>> -> memref<1x8x64xf32, #tpu.memory_space<hbm>>
      tpu.enqueue_dma source(%dma_start3A_648 : memref<1x8x64xf32, #tpu.memory_space<hbm>>) target(%dma_start3A_645 : memref<1x8x64xf32, #tpu.memory_space<vmem>>) target_semaphore(%arg12 : memref<!tpu.dma_semaphore, #tpu.memory_space<semaphore_mem>>)
      %iota3A_649 = tpu.iota {dimensions = array<i32: 0>} : vector<16xi32>
      %eq3A_650 = arith.constant 9 : i32
      %eq3A_651 = vector.broadcast %eq3A_650 : i32 to vector<16xi32>
      %eq3A_652 = arith.cmpi eq, %iota3A_649, %eq3A_651 : vector<16xi32>
      %jit3A_653 = arith.constant 0 : i32
      %broadcast_in_dim3A_654 = vector.broadcast %jit3A_653 : i32 to vector<16xi32>
      %select_n3A_655 = arith.select %eq3A_652, %get3A_423, %broadcast_in_dim3A_654 : vector<16xi1>, vector<16xi32>
      %reduce_sum3A_656 = arith.constant true
      %reduce_sum3A_657 = vector.broadcast %reduce_sum3A_656 : i1 to vector<16xi1>
      %reduce_sum3A_658 = tpu.scan <sum>, %select_n3A_655 masked %reduce_sum3A_657 : vector<16xi32>, vector<16xi1> -> vector<16xi32>
      %reduce_sum3A_659 = vector.extract %reduce_sum3A_658[15] : i32 from vector<16xi32>
      %dma_start3A_660 = arith.constant 9 : i32
      %dma_start3A_661 = arith.constant 0 : i32
      %dma_start3A_662 = arith.constant 0 : i32
      %dma_start3A_663 = tpu.memref_slice %arg10[%dma_start3A_660, %dma_start3A_661, %dma_start3A_662] : memref<16x8x64xf32, #tpu.memory_space<vmem>> -> memref<1x8x64xf32, #tpu.memory_space<vmem>>
      %dma_start3A_664 = arith.constant 0 : i32
      %dma_start3A_665 = arith.constant 0 : i32
      %dma_start3A_666 = tpu.memref_slice %arg4[%reduce_sum3A_659, %dma_start3A_664, %dma_start3A_665] : memref<125000x8x64xf32, #tpu.memory_space<hbm>> -> memref<1x8x64xf32, #tpu.memory_space<hbm>>
      %dma_start3A_667 = arith.constant 9 : i32
      %dma_start3A_668 = arith.constant 0 : i32
      %dma_start3A_669 = arith.constant 0 : i32
      %dma_start3A_670 = tpu.memref_slice %arg10[%dma_start3A_667, %dma_start3A_668, %dma_start3A_669] : memref<16x8x64xf32, #tpu.memory_space<vmem>> -> memref<1x8x64xf32, #tpu.memory_space<vmem>>
      %dma_start3A_671 = arith.constant 0 : i32
      %dma_start3A_672 = arith.constant 0 : i32
      %dma_start3A_673 = tpu.memref_slice %arg4[%reduce_sum3A_659, %dma_start3A_671, %dma_start3A_672] : memref<125000x8x64xf32, #tpu.memory_space<hbm>> -> memref<1x8x64xf32, #tpu.memory_space<hbm>>
      tpu.enqueue_dma source(%dma_start3A_673 : memref<1x8x64xf32, #tpu.memory_space<hbm>>) target(%dma_start3A_670 : memref<1x8x64xf32, #tpu.memory_space<vmem>>) target_semaphore(%arg12 : memref<!tpu.dma_semaphore, #tpu.memory_space<semaphore_mem>>)
      %iota3A_674 = tpu.iota {dimensions = array<i32: 0>} : vector<16xi32>
      %eq3A_675 = arith.constant 10 : i32
      %eq3A_676 = vector.broadcast %eq3A_675 : i32 to vector<16xi32>
      %eq3A_677 = arith.cmpi eq, %iota3A_674, %eq3A_676 : vector<16xi32>
      %jit3A_678 = arith.constant 0 : i32
      %broadcast_in_dim3A_679 = vector.broadcast %jit3A_678 : i32 to vector<16xi32>
      %select_n3A_680 = arith.select %eq3A_677, %get3A_423, %broadcast_in_dim3A_679 : vector<16xi1>, vector<16xi32>
      %reduce_sum3A_681 = arith.constant true
      %reduce_sum3A_682 = vector.broadcast %reduce_sum3A_681 : i1 to vector<16xi1>
      %reduce_sum3A_683 = tpu.scan <sum>, %select_n3A_680 masked %reduce_sum3A_682 : vector<16xi32>, vector<16xi1> -> vector<16xi32>
      %reduce_sum3A_684 = vector.extract %reduce_sum3A_683[15] : i32 from vector<16xi32>
      %dma_start3A_685 = arith.constant 10 : i32
      %dma_start3A_686 = arith.constant 0 : i32
      %dma_start3A_687 = arith.constant 0 : i32
      %dma_start3A_688 = tpu.memref_slice %arg10[%dma_start3A_685, %dma_start3A_686, %dma_start3A_687] : memref<16x8x64xf32, #tpu.memory_space<vmem>> -> memref<1x8x64xf32, #tpu.memory_space<vmem>>
      %dma_start3A_689 = arith.constant 0 : i32
      %dma_start3A_690 = arith.constant 0 : i32
      %dma_start3A_691 = tpu.memref_slice %arg4[%reduce_sum3A_684, %dma_start3A_689, %dma_start3A_690] : memref<125000x8x64xf32, #tpu.memory_space<hbm>> -> memref<1x8x64xf32, #tpu.memory_space<hbm>>
      %dma_start3A_692 = arith.constant 10 : i32
      %dma_start3A_693 = arith.constant 0 : i32
      %dma_start3A_694 = arith.constant 0 : i32
      %dma_start3A_695 = tpu.memref_slice %arg10[%dma_start3A_692, %dma_start3A_693, %dma_start3A_694] : memref<16x8x64xf32, #tpu.memory_space<vmem>> -> memref<1x8x64xf32, #tpu.memory_space<vmem>>
      %dma_start3A_696 = arith.constant 0 : i32
      %dma_start3A_697 = arith.constant 0 : i32
      %dma_start3A_698 = tpu.memref_slice %arg4[%reduce_sum3A_684, %dma_start3A_696, %dma_start3A_697] : memref<125000x8x64xf32, #tpu.memory_space<hbm>> -> memref<1x8x64xf32, #tpu.memory_space<hbm>>
      tpu.enqueue_dma source(%dma_start3A_698 : memref<1x8x64xf32, #tpu.memory_space<hbm>>) target(%dma_start3A_695 : memref<1x8x64xf32, #tpu.memory_space<vmem>>) target_semaphore(%arg12 : memref<!tpu.dma_semaphore, #tpu.memory_space<semaphore_mem>>)
      %iota3A_699 = tpu.iota {dimensions = array<i32: 0>} : vector<16xi32>
      %eq3A_700 = arith.constant 11 : i32
      %eq3A_701 = vector.broadcast %eq3A_700 : i32 to vector<16xi32>
      %eq3A_702 = arith.cmpi eq, %iota3A_699, %eq3A_701 : vector<16xi32>
      %jit3A_703 = arith.constant 0 : i32
      %broadcast_in_dim3A_704 = vector.broadcast %jit3A_703 : i32 to vector<16xi32>
      %select_n3A_705 = arith.select %eq3A_702, %get3A_423, %broadcast_in_dim3A_704 : vector<16xi1>, vector<16xi32>
      %reduce_sum3A_706 = arith.constant true
      %reduce_sum3A_707 = vector.broadcast %reduce_sum3A_706 : i1 to vector<16xi1>
      %reduce_sum3A_708 = tpu.scan <sum>, %select_n3A_705 masked %reduce_sum3A_707 : vector<16xi32>, vector<16xi1> -> vector<16xi32>
      %reduce_sum3A_709 = vector.extract %reduce_sum3A_708[15] : i32 from vector<16xi32>
      %dma_start3A_710 = arith.constant 11 : i32
      %dma_start3A_711 = arith.constant 0 : i32
      %dma_start3A_712 = arith.constant 0 : i32
      %dma_start3A_713 = tpu.memref_slice %arg10[%dma_start3A_710, %dma_start3A_711, %dma_start3A_712] : memref<16x8x64xf32, #tpu.memory_space<vmem>> -> memref<1x8x64xf32, #tpu.memory_space<vmem>>
      %dma_start3A_714 = arith.constant 0 : i32
      %dma_start3A_715 = arith.constant 0 : i32
      %dma_start3A_716 = tpu.memref_slice %arg4[%reduce_sum3A_709, %dma_start3A_714, %dma_start3A_715] : memref<125000x8x64xf32, #tpu.memory_space<hbm>> -> memref<1x8x64xf32, #tpu.memory_space<hbm>>
      %dma_start3A_717 = arith.constant 11 : i32
      %dma_start3A_718 = arith.constant 0 : i32
      %dma_start3A_719 = arith.constant 0 : i32
      %dma_start3A_720 = tpu.memref_slice %arg10[%dma_start3A_717, %dma_start3A_718, %dma_start3A_719] : memref<16x8x64xf32, #tpu.memory_space<vmem>> -> memref<1x8x64xf32, #tpu.memory_space<vmem>>
      %dma_start3A_721 = arith.constant 0 : i32
      %dma_start3A_722 = arith.constant 0 : i32
      %dma_start3A_723 = tpu.memref_slice %arg4[%reduce_sum3A_709, %dma_start3A_721, %dma_start3A_722] : memref<125000x8x64xf32, #tpu.memory_space<hbm>> -> memref<1x8x64xf32, #tpu.memory_space<hbm>>
      tpu.enqueue_dma source(%dma_start3A_723 : memref<1x8x64xf32, #tpu.memory_space<hbm>>) target(%dma_start3A_720 : memref<1x8x64xf32, #tpu.memory_space<vmem>>) target_semaphore(%arg12 : memref<!tpu.dma_semaphore, #tpu.memory_space<semaphore_mem>>)
      %iota3A_724 = tpu.iota {dimensions = array<i32: 0>} : vector<16xi32>
      %eq3A_725 = arith.constant 12 : i32
      %eq3A_726 = vector.broadcast %eq3A_725 : i32 to vector<16xi32>
      %eq3A_727 = arith.cmpi eq, %iota3A_724, %eq3A_726 : vector<16xi32>
      %jit3A_728 = arith.constant 0 : i32
      %broadcast_in_dim3A_729 = vector.broadcast %jit3A_728 : i32 to vector<16xi32>
      %select_n3A_730 = arith.select %eq3A_727, %get3A_423, %broadcast_in_dim3A_729 : vector<16xi1>, vector<16xi32>
      %reduce_sum3A_731 = arith.constant true
      %reduce_sum3A_732 = vector.broadcast %reduce_sum3A_731 : i1 to vector<16xi1>
      %reduce_sum3A_733 = tpu.scan <sum>, %select_n3A_730 masked %reduce_sum3A_732 : vector<16xi32>, vector<16xi1> -> vector<16xi32>
      %reduce_sum3A_734 = vector.extract %reduce_sum3A_733[15] : i32 from vector<16xi32>
      %dma_start3A_735 = arith.constant 12 : i32
      %dma_start3A_736 = arith.constant 0 : i32
      %dma_start3A_737 = arith.constant 0 : i32
      %dma_start3A_738 = tpu.memref_slice %arg10[%dma_start3A_735, %dma_start3A_736, %dma_start3A_737] : memref<16x8x64xf32, #tpu.memory_space<vmem>> -> memref<1x8x64xf32, #tpu.memory_space<vmem>>
      %dma_start3A_739 = arith.constant 0 : i32
      %dma_start3A_740 = arith.constant 0 : i32
      %dma_start3A_741 = tpu.memref_slice %arg4[%reduce_sum3A_734, %dma_start3A_739, %dma_start3A_740] : memref<125000x8x64xf32, #tpu.memory_space<hbm>> -> memref<1x8x64xf32, #tpu.memory_space<hbm>>
      %dma_start3A_742 = arith.constant 12 : i32
      %dma_start3A_743 = arith.constant 0 : i32
      %dma_start3A_744 = arith.constant 0 : i32
      %dma_start3A_745 = tpu.memref_slice %arg10[%dma_start3A_742, %dma_start3A_743, %dma_start3A_744] : memref<16x8x64xf32, #tpu.memory_space<vmem>> -> memref<1x8x64xf32, #tpu.memory_space<vmem>>
      %dma_start3A_746 = arith.constant 0 : i32
      %dma_start3A_747 = arith.constant 0 : i32
      %dma_start3A_748 = tpu.memref_slice %arg4[%reduce_sum3A_734, %dma_start3A_746, %dma_start3A_747] : memref<125000x8x64xf32, #tpu.memory_space<hbm>> -> memref<1x8x64xf32, #tpu.memory_space<hbm>>
      tpu.enqueue_dma source(%dma_start3A_748 : memref<1x8x64xf32, #tpu.memory_space<hbm>>) target(%dma_start3A_745 : memref<1x8x64xf32, #tpu.memory_space<vmem>>) target_semaphore(%arg12 : memref<!tpu.dma_semaphore, #tpu.memory_space<semaphore_mem>>)
      %iota3A_749 = tpu.iota {dimensions = array<i32: 0>} : vector<16xi32>
      %eq3A_750 = arith.constant 13 : i32
      %eq3A_751 = vector.broadcast %eq3A_750 : i32 to vector<16xi32>
      %eq3A_752 = arith.cmpi eq, %iota3A_749, %eq3A_751 : vector<16xi32>
      %jit3A_753 = arith.constant 0 : i32
      %broadcast_in_dim3A_754 = vector.broadcast %jit3A_753 : i32 to vector<16xi32>
      %select_n3A_755 = arith.select %eq3A_752, %get3A_423, %broadcast_in_dim3A_754 : vector<16xi1>, vector<16xi32>
      %reduce_sum3A_756 = arith.constant true
      %reduce_sum3A_757 = vector.broadcast %reduce_sum3A_756 : i1 to vector<16xi1>
      %reduce_sum3A_758 = tpu.scan <sum>, %select_n3A_755 masked %reduce_sum3A_757 : vector<16xi32>, vector<16xi1> -> vector<16xi32>
      %reduce_sum3A_759 = vector.extract %reduce_sum3A_758[15] : i32 from vector<16xi32>
      %dma_start3A_760 = arith.constant 13 : i32
      %dma_start3A_761 = arith.constant 0 : i32
      %dma_start3A_762 = arith.constant 0 : i32
      %dma_start3A_763 = tpu.memref_slice %arg10[%dma_start3A_760, %dma_start3A_761, %dma_start3A_762] : memref<16x8x64xf32, #tpu.memory_space<vmem>> -> memref<1x8x64xf32, #tpu.memory_space<vmem>>
      %dma_start3A_764 = arith.constant 0 : i32
      %dma_start3A_765 = arith.constant 0 : i32
      %dma_start3A_766 = tpu.memref_slice %arg4[%reduce_sum3A_759, %dma_start3A_764, %dma_start3A_765] : memref<125000x8x64xf32, #tpu.memory_space<hbm>> -> memref<1x8x64xf32, #tpu.memory_space<hbm>>
      %dma_start3A_767 = arith.constant 13 : i32
      %dma_start3A_768 = arith.constant 0 : i32
      %dma_start3A_769 = arith.constant 0 : i32
      %dma_start3A_770 = tpu.memref_slice %arg10[%dma_start3A_767, %dma_start3A_768, %dma_start3A_769] : memref<16x8x64xf32, #tpu.memory_space<vmem>> -> memref<1x8x64xf32, #tpu.memory_space<vmem>>
      %dma_start3A_771 = arith.constant 0 : i32
      %dma_start3A_772 = arith.constant 0 : i32
      %dma_start3A_773 = tpu.memref_slice %arg4[%reduce_sum3A_759, %dma_start3A_771, %dma_start3A_772] : memref<125000x8x64xf32, #tpu.memory_space<hbm>> -> memref<1x8x64xf32, #tpu.memory_space<hbm>>
      tpu.enqueue_dma source(%dma_start3A_773 : memref<1x8x64xf32, #tpu.memory_space<hbm>>) target(%dma_start3A_770 : memref<1x8x64xf32, #tpu.memory_space<vmem>>) target_semaphore(%arg12 : memref<!tpu.dma_semaphore, #tpu.memory_space<semaphore_mem>>)
      %iota3A_774 = tpu.iota {dimensions = array<i32: 0>} : vector<16xi32>
      %eq3A_775 = arith.constant 14 : i32
      %eq3A_776 = vector.broadcast %eq3A_775 : i32 to vector<16xi32>
      %eq3A_777 = arith.cmpi eq, %iota3A_774, %eq3A_776 : vector<16xi32>
      %jit3A_778 = arith.constant 0 : i32
      %broadcast_in_dim3A_779 = vector.broadcast %jit3A_778 : i32 to vector<16xi32>
      %select_n3A_780 = arith.select %eq3A_777, %get3A_423, %broadcast_in_dim3A_779 : vector<16xi1>, vector<16xi32>
      %reduce_sum3A_781 = arith.constant true
      %reduce_sum3A_782 = vector.broadcast %reduce_sum3A_781 : i1 to vector<16xi1>
      %reduce_sum3A_783 = tpu.scan <sum>, %select_n3A_780 masked %reduce_sum3A_782 : vector<16xi32>, vector<16xi1> -> vector<16xi32>
      %reduce_sum3A_784 = vector.extract %reduce_sum3A_783[15] : i32 from vector<16xi32>
      %dma_start3A_785 = arith.constant 14 : i32
      %dma_start3A_786 = arith.constant 0 : i32
      %dma_start3A_787 = arith.constant 0 : i32
      %dma_start3A_788 = tpu.memref_slice %arg10[%dma_start3A_785, %dma_start3A_786, %dma_start3A_787] : memref<16x8x64xf32, #tpu.memory_space<vmem>> -> memref<1x8x64xf32, #tpu.memory_space<vmem>>
      %dma_start3A_789 = arith.constant 0 : i32
      %dma_start3A_790 = arith.constant 0 : i32
      %dma_start3A_791 = tpu.memref_slice %arg4[%reduce_sum3A_784, %dma_start3A_789, %dma_start3A_790] : memref<125000x8x64xf32, #tpu.memory_space<hbm>> -> memref<1x8x64xf32, #tpu.memory_space<hbm>>
      %dma_start3A_792 = arith.constant 14 : i32
      %dma_start3A_793 = arith.constant 0 : i32
      %dma_start3A_794 = arith.constant 0 : i32
      %dma_start3A_795 = tpu.memref_slice %arg10[%dma_start3A_792, %dma_start3A_793, %dma_start3A_794] : memref<16x8x64xf32, #tpu.memory_space<vmem>> -> memref<1x8x64xf32, #tpu.memory_space<vmem>>
      %dma_start3A_796 = arith.constant 0 : i32
      %dma_start3A_797 = arith.constant 0 : i32
      %dma_start3A_798 = tpu.memref_slice %arg4[%reduce_sum3A_784, %dma_start3A_796, %dma_start3A_797] : memref<125000x8x64xf32, #tpu.memory_space<hbm>> -> memref<1x8x64xf32, #tpu.memory_space<hbm>>
      tpu.enqueue_dma source(%dma_start3A_798 : memref<1x8x64xf32, #tpu.memory_space<hbm>>) target(%dma_start3A_795 : memref<1x8x64xf32, #tpu.memory_space<vmem>>) target_semaphore(%arg12 : memref<!tpu.dma_semaphore, #tpu.memory_space<semaphore_mem>>)
      %iota3A_799 = tpu.iota {dimensions = array<i32: 0>} : vector<16xi32>
      %eq3A_800 = arith.constant 15 : i32
      %eq3A_801 = vector.broadcast %eq3A_800 : i32 to vector<16xi32>
      %eq3A_802 = arith.cmpi eq, %iota3A_799, %eq3A_801 : vector<16xi32>
      %jit3A_803 = arith.constant 0 : i32
      %broadcast_in_dim3A_804 = vector.broadcast %jit3A_803 : i32 to vector<16xi32>
      %select_n3A_805 = arith.select %eq3A_802, %get3A_423, %broadcast_in_dim3A_804 : vector<16xi1>, vector<16xi32>
      %reduce_sum3A_806 = arith.constant true
      %reduce_sum3A_807 = vector.broadcast %reduce_sum3A_806 : i1 to vector<16xi1>
      %reduce_sum3A_808 = tpu.scan <sum>, %select_n3A_805 masked %reduce_sum3A_807 : vector<16xi32>, vector<16xi1> -> vector<16xi32>
      %reduce_sum3A_809 = vector.extract %reduce_sum3A_808[15] : i32 from vector<16xi32>
      %dma_start3A_810 = arith.constant 15 : i32
      %dma_start3A_811 = arith.constant 0 : i32
      %dma_start3A_812 = arith.constant 0 : i32
      %dma_start3A_813 = tpu.memref_slice %arg10[%dma_start3A_810, %dma_start3A_811, %dma_start3A_812] : memref<16x8x64xf32, #tpu.memory_space<vmem>> -> memref<1x8x64xf32, #tpu.memory_space<vmem>>
      %dma_start3A_814 = arith.constant 0 : i32
      %dma_start3A_815 = arith.constant 0 : i32
      %dma_start3A_816 = tpu.memref_slice %arg4[%reduce_sum3A_809, %dma_start3A_814, %dma_start3A_815] : memref<125000x8x64xf32, #tpu.memory_space<hbm>> -> memref<1x8x64xf32, #tpu.memory_space<hbm>>
      %dma_start3A_817 = arith.constant 15 : i32
      %dma_start3A_818 = arith.constant 0 : i32
      %dma_start3A_819 = arith.constant 0 : i32
      %dma_start3A_820 = tpu.memref_slice %arg10[%dma_start3A_817, %dma_start3A_818, %dma_start3A_819] : memref<16x8x64xf32, #tpu.memory_space<vmem>> -> memref<1x8x64xf32, #tpu.memory_space<vmem>>
      %dma_start3A_821 = arith.constant 0 : i32
      %dma_start3A_822 = arith.constant 0 : i32
      %dma_start3A_823 = tpu.memref_slice %arg4[%reduce_sum3A_809, %dma_start3A_821, %dma_start3A_822] : memref<125000x8x64xf32, #tpu.memory_space<hbm>> -> memref<1x8x64xf32, #tpu.memory_space<hbm>>
      tpu.enqueue_dma source(%dma_start3A_823 : memref<1x8x64xf32, #tpu.memory_space<hbm>>) target(%dma_start3A_820 : memref<1x8x64xf32, #tpu.memory_space<vmem>>) target_semaphore(%arg12 : memref<!tpu.dma_semaphore, #tpu.memory_space<semaphore_mem>>)
      %mul3A_824 = arith.constant 2 : i32
      %mul3A_825 = arith.muli %mul3A_824, %scan3A_16 : i32
      %dma_wait3A = arith.constant 0 : i32
      %dma_wait3A_826 = arith.constant 0 : i32
      %dma_wait3A_827 = arith.constant 0 : i32
      %dma_wait3A_828 = tpu.memref_slice %arg9[%dma_wait3A, %dma_wait3A_826, %dma_wait3A_827] : memref<16x8x64xf32, #tpu.memory_space<vmem>> -> memref<1x8x64xf32, #tpu.memory_space<vmem>>
      %dma_wait3A_829 = arith.constant 0 : i32
      %dma_wait3A_830 = arith.constant 0 : i32
      %dma_wait3A_831 = tpu.memref_slice %arg4[%reduce_sum3A_27, %dma_wait3A_829, %dma_wait3A_830] : memref<125000x8x64xf32, #tpu.memory_space<hbm>> -> memref<1x8x64xf32, #tpu.memory_space<hbm>>
      %dma_wait3A_832 = arith.constant 0 : i32
      %dma_wait3A_833 = arith.constant 0 : i32
      %dma_wait3A_834 = arith.constant 0 : i32
      %dma_wait3A_835 = tpu.memref_slice %arg9[%dma_wait3A_832, %dma_wait3A_833, %dma_wait3A_834] : memref<16x8x64xf32, #tpu.memory_space<vmem>> -> memref<1x8x64xf32, #tpu.memory_space<vmem>>
      %dma_wait3A_836 = arith.constant 0 : i32
      %dma_wait3A_837 = arith.constant 0 : i32
      %dma_wait3A_838 = tpu.memref_slice %arg4[%reduce_sum3A_27, %dma_wait3A_836, %dma_wait3A_837] : memref<125000x8x64xf32, #tpu.memory_space<hbm>> -> memref<1x8x64xf32, #tpu.memory_space<hbm>>
      tpu.wait_dma2 semaphore(%arg11 : memref<!tpu.dma_semaphore, #tpu.memory_space<semaphore_mem>>) src(%dma_wait3A_838 : memref<1x8x64xf32, #tpu.memory_space<hbm>>) dst(%dma_wait3A_835 : memref<1x8x64xf32, #tpu.memory_space<vmem>>)
      %dma_wait3A_839 = arith.constant 1 : i32
      %dma_wait3A_840 = arith.constant 0 : i32
      %dma_wait3A_841 = arith.constant 0 : i32
      %dma_wait3A_842 = tpu.memref_slice %arg9[%dma_wait3A_839, %dma_wait3A_840, %dma_wait3A_841] : memref<16x8x64xf32, #tpu.memory_space<vmem>> -> memref<1x8x64xf32, #tpu.memory_space<vmem>>
      %dma_wait3A_843 = arith.constant 0 : i32
      %dma_wait3A_844 = arith.constant 0 : i32
      %dma_wait3A_845 = tpu.memref_slice %arg4[%reduce_sum3A_51, %dma_wait3A_843, %dma_wait3A_844] : memref<125000x8x64xf32, #tpu.memory_space<hbm>> -> memref<1x8x64xf32, #tpu.memory_space<hbm>>
      %dma_wait3A_846 = arith.constant 1 : i32
      %dma_wait3A_847 = arith.constant 0 : i32
      %dma_wait3A_848 = arith.constant 0 : i32
      %dma_wait3A_849 = tpu.memref_slice %arg9[%dma_wait3A_846, %dma_wait3A_847, %dma_wait3A_848] : memref<16x8x64xf32, #tpu.memory_space<vmem>> -> memref<1x8x64xf32, #tpu.memory_space<vmem>>
      %dma_wait3A_850 = arith.constant 0 : i32
      %dma_wait3A_851 = arith.constant 0 : i32
      %dma_wait3A_852 = tpu.memref_slice %arg4[%reduce_sum3A_51, %dma_wait3A_850, %dma_wait3A_851] : memref<125000x8x64xf32, #tpu.memory_space<hbm>> -> memref<1x8x64xf32, #tpu.memory_space<hbm>>
      tpu.wait_dma2 semaphore(%arg11 : memref<!tpu.dma_semaphore, #tpu.memory_space<semaphore_mem>>) src(%dma_wait3A_852 : memref<1x8x64xf32, #tpu.memory_space<hbm>>) dst(%dma_wait3A_849 : memref<1x8x64xf32, #tpu.memory_space<vmem>>)
      %dma_wait3A_853 = arith.constant 2 : i32
      %dma_wait3A_854 = arith.constant 0 : i32
      %dma_wait3A_855 = arith.constant 0 : i32
      %dma_wait3A_856 = tpu.memref_slice %arg9[%dma_wait3A_853, %dma_wait3A_854, %dma_wait3A_855] : memref<16x8x64xf32, #tpu.memory_space<vmem>> -> memref<1x8x64xf32, #tpu.memory_space<vmem>>
      %dma_wait3A_857 = arith.constant 0 : i32
      %dma_wait3A_858 = arith.constant 0 : i32
      %dma_wait3A_859 = tpu.memref_slice %arg4[%reduce_sum3A_76, %dma_wait3A_857, %dma_wait3A_858] : memref<125000x8x64xf32, #tpu.memory_space<hbm>> -> memref<1x8x64xf32, #tpu.memory_space<hbm>>
      %dma_wait3A_860 = arith.constant 2 : i32
      %dma_wait3A_861 = arith.constant 0 : i32
      %dma_wait3A_862 = arith.constant 0 : i32
      %dma_wait3A_863 = tpu.memref_slice %arg9[%dma_wait3A_860, %dma_wait3A_861, %dma_wait3A_862] : memref<16x8x64xf32, #tpu.memory_space<vmem>> -> memref<1x8x64xf32, #tpu.memory_space<vmem>>
      %dma_wait3A_864 = arith.constant 0 : i32
      %dma_wait3A_865 = arith.constant 0 : i32
      %dma_wait3A_866 = tpu.memref_slice %arg4[%reduce_sum3A_76, %dma_wait3A_864, %dma_wait3A_865] : memref<125000x8x64xf32, #tpu.memory_space<hbm>> -> memref<1x8x64xf32, #tpu.memory_space<hbm>>
      tpu.wait_dma2 semaphore(%arg11 : memref<!tpu.dma_semaphore, #tpu.memory_space<semaphore_mem>>) src(%dma_wait3A_866 : memref<1x8x64xf32, #tpu.memory_space<hbm>>) dst(%dma_wait3A_863 : memref<1x8x64xf32, #tpu.memory_space<vmem>>)
      %dma_wait3A_867 = arith.constant 3 : i32
      %dma_wait3A_868 = arith.constant 0 : i32
      %dma_wait3A_869 = arith.constant 0 : i32
      %dma_wait3A_870 = tpu.memref_slice %arg9[%dma_wait3A_867, %dma_wait3A_868, %dma_wait3A_869] : memref<16x8x64xf32, #tpu.memory_space<vmem>> -> memref<1x8x64xf32, #tpu.memory_space<vmem>>
      %dma_wait3A_871 = arith.constant 0 : i32
      %dma_wait3A_872 = arith.constant 0 : i32
      %dma_wait3A_873 = tpu.memref_slice %arg4[%reduce_sum3A_101, %dma_wait3A_871, %dma_wait3A_872] : memref<125000x8x64xf32, #tpu.memory_space<hbm>> -> memref<1x8x64xf32, #tpu.memory_space<hbm>>
      %dma_wait3A_874 = arith.constant 3 : i32
      %dma_wait3A_875 = arith.constant 0 : i32
      %dma_wait3A_876 = arith.constant 0 : i32
      %dma_wait3A_877 = tpu.memref_slice %arg9[%dma_wait3A_874, %dma_wait3A_875, %dma_wait3A_876] : memref<16x8x64xf32, #tpu.memory_space<vmem>> -> memref<1x8x64xf32, #tpu.memory_space<vmem>>
      %dma_wait3A_878 = arith.constant 0 : i32
      %dma_wait3A_879 = arith.constant 0 : i32
      %dma_wait3A_880 = tpu.memref_slice %arg4[%reduce_sum3A_101, %dma_wait3A_878, %dma_wait3A_879] : memref<125000x8x64xf32, #tpu.memory_space<hbm>> -> memref<1x8x64xf32, #tpu.memory_space<hbm>>
      tpu.wait_dma2 semaphore(%arg11 : memref<!tpu.dma_semaphore, #tpu.memory_space<semaphore_mem>>) src(%dma_wait3A_880 : memref<1x8x64xf32, #tpu.memory_space<hbm>>) dst(%dma_wait3A_877 : memref<1x8x64xf32, #tpu.memory_space<vmem>>)
      %dma_wait3A_881 = arith.constant 4 : i32
      %dma_wait3A_882 = arith.constant 0 : i32
      %dma_wait3A_883 = arith.constant 0 : i32
      %dma_wait3A_884 = tpu.memref_slice %arg9[%dma_wait3A_881, %dma_wait3A_882, %dma_wait3A_883] : memref<16x8x64xf32, #tpu.memory_space<vmem>> -> memref<1x8x64xf32, #tpu.memory_space<vmem>>
      %dma_wait3A_885 = arith.constant 0 : i32
      %dma_wait3A_886 = arith.constant 0 : i32
      %dma_wait3A_887 = tpu.memref_slice %arg4[%reduce_sum3A_126, %dma_wait3A_885, %dma_wait3A_886] : memref<125000x8x64xf32, #tpu.memory_space<hbm>> -> memref<1x8x64xf32, #tpu.memory_space<hbm>>
      %dma_wait3A_888 = arith.constant 4 : i32
      %dma_wait3A_889 = arith.constant 0 : i32
      %dma_wait3A_890 = arith.constant 0 : i32
      %dma_wait3A_891 = tpu.memref_slice %arg9[%dma_wait3A_888, %dma_wait3A_889, %dma_wait3A_890] : memref<16x8x64xf32, #tpu.memory_space<vmem>> -> memref<1x8x64xf32, #tpu.memory_space<vmem>>
      %dma_wait3A_892 = arith.constant 0 : i32
      %dma_wait3A_893 = arith.constant 0 : i32
      %dma_wait3A_894 = tpu.memref_slice %arg4[%reduce_sum3A_126, %dma_wait3A_892, %dma_wait3A_893] : memref<125000x8x64xf32, #tpu.memory_space<hbm>> -> memref<1x8x64xf32, #tpu.memory_space<hbm>>
      tpu.wait_dma2 semaphore(%arg11 : memref<!tpu.dma_semaphore, #tpu.memory_space<semaphore_mem>>) src(%dma_wait3A_894 : memref<1x8x64xf32, #tpu.memory_space<hbm>>) dst(%dma_wait3A_891 : memref<1x8x64xf32, #tpu.memory_space<vmem>>)
      %dma_wait3A_895 = arith.constant 5 : i32
      %dma_wait3A_896 = arith.constant 0 : i32
      %dma_wait3A_897 = arith.constant 0 : i32
      %dma_wait3A_898 = tpu.memref_slice %arg9[%dma_wait3A_895, %dma_wait3A_896, %dma_wait3A_897] : memref<16x8x64xf32, #tpu.memory_space<vmem>> -> memref<1x8x64xf32, #tpu.memory_space<vmem>>
      %dma_wait3A_899 = arith.constant 0 : i32
      %dma_wait3A_900 = arith.constant 0 : i32
      %dma_wait3A_901 = tpu.memref_slice %arg4[%reduce_sum3A_151, %dma_wait3A_899, %dma_wait3A_900] : memref<125000x8x64xf32, #tpu.memory_space<hbm>> -> memref<1x8x64xf32, #tpu.memory_space<hbm>>
      %dma_wait3A_902 = arith.constant 5 : i32
      %dma_wait3A_903 = arith.constant 0 : i32
      %dma_wait3A_904 = arith.constant 0 : i32
      %dma_wait3A_905 = tpu.memref_slice %arg9[%dma_wait3A_902, %dma_wait3A_903, %dma_wait3A_904] : memref<16x8x64xf32, #tpu.memory_space<vmem>> -> memref<1x8x64xf32, #tpu.memory_space<vmem>>
      %dma_wait3A_906 = arith.constant 0 : i32
      %dma_wait3A_907 = arith.constant 0 : i32
      %dma_wait3A_908 = tpu.memref_slice %arg4[%reduce_sum3A_151, %dma_wait3A_906, %dma_wait3A_907] : memref<125000x8x64xf32, #tpu.memory_space<hbm>> -> memref<1x8x64xf32, #tpu.memory_space<hbm>>
      tpu.wait_dma2 semaphore(%arg11 : memref<!tpu.dma_semaphore, #tpu.memory_space<semaphore_mem>>) src(%dma_wait3A_908 : memref<1x8x64xf32, #tpu.memory_space<hbm>>) dst(%dma_wait3A_905 : memref<1x8x64xf32, #tpu.memory_space<vmem>>)
      %dma_wait3A_909 = arith.constant 6 : i32
      %dma_wait3A_910 = arith.constant 0 : i32
      %dma_wait3A_911 = arith.constant 0 : i32
      %dma_wait3A_912 = tpu.memref_slice %arg9[%dma_wait3A_909, %dma_wait3A_910, %dma_wait3A_911] : memref<16x8x64xf32, #tpu.memory_space<vmem>> -> memref<1x8x64xf32, #tpu.memory_space<vmem>>
      %dma_wait3A_913 = arith.constant 0 : i32
      %dma_wait3A_914 = arith.constant 0 : i32
      %dma_wait3A_915 = tpu.memref_slice %arg4[%reduce_sum3A_176, %dma_wait3A_913, %dma_wait3A_914] : memref<125000x8x64xf32, #tpu.memory_space<hbm>> -> memref<1x8x64xf32, #tpu.memory_space<hbm>>
      %dma_wait3A_916 = arith.constant 6 : i32
      %dma_wait3A_917 = arith.constant 0 : i32
      %dma_wait3A_918 = arith.constant 0 : i32
      %dma_wait3A_919 = tpu.memref_slice %arg9[%dma_wait3A_916, %dma_wait3A_917, %dma_wait3A_918] : memref<16x8x64xf32, #tpu.memory_space<vmem>> -> memref<1x8x64xf32, #tpu.memory_space<vmem>>
      %dma_wait3A_920 = arith.constant 0 : i32
      %dma_wait3A_921 = arith.constant 0 : i32
      %dma_wait3A_922 = tpu.memref_slice %arg4[%reduce_sum3A_176, %dma_wait3A_920, %dma_wait3A_921] : memref<125000x8x64xf32, #tpu.memory_space<hbm>> -> memref<1x8x64xf32, #tpu.memory_space<hbm>>
      tpu.wait_dma2 semaphore(%arg11 : memref<!tpu.dma_semaphore, #tpu.memory_space<semaphore_mem>>) src(%dma_wait3A_922 : memref<1x8x64xf32, #tpu.memory_space<hbm>>) dst(%dma_wait3A_919 : memref<1x8x64xf32, #tpu.memory_space<vmem>>)
      %dma_wait3A_923 = arith.constant 7 : i32
      %dma_wait3A_924 = arith.constant 0 : i32
      %dma_wait3A_925 = arith.constant 0 : i32
      %dma_wait3A_926 = tpu.memref_slice %arg9[%dma_wait3A_923, %dma_wait3A_924, %dma_wait3A_925] : memref<16x8x64xf32, #tpu.memory_space<vmem>> -> memref<1x8x64xf32, #tpu.memory_space<vmem>>
      %dma_wait3A_927 = arith.constant 0 : i32
      %dma_wait3A_928 = arith.constant 0 : i32
      %dma_wait3A_929 = tpu.memref_slice %arg4[%reduce_sum3A_201, %dma_wait3A_927, %dma_wait3A_928] : memref<125000x8x64xf32, #tpu.memory_space<hbm>> -> memref<1x8x64xf32, #tpu.memory_space<hbm>>
      %dma_wait3A_930 = arith.constant 7 : i32
      %dma_wait3A_931 = arith.constant 0 : i32
      %dma_wait3A_932 = arith.constant 0 : i32
      %dma_wait3A_933 = tpu.memref_slice %arg9[%dma_wait3A_930, %dma_wait3A_931, %dma_wait3A_932] : memref<16x8x64xf32, #tpu.memory_space<vmem>> -> memref<1x8x64xf32, #tpu.memory_space<vmem>>
      %dma_wait3A_934 = arith.constant 0 : i32
      %dma_wait3A_935 = arith.constant 0 : i32
      %dma_wait3A_936 = tpu.memref_slice %arg4[%reduce_sum3A_201, %dma_wait3A_934, %dma_wait3A_935] : memref<125000x8x64xf32, #tpu.memory_space<hbm>> -> memref<1x8x64xf32, #tpu.memory_space<hbm>>
      tpu.wait_dma2 semaphore(%arg11 : memref<!tpu.dma_semaphore, #tpu.memory_space<semaphore_mem>>) src(%dma_wait3A_936 : memref<1x8x64xf32, #tpu.memory_space<hbm>>) dst(%dma_wait3A_933 : memref<1x8x64xf32, #tpu.memory_space<vmem>>)
      %dma_wait3A_937 = arith.constant 8 : i32
      %dma_wait3A_938 = arith.constant 0 : i32
      %dma_wait3A_939 = arith.constant 0 : i32
      %dma_wait3A_940 = tpu.memref_slice %arg9[%dma_wait3A_937, %dma_wait3A_938, %dma_wait3A_939] : memref<16x8x64xf32, #tpu.memory_space<vmem>> -> memref<1x8x64xf32, #tpu.memory_space<vmem>>
      %dma_wait3A_941 = arith.constant 0 : i32
      %dma_wait3A_942 = arith.constant 0 : i32
      %dma_wait3A_943 = tpu.memref_slice %arg4[%reduce_sum3A_226, %dma_wait3A_941, %dma_wait3A_942] : memref<125000x8x64xf32, #tpu.memory_space<hbm>> -> memref<1x8x64xf32, #tpu.memory_space<hbm>>
      %dma_wait3A_944 = arith.constant 8 : i32
      %dma_wait3A_945 = arith.constant 0 : i32
      %dma_wait3A_946 = arith.constant 0 : i32
      %dma_wait3A_947 = tpu.memref_slice %arg9[%dma_wait3A_944, %dma_wait3A_945, %dma_wait3A_946] : memref<16x8x64xf32, #tpu.memory_space<vmem>> -> memref<1x8x64xf32, #tpu.memory_space<vmem>>
      %dma_wait3A_948 = arith.constant 0 : i32
      %dma_wait3A_949 = arith.constant 0 : i32
      %dma_wait3A_950 = tpu.memref_slice %arg4[%reduce_sum3A_226, %dma_wait3A_948, %dma_wait3A_949] : memref<125000x8x64xf32, #tpu.memory_space<hbm>> -> memref<1x8x64xf32, #tpu.memory_space<hbm>>
      tpu.wait_dma2 semaphore(%arg11 : memref<!tpu.dma_semaphore, #tpu.memory_space<semaphore_mem>>) src(%dma_wait3A_950 : memref<1x8x64xf32, #tpu.memory_space<hbm>>) dst(%dma_wait3A_947 : memref<1x8x64xf32, #tpu.memory_space<vmem>>)
      %dma_wait3A_951 = arith.constant 9 : i32
      %dma_wait3A_952 = arith.constant 0 : i32
      %dma_wait3A_953 = arith.constant 0 : i32
      %dma_wait3A_954 = tpu.memref_slice %arg9[%dma_wait3A_951, %dma_wait3A_952, %dma_wait3A_953] : memref<16x8x64xf32, #tpu.memory_space<vmem>> -> memref<1x8x64xf32, #tpu.memory_space<vmem>>
      %dma_wait3A_955 = arith.constant 0 : i32
      %dma_wait3A_956 = arith.constant 0 : i32
      %dma_wait3A_957 = tpu.memref_slice %arg4[%reduce_sum3A_251, %dma_wait3A_955, %dma_wait3A_956] : memref<125000x8x64xf32, #tpu.memory_space<hbm>> -> memref<1x8x64xf32, #tpu.memory_space<hbm>>
      %dma_wait3A_958 = arith.constant 9 : i32
      %dma_wait3A_959 = arith.constant 0 : i32
      %dma_wait3A_960 = arith.constant 0 : i32
      %dma_wait3A_961 = tpu.memref_slice %arg9[%dma_wait3A_958, %dma_wait3A_959, %dma_wait3A_960] : memref<16x8x64xf32, #tpu.memory_space<vmem>> -> memref<1x8x64xf32, #tpu.memory_space<vmem>>
      %dma_wait3A_962 = arith.constant 0 : i32
      %dma_wait3A_963 = arith.constant 0 : i32
      %dma_wait3A_964 = tpu.memref_slice %arg4[%reduce_sum3A_251, %dma_wait3A_962, %dma_wait3A_963] : memref<125000x8x64xf32, #tpu.memory_space<hbm>> -> memref<1x8x64xf32, #tpu.memory_space<hbm>>
      tpu.wait_dma2 semaphore(%arg11 : memref<!tpu.dma_semaphore, #tpu.memory_space<semaphore_mem>>) src(%dma_wait3A_964 : memref<1x8x64xf32, #tpu.memory_space<hbm>>) dst(%dma_wait3A_961 : memref<1x8x64xf32, #tpu.memory_space<vmem>>)
      %dma_wait3A_965 = arith.constant 10 : i32
      %dma_wait3A_966 = arith.constant 0 : i32
      %dma_wait3A_967 = arith.constant 0 : i32
      %dma_wait3A_968 = tpu.memref_slice %arg9[%dma_wait3A_965, %dma_wait3A_966, %dma_wait3A_967] : memref<16x8x64xf32, #tpu.memory_space<vmem>> -> memref<1x8x64xf32, #tpu.memory_space<vmem>>
      %dma_wait3A_969 = arith.constant 0 : i32
      %dma_wait3A_970 = arith.constant 0 : i32
      %dma_wait3A_971 = tpu.memref_slice %arg4[%reduce_sum3A_276, %dma_wait3A_969, %dma_wait3A_970] : memref<125000x8x64xf32, #tpu.memory_space<hbm>> -> memref<1x8x64xf32, #tpu.memory_space<hbm>>
      %dma_wait3A_972 = arith.constant 10 : i32
      %dma_wait3A_973 = arith.constant 0 : i32
      %dma_wait3A_974 = arith.constant 0 : i32
      %dma_wait3A_975 = tpu.memref_slice %arg9[%dma_wait3A_972, %dma_wait3A_973, %dma_wait3A_974] : memref<16x8x64xf32, #tpu.memory_space<vmem>> -> memref<1x8x64xf32, #tpu.memory_space<vmem>>
      %dma_wait3A_976 = arith.constant 0 : i32
      %dma_wait3A_977 = arith.constant 0 : i32
      %dma_wait3A_978 = tpu.memref_slice %arg4[%reduce_sum3A_276, %dma_wait3A_976, %dma_wait3A_977] : memref<125000x8x64xf32, #tpu.memory_space<hbm>> -> memref<1x8x64xf32, #tpu.memory_space<hbm>>
      tpu.wait_dma2 semaphore(%arg11 : memref<!tpu.dma_semaphore, #tpu.memory_space<semaphore_mem>>) src(%dma_wait3A_978 : memref<1x8x64xf32, #tpu.memory_space<hbm>>) dst(%dma_wait3A_975 : memref<1x8x64xf32, #tpu.memory_space<vmem>>)
      %dma_wait3A_979 = arith.constant 11 : i32
      %dma_wait3A_980 = arith.constant 0 : i32
      %dma_wait3A_981 = arith.constant 0 : i32
      %dma_wait3A_982 = tpu.memref_slice %arg9[%dma_wait3A_979, %dma_wait3A_980, %dma_wait3A_981] : memref<16x8x64xf32, #tpu.memory_space<vmem>> -> memref<1x8x64xf32, #tpu.memory_space<vmem>>
      %dma_wait3A_983 = arith.constant 0 : i32
      %dma_wait3A_984 = arith.constant 0 : i32
      %dma_wait3A_985 = tpu.memref_slice %arg4[%reduce_sum3A_301, %dma_wait3A_983, %dma_wait3A_984] : memref<125000x8x64xf32, #tpu.memory_space<hbm>> -> memref<1x8x64xf32, #tpu.memory_space<hbm>>
      %dma_wait3A_986 = arith.constant 11 : i32
      %dma_wait3A_987 = arith.constant 0 : i32
      %dma_wait3A_988 = arith.constant 0 : i32
      %dma_wait3A_989 = tpu.memref_slice %arg9[%dma_wait3A_986, %dma_wait3A_987, %dma_wait3A_988] : memref<16x8x64xf32, #tpu.memory_space<vmem>> -> memref<1x8x64xf32, #tpu.memory_space<vmem>>
      %dma_wait3A_990 = arith.constant 0 : i32
      %dma_wait3A_991 = arith.constant 0 : i32
      %dma_wait3A_992 = tpu.memref_slice %arg4[%reduce_sum3A_301, %dma_wait3A_990, %dma_wait3A_991] : memref<125000x8x64xf32, #tpu.memory_space<hbm>> -> memref<1x8x64xf32, #tpu.memory_space<hbm>>
      tpu.wait_dma2 semaphore(%arg11 : memref<!tpu.dma_semaphore, #tpu.memory_space<semaphore_mem>>) src(%dma_wait3A_992 : memref<1x8x64xf32, #tpu.memory_space<hbm>>) dst(%dma_wait3A_989 : memref<1x8x64xf32, #tpu.memory_space<vmem>>)
      %dma_wait3A_993 = arith.constant 12 : i32
      %dma_wait3A_994 = arith.constant 0 : i32
      %dma_wait3A_995 = arith.constant 0 : i32
      %dma_wait3A_996 = tpu.memref_slice %arg9[%dma_wait3A_993, %dma_wait3A_994, %dma_wait3A_995] : memref<16x8x64xf32, #tpu.memory_space<vmem>> -> memref<1x8x64xf32, #tpu.memory_space<vmem>>
      %dma_wait3A_997 = arith.constant 0 : i32
      %dma_wait3A_998 = arith.constant 0 : i32
      %dma_wait3A_999 = tpu.memref_slice %arg4[%reduce_sum3A_326, %dma_wait3A_997, %dma_wait3A_998] : memref<125000x8x64xf32, #tpu.memory_space<hbm>> -> memref<1x8x64xf32, #tpu.memory_space<hbm>>
      %dma_wait3A_1000 = arith.constant 12 : i32
      %dma_wait3A_1001 = arith.constant 0 : i32
      %dma_wait3A_1002 = arith.constant 0 : i32
      %dma_wait3A_1003 = tpu.memref_slice %arg9[%dma_wait3A_1000, %dma_wait3A_1001, %dma_wait3A_1002] : memref<16x8x64xf32, #tpu.memory_space<vmem>> -> memref<1x8x64xf32, #tpu.memory_space<vmem>>
      %dma_wait3A_1004 = arith.constant 0 : i32
      %dma_wait3A_1005 = arith.constant 0 : i32
      %dma_wait3A_1006 = tpu.memref_slice %arg4[%reduce_sum3A_326, %dma_wait3A_1004, %dma_wait3A_1005] : memref<125000x8x64xf32, #tpu.memory_space<hbm>> -> memref<1x8x64xf32, #tpu.memory_space<hbm>>
      tpu.wait_dma2 semaphore(%arg11 : memref<!tpu.dma_semaphore, #tpu.memory_space<semaphore_mem>>) src(%dma_wait3A_1006 : memref<1x8x64xf32, #tpu.memory_space<hbm>>) dst(%dma_wait3A_1003 : memref<1x8x64xf32, #tpu.memory_space<vmem>>)
      %dma_wait3A_1007 = arith.constant 13 : i32
      %dma_wait3A_1008 = arith.constant 0 : i32
      %dma_wait3A_1009 = arith.constant 0 : i32
      %dma_wait3A_1010 = tpu.memref_slice %arg9[%dma_wait3A_1007, %dma_wait3A_1008, %dma_wait3A_1009] : memref<16x8x64xf32, #tpu.memory_space<vmem>> -> memref<1x8x64xf32, #tpu.memory_space<vmem>>
      %dma_wait3A_1011 = arith.constant 0 : i32
      %dma_wait3A_1012 = arith.constant 0 : i32
      %dma_wait3A_1013 = tpu.memref_slice %arg4[%reduce_sum3A_351, %dma_wait3A_1011, %dma_wait3A_1012] : memref<125000x8x64xf32, #tpu.memory_space<hbm>> -> memref<1x8x64xf32, #tpu.memory_space<hbm>>
      %dma_wait3A_1014 = arith.constant 13 : i32
      %dma_wait3A_1015 = arith.constant 0 : i32
      %dma_wait3A_1016 = arith.constant 0 : i32
      %dma_wait3A_1017 = tpu.memref_slice %arg9[%dma_wait3A_1014, %dma_wait3A_1015, %dma_wait3A_1016] : memref<16x8x64xf32, #tpu.memory_space<vmem>> -> memref<1x8x64xf32, #tpu.memory_space<vmem>>
      %dma_wait3A_1018 = arith.constant 0 : i32
      %dma_wait3A_1019 = arith.constant 0 : i32
      %dma_wait3A_1020 = tpu.memref_slice %arg4[%reduce_sum3A_351, %dma_wait3A_1018, %dma_wait3A_1019] : memref<125000x8x64xf32, #tpu.memory_space<hbm>> -> memref<1x8x64xf32, #tpu.memory_space<hbm>>
      tpu.wait_dma2 semaphore(%arg11 : memref<!tpu.dma_semaphore, #tpu.memory_space<semaphore_mem>>) src(%dma_wait3A_1020 : memref<1x8x64xf32, #tpu.memory_space<hbm>>) dst(%dma_wait3A_1017 : memref<1x8x64xf32, #tpu.memory_space<vmem>>)
      %dma_wait3A_1021 = arith.constant 14 : i32
      %dma_wait3A_1022 = arith.constant 0 : i32
      %dma_wait3A_1023 = arith.constant 0 : i32
      %dma_wait3A_1024 = tpu.memref_slice %arg9[%dma_wait3A_1021, %dma_wait3A_1022, %dma_wait3A_1023] : memref<16x8x64xf32, #tpu.memory_space<vmem>> -> memref<1x8x64xf32, #tpu.memory_space<vmem>>
      %dma_wait3A_1025 = arith.constant 0 : i32
      %dma_wait3A_1026 = arith.constant 0 : i32
      %dma_wait3A_1027 = tpu.memref_slice %arg4[%reduce_sum3A_376, %dma_wait3A_1025, %dma_wait3A_1026] : memref<125000x8x64xf32, #tpu.memory_space<hbm>> -> memref<1x8x64xf32, #tpu.memory_space<hbm>>
      %dma_wait3A_1028 = arith.constant 14 : i32
      %dma_wait3A_1029 = arith.constant 0 : i32
      %dma_wait3A_1030 = arith.constant 0 : i32
      %dma_wait3A_1031 = tpu.memref_slice %arg9[%dma_wait3A_1028, %dma_wait3A_1029, %dma_wait3A_1030] : memref<16x8x64xf32, #tpu.memory_space<vmem>> -> memref<1x8x64xf32, #tpu.memory_space<vmem>>
      %dma_wait3A_1032 = arith.constant 0 : i32
      %dma_wait3A_1033 = arith.constant 0 : i32
      %dma_wait3A_1034 = tpu.memref_slice %arg4[%reduce_sum3A_376, %dma_wait3A_1032, %dma_wait3A_1033] : memref<125000x8x64xf32, #tpu.memory_space<hbm>> -> memref<1x8x64xf32, #tpu.memory_space<hbm>>
      tpu.wait_dma2 semaphore(%arg11 : memref<!tpu.dma_semaphore, #tpu.memory_space<semaphore_mem>>) src(%dma_wait3A_1034 : memref<1x8x64xf32, #tpu.memory_space<hbm>>) dst(%dma_wait3A_1031 : memref<1x8x64xf32, #tpu.memory_space<vmem>>)
      %dma_wait3A_1035 = arith.constant 15 : i32
      %dma_wait3A_1036 = arith.constant 0 : i32
      %dma_wait3A_1037 = arith.constant 0 : i32
      %dma_wait3A_1038 = tpu.memref_slice %arg9[%dma_wait3A_1035, %dma_wait3A_1036, %dma_wait3A_1037] : memref<16x8x64xf32, #tpu.memory_space<vmem>> -> memref<1x8x64xf32, #tpu.memory_space<vmem>>
      %dma_wait3A_1039 = arith.constant 0 : i32
      %dma_wait3A_1040 = arith.constant 0 : i32
      %dma_wait3A_1041 = tpu.memref_slice %arg4[%reduce_sum3A_401, %dma_wait3A_1039, %dma_wait3A_1040] : memref<125000x8x64xf32, #tpu.memory_space<hbm>> -> memref<1x8x64xf32, #tpu.memory_space<hbm>>
      %dma_wait3A_1042 = arith.constant 15 : i32
      %dma_wait3A_1043 = arith.constant 0 : i32
      %dma_wait3A_1044 = arith.constant 0 : i32
      %dma_wait3A_1045 = tpu.memref_slice %arg9[%dma_wait3A_1042, %dma_wait3A_1043, %dma_wait3A_1044] : memref<16x8x64xf32, #tpu.memory_space<vmem>> -> memref<1x8x64xf32, #tpu.memory_space<vmem>>
      %dma_wait3A_1046 = arith.constant 0 : i32
      %dma_wait3A_1047 = arith.constant 0 : i32
      %dma_wait3A_1048 = tpu.memref_slice %arg4[%reduce_sum3A_401, %dma_wait3A_1046, %dma_wait3A_1047] : memref<125000x8x64xf32, #tpu.memory_space<hbm>> -> memref<1x8x64xf32, #tpu.memory_space<hbm>>
      tpu.wait_dma2 semaphore(%arg11 : memref<!tpu.dma_semaphore, #tpu.memory_space<semaphore_mem>>) src(%dma_wait3A_1048 : memref<1x8x64xf32, #tpu.memory_space<hbm>>) dst(%dma_wait3A_1045 : memref<1x8x64xf32, #tpu.memory_space<vmem>>)
      %mul3A_1049 = arith.constant 16 : i32
      %mul3A_1050 = arith.muli %mul3A_825, %mul3A_1049 : i32
      %add3A_1051 = arith.addi %mul3A_2, %mul3A_1050 : i32
      %dma_start3A_1052 = arith.constant 0 : i32
      %dma_start3A_1053 = arith.constant 0 : i32
      %dma_start3A_1054 = tpu.memref_slice %arg6[%add3A_1051, %dma_start3A_1052, %dma_start3A_1053] : memref<4096x8x64xf32, #tpu.memory_space<hbm>> -> memref<16x8x64xf32, #tpu.memory_space<hbm>>
      %dma_start3A_1055 = arith.constant 0 : i32
      %dma_start3A_1056 = arith.constant 0 : i32
      %dma_start3A_1057 = tpu.memref_slice %arg6[%add3A_1051, %dma_start3A_1055, %dma_start3A_1056] : memref<4096x8x64xf32, #tpu.memory_space<hbm>> -> memref<16x8x64xf32, #tpu.memory_space<hbm>>
      tpu.enqueue_dma source(%arg9 : memref<16x8x64xf32, #tpu.memory_space<vmem>>) target(%dma_start3A_1057 : memref<16x8x64xf32, #tpu.memory_space<hbm>>) target_semaphore(%arg13 : memref<!tpu.dma_semaphore, #tpu.memory_space<semaphore_mem>>)
      %dma_wait3A_1058 = arith.constant 0 : i32
      %dma_wait3A_1059 = arith.constant 0 : i32
      %dma_wait3A_1060 = tpu.memref_slice %arg6[%add3A_1051, %dma_wait3A_1058, %dma_wait3A_1059] : memref<4096x8x64xf32, #tpu.memory_space<hbm>> -> memref<16x8x64xf32, #tpu.memory_space<hbm>>
      %dma_wait3A_1061 = arith.constant 0 : i32
      %dma_wait3A_1062 = arith.constant 0 : i32
      %dma_wait3A_1063 = tpu.memref_slice %arg6[%add3A_1051, %dma_wait3A_1061, %dma_wait3A_1062] : memref<4096x8x64xf32, #tpu.memory_space<hbm>> -> memref<16x8x64xf32, #tpu.memory_space<hbm>>
      tpu.wait_dma2 semaphore(%arg13 : memref<!tpu.dma_semaphore, #tpu.memory_space<semaphore_mem>>) src(%arg9 : memref<16x8x64xf32, #tpu.memory_space<vmem>>) dst(%dma_wait3A_1063 : memref<16x8x64xf32, #tpu.memory_space<hbm>>)
      %mul3A_1064 = arith.constant 2 : i32
      %mul3A_1065 = arith.muli %mul3A_1064, %scan3A_16 : i32
      %add3A_1066 = arith.constant 1 : i32
      %add3A_1067 = arith.addi %mul3A_1065, %add3A_1066 : i32
      %dma_wait3A_1068 = arith.constant 0 : i32
      %dma_wait3A_1069 = arith.constant 0 : i32
      %dma_wait3A_1070 = arith.constant 0 : i32
      %dma_wait3A_1071 = tpu.memref_slice %arg10[%dma_wait3A_1068, %dma_wait3A_1069, %dma_wait3A_1070] : memref<16x8x64xf32, #tpu.memory_space<vmem>> -> memref<1x8x64xf32, #tpu.memory_space<vmem>>
      %dma_wait3A_1072 = arith.constant 0 : i32
      %dma_wait3A_1073 = arith.constant 0 : i32
      %dma_wait3A_1074 = tpu.memref_slice %arg4[%reduce_sum3A_434, %dma_wait3A_1072, %dma_wait3A_1073] : memref<125000x8x64xf32, #tpu.memory_space<hbm>> -> memref<1x8x64xf32, #tpu.memory_space<hbm>>
      %dma_wait3A_1075 = arith.constant 0 : i32
      %dma_wait3A_1076 = arith.constant 0 : i32
      %dma_wait3A_1077 = arith.constant 0 : i32
      %dma_wait3A_1078 = tpu.memref_slice %arg10[%dma_wait3A_1075, %dma_wait3A_1076, %dma_wait3A_1077] : memref<16x8x64xf32, #tpu.memory_space<vmem>> -> memref<1x8x64xf32, #tpu.memory_space<vmem>>
      %dma_wait3A_1079 = arith.constant 0 : i32
      %dma_wait3A_1080 = arith.constant 0 : i32
      %dma_wait3A_1081 = tpu.memref_slice %arg4[%reduce_sum3A_434, %dma_wait3A_1079, %dma_wait3A_1080] : memref<125000x8x64xf32, #tpu.memory_space<hbm>> -> memref<1x8x64xf32, #tpu.memory_space<hbm>>
      tpu.wait_dma2 semaphore(%arg12 : memref<!tpu.dma_semaphore, #tpu.memory_space<semaphore_mem>>) src(%dma_wait3A_1081 : memref<1x8x64xf32, #tpu.memory_space<hbm>>) dst(%dma_wait3A_1078 : memref<1x8x64xf32, #tpu.memory_space<vmem>>)
      %dma_wait3A_1082 = arith.constant 1 : i32
      %dma_wait3A_1083 = arith.constant 0 : i32
      %dma_wait3A_1084 = arith.constant 0 : i32
      %dma_wait3A_1085 = tpu.memref_slice %arg10[%dma_wait3A_1082, %dma_wait3A_1083, %dma_wait3A_1084] : memref<16x8x64xf32, #tpu.memory_space<vmem>> -> memref<1x8x64xf32, #tpu.memory_space<vmem>>
      %dma_wait3A_1086 = arith.constant 0 : i32
      %dma_wait3A_1087 = arith.constant 0 : i32
      %dma_wait3A_1088 = tpu.memref_slice %arg4[%reduce_sum3A_459, %dma_wait3A_1086, %dma_wait3A_1087] : memref<125000x8x64xf32, #tpu.memory_space<hbm>> -> memref<1x8x64xf32, #tpu.memory_space<hbm>>
      %dma_wait3A_1089 = arith.constant 1 : i32
      %dma_wait3A_1090 = arith.constant 0 : i32
      %dma_wait3A_1091 = arith.constant 0 : i32
      %dma_wait3A_1092 = tpu.memref_slice %arg10[%dma_wait3A_1089, %dma_wait3A_1090, %dma_wait3A_1091] : memref<16x8x64xf32, #tpu.memory_space<vmem>> -> memref<1x8x64xf32, #tpu.memory_space<vmem>>
      %dma_wait3A_1093 = arith.constant 0 : i32
      %dma_wait3A_1094 = arith.constant 0 : i32
      %dma_wait3A_1095 = tpu.memref_slice %arg4[%reduce_sum3A_459, %dma_wait3A_1093, %dma_wait3A_1094] : memref<125000x8x64xf32, #tpu.memory_space<hbm>> -> memref<1x8x64xf32, #tpu.memory_space<hbm>>
      tpu.wait_dma2 semaphore(%arg12 : memref<!tpu.dma_semaphore, #tpu.memory_space<semaphore_mem>>) src(%dma_wait3A_1095 : memref<1x8x64xf32, #tpu.memory_space<hbm>>) dst(%dma_wait3A_1092 : memref<1x8x64xf32, #tpu.memory_space<vmem>>)
      %dma_wait3A_1096 = arith.constant 2 : i32
      %dma_wait3A_1097 = arith.constant 0 : i32
      %dma_wait3A_1098 = arith.constant 0 : i32
      %dma_wait3A_1099 = tpu.memref_slice %arg10[%dma_wait3A_1096, %dma_wait3A_1097, %dma_wait3A_1098] : memref<16x8x64xf32, #tpu.memory_space<vmem>> -> memref<1x8x64xf32, #tpu.memory_space<vmem>>
      %dma_wait3A_1100 = arith.constant 0 : i32
      %dma_wait3A_1101 = arith.constant 0 : i32
      %dma_wait3A_1102 = tpu.memref_slice %arg4[%reduce_sum3A_484, %dma_wait3A_1100, %dma_wait3A_1101] : memref<125000x8x64xf32, #tpu.memory_space<hbm>> -> memref<1x8x64xf32, #tpu.memory_space<hbm>>
      %dma_wait3A_1103 = arith.constant 2 : i32
      %dma_wait3A_1104 = arith.constant 0 : i32
      %dma_wait3A_1105 = arith.constant 0 : i32
      %dma_wait3A_1106 = tpu.memref_slice %arg10[%dma_wait3A_1103, %dma_wait3A_1104, %dma_wait3A_1105] : memref<16x8x64xf32, #tpu.memory_space<vmem>> -> memref<1x8x64xf32, #tpu.memory_space<vmem>>
      %dma_wait3A_1107 = arith.constant 0 : i32
      %dma_wait3A_1108 = arith.constant 0 : i32
      %dma_wait3A_1109 = tpu.memref_slice %arg4[%reduce_sum3A_484, %dma_wait3A_1107, %dma_wait3A_1108] : memref<125000x8x64xf32, #tpu.memory_space<hbm>> -> memref<1x8x64xf32, #tpu.memory_space<hbm>>
      tpu.wait_dma2 semaphore(%arg12 : memref<!tpu.dma_semaphore, #tpu.memory_space<semaphore_mem>>) src(%dma_wait3A_1109 : memref<1x8x64xf32, #tpu.memory_space<hbm>>) dst(%dma_wait3A_1106 : memref<1x8x64xf32, #tpu.memory_space<vmem>>)
      %dma_wait3A_1110 = arith.constant 3 : i32
      %dma_wait3A_1111 = arith.constant 0 : i32
      %dma_wait3A_1112 = arith.constant 0 : i32
      %dma_wait3A_1113 = tpu.memref_slice %arg10[%dma_wait3A_1110, %dma_wait3A_1111, %dma_wait3A_1112] : memref<16x8x64xf32, #tpu.memory_space<vmem>> -> memref<1x8x64xf32, #tpu.memory_space<vmem>>
      %dma_wait3A_1114 = arith.constant 0 : i32
      %dma_wait3A_1115 = arith.constant 0 : i32
      %dma_wait3A_1116 = tpu.memref_slice %arg4[%reduce_sum3A_509, %dma_wait3A_1114, %dma_wait3A_1115] : memref<125000x8x64xf32, #tpu.memory_space<hbm>> -> memref<1x8x64xf32, #tpu.memory_space<hbm>>
      %dma_wait3A_1117 = arith.constant 3 : i32
      %dma_wait3A_1118 = arith.constant 0 : i32
      %dma_wait3A_1119 = arith.constant 0 : i32
      %dma_wait3A_1120 = tpu.memref_slice %arg10[%dma_wait3A_1117, %dma_wait3A_1118, %dma_wait3A_1119] : memref<16x8x64xf32, #tpu.memory_space<vmem>> -> memref<1x8x64xf32, #tpu.memory_space<vmem>>
      %dma_wait3A_1121 = arith.constant 0 : i32
      %dma_wait3A_1122 = arith.constant 0 : i32
      %dma_wait3A_1123 = tpu.memref_slice %arg4[%reduce_sum3A_509, %dma_wait3A_1121, %dma_wait3A_1122] : memref<125000x8x64xf32, #tpu.memory_space<hbm>> -> memref<1x8x64xf32, #tpu.memory_space<hbm>>
      tpu.wait_dma2 semaphore(%arg12 : memref<!tpu.dma_semaphore, #tpu.memory_space<semaphore_mem>>) src(%dma_wait3A_1123 : memref<1x8x64xf32, #tpu.memory_space<hbm>>) dst(%dma_wait3A_1120 : memref<1x8x64xf32, #tpu.memory_space<vmem>>)
      %dma_wait3A_1124 = arith.constant 4 : i32
      %dma_wait3A_1125 = arith.constant 0 : i32
      %dma_wait3A_1126 = arith.constant 0 : i32
      %dma_wait3A_1127 = tpu.memref_slice %arg10[%dma_wait3A_1124, %dma_wait3A_1125, %dma_wait3A_1126] : memref<16x8x64xf32, #tpu.memory_space<vmem>> -> memref<1x8x64xf32, #tpu.memory_space<vmem>>
      %dma_wait3A_1128 = arith.constant 0 : i32
      %dma_wait3A_1129 = arith.constant 0 : i32
      %dma_wait3A_1130 = tpu.memref_slice %arg4[%reduce_sum3A_534, %dma_wait3A_1128, %dma_wait3A_1129] : memref<125000x8x64xf32, #tpu.memory_space<hbm>> -> memref<1x8x64xf32, #tpu.memory_space<hbm>>
      %dma_wait3A_1131 = arith.constant 4 : i32
      %dma_wait3A_1132 = arith.constant 0 : i32
      %dma_wait3A_1133 = arith.constant 0 : i32
      %dma_wait3A_1134 = tpu.memref_slice %arg10[%dma_wait3A_1131, %dma_wait3A_1132, %dma_wait3A_1133] : memref<16x8x64xf32, #tpu.memory_space<vmem>> -> memref<1x8x64xf32, #tpu.memory_space<vmem>>
      %dma_wait3A_1135 = arith.constant 0 : i32
      %dma_wait3A_1136 = arith.constant 0 : i32
      %dma_wait3A_1137 = tpu.memref_slice %arg4[%reduce_sum3A_534, %dma_wait3A_1135, %dma_wait3A_1136] : memref<125000x8x64xf32, #tpu.memory_space<hbm>> -> memref<1x8x64xf32, #tpu.memory_space<hbm>>
      tpu.wait_dma2 semaphore(%arg12 : memref<!tpu.dma_semaphore, #tpu.memory_space<semaphore_mem>>) src(%dma_wait3A_1137 : memref<1x8x64xf32, #tpu.memory_space<hbm>>) dst(%dma_wait3A_1134 : memref<1x8x64xf32, #tpu.memory_space<vmem>>)
      %dma_wait3A_1138 = arith.constant 5 : i32
      %dma_wait3A_1139 = arith.constant 0 : i32
      %dma_wait3A_1140 = arith.constant 0 : i32
      %dma_wait3A_1141 = tpu.memref_slice %arg10[%dma_wait3A_1138, %dma_wait3A_1139, %dma_wait3A_1140] : memref<16x8x64xf32, #tpu.memory_space<vmem>> -> memref<1x8x64xf32, #tpu.memory_space<vmem>>
      %dma_wait3A_1142 = arith.constant 0 : i32
      %dma_wait3A_1143 = arith.constant 0 : i32
      %dma_wait3A_1144 = tpu.memref_slice %arg4[%reduce_sum3A_559, %dma_wait3A_1142, %dma_wait3A_1143] : memref<125000x8x64xf32, #tpu.memory_space<hbm>> -> memref<1x8x64xf32, #tpu.memory_space<hbm>>
      %dma_wait3A_1145 = arith.constant 5 : i32
      %dma_wait3A_1146 = arith.constant 0 : i32
      %dma_wait3A_1147 = arith.constant 0 : i32
      %dma_wait3A_1148 = tpu.memref_slice %arg10[%dma_wait3A_1145, %dma_wait3A_1146, %dma_wait3A_1147] : memref<16x8x64xf32, #tpu.memory_space<vmem>> -> memref<1x8x64xf32, #tpu.memory_space<vmem>>
      %dma_wait3A_1149 = arith.constant 0 : i32
      %dma_wait3A_1150 = arith.constant 0 : i32
      %dma_wait3A_1151 = tpu.memref_slice %arg4[%reduce_sum3A_559, %dma_wait3A_1149, %dma_wait3A_1150] : memref<125000x8x64xf32, #tpu.memory_space<hbm>> -> memref<1x8x64xf32, #tpu.memory_space<hbm>>
      tpu.wait_dma2 semaphore(%arg12 : memref<!tpu.dma_semaphore, #tpu.memory_space<semaphore_mem>>) src(%dma_wait3A_1151 : memref<1x8x64xf32, #tpu.memory_space<hbm>>) dst(%dma_wait3A_1148 : memref<1x8x64xf32, #tpu.memory_space<vmem>>)
      %dma_wait3A_1152 = arith.constant 6 : i32
      %dma_wait3A_1153 = arith.constant 0 : i32
      %dma_wait3A_1154 = arith.constant 0 : i32
      %dma_wait3A_1155 = tpu.memref_slice %arg10[%dma_wait3A_1152, %dma_wait3A_1153, %dma_wait3A_1154] : memref<16x8x64xf32, #tpu.memory_space<vmem>> -> memref<1x8x64xf32, #tpu.memory_space<vmem>>
      %dma_wait3A_1156 = arith.constant 0 : i32
      %dma_wait3A_1157 = arith.constant 0 : i32
      %dma_wait3A_1158 = tpu.memref_slice %arg4[%reduce_sum3A_584, %dma_wait3A_1156, %dma_wait3A_1157] : memref<125000x8x64xf32, #tpu.memory_space<hbm>> -> memref<1x8x64xf32, #tpu.memory_space<hbm>>
      %dma_wait3A_1159 = arith.constant 6 : i32
      %dma_wait3A_1160 = arith.constant 0 : i32
      %dma_wait3A_1161 = arith.constant 0 : i32
      %dma_wait3A_1162 = tpu.memref_slice %arg10[%dma_wait3A_1159, %dma_wait3A_1160, %dma_wait3A_1161] : memref<16x8x64xf32, #tpu.memory_space<vmem>> -> memref<1x8x64xf32, #tpu.memory_space<vmem>>
      %dma_wait3A_1163 = arith.constant 0 : i32
      %dma_wait3A_1164 = arith.constant 0 : i32
      %dma_wait3A_1165 = tpu.memref_slice %arg4[%reduce_sum3A_584, %dma_wait3A_1163, %dma_wait3A_1164] : memref<125000x8x64xf32, #tpu.memory_space<hbm>> -> memref<1x8x64xf32, #tpu.memory_space<hbm>>
      tpu.wait_dma2 semaphore(%arg12 : memref<!tpu.dma_semaphore, #tpu.memory_space<semaphore_mem>>) src(%dma_wait3A_1165 : memref<1x8x64xf32, #tpu.memory_space<hbm>>) dst(%dma_wait3A_1162 : memref<1x8x64xf32, #tpu.memory_space<vmem>>)
      %dma_wait3A_1166 = arith.constant 7 : i32
      %dma_wait3A_1167 = arith.constant 0 : i32
      %dma_wait3A_1168 = arith.constant 0 : i32
      %dma_wait3A_1169 = tpu.memref_slice %arg10[%dma_wait3A_1166, %dma_wait3A_1167, %dma_wait3A_1168] : memref<16x8x64xf32, #tpu.memory_space<vmem>> -> memref<1x8x64xf32, #tpu.memory_space<vmem>>
      %dma_wait3A_1170 = arith.constant 0 : i32
      %dma_wait3A_1171 = arith.constant 0 : i32
      %dma_wait3A_1172 = tpu.memref_slice %arg4[%reduce_sum3A_609, %dma_wait3A_1170, %dma_wait3A_1171] : memref<125000x8x64xf32, #tpu.memory_space<hbm>> -> memref<1x8x64xf32, #tpu.memory_space<hbm>>
      %dma_wait3A_1173 = arith.constant 7 : i32
      %dma_wait3A_1174 = arith.constant 0 : i32
      %dma_wait3A_1175 = arith.constant 0 : i32
      %dma_wait3A_1176 = tpu.memref_slice %arg10[%dma_wait3A_1173, %dma_wait3A_1174, %dma_wait3A_1175] : memref<16x8x64xf32, #tpu.memory_space<vmem>> -> memref<1x8x64xf32, #tpu.memory_space<vmem>>
      %dma_wait3A_1177 = arith.constant 0 : i32
      %dma_wait3A_1178 = arith.constant 0 : i32
      %dma_wait3A_1179 = tpu.memref_slice %arg4[%reduce_sum3A_609, %dma_wait3A_1177, %dma_wait3A_1178] : memref<125000x8x64xf32, #tpu.memory_space<hbm>> -> memref<1x8x64xf32, #tpu.memory_space<hbm>>
      tpu.wait_dma2 semaphore(%arg12 : memref<!tpu.dma_semaphore, #tpu.memory_space<semaphore_mem>>) src(%dma_wait3A_1179 : memref<1x8x64xf32, #tpu.memory_space<hbm>>) dst(%dma_wait3A_1176 : memref<1x8x64xf32, #tpu.memory_space<vmem>>)
      %dma_wait3A_1180 = arith.constant 8 : i32
      %dma_wait3A_1181 = arith.constant 0 : i32
      %dma_wait3A_1182 = arith.constant 0 : i32
      %dma_wait3A_1183 = tpu.memref_slice %arg10[%dma_wait3A_1180, %dma_wait3A_1181, %dma_wait3A_1182] : memref<16x8x64xf32, #tpu.memory_space<vmem>> -> memref<1x8x64xf32, #tpu.memory_space<vmem>>
      %dma_wait3A_1184 = arith.constant 0 : i32
      %dma_wait3A_1185 = arith.constant 0 : i32
      %dma_wait3A_1186 = tpu.memref_slice %arg4[%reduce_sum3A_634, %dma_wait3A_1184, %dma_wait3A_1185] : memref<125000x8x64xf32, #tpu.memory_space<hbm>> -> memref<1x8x64xf32, #tpu.memory_space<hbm>>
      %dma_wait3A_1187 = arith.constant 8 : i32
      %dma_wait3A_1188 = arith.constant 0 : i32
      %dma_wait3A_1189 = arith.constant 0 : i32
      %dma_wait3A_1190 = tpu.memref_slice %arg10[%dma_wait3A_1187, %dma_wait3A_1188, %dma_wait3A_1189] : memref<16x8x64xf32, #tpu.memory_space<vmem>> -> memref<1x8x64xf32, #tpu.memory_space<vmem>>
      %dma_wait3A_1191 = arith.constant 0 : i32
      %dma_wait3A_1192 = arith.constant 0 : i32
      %dma_wait3A_1193 = tpu.memref_slice %arg4[%reduce_sum3A_634, %dma_wait3A_1191, %dma_wait3A_1192] : memref<125000x8x64xf32, #tpu.memory_space<hbm>> -> memref<1x8x64xf32, #tpu.memory_space<hbm>>
      tpu.wait_dma2 semaphore(%arg12 : memref<!tpu.dma_semaphore, #tpu.memory_space<semaphore_mem>>) src(%dma_wait3A_1193 : memref<1x8x64xf32, #tpu.memory_space<hbm>>) dst(%dma_wait3A_1190 : memref<1x8x64xf32, #tpu.memory_space<vmem>>)
      %dma_wait3A_1194 = arith.constant 9 : i32
      %dma_wait3A_1195 = arith.constant 0 : i32
      %dma_wait3A_1196 = arith.constant 0 : i32
      %dma_wait3A_1197 = tpu.memref_slice %arg10[%dma_wait3A_1194, %dma_wait3A_1195, %dma_wait3A_1196] : memref<16x8x64xf32, #tpu.memory_space<vmem>> -> memref<1x8x64xf32, #tpu.memory_space<vmem>>
      %dma_wait3A_1198 = arith.constant 0 : i32
      %dma_wait3A_1199 = arith.constant 0 : i32
      %dma_wait3A_1200 = tpu.memref_slice %arg4[%reduce_sum3A_659, %dma_wait3A_1198, %dma_wait3A_1199] : memref<125000x8x64xf32, #tpu.memory_space<hbm>> -> memref<1x8x64xf32, #tpu.memory_space<hbm>>
      %dma_wait3A_1201 = arith.constant 9 : i32
      %dma_wait3A_1202 = arith.constant 0 : i32
      %dma_wait3A_1203 = arith.constant 0 : i32
      %dma_wait3A_1204 = tpu.memref_slice %arg10[%dma_wait3A_1201, %dma_wait3A_1202, %dma_wait3A_1203] : memref<16x8x64xf32, #tpu.memory_space<vmem>> -> memref<1x8x64xf32, #tpu.memory_space<vmem>>
      %dma_wait3A_1205 = arith.constant 0 : i32
      %dma_wait3A_1206 = arith.constant 0 : i32
      %dma_wait3A_1207 = tpu.memref_slice %arg4[%reduce_sum3A_659, %dma_wait3A_1205, %dma_wait3A_1206] : memref<125000x8x64xf32, #tpu.memory_space<hbm>> -> memref<1x8x64xf32, #tpu.memory_space<hbm>>
      tpu.wait_dma2 semaphore(%arg12 : memref<!tpu.dma_semaphore, #tpu.memory_space<semaphore_mem>>) src(%dma_wait3A_1207 : memref<1x8x64xf32, #tpu.memory_space<hbm>>) dst(%dma_wait3A_1204 : memref<1x8x64xf32, #tpu.memory_space<vmem>>)
      %dma_wait3A_1208 = arith.constant 10 : i32
      %dma_wait3A_1209 = arith.constant 0 : i32
      %dma_wait3A_1210 = arith.constant 0 : i32
      %dma_wait3A_1211 = tpu.memref_slice %arg10[%dma_wait3A_1208, %dma_wait3A_1209, %dma_wait3A_1210] : memref<16x8x64xf32, #tpu.memory_space<vmem>> -> memref<1x8x64xf32, #tpu.memory_space<vmem>>
      %dma_wait3A_1212 = arith.constant 0 : i32
      %dma_wait3A_1213 = arith.constant 0 : i32
      %dma_wait3A_1214 = tpu.memref_slice %arg4[%reduce_sum3A_684, %dma_wait3A_1212, %dma_wait3A_1213] : memref<125000x8x64xf32, #tpu.memory_space<hbm>> -> memref<1x8x64xf32, #tpu.memory_space<hbm>>
      %dma_wait3A_1215 = arith.constant 10 : i32
      %dma_wait3A_1216 = arith.constant 0 : i32
      %dma_wait3A_1217 = arith.constant 0 : i32
      %dma_wait3A_1218 = tpu.memref_slice %arg10[%dma_wait3A_1215, %dma_wait3A_1216, %dma_wait3A_1217] : memref<16x8x64xf32, #tpu.memory_space<vmem>> -> memref<1x8x64xf32, #tpu.memory_space<vmem>>
      %dma_wait3A_1219 = arith.constant 0 : i32
      %dma_wait3A_1220 = arith.constant 0 : i32
      %dma_wait3A_1221 = tpu.memref_slice %arg4[%reduce_sum3A_684, %dma_wait3A_1219, %dma_wait3A_1220] : memref<125000x8x64xf32, #tpu.memory_space<hbm>> -> memref<1x8x64xf32, #tpu.memory_space<hbm>>
      tpu.wait_dma2 semaphore(%arg12 : memref<!tpu.dma_semaphore, #tpu.memory_space<semaphore_mem>>) src(%dma_wait3A_1221 : memref<1x8x64xf32, #tpu.memory_space<hbm>>) dst(%dma_wait3A_1218 : memref<1x8x64xf32, #tpu.memory_space<vmem>>)
      %dma_wait3A_1222 = arith.constant 11 : i32
      %dma_wait3A_1223 = arith.constant 0 : i32
      %dma_wait3A_1224 = arith.constant 0 : i32
      %dma_wait3A_1225 = tpu.memref_slice %arg10[%dma_wait3A_1222, %dma_wait3A_1223, %dma_wait3A_1224] : memref<16x8x64xf32, #tpu.memory_space<vmem>> -> memref<1x8x64xf32, #tpu.memory_space<vmem>>
      %dma_wait3A_1226 = arith.constant 0 : i32
      %dma_wait3A_1227 = arith.constant 0 : i32
      %dma_wait3A_1228 = tpu.memref_slice %arg4[%reduce_sum3A_709, %dma_wait3A_1226, %dma_wait3A_1227] : memref<125000x8x64xf32, #tpu.memory_space<hbm>> -> memref<1x8x64xf32, #tpu.memory_space<hbm>>
      %dma_wait3A_1229 = arith.constant 11 : i32
      %dma_wait3A_1230 = arith.constant 0 : i32
      %dma_wait3A_1231 = arith.constant 0 : i32
      %dma_wait3A_1232 = tpu.memref_slice %arg10[%dma_wait3A_1229, %dma_wait3A_1230, %dma_wait3A_1231] : memref<16x8x64xf32, #tpu.memory_space<vmem>> -> memref<1x8x64xf32, #tpu.memory_space<vmem>>
      %dma_wait3A_1233 = arith.constant 0 : i32
      %dma_wait3A_1234 = arith.constant 0 : i32
      %dma_wait3A_1235 = tpu.memref_slice %arg4[%reduce_sum3A_709, %dma_wait3A_1233, %dma_wait3A_1234] : memref<125000x8x64xf32, #tpu.memory_space<hbm>> -> memref<1x8x64xf32, #tpu.memory_space<hbm>>
      tpu.wait_dma2 semaphore(%arg12 : memref<!tpu.dma_semaphore, #tpu.memory_space<semaphore_mem>>) src(%dma_wait3A_1235 : memref<1x8x64xf32, #tpu.memory_space<hbm>>) dst(%dma_wait3A_1232 : memref<1x8x64xf32, #tpu.memory_space<vmem>>)
      %dma_wait3A_1236 = arith.constant 12 : i32
      %dma_wait3A_1237 = arith.constant 0 : i32
      %dma_wait3A_1238 = arith.constant 0 : i32
      %dma_wait3A_1239 = tpu.memref_slice %arg10[%dma_wait3A_1236, %dma_wait3A_1237, %dma_wait3A_1238] : memref<16x8x64xf32, #tpu.memory_space<vmem>> -> memref<1x8x64xf32, #tpu.memory_space<vmem>>
      %dma_wait3A_1240 = arith.constant 0 : i32
      %dma_wait3A_1241 = arith.constant 0 : i32
      %dma_wait3A_1242 = tpu.memref_slice %arg4[%reduce_sum3A_734, %dma_wait3A_1240, %dma_wait3A_1241] : memref<125000x8x64xf32, #tpu.memory_space<hbm>> -> memref<1x8x64xf32, #tpu.memory_space<hbm>>
      %dma_wait3A_1243 = arith.constant 12 : i32
      %dma_wait3A_1244 = arith.constant 0 : i32
      %dma_wait3A_1245 = arith.constant 0 : i32
      %dma_wait3A_1246 = tpu.memref_slice %arg10[%dma_wait3A_1243, %dma_wait3A_1244, %dma_wait3A_1245] : memref<16x8x64xf32, #tpu.memory_space<vmem>> -> memref<1x8x64xf32, #tpu.memory_space<vmem>>
      %dma_wait3A_1247 = arith.constant 0 : i32
      %dma_wait3A_1248 = arith.constant 0 : i32
      %dma_wait3A_1249 = tpu.memref_slice %arg4[%reduce_sum3A_734, %dma_wait3A_1247, %dma_wait3A_1248] : memref<125000x8x64xf32, #tpu.memory_space<hbm>> -> memref<1x8x64xf32, #tpu.memory_space<hbm>>
      tpu.wait_dma2 semaphore(%arg12 : memref<!tpu.dma_semaphore, #tpu.memory_space<semaphore_mem>>) src(%dma_wait3A_1249 : memref<1x8x64xf32, #tpu.memory_space<hbm>>) dst(%dma_wait3A_1246 : memref<1x8x64xf32, #tpu.memory_space<vmem>>)
      %dma_wait3A_1250 = arith.constant 13 : i32
      %dma_wait3A_1251 = arith.constant 0 : i32
      %dma_wait3A_1252 = arith.constant 0 : i32
      %dma_wait3A_1253 = tpu.memref_slice %arg10[%dma_wait3A_1250, %dma_wait3A_1251, %dma_wait3A_1252] : memref<16x8x64xf32, #tpu.memory_space<vmem>> -> memref<1x8x64xf32, #tpu.memory_space<vmem>>
      %dma_wait3A_1254 = arith.constant 0 : i32
      %dma_wait3A_1255 = arith.constant 0 : i32
      %dma_wait3A_1256 = tpu.memref_slice %arg4[%reduce_sum3A_759, %dma_wait3A_1254, %dma_wait3A_1255] : memref<125000x8x64xf32, #tpu.memory_space<hbm>> -> memref<1x8x64xf32, #tpu.memory_space<hbm>>
      %dma_wait3A_1257 = arith.constant 13 : i32
      %dma_wait3A_1258 = arith.constant 0 : i32
      %dma_wait3A_1259 = arith.constant 0 : i32
      %dma_wait3A_1260 = tpu.memref_slice %arg10[%dma_wait3A_1257, %dma_wait3A_1258, %dma_wait3A_1259] : memref<16x8x64xf32, #tpu.memory_space<vmem>> -> memref<1x8x64xf32, #tpu.memory_space<vmem>>
      %dma_wait3A_1261 = arith.constant 0 : i32
      %dma_wait3A_1262 = arith.constant 0 : i32
      %dma_wait3A_1263 = tpu.memref_slice %arg4[%reduce_sum3A_759, %dma_wait3A_1261, %dma_wait3A_1262] : memref<125000x8x64xf32, #tpu.memory_space<hbm>> -> memref<1x8x64xf32, #tpu.memory_space<hbm>>
      tpu.wait_dma2 semaphore(%arg12 : memref<!tpu.dma_semaphore, #tpu.memory_space<semaphore_mem>>) src(%dma_wait3A_1263 : memref<1x8x64xf32, #tpu.memory_space<hbm>>) dst(%dma_wait3A_1260 : memref<1x8x64xf32, #tpu.memory_space<vmem>>)
      %dma_wait3A_1264 = arith.constant 14 : i32
      %dma_wait3A_1265 = arith.constant 0 : i32
      %dma_wait3A_1266 = arith.constant 0 : i32
      %dma_wait3A_1267 = tpu.memref_slice %arg10[%dma_wait3A_1264, %dma_wait3A_1265, %dma_wait3A_1266] : memref<16x8x64xf32, #tpu.memory_space<vmem>> -> memref<1x8x64xf32, #tpu.memory_space<vmem>>
      %dma_wait3A_1268 = arith.constant 0 : i32
      %dma_wait3A_1269 = arith.constant 0 : i32
      %dma_wait3A_1270 = tpu.memref_slice %arg4[%reduce_sum3A_784, %dma_wait3A_1268, %dma_wait3A_1269] : memref<125000x8x64xf32, #tpu.memory_space<hbm>> -> memref<1x8x64xf32, #tpu.memory_space<hbm>>
      %dma_wait3A_1271 = arith.constant 14 : i32
      %dma_wait3A_1272 = arith.constant 0 : i32
      %dma_wait3A_1273 = arith.constant 0 : i32
      %dma_wait3A_1274 = tpu.memref_slice %arg10[%dma_wait3A_1271, %dma_wait3A_1272, %dma_wait3A_1273] : memref<16x8x64xf32, #tpu.memory_space<vmem>> -> memref<1x8x64xf32, #tpu.memory_space<vmem>>
      %dma_wait3A_1275 = arith.constant 0 : i32
      %dma_wait3A_1276 = arith.constant 0 : i32
      %dma_wait3A_1277 = tpu.memref_slice %arg4[%reduce_sum3A_784, %dma_wait3A_1275, %dma_wait3A_1276] : memref<125000x8x64xf32, #tpu.memory_space<hbm>> -> memref<1x8x64xf32, #tpu.memory_space<hbm>>
      tpu.wait_dma2 semaphore(%arg12 : memref<!tpu.dma_semaphore, #tpu.memory_space<semaphore_mem>>) src(%dma_wait3A_1277 : memref<1x8x64xf32, #tpu.memory_space<hbm>>) dst(%dma_wait3A_1274 : memref<1x8x64xf32, #tpu.memory_space<vmem>>)
      %dma_wait3A_1278 = arith.constant 15 : i32
      %dma_wait3A_1279 = arith.constant 0 : i32
      %dma_wait3A_1280 = arith.constant 0 : i32
      %dma_wait3A_1281 = tpu.memref_slice %arg10[%dma_wait3A_1278, %dma_wait3A_1279, %dma_wait3A_1280] : memref<16x8x64xf32, #tpu.memory_space<vmem>> -> memref<1x8x64xf32, #tpu.memory_space<vmem>>
      %dma_wait3A_1282 = arith.constant 0 : i32
      %dma_wait3A_1283 = arith.constant 0 : i32
      %dma_wait3A_1284 = tpu.memref_slice %arg4[%reduce_sum3A_809, %dma_wait3A_1282, %dma_wait3A_1283] : memref<125000x8x64xf32, #tpu.memory_space<hbm>> -> memref<1x8x64xf32, #tpu.memory_space<hbm>>
      %dma_wait3A_1285 = arith.constant 15 : i32
      %dma_wait3A_1286 = arith.constant 0 : i32
      %dma_wait3A_1287 = arith.constant 0 : i32
      %dma_wait3A_1288 = tpu.memref_slice %arg10[%dma_wait3A_1285, %dma_wait3A_1286, %dma_wait3A_1287] : memref<16x8x64xf32, #tpu.memory_space<vmem>> -> memref<1x8x64xf32, #tpu.memory_space<vmem>>
      %dma_wait3A_1289 = arith.constant 0 : i32
      %dma_wait3A_1290 = arith.constant 0 : i32
      %dma_wait3A_1291 = tpu.memref_slice %arg4[%reduce_sum3A_809, %dma_wait3A_1289, %dma_wait3A_1290] : memref<125000x8x64xf32, #tpu.memory_space<hbm>> -> memref<1x8x64xf32, #tpu.memory_space<hbm>>
      tpu.wait_dma2 semaphore(%arg12 : memref<!tpu.dma_semaphore, #tpu.memory_space<semaphore_mem>>) src(%dma_wait3A_1291 : memref<1x8x64xf32, #tpu.memory_space<hbm>>) dst(%dma_wait3A_1288 : memref<1x8x64xf32, #tpu.memory_space<vmem>>)
      %mul3A_1292 = arith.constant 16 : i32
      %mul3A_1293 = arith.muli %add3A_1067, %mul3A_1292 : i32
      %add3A_1294 = arith.addi %mul3A_2, %mul3A_1293 : i32
      %dma_start3A_1295 = arith.constant 0 : i32
      %dma_start3A_1296 = arith.constant 0 : i32
      %dma_start3A_1297 = tpu.memref_slice %arg6[%add3A_1294, %dma_start3A_1295, %dma_start3A_1296] : memref<4096x8x64xf32, #tpu.memory_space<hbm>> -> memref<16x8x64xf32, #tpu.memory_space<hbm>>
      %dma_start3A_1298 = arith.constant 0 : i32
      %dma_start3A_1299 = arith.constant 0 : i32
      %dma_start3A_1300 = tpu.memref_slice %arg6[%add3A_1294, %dma_start3A_1298, %dma_start3A_1299] : memref<4096x8x64xf32, #tpu.memory_space<hbm>> -> memref<16x8x64xf32, #tpu.memory_space<hbm>>
      tpu.enqueue_dma source(%arg10 : memref<16x8x64xf32, #tpu.memory_space<vmem>>) target(%dma_start3A_1300 : memref<16x8x64xf32, #tpu.memory_space<hbm>>) target_semaphore(%arg13 : memref<!tpu.dma_semaphore, #tpu.memory_space<semaphore_mem>>)
      %dma_wait3A_1301 = arith.constant 0 : i32
      %dma_wait3A_1302 = arith.constant 0 : i32
      %dma_wait3A_1303 = tpu.memref_slice %arg6[%add3A_1294, %dma_wait3A_1301, %dma_wait3A_1302] : memref<4096x8x64xf32, #tpu.memory_space<hbm>> -> memref<16x8x64xf32, #tpu.memory_space<hbm>>
      %dma_wait3A_1304 = arith.constant 0 : i32
      %dma_wait3A_1305 = arith.constant 0 : i32
      %dma_wait3A_1306 = tpu.memref_slice %arg6[%add3A_1294, %dma_wait3A_1304, %dma_wait3A_1305] : memref<4096x8x64xf32, #tpu.memory_space<hbm>> -> memref<16x8x64xf32, #tpu.memory_space<hbm>>
      tpu.wait_dma2 semaphore(%arg13 : memref<!tpu.dma_semaphore, #tpu.memory_space<semaphore_mem>>) src(%arg10 : memref<16x8x64xf32, #tpu.memory_space<vmem>>) dst(%dma_wait3A_1306 : memref<16x8x64xf32, #tpu.memory_space<hbm>>)
      %scan3A_1307 = arith.constant 0 : i32
      scf.yield %scan3A_1307 : i32
    }
    %scan3A_8 = arith.constant 4 : i32
    "tpu.region"() ({
      %run_scoped3A = tpu.sem_alloc : memref<!tpu.dma_semaphore, #tpu.memory_space<semaphore_mem>>
      %dma_start3A = tpu.memref_slice %arg3[%mul3A_2] : memref<4096xi32, #tpu.memory_space<hbm>> -> memref<128xi32, #tpu.memory_space<hbm>>
      %dma_start3A_16 = tpu.memref_slice %arg3[%mul3A_2] : memref<4096xi32, #tpu.memory_space<hbm>> -> memref<128xi32, #tpu.memory_space<hbm>>
      tpu.enqueue_dma source(%dma_start3A_16 : memref<128xi32, #tpu.memory_space<hbm>>) target(%arg8 : memref<128xi32, #tpu.memory_space<vmem>>) target_semaphore(%run_scoped3A : memref<!tpu.dma_semaphore, #tpu.memory_space<semaphore_mem>>)
      %dma_wait3A = tpu.memref_slice %arg3[%mul3A_2] : memref<4096xi32, #tpu.memory_space<hbm>> -> memref<128xi32, #tpu.memory_space<hbm>>
      %dma_wait3A_17 = tpu.memref_slice %arg3[%mul3A_2] : memref<4096xi32, #tpu.memory_space<hbm>> -> memref<128xi32, #tpu.memory_space<hbm>>
      tpu.wait_dma2 semaphore(%run_scoped3A : memref<!tpu.dma_semaphore, #tpu.memory_space<semaphore_mem>>) src(%dma_wait3A_17 : memref<128xi32, #tpu.memory_space<hbm>>) dst(%arg8 : memref<128xi32, #tpu.memory_space<vmem>>)
      tpu.yield
    }) : () -> ()
    %scan3A_9 = arith.constant 0 : i32
    %scan3A_10 = arith.constant 0 : i32
    %scan3A_11 = arith.constant 4 : i32
    %scan3A_12 = arith.addi %scan3A_10, %scan3A_11 : i32
    %scan3A_13 = arith.constant 1 : i32
    %scan3A_14 = scf.for %scan3A_16 = %scan3A_10 to %scan3A_12 step %scan3A_13 iter_args(%scan3A_17 = %scan3A_9) -> (i32)  : i32 {
      %mul3A_18 = arith.constant 2 : i32
      %mul3A_19 = arith.muli %mul3A_18, %scan3A_16 : i32
      %mul3A_20 = arith.constant 16 : i32
      %mul3A_21 = arith.muli %mul3A_19, %mul3A_20 : i32
      %get3A = arith.index_cast %mul3A_21 : i32 to index
      %get3A_22 = tpu.vector_load %arg8[%get3A] {strides = array<i32>} : memref<128xi32, #tpu.memory_space<vmem>>, vector<16xi32>,
      %iota3A = tpu.iota {dimensions = array<i32: 0>} : vector<16xi32>
      %eq3A = arith.constant 0 : i32
      %eq3A_23 = vector.broadcast %eq3A : i32 to vector<16xi32>
      %eq3A_24 = arith.cmpi eq, %iota3A, %eq3A_23 : vector<16xi32>
      %jit3A = arith.constant 0 : i32
      %broadcast_in_dim3A = vector.broadcast %jit3A : i32 to vector<16xi32>
      %select_n3A = arith.select %eq3A_24, %get3A_22, %broadcast_in_dim3A : vector<16xi1>, vector<16xi32>
      %reduce_sum3A = arith.constant true
      %reduce_sum3A_25 = vector.broadcast %reduce_sum3A : i1 to vector<16xi1>
      %reduce_sum3A_26 = tpu.scan <sum>, %select_n3A masked %reduce_sum3A_25 : vector<16xi32>, vector<16xi1> -> vector<16xi32>
      %reduce_sum3A_27 = vector.extract %reduce_sum3A_26[15] : i32 from vector<16xi32>
      %dma_start3A = arith.constant 0 : i32
      %dma_start3A_28 = arith.constant 0 : i32
      %dma_start3A_29 = arith.constant 0 : i32
      %dma_start3A_30 = tpu.memref_slice %arg9[%dma_start3A, %dma_start3A_28, %dma_start3A_29] : memref<16x8x64xf32, #tpu.memory_space<vmem>> -> memref<1x8x64xf32, #tpu.memory_space<vmem>>
      %dma_start3A_31 = arith.constant 0 : i32
      %dma_start3A_32 = arith.constant 0 : i32
      %dma_start3A_33 = tpu.memref_slice %arg5[%reduce_sum3A_27, %dma_start3A_31, %dma_start3A_32] : memref<125000x8x64xf32, #tpu.memory_space<hbm>> -> memref<1x8x64xf32, #tpu.memory_space<hbm>>
      %dma_start3A_34 = arith.constant 0 : i32
      %dma_start3A_35 = arith.constant 0 : i32
      %dma_start3A_36 = arith.constant 0 : i32
      %dma_start3A_37 = tpu.memref_slice %arg9[%dma_start3A_34, %dma_start3A_35, %dma_start3A_36] : memref<16x8x64xf32, #tpu.memory_space<vmem>> -> memref<1x8x64xf32, #tpu.memory_space<vmem>>
      %dma_start3A_38 = arith.constant 0 : i32
      %dma_start3A_39 = arith.constant 0 : i32
      %dma_start3A_40 = tpu.memref_slice %arg5[%reduce_sum3A_27, %dma_start3A_38, %dma_start3A_39] : memref<125000x8x64xf32, #tpu.memory_space<hbm>> -> memref<1x8x64xf32, #tpu.memory_space<hbm>>
      tpu.enqueue_dma source(%dma_start3A_40 : memref<1x8x64xf32, #tpu.memory_space<hbm>>) target(%dma_start3A_37 : memref<1x8x64xf32, #tpu.memory_space<vmem>>) target_semaphore(%arg11 : memref<!tpu.dma_semaphore, #tpu.memory_space<semaphore_mem>>)
      %iota3A_41 = tpu.iota {dimensions = array<i32: 0>} : vector<16xi32>
      %eq3A_42 = arith.constant 1 : i32
      %eq3A_43 = vector.broadcast %eq3A_42 : i32 to vector<16xi32>
      %eq3A_44 = arith.cmpi eq, %iota3A_41, %eq3A_43 : vector<16xi32>
      %jit3A_45 = arith.constant 0 : i32
      %broadcast_in_dim3A_46 = vector.broadcast %jit3A_45 : i32 to vector<16xi32>
      %select_n3A_47 = arith.select %eq3A_44, %get3A_22, %broadcast_in_dim3A_46 : vector<16xi1>, vector<16xi32>
      %reduce_sum3A_48 = arith.constant true
      %reduce_sum3A_49 = vector.broadcast %reduce_sum3A_48 : i1 to vector<16xi1>
      %reduce_sum3A_50 = tpu.scan <sum>, %select_n3A_47 masked %reduce_sum3A_49 : vector<16xi32>, vector<16xi1> -> vector<16xi32>
      %reduce_sum3A_51 = vector.extract %reduce_sum3A_50[15] : i32 from vector<16xi32>
      %dma_start3A_52 = arith.constant 1 : i32
      %dma_start3A_53 = arith.constant 0 : i32
      %dma_start3A_54 = arith.constant 0 : i32
      %dma_start3A_55 = tpu.memref_slice %arg9[%dma_start3A_52, %dma_start3A_53, %dma_start3A_54] : memref<16x8x64xf32, #tpu.memory_space<vmem>> -> memref<1x8x64xf32, #tpu.memory_space<vmem>>
      %dma_start3A_56 = arith.constant 0 : i32
      %dma_start3A_57 = arith.constant 0 : i32
      %dma_start3A_58 = tpu.memref_slice %arg5[%reduce_sum3A_51, %dma_start3A_56, %dma_start3A_57] : memref<125000x8x64xf32, #tpu.memory_space<hbm>> -> memref<1x8x64xf32, #tpu.memory_space<hbm>>
      %dma_start3A_59 = arith.constant 1 : i32
      %dma_start3A_60 = arith.constant 0 : i32
      %dma_start3A_61 = arith.constant 0 : i32
      %dma_start3A_62 = tpu.memref_slice %arg9[%dma_start3A_59, %dma_start3A_60, %dma_start3A_61] : memref<16x8x64xf32, #tpu.memory_space<vmem>> -> memref<1x8x64xf32, #tpu.memory_space<vmem>>
      %dma_start3A_63 = arith.constant 0 : i32
      %dma_start3A_64 = arith.constant 0 : i32
      %dma_start3A_65 = tpu.memref_slice %arg5[%reduce_sum3A_51, %dma_start3A_63, %dma_start3A_64] : memref<125000x8x64xf32, #tpu.memory_space<hbm>> -> memref<1x8x64xf32, #tpu.memory_space<hbm>>
      tpu.enqueue_dma source(%dma_start3A_65 : memref<1x8x64xf32, #tpu.memory_space<hbm>>) target(%dma_start3A_62 : memref<1x8x64xf32, #tpu.memory_space<vmem>>) target_semaphore(%arg11 : memref<!tpu.dma_semaphore, #tpu.memory_space<semaphore_mem>>)
      %iota3A_66 = tpu.iota {dimensions = array<i32: 0>} : vector<16xi32>
      %eq3A_67 = arith.constant 2 : i32
      %eq3A_68 = vector.broadcast %eq3A_67 : i32 to vector<16xi32>
      %eq3A_69 = arith.cmpi eq, %iota3A_66, %eq3A_68 : vector<16xi32>
      %jit3A_70 = arith.constant 0 : i32
      %broadcast_in_dim3A_71 = vector.broadcast %jit3A_70 : i32 to vector<16xi32>
      %select_n3A_72 = arith.select %eq3A_69, %get3A_22, %broadcast_in_dim3A_71 : vector<16xi1>, vector<16xi32>
      %reduce_sum3A_73 = arith.constant true
      %reduce_sum3A_74 = vector.broadcast %reduce_sum3A_73 : i1 to vector<16xi1>
      %reduce_sum3A_75 = tpu.scan <sum>, %select_n3A_72 masked %reduce_sum3A_74 : vector<16xi32>, vector<16xi1> -> vector<16xi32>
      %reduce_sum3A_76 = vector.extract %reduce_sum3A_75[15] : i32 from vector<16xi32>
      %dma_start3A_77 = arith.constant 2 : i32
      %dma_start3A_78 = arith.constant 0 : i32
      %dma_start3A_79 = arith.constant 0 : i32
      %dma_start3A_80 = tpu.memref_slice %arg9[%dma_start3A_77, %dma_start3A_78, %dma_start3A_79] : memref<16x8x64xf32, #tpu.memory_space<vmem>> -> memref<1x8x64xf32, #tpu.memory_space<vmem>>
      %dma_start3A_81 = arith.constant 0 : i32
      %dma_start3A_82 = arith.constant 0 : i32
      %dma_start3A_83 = tpu.memref_slice %arg5[%reduce_sum3A_76, %dma_start3A_81, %dma_start3A_82] : memref<125000x8x64xf32, #tpu.memory_space<hbm>> -> memref<1x8x64xf32, #tpu.memory_space<hbm>>
      %dma_start3A_84 = arith.constant 2 : i32
      %dma_start3A_85 = arith.constant 0 : i32
      %dma_start3A_86 = arith.constant 0 : i32
      %dma_start3A_87 = tpu.memref_slice %arg9[%dma_start3A_84, %dma_start3A_85, %dma_start3A_86] : memref<16x8x64xf32, #tpu.memory_space<vmem>> -> memref<1x8x64xf32, #tpu.memory_space<vmem>>
      %dma_start3A_88 = arith.constant 0 : i32
      %dma_start3A_89 = arith.constant 0 : i32
      %dma_start3A_90 = tpu.memref_slice %arg5[%reduce_sum3A_76, %dma_start3A_88, %dma_start3A_89] : memref<125000x8x64xf32, #tpu.memory_space<hbm>> -> memref<1x8x64xf32, #tpu.memory_space<hbm>>
      tpu.enqueue_dma source(%dma_start3A_90 : memref<1x8x64xf32, #tpu.memory_space<hbm>>) target(%dma_start3A_87 : memref<1x8x64xf32, #tpu.memory_space<vmem>>) target_semaphore(%arg11 : memref<!tpu.dma_semaphore, #tpu.memory_space<semaphore_mem>>)
      %iota3A_91 = tpu.iota {dimensions = array<i32: 0>} : vector<16xi32>
      %eq3A_92 = arith.constant 3 : i32
      %eq3A_93 = vector.broadcast %eq3A_92 : i32 to vector<16xi32>
      %eq3A_94 = arith.cmpi eq, %iota3A_91, %eq3A_93 : vector<16xi32>
      %jit3A_95 = arith.constant 0 : i32
      %broadcast_in_dim3A_96 = vector.broadcast %jit3A_95 : i32 to vector<16xi32>
      %select_n3A_97 = arith.select %eq3A_94, %get3A_22, %broadcast_in_dim3A_96 : vector<16xi1>, vector<16xi32>
      %reduce_sum3A_98 = arith.constant true
      %reduce_sum3A_99 = vector.broadcast %reduce_sum3A_98 : i1 to vector<16xi1>
      %reduce_sum3A_100 = tpu.scan <sum>, %select_n3A_97 masked %reduce_sum3A_99 : vector<16xi32>, vector<16xi1> -> vector<16xi32>
      %reduce_sum3A_101 = vector.extract %reduce_sum3A_100[15] : i32 from vector<16xi32>
      %dma_start3A_102 = arith.constant 3 : i32
      %dma_start3A_103 = arith.constant 0 : i32
      %dma_start3A_104 = arith.constant 0 : i32
      %dma_start3A_105 = tpu.memref_slice %arg9[%dma_start3A_102, %dma_start3A_103, %dma_start3A_104] : memref<16x8x64xf32, #tpu.memory_space<vmem>> -> memref<1x8x64xf32, #tpu.memory_space<vmem>>
      %dma_start3A_106 = arith.constant 0 : i32
      %dma_start3A_107 = arith.constant 0 : i32
      %dma_start3A_108 = tpu.memref_slice %arg5[%reduce_sum3A_101, %dma_start3A_106, %dma_start3A_107] : memref<125000x8x64xf32, #tpu.memory_space<hbm>> -> memref<1x8x64xf32, #tpu.memory_space<hbm>>
      %dma_start3A_109 = arith.constant 3 : i32
      %dma_start3A_110 = arith.constant 0 : i32
      %dma_start3A_111 = arith.constant 0 : i32
      %dma_start3A_112 = tpu.memref_slice %arg9[%dma_start3A_109, %dma_start3A_110, %dma_start3A_111] : memref<16x8x64xf32, #tpu.memory_space<vmem>> -> memref<1x8x64xf32, #tpu.memory_space<vmem>>
      %dma_start3A_113 = arith.constant 0 : i32
      %dma_start3A_114 = arith.constant 0 : i32
      %dma_start3A_115 = tpu.memref_slice %arg5[%reduce_sum3A_101, %dma_start3A_113, %dma_start3A_114] : memref<125000x8x64xf32, #tpu.memory_space<hbm>> -> memref<1x8x64xf32, #tpu.memory_space<hbm>>
      tpu.enqueue_dma source(%dma_start3A_115 : memref<1x8x64xf32, #tpu.memory_space<hbm>>) target(%dma_start3A_112 : memref<1x8x64xf32, #tpu.memory_space<vmem>>) target_semaphore(%arg11 : memref<!tpu.dma_semaphore, #tpu.memory_space<semaphore_mem>>)
      %iota3A_116 = tpu.iota {dimensions = array<i32: 0>} : vector<16xi32>
      %eq3A_117 = arith.constant 4 : i32
      %eq3A_118 = vector.broadcast %eq3A_117 : i32 to vector<16xi32>
      %eq3A_119 = arith.cmpi eq, %iota3A_116, %eq3A_118 : vector<16xi32>
      %jit3A_120 = arith.constant 0 : i32
      %broadcast_in_dim3A_121 = vector.broadcast %jit3A_120 : i32 to vector<16xi32>
      %select_n3A_122 = arith.select %eq3A_119, %get3A_22, %broadcast_in_dim3A_121 : vector<16xi1>, vector<16xi32>
      %reduce_sum3A_123 = arith.constant true
      %reduce_sum3A_124 = vector.broadcast %reduce_sum3A_123 : i1 to vector<16xi1>
      %reduce_sum3A_125 = tpu.scan <sum>, %select_n3A_122 masked %reduce_sum3A_124 : vector<16xi32>, vector<16xi1> -> vector<16xi32>
      %reduce_sum3A_126 = vector.extract %reduce_sum3A_125[15] : i32 from vector<16xi32>
      %dma_start3A_127 = arith.constant 4 : i32
      %dma_start3A_128 = arith.constant 0 : i32
      %dma_start3A_129 = arith.constant 0 : i32
      %dma_start3A_130 = tpu.memref_slice %arg9[%dma_start3A_127, %dma_start3A_128, %dma_start3A_129] : memref<16x8x64xf32, #tpu.memory_space<vmem>> -> memref<1x8x64xf32, #tpu.memory_space<vmem>>
      %dma_start3A_131 = arith.constant 0 : i32
      %dma_start3A_132 = arith.constant 0 : i32
      %dma_start3A_133 = tpu.memref_slice %arg5[%reduce_sum3A_126, %dma_start3A_131, %dma_start3A_132] : memref<125000x8x64xf32, #tpu.memory_space<hbm>> -> memref<1x8x64xf32, #tpu.memory_space<hbm>>
      %dma_start3A_134 = arith.constant 4 : i32
      %dma_start3A_135 = arith.constant 0 : i32
      %dma_start3A_136 = arith.constant 0 : i32
      %dma_start3A_137 = tpu.memref_slice %arg9[%dma_start3A_134, %dma_start3A_135, %dma_start3A_136] : memref<16x8x64xf32, #tpu.memory_space<vmem>> -> memref<1x8x64xf32, #tpu.memory_space<vmem>>
      %dma_start3A_138 = arith.constant 0 : i32
      %dma_start3A_139 = arith.constant 0 : i32
      %dma_start3A_140 = tpu.memref_slice %arg5[%reduce_sum3A_126, %dma_start3A_138, %dma_start3A_139] : memref<125000x8x64xf32, #tpu.memory_space<hbm>> -> memref<1x8x64xf32, #tpu.memory_space<hbm>>
      tpu.enqueue_dma source(%dma_start3A_140 : memref<1x8x64xf32, #tpu.memory_space<hbm>>) target(%dma_start3A_137 : memref<1x8x64xf32, #tpu.memory_space<vmem>>) target_semaphore(%arg11 : memref<!tpu.dma_semaphore, #tpu.memory_space<semaphore_mem>>)
      %iota3A_141 = tpu.iota {dimensions = array<i32: 0>} : vector<16xi32>
      %eq3A_142 = arith.constant 5 : i32
      %eq3A_143 = vector.broadcast %eq3A_142 : i32 to vector<16xi32>
      %eq3A_144 = arith.cmpi eq, %iota3A_141, %eq3A_143 : vector<16xi32>
      %jit3A_145 = arith.constant 0 : i32
      %broadcast_in_dim3A_146 = vector.broadcast %jit3A_145 : i32 to vector<16xi32>
      %select_n3A_147 = arith.select %eq3A_144, %get3A_22, %broadcast_in_dim3A_146 : vector<16xi1>, vector<16xi32>
      %reduce_sum3A_148 = arith.constant true
      %reduce_sum3A_149 = vector.broadcast %reduce_sum3A_148 : i1 to vector<16xi1>
      %reduce_sum3A_150 = tpu.scan <sum>, %select_n3A_147 masked %reduce_sum3A_149 : vector<16xi32>, vector<16xi1> -> vector<16xi32>
      %reduce_sum3A_151 = vector.extract %reduce_sum3A_150[15] : i32 from vector<16xi32>
      %dma_start3A_152 = arith.constant 5 : i32
      %dma_start3A_153 = arith.constant 0 : i32
      %dma_start3A_154 = arith.constant 0 : i32
      %dma_start3A_155 = tpu.memref_slice %arg9[%dma_start3A_152, %dma_start3A_153, %dma_start3A_154] : memref<16x8x64xf32, #tpu.memory_space<vmem>> -> memref<1x8x64xf32, #tpu.memory_space<vmem>>
      %dma_start3A_156 = arith.constant 0 : i32
      %dma_start3A_157 = arith.constant 0 : i32
      %dma_start3A_158 = tpu.memref_slice %arg5[%reduce_sum3A_151, %dma_start3A_156, %dma_start3A_157] : memref<125000x8x64xf32, #tpu.memory_space<hbm>> -> memref<1x8x64xf32, #tpu.memory_space<hbm>>
      %dma_start3A_159 = arith.constant 5 : i32
      %dma_start3A_160 = arith.constant 0 : i32
      %dma_start3A_161 = arith.constant 0 : i32
      %dma_start3A_162 = tpu.memref_slice %arg9[%dma_start3A_159, %dma_start3A_160, %dma_start3A_161] : memref<16x8x64xf32, #tpu.memory_space<vmem>> -> memref<1x8x64xf32, #tpu.memory_space<vmem>>
      %dma_start3A_163 = arith.constant 0 : i32
      %dma_start3A_164 = arith.constant 0 : i32
      %dma_start3A_165 = tpu.memref_slice %arg5[%reduce_sum3A_151, %dma_start3A_163, %dma_start3A_164] : memref<125000x8x64xf32, #tpu.memory_space<hbm>> -> memref<1x8x64xf32, #tpu.memory_space<hbm>>
      tpu.enqueue_dma source(%dma_start3A_165 : memref<1x8x64xf32, #tpu.memory_space<hbm>>) target(%dma_start3A_162 : memref<1x8x64xf32, #tpu.memory_space<vmem>>) target_semaphore(%arg11 : memref<!tpu.dma_semaphore, #tpu.memory_space<semaphore_mem>>)
      %iota3A_166 = tpu.iota {dimensions = array<i32: 0>} : vector<16xi32>
      %eq3A_167 = arith.constant 6 : i32
      %eq3A_168 = vector.broadcast %eq3A_167 : i32 to vector<16xi32>
      %eq3A_169 = arith.cmpi eq, %iota3A_166, %eq3A_168 : vector<16xi32>
      %jit3A_170 = arith.constant 0 : i32
      %broadcast_in_dim3A_171 = vector.broadcast %jit3A_170 : i32 to vector<16xi32>
      %select_n3A_172 = arith.select %eq3A_169, %get3A_22, %broadcast_in_dim3A_171 : vector<16xi1>, vector<16xi32>
      %reduce_sum3A_173 = arith.constant true
      %reduce_sum3A_174 = vector.broadcast %reduce_sum3A_173 : i1 to vector<16xi1>
      %reduce_sum3A_175 = tpu.scan <sum>, %select_n3A_172 masked %reduce_sum3A_174 : vector<16xi32>, vector<16xi1> -> vector<16xi32>
      %reduce_sum3A_176 = vector.extract %reduce_sum3A_175[15] : i32 from vector<16xi32>
      %dma_start3A_177 = arith.constant 6 : i32
      %dma_start3A_178 = arith.constant 0 : i32
      %dma_start3A_179 = arith.constant 0 : i32
      %dma_start3A_180 = tpu.memref_slice %arg9[%dma_start3A_177, %dma_start3A_178, %dma_start3A_179] : memref<16x8x64xf32, #tpu.memory_space<vmem>> -> memref<1x8x64xf32, #tpu.memory_space<vmem>>
      %dma_start3A_181 = arith.constant 0 : i32
      %dma_start3A_182 = arith.constant 0 : i32
      %dma_start3A_183 = tpu.memref_slice %arg5[%reduce_sum3A_176, %dma_start3A_181, %dma_start3A_182] : memref<125000x8x64xf32, #tpu.memory_space<hbm>> -> memref<1x8x64xf32, #tpu.memory_space<hbm>>
      %dma_start3A_184 = arith.constant 6 : i32
      %dma_start3A_185 = arith.constant 0 : i32
      %dma_start3A_186 = arith.constant 0 : i32
      %dma_start3A_187 = tpu.memref_slice %arg9[%dma_start3A_184, %dma_start3A_185, %dma_start3A_186] : memref<16x8x64xf32, #tpu.memory_space<vmem>> -> memref<1x8x64xf32, #tpu.memory_space<vmem>>
      %dma_start3A_188 = arith.constant 0 : i32
      %dma_start3A_189 = arith.constant 0 : i32
      %dma_start3A_190 = tpu.memref_slice %arg5[%reduce_sum3A_176, %dma_start3A_188, %dma_start3A_189] : memref<125000x8x64xf32, #tpu.memory_space<hbm>> -> memref<1x8x64xf32, #tpu.memory_space<hbm>>
      tpu.enqueue_dma source(%dma_start3A_190 : memref<1x8x64xf32, #tpu.memory_space<hbm>>) target(%dma_start3A_187 : memref<1x8x64xf32, #tpu.memory_space<vmem>>) target_semaphore(%arg11 : memref<!tpu.dma_semaphore, #tpu.memory_space<semaphore_mem>>)
      %iota3A_191 = tpu.iota {dimensions = array<i32: 0>} : vector<16xi32>
      %eq3A_192 = arith.constant 7 : i32
      %eq3A_193 = vector.broadcast %eq3A_192 : i32 to vector<16xi32>
      %eq3A_194 = arith.cmpi eq, %iota3A_191, %eq3A_193 : vector<16xi32>
      %jit3A_195 = arith.constant 0 : i32
      %broadcast_in_dim3A_196 = vector.broadcast %jit3A_195 : i32 to vector<16xi32>
      %select_n3A_197 = arith.select %eq3A_194, %get3A_22, %broadcast_in_dim3A_196 : vector<16xi1>, vector<16xi32>
      %reduce_sum3A_198 = arith.constant true
      %reduce_sum3A_199 = vector.broadcast %reduce_sum3A_198 : i1 to vector<16xi1>
      %reduce_sum3A_200 = tpu.scan <sum>, %select_n3A_197 masked %reduce_sum3A_199 : vector<16xi32>, vector<16xi1> -> vector<16xi32>
      %reduce_sum3A_201 = vector.extract %reduce_sum3A_200[15] : i32 from vector<16xi32>
      %dma_start3A_202 = arith.constant 7 : i32
      %dma_start3A_203 = arith.constant 0 : i32
      %dma_start3A_204 = arith.constant 0 : i32
      %dma_start3A_205 = tpu.memref_slice %arg9[%dma_start3A_202, %dma_start3A_203, %dma_start3A_204] : memref<16x8x64xf32, #tpu.memory_space<vmem>> -> memref<1x8x64xf32, #tpu.memory_space<vmem>>
      %dma_start3A_206 = arith.constant 0 : i32
      %dma_start3A_207 = arith.constant 0 : i32
      %dma_start3A_208 = tpu.memref_slice %arg5[%reduce_sum3A_201, %dma_start3A_206, %dma_start3A_207] : memref<125000x8x64xf32, #tpu.memory_space<hbm>> -> memref<1x8x64xf32, #tpu.memory_space<hbm>>
      %dma_start3A_209 = arith.constant 7 : i32
      %dma_start3A_210 = arith.constant 0 : i32
      %dma_start3A_211 = arith.constant 0 : i32
      %dma_start3A_212 = tpu.memref_slice %arg9[%dma_start3A_209, %dma_start3A_210, %dma_start3A_211] : memref<16x8x64xf32, #tpu.memory_space<vmem>> -> memref<1x8x64xf32, #tpu.memory_space<vmem>>
      %dma_start3A_213 = arith.constant 0 : i32
      %dma_start3A_214 = arith.constant 0 : i32
      %dma_start3A_215 = tpu.memref_slice %arg5[%reduce_sum3A_201, %dma_start3A_213, %dma_start3A_214] : memref<125000x8x64xf32, #tpu.memory_space<hbm>> -> memref<1x8x64xf32, #tpu.memory_space<hbm>>
      tpu.enqueue_dma source(%dma_start3A_215 : memref<1x8x64xf32, #tpu.memory_space<hbm>>) target(%dma_start3A_212 : memref<1x8x64xf32, #tpu.memory_space<vmem>>) target_semaphore(%arg11 : memref<!tpu.dma_semaphore, #tpu.memory_space<semaphore_mem>>)
      %iota3A_216 = tpu.iota {dimensions = array<i32: 0>} : vector<16xi32>
      %eq3A_217 = arith.constant 8 : i32
      %eq3A_218 = vector.broadcast %eq3A_217 : i32 to vector<16xi32>
      %eq3A_219 = arith.cmpi eq, %iota3A_216, %eq3A_218 : vector<16xi32>
      %jit3A_220 = arith.constant 0 : i32
      %broadcast_in_dim3A_221 = vector.broadcast %jit3A_220 : i32 to vector<16xi32>
      %select_n3A_222 = arith.select %eq3A_219, %get3A_22, %broadcast_in_dim3A_221 : vector<16xi1>, vector<16xi32>
      %reduce_sum3A_223 = arith.constant true
      %reduce_sum3A_224 = vector.broadcast %reduce_sum3A_223 : i1 to vector<16xi1>
      %reduce_sum3A_225 = tpu.scan <sum>, %select_n3A_222 masked %reduce_sum3A_224 : vector<16xi32>, vector<16xi1> -> vector<16xi32>
      %reduce_sum3A_226 = vector.extract %reduce_sum3A_225[15] : i32 from vector<16xi32>
      %dma_start3A_227 = arith.constant 8 : i32
      %dma_start3A_228 = arith.constant 0 : i32
      %dma_start3A_229 = arith.constant 0 : i32
      %dma_start3A_230 = tpu.memref_slice %arg9[%dma_start3A_227, %dma_start3A_228, %dma_start3A_229] : memref<16x8x64xf32, #tpu.memory_space<vmem>> -> memref<1x8x64xf32, #tpu.memory_space<vmem>>
      %dma_start3A_231 = arith.constant 0 : i32
      %dma_start3A_232 = arith.constant 0 : i32
      %dma_start3A_233 = tpu.memref_slice %arg5[%reduce_sum3A_226, %dma_start3A_231, %dma_start3A_232] : memref<125000x8x64xf32, #tpu.memory_space<hbm>> -> memref<1x8x64xf32, #tpu.memory_space<hbm>>
      %dma_start3A_234 = arith.constant 8 : i32
      %dma_start3A_235 = arith.constant 0 : i32
      %dma_start3A_236 = arith.constant 0 : i32
      %dma_start3A_237 = tpu.memref_slice %arg9[%dma_start3A_234, %dma_start3A_235, %dma_start3A_236] : memref<16x8x64xf32, #tpu.memory_space<vmem>> -> memref<1x8x64xf32, #tpu.memory_space<vmem>>
      %dma_start3A_238 = arith.constant 0 : i32
      %dma_start3A_239 = arith.constant 0 : i32
      %dma_start3A_240 = tpu.memref_slice %arg5[%reduce_sum3A_226, %dma_start3A_238, %dma_start3A_239] : memref<125000x8x64xf32, #tpu.memory_space<hbm>> -> memref<1x8x64xf32, #tpu.memory_space<hbm>>
      tpu.enqueue_dma source(%dma_start3A_240 : memref<1x8x64xf32, #tpu.memory_space<hbm>>) target(%dma_start3A_237 : memref<1x8x64xf32, #tpu.memory_space<vmem>>) target_semaphore(%arg11 : memref<!tpu.dma_semaphore, #tpu.memory_space<semaphore_mem>>)
      %iota3A_241 = tpu.iota {dimensions = array<i32: 0>} : vector<16xi32>
      %eq3A_242 = arith.constant 9 : i32
      %eq3A_243 = vector.broadcast %eq3A_242 : i32 to vector<16xi32>
      %eq3A_244 = arith.cmpi eq, %iota3A_241, %eq3A_243 : vector<16xi32>
      %jit3A_245 = arith.constant 0 : i32
      %broadcast_in_dim3A_246 = vector.broadcast %jit3A_245 : i32 to vector<16xi32>
      %select_n3A_247 = arith.select %eq3A_244, %get3A_22, %broadcast_in_dim3A_246 : vector<16xi1>, vector<16xi32>
      %reduce_sum3A_248 = arith.constant true
      %reduce_sum3A_249 = vector.broadcast %reduce_sum3A_248 : i1 to vector<16xi1>
      %reduce_sum3A_250 = tpu.scan <sum>, %select_n3A_247 masked %reduce_sum3A_249 : vector<16xi32>, vector<16xi1> -> vector<16xi32>
      %reduce_sum3A_251 = vector.extract %reduce_sum3A_250[15] : i32 from vector<16xi32>
      %dma_start3A_252 = arith.constant 9 : i32
      %dma_start3A_253 = arith.constant 0 : i32
      %dma_start3A_254 = arith.constant 0 : i32
      %dma_start3A_255 = tpu.memref_slice %arg9[%dma_start3A_252, %dma_start3A_253, %dma_start3A_254] : memref<16x8x64xf32, #tpu.memory_space<vmem>> -> memref<1x8x64xf32, #tpu.memory_space<vmem>>
      %dma_start3A_256 = arith.constant 0 : i32
      %dma_start3A_257 = arith.constant 0 : i32
      %dma_start3A_258 = tpu.memref_slice %arg5[%reduce_sum3A_251, %dma_start3A_256, %dma_start3A_257] : memref<125000x8x64xf32, #tpu.memory_space<hbm>> -> memref<1x8x64xf32, #tpu.memory_space<hbm>>
      %dma_start3A_259 = arith.constant 9 : i32
      %dma_start3A_260 = arith.constant 0 : i32
      %dma_start3A_261 = arith.constant 0 : i32
      %dma_start3A_262 = tpu.memref_slice %arg9[%dma_start3A_259, %dma_start3A_260, %dma_start3A_261] : memref<16x8x64xf32, #tpu.memory_space<vmem>> -> memref<1x8x64xf32, #tpu.memory_space<vmem>>
      %dma_start3A_263 = arith.constant 0 : i32
      %dma_start3A_264 = arith.constant 0 : i32
      %dma_start3A_265 = tpu.memref_slice %arg5[%reduce_sum3A_251, %dma_start3A_263, %dma_start3A_264] : memref<125000x8x64xf32, #tpu.memory_space<hbm>> -> memref<1x8x64xf32, #tpu.memory_space<hbm>>
      tpu.enqueue_dma source(%dma_start3A_265 : memref<1x8x64xf32, #tpu.memory_space<hbm>>) target(%dma_start3A_262 : memref<1x8x64xf32, #tpu.memory_space<vmem>>) target_semaphore(%arg11 : memref<!tpu.dma_semaphore, #tpu.memory_space<semaphore_mem>>)
      %iota3A_266 = tpu.iota {dimensions = array<i32: 0>} : vector<16xi32>
      %eq3A_267 = arith.constant 10 : i32
      %eq3A_268 = vector.broadcast %eq3A_267 : i32 to vector<16xi32>
      %eq3A_269 = arith.cmpi eq, %iota3A_266, %eq3A_268 : vector<16xi32>
      %jit3A_270 = arith.constant 0 : i32
      %broadcast_in_dim3A_271 = vector.broadcast %jit3A_270 : i32 to vector<16xi32>
      %select_n3A_272 = arith.select %eq3A_269, %get3A_22, %broadcast_in_dim3A_271 : vector<16xi1>, vector<16xi32>
      %reduce_sum3A_273 = arith.constant true
      %reduce_sum3A_274 = vector.broadcast %reduce_sum3A_273 : i1 to vector<16xi1>
      %reduce_sum3A_275 = tpu.scan <sum>, %select_n3A_272 masked %reduce_sum3A_274 : vector<16xi32>, vector<16xi1> -> vector<16xi32>
      %reduce_sum3A_276 = vector.extract %reduce_sum3A_275[15] : i32 from vector<16xi32>
      %dma_start3A_277 = arith.constant 10 : i32
      %dma_start3A_278 = arith.constant 0 : i32
      %dma_start3A_279 = arith.constant 0 : i32
      %dma_start3A_280 = tpu.memref_slice %arg9[%dma_start3A_277, %dma_start3A_278, %dma_start3A_279] : memref<16x8x64xf32, #tpu.memory_space<vmem>> -> memref<1x8x64xf32, #tpu.memory_space<vmem>>
      %dma_start3A_281 = arith.constant 0 : i32
      %dma_start3A_282 = arith.constant 0 : i32
      %dma_start3A_283 = tpu.memref_slice %arg5[%reduce_sum3A_276, %dma_start3A_281, %dma_start3A_282] : memref<125000x8x64xf32, #tpu.memory_space<hbm>> -> memref<1x8x64xf32, #tpu.memory_space<hbm>>
      %dma_start3A_284 = arith.constant 10 : i32
      %dma_start3A_285 = arith.constant 0 : i32
      %dma_start3A_286 = arith.constant 0 : i32
      %dma_start3A_287 = tpu.memref_slice %arg9[%dma_start3A_284, %dma_start3A_285, %dma_start3A_286] : memref<16x8x64xf32, #tpu.memory_space<vmem>> -> memref<1x8x64xf32, #tpu.memory_space<vmem>>
      %dma_start3A_288 = arith.constant 0 : i32
      %dma_start3A_289 = arith.constant 0 : i32
      %dma_start3A_290 = tpu.memref_slice %arg5[%reduce_sum3A_276, %dma_start3A_288, %dma_start3A_289] : memref<125000x8x64xf32, #tpu.memory_space<hbm>> -> memref<1x8x64xf32, #tpu.memory_space<hbm>>
      tpu.enqueue_dma source(%dma_start3A_290 : memref<1x8x64xf32, #tpu.memory_space<hbm>>) target(%dma_start3A_287 : memref<1x8x64xf32, #tpu.memory_space<vmem>>) target_semaphore(%arg11 : memref<!tpu.dma_semaphore, #tpu.memory_space<semaphore_mem>>)
      %iota3A_291 = tpu.iota {dimensions = array<i32: 0>} : vector<16xi32>
      %eq3A_292 = arith.constant 11 : i32
      %eq3A_293 = vector.broadcast %eq3A_292 : i32 to vector<16xi32>
      %eq3A_294 = arith.cmpi eq, %iota3A_291, %eq3A_293 : vector<16xi32>
      %jit3A_295 = arith.constant 0 : i32
      %broadcast_in_dim3A_296 = vector.broadcast %jit3A_295 : i32 to vector<16xi32>
      %select_n3A_297 = arith.select %eq3A_294, %get3A_22, %broadcast_in_dim3A_296 : vector<16xi1>, vector<16xi32>
      %reduce_sum3A_298 = arith.constant true
      %reduce_sum3A_299 = vector.broadcast %reduce_sum3A_298 : i1 to vector<16xi1>
      %reduce_sum3A_300 = tpu.scan <sum>, %select_n3A_297 masked %reduce_sum3A_299 : vector<16xi32>, vector<16xi1> -> vector<16xi32>
      %reduce_sum3A_301 = vector.extract %reduce_sum3A_300[15] : i32 from vector<16xi32>
      %dma_start3A_302 = arith.constant 11 : i32
      %dma_start3A_303 = arith.constant 0 : i32
      %dma_start3A_304 = arith.constant 0 : i32
      %dma_start3A_305 = tpu.memref_slice %arg9[%dma_start3A_302, %dma_start3A_303, %dma_start3A_304] : memref<16x8x64xf32, #tpu.memory_space<vmem>> -> memref<1x8x64xf32, #tpu.memory_space<vmem>>
      %dma_start3A_306 = arith.constant 0 : i32
      %dma_start3A_307 = arith.constant 0 : i32
      %dma_start3A_308 = tpu.memref_slice %arg5[%reduce_sum3A_301, %dma_start3A_306, %dma_start3A_307] : memref<125000x8x64xf32, #tpu.memory_space<hbm>> -> memref<1x8x64xf32, #tpu.memory_space<hbm>>
      %dma_start3A_309 = arith.constant 11 : i32
      %dma_start3A_310 = arith.constant 0 : i32
      %dma_start3A_311 = arith.constant 0 : i32
      %dma_start3A_312 = tpu.memref_slice %arg9[%dma_start3A_309, %dma_start3A_310, %dma_start3A_311] : memref<16x8x64xf32, #tpu.memory_space<vmem>> -> memref<1x8x64xf32, #tpu.memory_space<vmem>>
      %dma_start3A_313 = arith.constant 0 : i32
      %dma_start3A_314 = arith.constant 0 : i32
      %dma_start3A_315 = tpu.memref_slice %arg5[%reduce_sum3A_301, %dma_start3A_313, %dma_start3A_314] : memref<125000x8x64xf32, #tpu.memory_space<hbm>> -> memref<1x8x64xf32, #tpu.memory_space<hbm>>
      tpu.enqueue_dma source(%dma_start3A_315 : memref<1x8x64xf32, #tpu.memory_space<hbm>>) target(%dma_start3A_312 : memref<1x8x64xf32, #tpu.memory_space<vmem>>) target_semaphore(%arg11 : memref<!tpu.dma_semaphore, #tpu.memory_space<semaphore_mem>>)
      %iota3A_316 = tpu.iota {dimensions = array<i32: 0>} : vector<16xi32>
      %eq3A_317 = arith.constant 12 : i32
      %eq3A_318 = vector.broadcast %eq3A_317 : i32 to vector<16xi32>
      %eq3A_319 = arith.cmpi eq, %iota3A_316, %eq3A_318 : vector<16xi32>
      %jit3A_320 = arith.constant 0 : i32
      %broadcast_in_dim3A_321 = vector.broadcast %jit3A_320 : i32 to vector<16xi32>
      %select_n3A_322 = arith.select %eq3A_319, %get3A_22, %broadcast_in_dim3A_321 : vector<16xi1>, vector<16xi32>
      %reduce_sum3A_323 = arith.constant true
      %reduce_sum3A_324 = vector.broadcast %reduce_sum3A_323 : i1 to vector<16xi1>
      %reduce_sum3A_325 = tpu.scan <sum>, %select_n3A_322 masked %reduce_sum3A_324 : vector<16xi32>, vector<16xi1> -> vector<16xi32>
      %reduce_sum3A_326 = vector.extract %reduce_sum3A_325[15] : i32 from vector<16xi32>
      %dma_start3A_327 = arith.constant 12 : i32
      %dma_start3A_328 = arith.constant 0 : i32
      %dma_start3A_329 = arith.constant 0 : i32
      %dma_start3A_330 = tpu.memref_slice %arg9[%dma_start3A_327, %dma_start3A_328, %dma_start3A_329] : memref<16x8x64xf32, #tpu.memory_space<vmem>> -> memref<1x8x64xf32, #tpu.memory_space<vmem>>
      %dma_start3A_331 = arith.constant 0 : i32
      %dma_start3A_332 = arith.constant 0 : i32
      %dma_start3A_333 = tpu.memref_slice %arg5[%reduce_sum3A_326, %dma_start3A_331, %dma_start3A_332] : memref<125000x8x64xf32, #tpu.memory_space<hbm>> -> memref<1x8x64xf32, #tpu.memory_space<hbm>>
      %dma_start3A_334 = arith.constant 12 : i32
      %dma_start3A_335 = arith.constant 0 : i32
      %dma_start3A_336 = arith.constant 0 : i32
      %dma_start3A_337 = tpu.memref_slice %arg9[%dma_start3A_334, %dma_start3A_335, %dma_start3A_336] : memref<16x8x64xf32, #tpu.memory_space<vmem>> -> memref<1x8x64xf32, #tpu.memory_space<vmem>>
      %dma_start3A_338 = arith.constant 0 : i32
      %dma_start3A_339 = arith.constant 0 : i32
      %dma_start3A_340 = tpu.memref_slice %arg5[%reduce_sum3A_326, %dma_start3A_338, %dma_start3A_339] : memref<125000x8x64xf32, #tpu.memory_space<hbm>> -> memref<1x8x64xf32, #tpu.memory_space<hbm>>
      tpu.enqueue_dma source(%dma_start3A_340 : memref<1x8x64xf32, #tpu.memory_space<hbm>>) target(%dma_start3A_337 : memref<1x8x64xf32, #tpu.memory_space<vmem>>) target_semaphore(%arg11 : memref<!tpu.dma_semaphore, #tpu.memory_space<semaphore_mem>>)
      %iota3A_341 = tpu.iota {dimensions = array<i32: 0>} : vector<16xi32>
      %eq3A_342 = arith.constant 13 : i32
      %eq3A_343 = vector.broadcast %eq3A_342 : i32 to vector<16xi32>
      %eq3A_344 = arith.cmpi eq, %iota3A_341, %eq3A_343 : vector<16xi32>
      %jit3A_345 = arith.constant 0 : i32
      %broadcast_in_dim3A_346 = vector.broadcast %jit3A_345 : i32 to vector<16xi32>
      %select_n3A_347 = arith.select %eq3A_344, %get3A_22, %broadcast_in_dim3A_346 : vector<16xi1>, vector<16xi32>
      %reduce_sum3A_348 = arith.constant true
      %reduce_sum3A_349 = vector.broadcast %reduce_sum3A_348 : i1 to vector<16xi1>
      %reduce_sum3A_350 = tpu.scan <sum>, %select_n3A_347 masked %reduce_sum3A_349 : vector<16xi32>, vector<16xi1> -> vector<16xi32>
      %reduce_sum3A_351 = vector.extract %reduce_sum3A_350[15] : i32 from vector<16xi32>
      %dma_start3A_352 = arith.constant 13 : i32
      %dma_start3A_353 = arith.constant 0 : i32
      %dma_start3A_354 = arith.constant 0 : i32
      %dma_start3A_355 = tpu.memref_slice %arg9[%dma_start3A_352, %dma_start3A_353, %dma_start3A_354] : memref<16x8x64xf32, #tpu.memory_space<vmem>> -> memref<1x8x64xf32, #tpu.memory_space<vmem>>
      %dma_start3A_356 = arith.constant 0 : i32
      %dma_start3A_357 = arith.constant 0 : i32
      %dma_start3A_358 = tpu.memref_slice %arg5[%reduce_sum3A_351, %dma_start3A_356, %dma_start3A_357] : memref<125000x8x64xf32, #tpu.memory_space<hbm>> -> memref<1x8x64xf32, #tpu.memory_space<hbm>>
      %dma_start3A_359 = arith.constant 13 : i32
      %dma_start3A_360 = arith.constant 0 : i32
      %dma_start3A_361 = arith.constant 0 : i32
      %dma_start3A_362 = tpu.memref_slice %arg9[%dma_start3A_359, %dma_start3A_360, %dma_start3A_361] : memref<16x8x64xf32, #tpu.memory_space<vmem>> -> memref<1x8x64xf32, #tpu.memory_space<vmem>>
      %dma_start3A_363 = arith.constant 0 : i32
      %dma_start3A_364 = arith.constant 0 : i32
      %dma_start3A_365 = tpu.memref_slice %arg5[%reduce_sum3A_351, %dma_start3A_363, %dma_start3A_364] : memref<125000x8x64xf32, #tpu.memory_space<hbm>> -> memref<1x8x64xf32, #tpu.memory_space<hbm>>
      tpu.enqueue_dma source(%dma_start3A_365 : memref<1x8x64xf32, #tpu.memory_space<hbm>>) target(%dma_start3A_362 : memref<1x8x64xf32, #tpu.memory_space<vmem>>) target_semaphore(%arg11 : memref<!tpu.dma_semaphore, #tpu.memory_space<semaphore_mem>>)
      %iota3A_366 = tpu.iota {dimensions = array<i32: 0>} : vector<16xi32>
      %eq3A_367 = arith.constant 14 : i32
      %eq3A_368 = vector.broadcast %eq3A_367 : i32 to vector<16xi32>
      %eq3A_369 = arith.cmpi eq, %iota3A_366, %eq3A_368 : vector<16xi32>
      %jit3A_370 = arith.constant 0 : i32
      %broadcast_in_dim3A_371 = vector.broadcast %jit3A_370 : i32 to vector<16xi32>
      %select_n3A_372 = arith.select %eq3A_369, %get3A_22, %broadcast_in_dim3A_371 : vector<16xi1>, vector<16xi32>
      %reduce_sum3A_373 = arith.constant true
      %reduce_sum3A_374 = vector.broadcast %reduce_sum3A_373 : i1 to vector<16xi1>
      %reduce_sum3A_375 = tpu.scan <sum>, %select_n3A_372 masked %reduce_sum3A_374 : vector<16xi32>, vector<16xi1> -> vector<16xi32>
      %reduce_sum3A_376 = vector.extract %reduce_sum3A_375[15] : i32 from vector<16xi32>
      %dma_start3A_377 = arith.constant 14 : i32
      %dma_start3A_378 = arith.constant 0 : i32
      %dma_start3A_379 = arith.constant 0 : i32
      %dma_start3A_380 = tpu.memref_slice %arg9[%dma_start3A_377, %dma_start3A_378, %dma_start3A_379] : memref<16x8x64xf32, #tpu.memory_space<vmem>> -> memref<1x8x64xf32, #tpu.memory_space<vmem>>
      %dma_start3A_381 = arith.constant 0 : i32
      %dma_start3A_382 = arith.constant 0 : i32
      %dma_start3A_383 = tpu.memref_slice %arg5[%reduce_sum3A_376, %dma_start3A_381, %dma_start3A_382] : memref<125000x8x64xf32, #tpu.memory_space<hbm>> -> memref<1x8x64xf32, #tpu.memory_space<hbm>>
      %dma_start3A_384 = arith.constant 14 : i32
      %dma_start3A_385 = arith.constant 0 : i32
      %dma_start3A_386 = arith.constant 0 : i32
      %dma_start3A_387 = tpu.memref_slice %arg9[%dma_start3A_384, %dma_start3A_385, %dma_start3A_386] : memref<16x8x64xf32, #tpu.memory_space<vmem>> -> memref<1x8x64xf32, #tpu.memory_space<vmem>>
      %dma_start3A_388 = arith.constant 0 : i32
      %dma_start3A_389 = arith.constant 0 : i32
      %dma_start3A_390 = tpu.memref_slice %arg5[%reduce_sum3A_376, %dma_start3A_388, %dma_start3A_389] : memref<125000x8x64xf32, #tpu.memory_space<hbm>> -> memref<1x8x64xf32, #tpu.memory_space<hbm>>
      tpu.enqueue_dma source(%dma_start3A_390 : memref<1x8x64xf32, #tpu.memory_space<hbm>>) target(%dma_start3A_387 : memref<1x8x64xf32, #tpu.memory_space<vmem>>) target_semaphore(%arg11 : memref<!tpu.dma_semaphore, #tpu.memory_space<semaphore_mem>>)
      %iota3A_391 = tpu.iota {dimensions = array<i32: 0>} : vector<16xi32>
      %eq3A_392 = arith.constant 15 : i32
      %eq3A_393 = vector.broadcast %eq3A_392 : i32 to vector<16xi32>
      %eq3A_394 = arith.cmpi eq, %iota3A_391, %eq3A_393 : vector<16xi32>
      %jit3A_395 = arith.constant 0 : i32
      %broadcast_in_dim3A_396 = vector.broadcast %jit3A_395 : i32 to vector<16xi32>
      %select_n3A_397 = arith.select %eq3A_394, %get3A_22, %broadcast_in_dim3A_396 : vector<16xi1>, vector<16xi32>
      %reduce_sum3A_398 = arith.constant true
      %reduce_sum3A_399 = vector.broadcast %reduce_sum3A_398 : i1 to vector<16xi1>
      %reduce_sum3A_400 = tpu.scan <sum>, %select_n3A_397 masked %reduce_sum3A_399 : vector<16xi32>, vector<16xi1> -> vector<16xi32>
      %reduce_sum3A_401 = vector.extract %reduce_sum3A_400[15] : i32 from vector<16xi32>
      %dma_start3A_402 = arith.constant 15 : i32
      %dma_start3A_403 = arith.constant 0 : i32
      %dma_start3A_404 = arith.constant 0 : i32
      %dma_start3A_405 = tpu.memref_slice %arg9[%dma_start3A_402, %dma_start3A_403, %dma_start3A_404] : memref<16x8x64xf32, #tpu.memory_space<vmem>> -> memref<1x8x64xf32, #tpu.memory_space<vmem>>
      %dma_start3A_406 = arith.constant 0 : i32
      %dma_start3A_407 = arith.constant 0 : i32
      %dma_start3A_408 = tpu.memref_slice %arg5[%reduce_sum3A_401, %dma_start3A_406, %dma_start3A_407] : memref<125000x8x64xf32, #tpu.memory_space<hbm>> -> memref<1x8x64xf32, #tpu.memory_space<hbm>>
      %dma_start3A_409 = arith.constant 15 : i32
      %dma_start3A_410 = arith.constant 0 : i32
      %dma_start3A_411 = arith.constant 0 : i32
      %dma_start3A_412 = tpu.memref_slice %arg9[%dma_start3A_409, %dma_start3A_410, %dma_start3A_411] : memref<16x8x64xf32, #tpu.memory_space<vmem>> -> memref<1x8x64xf32, #tpu.memory_space<vmem>>
      %dma_start3A_413 = arith.constant 0 : i32
      %dma_start3A_414 = arith.constant 0 : i32
      %dma_start3A_415 = tpu.memref_slice %arg5[%reduce_sum3A_401, %dma_start3A_413, %dma_start3A_414] : memref<125000x8x64xf32, #tpu.memory_space<hbm>> -> memref<1x8x64xf32, #tpu.memory_space<hbm>>
      tpu.enqueue_dma source(%dma_start3A_415 : memref<1x8x64xf32, #tpu.memory_space<hbm>>) target(%dma_start3A_412 : memref<1x8x64xf32, #tpu.memory_space<vmem>>) target_semaphore(%arg11 : memref<!tpu.dma_semaphore, #tpu.memory_space<semaphore_mem>>)
      %mul3A_416 = arith.constant 2 : i32
      %mul3A_417 = arith.muli %mul3A_416, %scan3A_16 : i32
      %add3A_418 = arith.constant 1 : i32
      %add3A_419 = arith.addi %mul3A_417, %add3A_418 : i32
      %mul3A_420 = arith.constant 16 : i32
      %mul3A_421 = arith.muli %add3A_419, %mul3A_420 : i32
      %get3A_422 = arith.index_cast %mul3A_421 : i32 to index
      %get3A_423 = tpu.vector_load %arg8[%get3A_422] {strides = array<i32>} : memref<128xi32, #tpu.memory_space<vmem>>, vector<16xi32>,
      %iota3A_424 = tpu.iota {dimensions = array<i32: 0>} : vector<16xi32>
      %eq3A_425 = arith.constant 0 : i32
      %eq3A_426 = vector.broadcast %eq3A_425 : i32 to vector<16xi32>
      %eq3A_427 = arith.cmpi eq, %iota3A_424, %eq3A_426 : vector<16xi32>
      %jit3A_428 = arith.constant 0 : i32
      %broadcast_in_dim3A_429 = vector.broadcast %jit3A_428 : i32 to vector<16xi32>
      %select_n3A_430 = arith.select %eq3A_427, %get3A_423, %broadcast_in_dim3A_429 : vector<16xi1>, vector<16xi32>
      %reduce_sum3A_431 = arith.constant true
      %reduce_sum3A_432 = vector.broadcast %reduce_sum3A_431 : i1 to vector<16xi1>
      %reduce_sum3A_433 = tpu.scan <sum>, %select_n3A_430 masked %reduce_sum3A_432 : vector<16xi32>, vector<16xi1> -> vector<16xi32>
      %reduce_sum3A_434 = vector.extract %reduce_sum3A_433[15] : i32 from vector<16xi32>
      %dma_start3A_435 = arith.constant 0 : i32
      %dma_start3A_436 = arith.constant 0 : i32
      %dma_start3A_437 = arith.constant 0 : i32
      %dma_start3A_438 = tpu.memref_slice %arg10[%dma_start3A_435, %dma_start3A_436, %dma_start3A_437] : memref<16x8x64xf32, #tpu.memory_space<vmem>> -> memref<1x8x64xf32, #tpu.memory_space<vmem>>
      %dma_start3A_439 = arith.constant 0 : i32
      %dma_start3A_440 = arith.constant 0 : i32
      %dma_start3A_441 = tpu.memref_slice %arg5[%reduce_sum3A_434, %dma_start3A_439, %dma_start3A_440] : memref<125000x8x64xf32, #tpu.memory_space<hbm>> -> memref<1x8x64xf32, #tpu.memory_space<hbm>>
      %dma_start3A_442 = arith.constant 0 : i32
      %dma_start3A_443 = arith.constant 0 : i32
      %dma_start3A_444 = arith.constant 0 : i32
      %dma_start3A_445 = tpu.memref_slice %arg10[%dma_start3A_442, %dma_start3A_443, %dma_start3A_444] : memref<16x8x64xf32, #tpu.memory_space<vmem>> -> memref<1x8x64xf32, #tpu.memory_space<vmem>>
      %dma_start3A_446 = arith.constant 0 : i32
      %dma_start3A_447 = arith.constant 0 : i32
      %dma_start3A_448 = tpu.memref_slice %arg5[%reduce_sum3A_434, %dma_start3A_446, %dma_start3A_447] : memref<125000x8x64xf32, #tpu.memory_space<hbm>> -> memref<1x8x64xf32, #tpu.memory_space<hbm>>
      tpu.enqueue_dma source(%dma_start3A_448 : memref<1x8x64xf32, #tpu.memory_space<hbm>>) target(%dma_start3A_445 : memref<1x8x64xf32, #tpu.memory_space<vmem>>) target_semaphore(%arg12 : memref<!tpu.dma_semaphore, #tpu.memory_space<semaphore_mem>>)
      %iota3A_449 = tpu.iota {dimensions = array<i32: 0>} : vector<16xi32>
      %eq3A_450 = arith.constant 1 : i32
      %eq3A_451 = vector.broadcast %eq3A_450 : i32 to vector<16xi32>
      %eq3A_452 = arith.cmpi eq, %iota3A_449, %eq3A_451 : vector<16xi32>
      %jit3A_453 = arith.constant 0 : i32
      %broadcast_in_dim3A_454 = vector.broadcast %jit3A_453 : i32 to vector<16xi32>
      %select_n3A_455 = arith.select %eq3A_452, %get3A_423, %broadcast_in_dim3A_454 : vector<16xi1>, vector<16xi32>
      %reduce_sum3A_456 = arith.constant true
      %reduce_sum3A_457 = vector.broadcast %reduce_sum3A_456 : i1 to vector<16xi1>
      %reduce_sum3A_458 = tpu.scan <sum>, %select_n3A_455 masked %reduce_sum3A_457 : vector<16xi32>, vector<16xi1> -> vector<16xi32>
      %reduce_sum3A_459 = vector.extract %reduce_sum3A_458[15] : i32 from vector<16xi32>
      %dma_start3A_460 = arith.constant 1 : i32
      %dma_start3A_461 = arith.constant 0 : i32
      %dma_start3A_462 = arith.constant 0 : i32
      %dma_start3A_463 = tpu.memref_slice %arg10[%dma_start3A_460, %dma_start3A_461, %dma_start3A_462] : memref<16x8x64xf32, #tpu.memory_space<vmem>> -> memref<1x8x64xf32, #tpu.memory_space<vmem>>
      %dma_start3A_464 = arith.constant 0 : i32
      %dma_start3A_465 = arith.constant 0 : i32
      %dma_start3A_466 = tpu.memref_slice %arg5[%reduce_sum3A_459, %dma_start3A_464, %dma_start3A_465] : memref<125000x8x64xf32, #tpu.memory_space<hbm>> -> memref<1x8x64xf32, #tpu.memory_space<hbm>>
      %dma_start3A_467 = arith.constant 1 : i32
      %dma_start3A_468 = arith.constant 0 : i32
      %dma_start3A_469 = arith.constant 0 : i32
      %dma_start3A_470 = tpu.memref_slice %arg10[%dma_start3A_467, %dma_start3A_468, %dma_start3A_469] : memref<16x8x64xf32, #tpu.memory_space<vmem>> -> memref<1x8x64xf32, #tpu.memory_space<vmem>>
      %dma_start3A_471 = arith.constant 0 : i32
      %dma_start3A_472 = arith.constant 0 : i32
      %dma_start3A_473 = tpu.memref_slice %arg5[%reduce_sum3A_459, %dma_start3A_471, %dma_start3A_472] : memref<125000x8x64xf32, #tpu.memory_space<hbm>> -> memref<1x8x64xf32, #tpu.memory_space<hbm>>
      tpu.enqueue_dma source(%dma_start3A_473 : memref<1x8x64xf32, #tpu.memory_space<hbm>>) target(%dma_start3A_470 : memref<1x8x64xf32, #tpu.memory_space<vmem>>) target_semaphore(%arg12 : memref<!tpu.dma_semaphore, #tpu.memory_space<semaphore_mem>>)
      %iota3A_474 = tpu.iota {dimensions = array<i32: 0>} : vector<16xi32>
      %eq3A_475 = arith.constant 2 : i32
      %eq3A_476 = vector.broadcast %eq3A_475 : i32 to vector<16xi32>
      %eq3A_477 = arith.cmpi eq, %iota3A_474, %eq3A_476 : vector<16xi32>
      %jit3A_478 = arith.constant 0 : i32
      %broadcast_in_dim3A_479 = vector.broadcast %jit3A_478 : i32 to vector<16xi32>
      %select_n3A_480 = arith.select %eq3A_477, %get3A_423, %broadcast_in_dim3A_479 : vector<16xi1>, vector<16xi32>
      %reduce_sum3A_481 = arith.constant true
      %reduce_sum3A_482 = vector.broadcast %reduce_sum3A_481 : i1 to vector<16xi1>
      %reduce_sum3A_483 = tpu.scan <sum>, %select_n3A_480 masked %reduce_sum3A_482 : vector<16xi32>, vector<16xi1> -> vector<16xi32>
      %reduce_sum3A_484 = vector.extract %reduce_sum3A_483[15] : i32 from vector<16xi32>
      %dma_start3A_485 = arith.constant 2 : i32
      %dma_start3A_486 = arith.constant 0 : i32
      %dma_start3A_487 = arith.constant 0 : i32
      %dma_start3A_488 = tpu.memref_slice %arg10[%dma_start3A_485, %dma_start3A_486, %dma_start3A_487] : memref<16x8x64xf32, #tpu.memory_space<vmem>> -> memref<1x8x64xf32, #tpu.memory_space<vmem>>
      %dma_start3A_489 = arith.constant 0 : i32
      %dma_start3A_490 = arith.constant 0 : i32
      %dma_start3A_491 = tpu.memref_slice %arg5[%reduce_sum3A_484, %dma_start3A_489, %dma_start3A_490] : memref<125000x8x64xf32, #tpu.memory_space<hbm>> -> memref<1x8x64xf32, #tpu.memory_space<hbm>>
      %dma_start3A_492 = arith.constant 2 : i32
      %dma_start3A_493 = arith.constant 0 : i32
      %dma_start3A_494 = arith.constant 0 : i32
      %dma_start3A_495 = tpu.memref_slice %arg10[%dma_start3A_492, %dma_start3A_493, %dma_start3A_494] : memref<16x8x64xf32, #tpu.memory_space<vmem>> -> memref<1x8x64xf32, #tpu.memory_space<vmem>>
      %dma_start3A_496 = arith.constant 0 : i32
      %dma_start3A_497 = arith.constant 0 : i32
      %dma_start3A_498 = tpu.memref_slice %arg5[%reduce_sum3A_484, %dma_start3A_496, %dma_start3A_497] : memref<125000x8x64xf32, #tpu.memory_space<hbm>> -> memref<1x8x64xf32, #tpu.memory_space<hbm>>
      tpu.enqueue_dma source(%dma_start3A_498 : memref<1x8x64xf32, #tpu.memory_space<hbm>>) target(%dma_start3A_495 : memref<1x8x64xf32, #tpu.memory_space<vmem>>) target_semaphore(%arg12 : memref<!tpu.dma_semaphore, #tpu.memory_space<semaphore_mem>>)
      %iota3A_499 = tpu.iota {dimensions = array<i32: 0>} : vector<16xi32>
      %eq3A_500 = arith.constant 3 : i32
      %eq3A_501 = vector.broadcast %eq3A_500 : i32 to vector<16xi32>
      %eq3A_502 = arith.cmpi eq, %iota3A_499, %eq3A_501 : vector<16xi32>
      %jit3A_503 = arith.constant 0 : i32
      %broadcast_in_dim3A_504 = vector.broadcast %jit3A_503 : i32 to vector<16xi32>
      %select_n3A_505 = arith.select %eq3A_502, %get3A_423, %broadcast_in_dim3A_504 : vector<16xi1>, vector<16xi32>
      %reduce_sum3A_506 = arith.constant true
      %reduce_sum3A_507 = vector.broadcast %reduce_sum3A_506 : i1 to vector<16xi1>
      %reduce_sum3A_508 = tpu.scan <sum>, %select_n3A_505 masked %reduce_sum3A_507 : vector<16xi32>, vector<16xi1> -> vector<16xi32>
      %reduce_sum3A_509 = vector.extract %reduce_sum3A_508[15] : i32 from vector<16xi32>
      %dma_start3A_510 = arith.constant 3 : i32
      %dma_start3A_511 = arith.constant 0 : i32
      %dma_start3A_512 = arith.constant 0 : i32
      %dma_start3A_513 = tpu.memref_slice %arg10[%dma_start3A_510, %dma_start3A_511, %dma_start3A_512] : memref<16x8x64xf32, #tpu.memory_space<vmem>> -> memref<1x8x64xf32, #tpu.memory_space<vmem>>
      %dma_start3A_514 = arith.constant 0 : i32
      %dma_start3A_515 = arith.constant 0 : i32
      %dma_start3A_516 = tpu.memref_slice %arg5[%reduce_sum3A_509, %dma_start3A_514, %dma_start3A_515] : memref<125000x8x64xf32, #tpu.memory_space<hbm>> -> memref<1x8x64xf32, #tpu.memory_space<hbm>>
      %dma_start3A_517 = arith.constant 3 : i32
      %dma_start3A_518 = arith.constant 0 : i32
      %dma_start3A_519 = arith.constant 0 : i32
      %dma_start3A_520 = tpu.memref_slice %arg10[%dma_start3A_517, %dma_start3A_518, %dma_start3A_519] : memref<16x8x64xf32, #tpu.memory_space<vmem>> -> memref<1x8x64xf32, #tpu.memory_space<vmem>>
      %dma_start3A_521 = arith.constant 0 : i32
      %dma_start3A_522 = arith.constant 0 : i32
      %dma_start3A_523 = tpu.memref_slice %arg5[%reduce_sum3A_509, %dma_start3A_521, %dma_start3A_522] : memref<125000x8x64xf32, #tpu.memory_space<hbm>> -> memref<1x8x64xf32, #tpu.memory_space<hbm>>
      tpu.enqueue_dma source(%dma_start3A_523 : memref<1x8x64xf32, #tpu.memory_space<hbm>>) target(%dma_start3A_520 : memref<1x8x64xf32, #tpu.memory_space<vmem>>) target_semaphore(%arg12 : memref<!tpu.dma_semaphore, #tpu.memory_space<semaphore_mem>>)
      %iota3A_524 = tpu.iota {dimensions = array<i32: 0>} : vector<16xi32>
      %eq3A_525 = arith.constant 4 : i32
      %eq3A_526 = vector.broadcast %eq3A_525 : i32 to vector<16xi32>
      %eq3A_527 = arith.cmpi eq, %iota3A_524, %eq3A_526 : vector<16xi32>
      %jit3A_528 = arith.constant 0 : i32
      %broadcast_in_dim3A_529 = vector.broadcast %jit3A_528 : i32 to vector<16xi32>
      %select_n3A_530 = arith.select %eq3A_527, %get3A_423, %broadcast_in_dim3A_529 : vector<16xi1>, vector<16xi32>
      %reduce_sum3A_531 = arith.constant true
      %reduce_sum3A_532 = vector.broadcast %reduce_sum3A_531 : i1 to vector<16xi1>
      %reduce_sum3A_533 = tpu.scan <sum>, %select_n3A_530 masked %reduce_sum3A_532 : vector<16xi32>, vector<16xi1> -> vector<16xi32>
      %reduce_sum3A_534 = vector.extract %reduce_sum3A_533[15] : i32 from vector<16xi32>
      %dma_start3A_535 = arith.constant 4 : i32
      %dma_start3A_536 = arith.constant 0 : i32
      %dma_start3A_537 = arith.constant 0 : i32
      %dma_start3A_538 = tpu.memref_slice %arg10[%dma_start3A_535, %dma_start3A_536, %dma_start3A_537] : memref<16x8x64xf32, #tpu.memory_space<vmem>> -> memref<1x8x64xf32, #tpu.memory_space<vmem>>
      %dma_start3A_539 = arith.constant 0 : i32
      %dma_start3A_540 = arith.constant 0 : i32
      %dma_start3A_541 = tpu.memref_slice %arg5[%reduce_sum3A_534, %dma_start3A_539, %dma_start3A_540] : memref<125000x8x64xf32, #tpu.memory_space<hbm>> -> memref<1x8x64xf32, #tpu.memory_space<hbm>>
      %dma_start3A_542 = arith.constant 4 : i32
      %dma_start3A_543 = arith.constant 0 : i32
      %dma_start3A_544 = arith.constant 0 : i32
      %dma_start3A_545 = tpu.memref_slice %arg10[%dma_start3A_542, %dma_start3A_543, %dma_start3A_544] : memref<16x8x64xf32, #tpu.memory_space<vmem>> -> memref<1x8x64xf32, #tpu.memory_space<vmem>>
      %dma_start3A_546 = arith.constant 0 : i32
      %dma_start3A_547 = arith.constant 0 : i32
      %dma_start3A_548 = tpu.memref_slice %arg5[%reduce_sum3A_534, %dma_start3A_546, %dma_start3A_547] : memref<125000x8x64xf32, #tpu.memory_space<hbm>> -> memref<1x8x64xf32, #tpu.memory_space<hbm>>
      tpu.enqueue_dma source(%dma_start3A_548 : memref<1x8x64xf32, #tpu.memory_space<hbm>>) target(%dma_start3A_545 : memref<1x8x64xf32, #tpu.memory_space<vmem>>) target_semaphore(%arg12 : memref<!tpu.dma_semaphore, #tpu.memory_space<semaphore_mem>>)
      %iota3A_549 = tpu.iota {dimensions = array<i32: 0>} : vector<16xi32>
      %eq3A_550 = arith.constant 5 : i32
      %eq3A_551 = vector.broadcast %eq3A_550 : i32 to vector<16xi32>
      %eq3A_552 = arith.cmpi eq, %iota3A_549, %eq3A_551 : vector<16xi32>
      %jit3A_553 = arith.constant 0 : i32
      %broadcast_in_dim3A_554 = vector.broadcast %jit3A_553 : i32 to vector<16xi32>
      %select_n3A_555 = arith.select %eq3A_552, %get3A_423, %broadcast_in_dim3A_554 : vector<16xi1>, vector<16xi32>
      %reduce_sum3A_556 = arith.constant true
      %reduce_sum3A_557 = vector.broadcast %reduce_sum3A_556 : i1 to vector<16xi1>
      %reduce_sum3A_558 = tpu.scan <sum>, %select_n3A_555 masked %reduce_sum3A_557 : vector<16xi32>, vector<16xi1> -> vector<16xi32>
      %reduce_sum3A_559 = vector.extract %reduce_sum3A_558[15] : i32 from vector<16xi32>
      %dma_start3A_560 = arith.constant 5 : i32
      %dma_start3A_561 = arith.constant 0 : i32
      %dma_start3A_562 = arith.constant 0 : i32
      %dma_start3A_563 = tpu.memref_slice %arg10[%dma_start3A_560, %dma_start3A_561, %dma_start3A_562] : memref<16x8x64xf32, #tpu.memory_space<vmem>> -> memref<1x8x64xf32, #tpu.memory_space<vmem>>
      %dma_start3A_564 = arith.constant 0 : i32
      %dma_start3A_565 = arith.constant 0 : i32
      %dma_start3A_566 = tpu.memref_slice %arg5[%reduce_sum3A_559, %dma_start3A_564, %dma_start3A_565] : memref<125000x8x64xf32, #tpu.memory_space<hbm>> -> memref<1x8x64xf32, #tpu.memory_space<hbm>>
      %dma_start3A_567 = arith.constant 5 : i32
      %dma_start3A_568 = arith.constant 0 : i32
      %dma_start3A_569 = arith.constant 0 : i32
      %dma_start3A_570 = tpu.memref_slice %arg10[%dma_start3A_567, %dma_start3A_568, %dma_start3A_569] : memref<16x8x64xf32, #tpu.memory_space<vmem>> -> memref<1x8x64xf32, #tpu.memory_space<vmem>>
      %dma_start3A_571 = arith.constant 0 : i32
      %dma_start3A_572 = arith.constant 0 : i32
      %dma_start3A_573 = tpu.memref_slice %arg5[%reduce_sum3A_559, %dma_start3A_571, %dma_start3A_572] : memref<125000x8x64xf32, #tpu.memory_space<hbm>> -> memref<1x8x64xf32, #tpu.memory_space<hbm>>
      tpu.enqueue_dma source(%dma_start3A_573 : memref<1x8x64xf32, #tpu.memory_space<hbm>>) target(%dma_start3A_570 : memref<1x8x64xf32, #tpu.memory_space<vmem>>) target_semaphore(%arg12 : memref<!tpu.dma_semaphore, #tpu.memory_space<semaphore_mem>>)
      %iota3A_574 = tpu.iota {dimensions = array<i32: 0>} : vector<16xi32>
      %eq3A_575 = arith.constant 6 : i32
      %eq3A_576 = vector.broadcast %eq3A_575 : i32 to vector<16xi32>
      %eq3A_577 = arith.cmpi eq, %iota3A_574, %eq3A_576 : vector<16xi32>
      %jit3A_578 = arith.constant 0 : i32
      %broadcast_in_dim3A_579 = vector.broadcast %jit3A_578 : i32 to vector<16xi32>
      %select_n3A_580 = arith.select %eq3A_577, %get3A_423, %broadcast_in_dim3A_579 : vector<16xi1>, vector<16xi32>
      %reduce_sum3A_581 = arith.constant true
      %reduce_sum3A_582 = vector.broadcast %reduce_sum3A_581 : i1 to vector<16xi1>
      %reduce_sum3A_583 = tpu.scan <sum>, %select_n3A_580 masked %reduce_sum3A_582 : vector<16xi32>, vector<16xi1> -> vector<16xi32>
      %reduce_sum3A_584 = vector.extract %reduce_sum3A_583[15] : i32 from vector<16xi32>
      %dma_start3A_585 = arith.constant 6 : i32
      %dma_start3A_586 = arith.constant 0 : i32
      %dma_start3A_587 = arith.constant 0 : i32
      %dma_start3A_588 = tpu.memref_slice %arg10[%dma_start3A_585, %dma_start3A_586, %dma_start3A_587] : memref<16x8x64xf32, #tpu.memory_space<vmem>> -> memref<1x8x64xf32, #tpu.memory_space<vmem>>
      %dma_start3A_589 = arith.constant 0 : i32
      %dma_start3A_590 = arith.constant 0 : i32
      %dma_start3A_591 = tpu.memref_slice %arg5[%reduce_sum3A_584, %dma_start3A_589, %dma_start3A_590] : memref<125000x8x64xf32, #tpu.memory_space<hbm>> -> memref<1x8x64xf32, #tpu.memory_space<hbm>>
      %dma_start3A_592 = arith.constant 6 : i32
      %dma_start3A_593 = arith.constant 0 : i32
      %dma_start3A_594 = arith.constant 0 : i32
      %dma_start3A_595 = tpu.memref_slice %arg10[%dma_start3A_592, %dma_start3A_593, %dma_start3A_594] : memref<16x8x64xf32, #tpu.memory_space<vmem>> -> memref<1x8x64xf32, #tpu.memory_space<vmem>>
      %dma_start3A_596 = arith.constant 0 : i32
      %dma_start3A_597 = arith.constant 0 : i32
      %dma_start3A_598 = tpu.memref_slice %arg5[%reduce_sum3A_584, %dma_start3A_596, %dma_start3A_597] : memref<125000x8x64xf32, #tpu.memory_space<hbm>> -> memref<1x8x64xf32, #tpu.memory_space<hbm>>
      tpu.enqueue_dma source(%dma_start3A_598 : memref<1x8x64xf32, #tpu.memory_space<hbm>>) target(%dma_start3A_595 : memref<1x8x64xf32, #tpu.memory_space<vmem>>) target_semaphore(%arg12 : memref<!tpu.dma_semaphore, #tpu.memory_space<semaphore_mem>>)
      %iota3A_599 = tpu.iota {dimensions = array<i32: 0>} : vector<16xi32>
      %eq3A_600 = arith.constant 7 : i32
      %eq3A_601 = vector.broadcast %eq3A_600 : i32 to vector<16xi32>
      %eq3A_602 = arith.cmpi eq, %iota3A_599, %eq3A_601 : vector<16xi32>
      %jit3A_603 = arith.constant 0 : i32
      %broadcast_in_dim3A_604 = vector.broadcast %jit3A_603 : i32 to vector<16xi32>
      %select_n3A_605 = arith.select %eq3A_602, %get3A_423, %broadcast_in_dim3A_604 : vector<16xi1>, vector<16xi32>
      %reduce_sum3A_606 = arith.constant true
      %reduce_sum3A_607 = vector.broadcast %reduce_sum3A_606 : i1 to vector<16xi1>
      %reduce_sum3A_608 = tpu.scan <sum>, %select_n3A_605 masked %reduce_sum3A_607 : vector<16xi32>, vector<16xi1> -> vector<16xi32>
      %reduce_sum3A_609 = vector.extract %reduce_sum3A_608[15] : i32 from vector<16xi32>
      %dma_start3A_610 = arith.constant 7 : i32
      %dma_start3A_611 = arith.constant 0 : i32
      %dma_start3A_612 = arith.constant 0 : i32
      %dma_start3A_613 = tpu.memref_slice %arg10[%dma_start3A_610, %dma_start3A_611, %dma_start3A_612] : memref<16x8x64xf32, #tpu.memory_space<vmem>> -> memref<1x8x64xf32, #tpu.memory_space<vmem>>
      %dma_start3A_614 = arith.constant 0 : i32
      %dma_start3A_615 = arith.constant 0 : i32
      %dma_start3A_616 = tpu.memref_slice %arg5[%reduce_sum3A_609, %dma_start3A_614, %dma_start3A_615] : memref<125000x8x64xf32, #tpu.memory_space<hbm>> -> memref<1x8x64xf32, #tpu.memory_space<hbm>>
      %dma_start3A_617 = arith.constant 7 : i32
      %dma_start3A_618 = arith.constant 0 : i32
      %dma_start3A_619 = arith.constant 0 : i32
      %dma_start3A_620 = tpu.memref_slice %arg10[%dma_start3A_617, %dma_start3A_618, %dma_start3A_619] : memref<16x8x64xf32, #tpu.memory_space<vmem>> -> memref<1x8x64xf32, #tpu.memory_space<vmem>>
      %dma_start3A_621 = arith.constant 0 : i32
      %dma_start3A_622 = arith.constant 0 : i32
      %dma_start3A_623 = tpu.memref_slice %arg5[%reduce_sum3A_609, %dma_start3A_621, %dma_start3A_622] : memref<125000x8x64xf32, #tpu.memory_space<hbm>> -> memref<1x8x64xf32, #tpu.memory_space<hbm>>
      tpu.enqueue_dma source(%dma_start3A_623 : memref<1x8x64xf32, #tpu.memory_space<hbm>>) target(%dma_start3A_620 : memref<1x8x64xf32, #tpu.memory_space<vmem>>) target_semaphore(%arg12 : memref<!tpu.dma_semaphore, #tpu.memory_space<semaphore_mem>>)
      %iota3A_624 = tpu.iota {dimensions = array<i32: 0>} : vector<16xi32>
      %eq3A_625 = arith.constant 8 : i32
      %eq3A_626 = vector.broadcast %eq3A_625 : i32 to vector<16xi32>
      %eq3A_627 = arith.cmpi eq, %iota3A_624, %eq3A_626 : vector<16xi32>
      %jit3A_628 = arith.constant 0 : i32
      %broadcast_in_dim3A_629 = vector.broadcast %jit3A_628 : i32 to vector<16xi32>
      %select_n3A_630 = arith.select %eq3A_627, %get3A_423, %broadcast_in_dim3A_629 : vector<16xi1>, vector<16xi32>
      %reduce_sum3A_631 = arith.constant true
      %reduce_sum3A_632 = vector.broadcast %reduce_sum3A_631 : i1 to vector<16xi1>
      %reduce_sum3A_633 = tpu.scan <sum>, %select_n3A_630 masked %reduce_sum3A_632 : vector<16xi32>, vector<16xi1> -> vector<16xi32>
      %reduce_sum3A_634 = vector.extract %reduce_sum3A_633[15] : i32 from vector<16xi32>
      %dma_start3A_635 = arith.constant 8 : i32
      %dma_start3A_636 = arith.constant 0 : i32
      %dma_start3A_637 = arith.constant 0 : i32
      %dma_start3A_638 = tpu.memref_slice %arg10[%dma_start3A_635, %dma_start3A_636, %dma_start3A_637] : memref<16x8x64xf32, #tpu.memory_space<vmem>> -> memref<1x8x64xf32, #tpu.memory_space<vmem>>
      %dma_start3A_639 = arith.constant 0 : i32
      %dma_start3A_640 = arith.constant 0 : i32
      %dma_start3A_641 = tpu.memref_slice %arg5[%reduce_sum3A_634, %dma_start3A_639, %dma_start3A_640] : memref<125000x8x64xf32, #tpu.memory_space<hbm>> -> memref<1x8x64xf32, #tpu.memory_space<hbm>>
      %dma_start3A_642 = arith.constant 8 : i32
      %dma_start3A_643 = arith.constant 0 : i32
      %dma_start3A_644 = arith.constant 0 : i32
      %dma_start3A_645 = tpu.memref_slice %arg10[%dma_start3A_642, %dma_start3A_643, %dma_start3A_644] : memref<16x8x64xf32, #tpu.memory_space<vmem>> -> memref<1x8x64xf32, #tpu.memory_space<vmem>>
      %dma_start3A_646 = arith.constant 0 : i32
      %dma_start3A_647 = arith.constant 0 : i32
      %dma_start3A_648 = tpu.memref_slice %arg5[%reduce_sum3A_634, %dma_start3A_646, %dma_start3A_647] : memref<125000x8x64xf32, #tpu.memory_space<hbm>> -> memref<1x8x64xf32, #tpu.memory_space<hbm>>
      tpu.enqueue_dma source(%dma_start3A_648 : memref<1x8x64xf32, #tpu.memory_space<hbm>>) target(%dma_start3A_645 : memref<1x8x64xf32, #tpu.memory_space<vmem>>) target_semaphore(%arg12 : memref<!tpu.dma_semaphore, #tpu.memory_space<semaphore_mem>>)
      %iota3A_649 = tpu.iota {dimensions = array<i32: 0>} : vector<16xi32>
      %eq3A_650 = arith.constant 9 : i32
      %eq3A_651 = vector.broadcast %eq3A_650 : i32 to vector<16xi32>
      %eq3A_652 = arith.cmpi eq, %iota3A_649, %eq3A_651 : vector<16xi32>
      %jit3A_653 = arith.constant 0 : i32
      %broadcast_in_dim3A_654 = vector.broadcast %jit3A_653 : i32 to vector<16xi32>
      %select_n3A_655 = arith.select %eq3A_652, %get3A_423, %broadcast_in_dim3A_654 : vector<16xi1>, vector<16xi32>
      %reduce_sum3A_656 = arith.constant true
      %reduce_sum3A_657 = vector.broadcast %reduce_sum3A_656 : i1 to vector<16xi1>
      %reduce_sum3A_658 = tpu.scan <sum>, %select_n3A_655 masked %reduce_sum3A_657 : vector<16xi32>, vector<16xi1> -> vector<16xi32>
      %reduce_sum3A_659 = vector.extract %reduce_sum3A_658[15] : i32 from vector<16xi32>
      %dma_start3A_660 = arith.constant 9 : i32
      %dma_start3A_661 = arith.constant 0 : i32
      %dma_start3A_662 = arith.constant 0 : i32
      %dma_start3A_663 = tpu.memref_slice %arg10[%dma_start3A_660, %dma_start3A_661, %dma_start3A_662] : memref<16x8x64xf32, #tpu.memory_space<vmem>> -> memref<1x8x64xf32, #tpu.memory_space<vmem>>
      %dma_start3A_664 = arith.constant 0 : i32
      %dma_start3A_665 = arith.constant 0 : i32
      %dma_start3A_666 = tpu.memref_slice %arg5[%reduce_sum3A_659, %dma_start3A_664, %dma_start3A_665] : memref<125000x8x64xf32, #tpu.memory_space<hbm>> -> memref<1x8x64xf32, #tpu.memory_space<hbm>>
      %dma_start3A_667 = arith.constant 9 : i32
      %dma_start3A_668 = arith.constant 0 : i32
      %dma_start3A_669 = arith.constant 0 : i32
      %dma_start3A_670 = tpu.memref_slice %arg10[%dma_start3A_667, %dma_start3A_668, %dma_start3A_669] : memref<16x8x64xf32, #tpu.memory_space<vmem>> -> memref<1x8x64xf32, #tpu.memory_space<vmem>>
      %dma_start3A_671 = arith.constant 0 : i32
      %dma_start3A_672 = arith.constant 0 : i32
      %dma_start3A_673 = tpu.memref_slice %arg5[%reduce_sum3A_659, %dma_start3A_671, %dma_start3A_672] : memref<125000x8x64xf32, #tpu.memory_space<hbm>> -> memref<1x8x64xf32, #tpu.memory_space<hbm>>
      tpu.enqueue_dma source(%dma_start3A_673 : memref<1x8x64xf32, #tpu.memory_space<hbm>>) target(%dma_start3A_670 : memref<1x8x64xf32, #tpu.memory_space<vmem>>) target_semaphore(%arg12 : memref<!tpu.dma_semaphore, #tpu.memory_space<semaphore_mem>>)
      %iota3A_674 = tpu.iota {dimensions = array<i32: 0>} : vector<16xi32>
      %eq3A_675 = arith.constant 10 : i32
      %eq3A_676 = vector.broadcast %eq3A_675 : i32 to vector<16xi32>
      %eq3A_677 = arith.cmpi eq, %iota3A_674, %eq3A_676 : vector<16xi32>
      %jit3A_678 = arith.constant 0 : i32
      %broadcast_in_dim3A_679 = vector.broadcast %jit3A_678 : i32 to vector<16xi32>
      %select_n3A_680 = arith.select %eq3A_677, %get3A_423, %broadcast_in_dim3A_679 : vector<16xi1>, vector<16xi32>
      %reduce_sum3A_681 = arith.constant true
      %reduce_sum3A_682 = vector.broadcast %reduce_sum3A_681 : i1 to vector<16xi1>
      %reduce_sum3A_683 = tpu.scan <sum>, %select_n3A_680 masked %reduce_sum3A_682 : vector<16xi32>, vector<16xi1> -> vector<16xi32>
      %reduce_sum3A_684 = vector.extract %reduce_sum3A_683[15] : i32 from vector<16xi32>
      %dma_start3A_685 = arith.constant 10 : i32
      %dma_start3A_686 = arith.constant 0 : i32
      %dma_start3A_687 = arith.constant 0 : i32
      %dma_start3A_688 = tpu.memref_slice %arg10[%dma_start3A_685, %dma_start3A_686, %dma_start3A_687] : memref<16x8x64xf32, #tpu.memory_space<vmem>> -> memref<1x8x64xf32, #tpu.memory_space<vmem>>
      %dma_start3A_689 = arith.constant 0 : i32
      %dma_start3A_690 = arith.constant 0 : i32
      %dma_start3A_691 = tpu.memref_slice %arg5[%reduce_sum3A_684, %dma_start3A_689, %dma_start3A_690] : memref<125000x8x64xf32, #tpu.memory_space<hbm>> -> memref<1x8x64xf32, #tpu.memory_space<hbm>>
      %dma_start3A_692 = arith.constant 10 : i32
      %dma_start3A_693 = arith.constant 0 : i32
      %dma_start3A_694 = arith.constant 0 : i32
      %dma_start3A_695 = tpu.memref_slice %arg10[%dma_start3A_692, %dma_start3A_693, %dma_start3A_694] : memref<16x8x64xf32, #tpu.memory_space<vmem>> -> memref<1x8x64xf32, #tpu.memory_space<vmem>>
      %dma_start3A_696 = arith.constant 0 : i32
      %dma_start3A_697 = arith.constant 0 : i32
      %dma_start3A_698 = tpu.memref_slice %arg5[%reduce_sum3A_684, %dma_start3A_696, %dma_start3A_697] : memref<125000x8x64xf32, #tpu.memory_space<hbm>> -> memref<1x8x64xf32, #tpu.memory_space<hbm>>
      tpu.enqueue_dma source(%dma_start3A_698 : memref<1x8x64xf32, #tpu.memory_space<hbm>>) target(%dma_start3A_695 : memref<1x8x64xf32, #tpu.memory_space<vmem>>) target_semaphore(%arg12 : memref<!tpu.dma_semaphore, #tpu.memory_space<semaphore_mem>>)
      %iota3A_699 = tpu.iota {dimensions = array<i32: 0>} : vector<16xi32>
      %eq3A_700 = arith.constant 11 : i32
      %eq3A_701 = vector.broadcast %eq3A_700 : i32 to vector<16xi32>
      %eq3A_702 = arith.cmpi eq, %iota3A_699, %eq3A_701 : vector<16xi32>
      %jit3A_703 = arith.constant 0 : i32
      %broadcast_in_dim3A_704 = vector.broadcast %jit3A_703 : i32 to vector<16xi32>
      %select_n3A_705 = arith.select %eq3A_702, %get3A_423, %broadcast_in_dim3A_704 : vector<16xi1>, vector<16xi32>
      %reduce_sum3A_706 = arith.constant true
      %reduce_sum3A_707 = vector.broadcast %reduce_sum3A_706 : i1 to vector<16xi1>
      %reduce_sum3A_708 = tpu.scan <sum>, %select_n3A_705 masked %reduce_sum3A_707 : vector<16xi32>, vector<16xi1> -> vector<16xi32>
      %reduce_sum3A_709 = vector.extract %reduce_sum3A_708[15] : i32 from vector<16xi32>
      %dma_start3A_710 = arith.constant 11 : i32
      %dma_start3A_711 = arith.constant 0 : i32
      %dma_start3A_712 = arith.constant 0 : i32
      %dma_start3A_713 = tpu.memref_slice %arg10[%dma_start3A_710, %dma_start3A_711, %dma_start3A_712] : memref<16x8x64xf32, #tpu.memory_space<vmem>> -> memref<1x8x64xf32, #tpu.memory_space<vmem>>
      %dma_start3A_714 = arith.constant 0 : i32
      %dma_start3A_715 = arith.constant 0 : i32
      %dma_start3A_716 = tpu.memref_slice %arg5[%reduce_sum3A_709, %dma_start3A_714, %dma_start3A_715] : memref<125000x8x64xf32, #tpu.memory_space<hbm>> -> memref<1x8x64xf32, #tpu.memory_space<hbm>>
      %dma_start3A_717 = arith.constant 11 : i32
      %dma_start3A_718 = arith.constant 0 : i32
      %dma_start3A_719 = arith.constant 0 : i32
      %dma_start3A_720 = tpu.memref_slice %arg10[%dma_start3A_717, %dma_start3A_718, %dma_start3A_719] : memref<16x8x64xf32, #tpu.memory_space<vmem>> -> memref<1x8x64xf32, #tpu.memory_space<vmem>>
      %dma_start3A_721 = arith.constant 0 : i32
      %dma_start3A_722 = arith.constant 0 : i32
      %dma_start3A_723 = tpu.memref_slice %arg5[%reduce_sum3A_709, %dma_start3A_721, %dma_start3A_722] : memref<125000x8x64xf32, #tpu.memory_space<hbm>> -> memref<1x8x64xf32, #tpu.memory_space<hbm>>
      tpu.enqueue_dma source(%dma_start3A_723 : memref<1x8x64xf32, #tpu.memory_space<hbm>>) target(%dma_start3A_720 : memref<1x8x64xf32, #tpu.memory_space<vmem>>) target_semaphore(%arg12 : memref<!tpu.dma_semaphore, #tpu.memory_space<semaphore_mem>>)
      %iota3A_724 = tpu.iota {dimensions = array<i32: 0>} : vector<16xi32>
      %eq3A_725 = arith.constant 12 : i32
      %eq3A_726 = vector.broadcast %eq3A_725 : i32 to vector<16xi32>
      %eq3A_727 = arith.cmpi eq, %iota3A_724, %eq3A_726 : vector<16xi32>
      %jit3A_728 = arith.constant 0 : i32
      %broadcast_in_dim3A_729 = vector.broadcast %jit3A_728 : i32 to vector<16xi32>
      %select_n3A_730 = arith.select %eq3A_727, %get3A_423, %broadcast_in_dim3A_729 : vector<16xi1>, vector<16xi32>
      %reduce_sum3A_731 = arith.constant true
      %reduce_sum3A_732 = vector.broadcast %reduce_sum3A_731 : i1 to vector<16xi1>
      %reduce_sum3A_733 = tpu.scan <sum>, %select_n3A_730 masked %reduce_sum3A_732 : vector<16xi32>, vector<16xi1> -> vector<16xi32>
      %reduce_sum3A_734 = vector.extract %reduce_sum3A_733[15] : i32 from vector<16xi32>
      %dma_start3A_735 = arith.constant 12 : i32
      %dma_start3A_736 = arith.constant 0 : i32
      %dma_start3A_737 = arith.constant 0 : i32
      %dma_start3A_738 = tpu.memref_slice %arg10[%dma_start3A_735, %dma_start3A_736, %dma_start3A_737] : memref<16x8x64xf32, #tpu.memory_space<vmem>> -> memref<1x8x64xf32, #tpu.memory_space<vmem>>
      %dma_start3A_739 = arith.constant 0 : i32
      %dma_start3A_740 = arith.constant 0 : i32
      %dma_start3A_741 = tpu.memref_slice %arg5[%reduce_sum3A_734, %dma_start3A_739, %dma_start3A_740] : memref<125000x8x64xf32, #tpu.memory_space<hbm>> -> memref<1x8x64xf32, #tpu.memory_space<hbm>>
      %dma_start3A_742 = arith.constant 12 : i32
      %dma_start3A_743 = arith.constant 0 : i32
      %dma_start3A_744 = arith.constant 0 : i32
      %dma_start3A_745 = tpu.memref_slice %arg10[%dma_start3A_742, %dma_start3A_743, %dma_start3A_744] : memref<16x8x64xf32, #tpu.memory_space<vmem>> -> memref<1x8x64xf32, #tpu.memory_space<vmem>>
      %dma_start3A_746 = arith.constant 0 : i32
      %dma_start3A_747 = arith.constant 0 : i32
      %dma_start3A_748 = tpu.memref_slice %arg5[%reduce_sum3A_734, %dma_start3A_746, %dma_start3A_747] : memref<125000x8x64xf32, #tpu.memory_space<hbm>> -> memref<1x8x64xf32, #tpu.memory_space<hbm>>
      tpu.enqueue_dma source(%dma_start3A_748 : memref<1x8x64xf32, #tpu.memory_space<hbm>>) target(%dma_start3A_745 : memref<1x8x64xf32, #tpu.memory_space<vmem>>) target_semaphore(%arg12 : memref<!tpu.dma_semaphore, #tpu.memory_space<semaphore_mem>>)
      %iota3A_749 = tpu.iota {dimensions = array<i32: 0>} : vector<16xi32>
      %eq3A_750 = arith.constant 13 : i32
      %eq3A_751 = vector.broadcast %eq3A_750 : i32 to vector<16xi32>
      %eq3A_752 = arith.cmpi eq, %iota3A_749, %eq3A_751 : vector<16xi32>
      %jit3A_753 = arith.constant 0 : i32
      %broadcast_in_dim3A_754 = vector.broadcast %jit3A_753 : i32 to vector<16xi32>
      %select_n3A_755 = arith.select %eq3A_752, %get3A_423, %broadcast_in_dim3A_754 : vector<16xi1>, vector<16xi32>
      %reduce_sum3A_756 = arith.constant true
      %reduce_sum3A_757 = vector.broadcast %reduce_sum3A_756 : i1 to vector<16xi1>
      %reduce_sum3A_758 = tpu.scan <sum>, %select_n3A_755 masked %reduce_sum3A_757 : vector<16xi32>, vector<16xi1> -> vector<16xi32>
      %reduce_sum3A_759 = vector.extract %reduce_sum3A_758[15] : i32 from vector<16xi32>
      %dma_start3A_760 = arith.constant 13 : i32
      %dma_start3A_761 = arith.constant 0 : i32
      %dma_start3A_762 = arith.constant 0 : i32
      %dma_start3A_763 = tpu.memref_slice %arg10[%dma_start3A_760, %dma_start3A_761, %dma_start3A_762] : memref<16x8x64xf32, #tpu.memory_space<vmem>> -> memref<1x8x64xf32, #tpu.memory_space<vmem>>
      %dma_start3A_764 = arith.constant 0 : i32
      %dma_start3A_765 = arith.constant 0 : i32
      %dma_start3A_766 = tpu.memref_slice %arg5[%reduce_sum3A_759, %dma_start3A_764, %dma_start3A_765] : memref<125000x8x64xf32, #tpu.memory_space<hbm>> -> memref<1x8x64xf32, #tpu.memory_space<hbm>>
      %dma_start3A_767 = arith.constant 13 : i32
      %dma_start3A_768 = arith.constant 0 : i32
      %dma_start3A_769 = arith.constant 0 : i32
      %dma_start3A_770 = tpu.memref_slice %arg10[%dma_start3A_767, %dma_start3A_768, %dma_start3A_769] : memref<16x8x64xf32, #tpu.memory_space<vmem>> -> memref<1x8x64xf32, #tpu.memory_space<vmem>>
      %dma_start3A_771 = arith.constant 0 : i32
      %dma_start3A_772 = arith.constant 0 : i32
      %dma_start3A_773 = tpu.memref_slice %arg5[%reduce_sum3A_759, %dma_start3A_771, %dma_start3A_772] : memref<125000x8x64xf32, #tpu.memory_space<hbm>> -> memref<1x8x64xf32, #tpu.memory_space<hbm>>
      tpu.enqueue_dma source(%dma_start3A_773 : memref<1x8x64xf32, #tpu.memory_space<hbm>>) target(%dma_start3A_770 : memref<1x8x64xf32, #tpu.memory_space<vmem>>) target_semaphore(%arg12 : memref<!tpu.dma_semaphore, #tpu.memory_space<semaphore_mem>>)
      %iota3A_774 = tpu.iota {dimensions = array<i32: 0>} : vector<16xi32>
      %eq3A_775 = arith.constant 14 : i32
      %eq3A_776 = vector.broadcast %eq3A_775 : i32 to vector<16xi32>
      %eq3A_777 = arith.cmpi eq, %iota3A_774, %eq3A_776 : vector<16xi32>
      %jit3A_778 = arith.constant 0 : i32
      %broadcast_in_dim3A_779 = vector.broadcast %jit3A_778 : i32 to vector<16xi32>
      %select_n3A_780 = arith.select %eq3A_777, %get3A_423, %broadcast_in_dim3A_779 : vector<16xi1>, vector<16xi32>
      %reduce_sum3A_781 = arith.constant true
      %reduce_sum3A_782 = vector.broadcast %reduce_sum3A_781 : i1 to vector<16xi1>
      %reduce_sum3A_783 = tpu.scan <sum>, %select_n3A_780 masked %reduce_sum3A_782 : vector<16xi32>, vector<16xi1> -> vector<16xi32>
      %reduce_sum3A_784 = vector.extract %reduce_sum3A_783[15] : i32 from vector<16xi32>
      %dma_start3A_785 = arith.constant 14 : i32
      %dma_start3A_786 = arith.constant 0 : i32
      %dma_start3A_787 = arith.constant 0 : i32
      %dma_start3A_788 = tpu.memref_slice %arg10[%dma_start3A_785, %dma_start3A_786, %dma_start3A_787] : memref<16x8x64xf32, #tpu.memory_space<vmem>> -> memref<1x8x64xf32, #tpu.memory_space<vmem>>
      %dma_start3A_789 = arith.constant 0 : i32
      %dma_start3A_790 = arith.constant 0 : i32
      %dma_start3A_791 = tpu.memref_slice %arg5[%reduce_sum3A_784, %dma_start3A_789, %dma_start3A_790] : memref<125000x8x64xf32, #tpu.memory_space<hbm>> -> memref<1x8x64xf32, #tpu.memory_space<hbm>>
      %dma_start3A_792 = arith.constant 14 : i32
      %dma_start3A_793 = arith.constant 0 : i32
      %dma_start3A_794 = arith.constant 0 : i32
      %dma_start3A_795 = tpu.memref_slice %arg10[%dma_start3A_792, %dma_start3A_793, %dma_start3A_794] : memref<16x8x64xf32, #tpu.memory_space<vmem>> -> memref<1x8x64xf32, #tpu.memory_space<vmem>>
      %dma_start3A_796 = arith.constant 0 : i32
      %dma_start3A_797 = arith.constant 0 : i32
      %dma_start3A_798 = tpu.memref_slice %arg5[%reduce_sum3A_784, %dma_start3A_796, %dma_start3A_797] : memref<125000x8x64xf32, #tpu.memory_space<hbm>> -> memref<1x8x64xf32, #tpu.memory_space<hbm>>
      tpu.enqueue_dma source(%dma_start3A_798 : memref<1x8x64xf32, #tpu.memory_space<hbm>>) target(%dma_start3A_795 : memref<1x8x64xf32, #tpu.memory_space<vmem>>) target_semaphore(%arg12 : memref<!tpu.dma_semaphore, #tpu.memory_space<semaphore_mem>>)
      %iota3A_799 = tpu.iota {dimensions = array<i32: 0>} : vector<16xi32>
      %eq3A_800 = arith.constant 15 : i32
      %eq3A_801 = vector.broadcast %eq3A_800 : i32 to vector<16xi32>
      %eq3A_802 = arith.cmpi eq, %iota3A_799, %eq3A_801 : vector<16xi32>
      %jit3A_803 = arith.constant 0 : i32
      %broadcast_in_dim3A_804 = vector.broadcast %jit3A_803 : i32 to vector<16xi32>
      %select_n3A_805 = arith.select %eq3A_802, %get3A_423, %broadcast_in_dim3A_804 : vector<16xi1>, vector<16xi32>
      %reduce_sum3A_806 = arith.constant true
      %reduce_sum3A_807 = vector.broadcast %reduce_sum3A_806 : i1 to vector<16xi1>
      %reduce_sum3A_808 = tpu.scan <sum>, %select_n3A_805 masked %reduce_sum3A_807 : vector<16xi32>, vector<16xi1> -> vector<16xi32>
      %reduce_sum3A_809 = vector.extract %reduce_sum3A_808[15] : i32 from vector<16xi32>
      %dma_start3A_810 = arith.constant 15 : i32
      %dma_start3A_811 = arith.constant 0 : i32
      %dma_start3A_812 = arith.constant 0 : i32
      %dma_start3A_813 = tpu.memref_slice %arg10[%dma_start3A_810, %dma_start3A_811, %dma_start3A_812] : memref<16x8x64xf32, #tpu.memory_space<vmem>> -> memref<1x8x64xf32, #tpu.memory_space<vmem>>
      %dma_start3A_814 = arith.constant 0 : i32
      %dma_start3A_815 = arith.constant 0 : i32
      %dma_start3A_816 = tpu.memref_slice %arg5[%reduce_sum3A_809, %dma_start3A_814, %dma_start3A_815] : memref<125000x8x64xf32, #tpu.memory_space<hbm>> -> memref<1x8x64xf32, #tpu.memory_space<hbm>>
      %dma_start3A_817 = arith.constant 15 : i32
      %dma_start3A_818 = arith.constant 0 : i32
      %dma_start3A_819 = arith.constant 0 : i32
      %dma_start3A_820 = tpu.memref_slice %arg10[%dma_start3A_817, %dma_start3A_818, %dma_start3A_819] : memref<16x8x64xf32, #tpu.memory_space<vmem>> -> memref<1x8x64xf32, #tpu.memory_space<vmem>>
      %dma_start3A_821 = arith.constant 0 : i32
      %dma_start3A_822 = arith.constant 0 : i32
      %dma_start3A_823 = tpu.memref_slice %arg5[%reduce_sum3A_809, %dma_start3A_821, %dma_start3A_822] : memref<125000x8x64xf32, #tpu.memory_space<hbm>> -> memref<1x8x64xf32, #tpu.memory_space<hbm>>
      tpu.enqueue_dma source(%dma_start3A_823 : memref<1x8x64xf32, #tpu.memory_space<hbm>>) target(%dma_start3A_820 : memref<1x8x64xf32, #tpu.memory_space<vmem>>) target_semaphore(%arg12 : memref<!tpu.dma_semaphore, #tpu.memory_space<semaphore_mem>>)
      %mul3A_824 = arith.constant 2 : i32
      %mul3A_825 = arith.muli %mul3A_824, %scan3A_16 : i32
      %dma_wait3A = arith.constant 0 : i32
      %dma_wait3A_826 = arith.constant 0 : i32
      %dma_wait3A_827 = arith.constant 0 : i32
      %dma_wait3A_828 = tpu.memref_slice %arg9[%dma_wait3A, %dma_wait3A_826, %dma_wait3A_827] : memref<16x8x64xf32, #tpu.memory_space<vmem>> -> memref<1x8x64xf32, #tpu.memory_space<vmem>>
      %dma_wait3A_829 = arith.constant 0 : i32
      %dma_wait3A_830 = arith.constant 0 : i32
      %dma_wait3A_831 = tpu.memref_slice %arg5[%reduce_sum3A_27, %dma_wait3A_829, %dma_wait3A_830] : memref<125000x8x64xf32, #tpu.memory_space<hbm>> -> memref<1x8x64xf32, #tpu.memory_space<hbm>>
      %dma_wait3A_832 = arith.constant 0 : i32
      %dma_wait3A_833 = arith.constant 0 : i32
      %dma_wait3A_834 = arith.constant 0 : i32
      %dma_wait3A_835 = tpu.memref_slice %arg9[%dma_wait3A_832, %dma_wait3A_833, %dma_wait3A_834] : memref<16x8x64xf32, #tpu.memory_space<vmem>> -> memref<1x8x64xf32, #tpu.memory_space<vmem>>
      %dma_wait3A_836 = arith.constant 0 : i32
      %dma_wait3A_837 = arith.constant 0 : i32
      %dma_wait3A_838 = tpu.memref_slice %arg5[%reduce_sum3A_27, %dma_wait3A_836, %dma_wait3A_837] : memref<125000x8x64xf32, #tpu.memory_space<hbm>> -> memref<1x8x64xf32, #tpu.memory_space<hbm>>
      tpu.wait_dma2 semaphore(%arg11 : memref<!tpu.dma_semaphore, #tpu.memory_space<semaphore_mem>>) src(%dma_wait3A_838 : memref<1x8x64xf32, #tpu.memory_space<hbm>>) dst(%dma_wait3A_835 : memref<1x8x64xf32, #tpu.memory_space<vmem>>)
      %dma_wait3A_839 = arith.constant 1 : i32
      %dma_wait3A_840 = arith.constant 0 : i32
      %dma_wait3A_841 = arith.constant 0 : i32
      %dma_wait3A_842 = tpu.memref_slice %arg9[%dma_wait3A_839, %dma_wait3A_840, %dma_wait3A_841] : memref<16x8x64xf32, #tpu.memory_space<vmem>> -> memref<1x8x64xf32, #tpu.memory_space<vmem>>
      %dma_wait3A_843 = arith.constant 0 : i32
      %dma_wait3A_844 = arith.constant 0 : i32
      %dma_wait3A_845 = tpu.memref_slice %arg5[%reduce_sum3A_51, %dma_wait3A_843, %dma_wait3A_844] : memref<125000x8x64xf32, #tpu.memory_space<hbm>> -> memref<1x8x64xf32, #tpu.memory_space<hbm>>
      %dma_wait3A_846 = arith.constant 1 : i32
      %dma_wait3A_847 = arith.constant 0 : i32
      %dma_wait3A_848 = arith.constant 0 : i32
      %dma_wait3A_849 = tpu.memref_slice %arg9[%dma_wait3A_846, %dma_wait3A_847, %dma_wait3A_848] : memref<16x8x64xf32, #tpu.memory_space<vmem>> -> memref<1x8x64xf32, #tpu.memory_space<vmem>>
      %dma_wait3A_850 = arith.constant 0 : i32
      %dma_wait3A_851 = arith.constant 0 : i32
      %dma_wait3A_852 = tpu.memref_slice %arg5[%reduce_sum3A_51, %dma_wait3A_850, %dma_wait3A_851] : memref<125000x8x64xf32, #tpu.memory_space<hbm>> -> memref<1x8x64xf32, #tpu.memory_space<hbm>>
      tpu.wait_dma2 semaphore(%arg11 : memref<!tpu.dma_semaphore, #tpu.memory_space<semaphore_mem>>) src(%dma_wait3A_852 : memref<1x8x64xf32, #tpu.memory_space<hbm>>) dst(%dma_wait3A_849 : memref<1x8x64xf32, #tpu.memory_space<vmem>>)
      %dma_wait3A_853 = arith.constant 2 : i32
      %dma_wait3A_854 = arith.constant 0 : i32
      %dma_wait3A_855 = arith.constant 0 : i32
      %dma_wait3A_856 = tpu.memref_slice %arg9[%dma_wait3A_853, %dma_wait3A_854, %dma_wait3A_855] : memref<16x8x64xf32, #tpu.memory_space<vmem>> -> memref<1x8x64xf32, #tpu.memory_space<vmem>>
      %dma_wait3A_857 = arith.constant 0 : i32
      %dma_wait3A_858 = arith.constant 0 : i32
      %dma_wait3A_859 = tpu.memref_slice %arg5[%reduce_sum3A_76, %dma_wait3A_857, %dma_wait3A_858] : memref<125000x8x64xf32, #tpu.memory_space<hbm>> -> memref<1x8x64xf32, #tpu.memory_space<hbm>>
      %dma_wait3A_860 = arith.constant 2 : i32
      %dma_wait3A_861 = arith.constant 0 : i32
      %dma_wait3A_862 = arith.constant 0 : i32
      %dma_wait3A_863 = tpu.memref_slice %arg9[%dma_wait3A_860, %dma_wait3A_861, %dma_wait3A_862] : memref<16x8x64xf32, #tpu.memory_space<vmem>> -> memref<1x8x64xf32, #tpu.memory_space<vmem>>
      %dma_wait3A_864 = arith.constant 0 : i32
      %dma_wait3A_865 = arith.constant 0 : i32
      %dma_wait3A_866 = tpu.memref_slice %arg5[%reduce_sum3A_76, %dma_wait3A_864, %dma_wait3A_865] : memref<125000x8x64xf32, #tpu.memory_space<hbm>> -> memref<1x8x64xf32, #tpu.memory_space<hbm>>
      tpu.wait_dma2 semaphore(%arg11 : memref<!tpu.dma_semaphore, #tpu.memory_space<semaphore_mem>>) src(%dma_wait3A_866 : memref<1x8x64xf32, #tpu.memory_space<hbm>>) dst(%dma_wait3A_863 : memref<1x8x64xf32, #tpu.memory_space<vmem>>)
      %dma_wait3A_867 = arith.constant 3 : i32
      %dma_wait3A_868 = arith.constant 0 : i32
      %dma_wait3A_869 = arith.constant 0 : i32
      %dma_wait3A_870 = tpu.memref_slice %arg9[%dma_wait3A_867, %dma_wait3A_868, %dma_wait3A_869] : memref<16x8x64xf32, #tpu.memory_space<vmem>> -> memref<1x8x64xf32, #tpu.memory_space<vmem>>
      %dma_wait3A_871 = arith.constant 0 : i32
      %dma_wait3A_872 = arith.constant 0 : i32
      %dma_wait3A_873 = tpu.memref_slice %arg5[%reduce_sum3A_101, %dma_wait3A_871, %dma_wait3A_872] : memref<125000x8x64xf32, #tpu.memory_space<hbm>> -> memref<1x8x64xf32, #tpu.memory_space<hbm>>
      %dma_wait3A_874 = arith.constant 3 : i32
      %dma_wait3A_875 = arith.constant 0 : i32
      %dma_wait3A_876 = arith.constant 0 : i32
      %dma_wait3A_877 = tpu.memref_slice %arg9[%dma_wait3A_874, %dma_wait3A_875, %dma_wait3A_876] : memref<16x8x64xf32, #tpu.memory_space<vmem>> -> memref<1x8x64xf32, #tpu.memory_space<vmem>>
      %dma_wait3A_878 = arith.constant 0 : i32
      %dma_wait3A_879 = arith.constant 0 : i32
      %dma_wait3A_880 = tpu.memref_slice %arg5[%reduce_sum3A_101, %dma_wait3A_878, %dma_wait3A_879] : memref<125000x8x64xf32, #tpu.memory_space<hbm>> -> memref<1x8x64xf32, #tpu.memory_space<hbm>>
      tpu.wait_dma2 semaphore(%arg11 : memref<!tpu.dma_semaphore, #tpu.memory_space<semaphore_mem>>) src(%dma_wait3A_880 : memref<1x8x64xf32, #tpu.memory_space<hbm>>) dst(%dma_wait3A_877 : memref<1x8x64xf32, #tpu.memory_space<vmem>>)
      %dma_wait3A_881 = arith.constant 4 : i32
      %dma_wait3A_882 = arith.constant 0 : i32
      %dma_wait3A_883 = arith.constant 0 : i32
      %dma_wait3A_884 = tpu.memref_slice %arg9[%dma_wait3A_881, %dma_wait3A_882, %dma_wait3A_883] : memref<16x8x64xf32, #tpu.memory_space<vmem>> -> memref<1x8x64xf32, #tpu.memory_space<vmem>>
      %dma_wait3A_885 = arith.constant 0 : i32
      %dma_wait3A_886 = arith.constant 0 : i32
      %dma_wait3A_887 = tpu.memref_slice %arg5[%reduce_sum3A_126, %dma_wait3A_885, %dma_wait3A_886] : memref<125000x8x64xf32, #tpu.memory_space<hbm>> -> memref<1x8x64xf32, #tpu.memory_space<hbm>>
      %dma_wait3A_888 = arith.constant 4 : i32
      %dma_wait3A_889 = arith.constant 0 : i32
      %dma_wait3A_890 = arith.constant 0 : i32
      %dma_wait3A_891 = tpu.memref_slice %arg9[%dma_wait3A_888, %dma_wait3A_889, %dma_wait3A_890] : memref<16x8x64xf32, #tpu.memory_space<vmem>> -> memref<1x8x64xf32, #tpu.memory_space<vmem>>
      %dma_wait3A_892 = arith.constant 0 : i32
      %dma_wait3A_893 = arith.constant 0 : i32
      %dma_wait3A_894 = tpu.memref_slice %arg5[%reduce_sum3A_126, %dma_wait3A_892, %dma_wait3A_893] : memref<125000x8x64xf32, #tpu.memory_space<hbm>> -> memref<1x8x64xf32, #tpu.memory_space<hbm>>
      tpu.wait_dma2 semaphore(%arg11 : memref<!tpu.dma_semaphore, #tpu.memory_space<semaphore_mem>>) src(%dma_wait3A_894 : memref<1x8x64xf32, #tpu.memory_space<hbm>>) dst(%dma_wait3A_891 : memref<1x8x64xf32, #tpu.memory_space<vmem>>)
      %dma_wait3A_895 = arith.constant 5 : i32
      %dma_wait3A_896 = arith.constant 0 : i32
      %dma_wait3A_897 = arith.constant 0 : i32
      %dma_wait3A_898 = tpu.memref_slice %arg9[%dma_wait3A_895, %dma_wait3A_896, %dma_wait3A_897] : memref<16x8x64xf32, #tpu.memory_space<vmem>> -> memref<1x8x64xf32, #tpu.memory_space<vmem>>
      %dma_wait3A_899 = arith.constant 0 : i32
      %dma_wait3A_900 = arith.constant 0 : i32
      %dma_wait3A_901 = tpu.memref_slice %arg5[%reduce_sum3A_151, %dma_wait3A_899, %dma_wait3A_900] : memref<125000x8x64xf32, #tpu.memory_space<hbm>> -> memref<1x8x64xf32, #tpu.memory_space<hbm>>
      %dma_wait3A_902 = arith.constant 5 : i32
      %dma_wait3A_903 = arith.constant 0 : i32
      %dma_wait3A_904 = arith.constant 0 : i32
      %dma_wait3A_905 = tpu.memref_slice %arg9[%dma_wait3A_902, %dma_wait3A_903, %dma_wait3A_904] : memref<16x8x64xf32, #tpu.memory_space<vmem>> -> memref<1x8x64xf32, #tpu.memory_space<vmem>>
      %dma_wait3A_906 = arith.constant 0 : i32
      %dma_wait3A_907 = arith.constant 0 : i32
      %dma_wait3A_908 = tpu.memref_slice %arg5[%reduce_sum3A_151, %dma_wait3A_906, %dma_wait3A_907] : memref<125000x8x64xf32, #tpu.memory_space<hbm>> -> memref<1x8x64xf32, #tpu.memory_space<hbm>>
      tpu.wait_dma2 semaphore(%arg11 : memref<!tpu.dma_semaphore, #tpu.memory_space<semaphore_mem>>) src(%dma_wait3A_908 : memref<1x8x64xf32, #tpu.memory_space<hbm>>) dst(%dma_wait3A_905 : memref<1x8x64xf32, #tpu.memory_space<vmem>>)
      %dma_wait3A_909 = arith.constant 6 : i32
      %dma_wait3A_910 = arith.constant 0 : i32
      %dma_wait3A_911 = arith.constant 0 : i32
      %dma_wait3A_912 = tpu.memref_slice %arg9[%dma_wait3A_909, %dma_wait3A_910, %dma_wait3A_911] : memref<16x8x64xf32, #tpu.memory_space<vmem>> -> memref<1x8x64xf32, #tpu.memory_space<vmem>>
      %dma_wait3A_913 = arith.constant 0 : i32
      %dma_wait3A_914 = arith.constant 0 : i32
      %dma_wait3A_915 = tpu.memref_slice %arg5[%reduce_sum3A_176, %dma_wait3A_913, %dma_wait3A_914] : memref<125000x8x64xf32, #tpu.memory_space<hbm>> -> memref<1x8x64xf32, #tpu.memory_space<hbm>>
      %dma_wait3A_916 = arith.constant 6 : i32
      %dma_wait3A_917 = arith.constant 0 : i32
      %dma_wait3A_918 = arith.constant 0 : i32
      %dma_wait3A_919 = tpu.memref_slice %arg9[%dma_wait3A_916, %dma_wait3A_917, %dma_wait3A_918] : memref<16x8x64xf32, #tpu.memory_space<vmem>> -> memref<1x8x64xf32, #tpu.memory_space<vmem>>
      %dma_wait3A_920 = arith.constant 0 : i32
      %dma_wait3A_921 = arith.constant 0 : i32
      %dma_wait3A_922 = tpu.memref_slice %arg5[%reduce_sum3A_176, %dma_wait3A_920, %dma_wait3A_921] : memref<125000x8x64xf32, #tpu.memory_space<hbm>> -> memref<1x8x64xf32, #tpu.memory_space<hbm>>
      tpu.wait_dma2 semaphore(%arg11 : memref<!tpu.dma_semaphore, #tpu.memory_space<semaphore_mem>>) src(%dma_wait3A_922 : memref<1x8x64xf32, #tpu.memory_space<hbm>>) dst(%dma_wait3A_919 : memref<1x8x64xf32, #tpu.memory_space<vmem>>)
      %dma_wait3A_923 = arith.constant 7 : i32
      %dma_wait3A_924 = arith.constant 0 : i32
      %dma_wait3A_925 = arith.constant 0 : i32
      %dma_wait3A_926 = tpu.memref_slice %arg9[%dma_wait3A_923, %dma_wait3A_924, %dma_wait3A_925] : memref<16x8x64xf32, #tpu.memory_space<vmem>> -> memref<1x8x64xf32, #tpu.memory_space<vmem>>
      %dma_wait3A_927 = arith.constant 0 : i32
      %dma_wait3A_928 = arith.constant 0 : i32
      %dma_wait3A_929 = tpu.memref_slice %arg5[%reduce_sum3A_201, %dma_wait3A_927, %dma_wait3A_928] : memref<125000x8x64xf32, #tpu.memory_space<hbm>> -> memref<1x8x64xf32, #tpu.memory_space<hbm>>
      %dma_wait3A_930 = arith.constant 7 : i32
      %dma_wait3A_931 = arith.constant 0 : i32
      %dma_wait3A_932 = arith.constant 0 : i32
      %dma_wait3A_933 = tpu.memref_slice %arg9[%dma_wait3A_930, %dma_wait3A_931, %dma_wait3A_932] : memref<16x8x64xf32, #tpu.memory_space<vmem>> -> memref<1x8x64xf32, #tpu.memory_space<vmem>>
      %dma_wait3A_934 = arith.constant 0 : i32
      %dma_wait3A_935 = arith.constant 0 : i32
      %dma_wait3A_936 = tpu.memref_slice %arg5[%reduce_sum3A_201, %dma_wait3A_934, %dma_wait3A_935] : memref<125000x8x64xf32, #tpu.memory_space<hbm>> -> memref<1x8x64xf32, #tpu.memory_space<hbm>>
      tpu.wait_dma2 semaphore(%arg11 : memref<!tpu.dma_semaphore, #tpu.memory_space<semaphore_mem>>) src(%dma_wait3A_936 : memref<1x8x64xf32, #tpu.memory_space<hbm>>) dst(%dma_wait3A_933 : memref<1x8x64xf32, #tpu.memory_space<vmem>>)
      %dma_wait3A_937 = arith.constant 8 : i32
      %dma_wait3A_938 = arith.constant 0 : i32
      %dma_wait3A_939 = arith.constant 0 : i32
      %dma_wait3A_940 = tpu.memref_slice %arg9[%dma_wait3A_937, %dma_wait3A_938, %dma_wait3A_939] : memref<16x8x64xf32, #tpu.memory_space<vmem>> -> memref<1x8x64xf32, #tpu.memory_space<vmem>>
      %dma_wait3A_941 = arith.constant 0 : i32
      %dma_wait3A_942 = arith.constant 0 : i32
      %dma_wait3A_943 = tpu.memref_slice %arg5[%reduce_sum3A_226, %dma_wait3A_941, %dma_wait3A_942] : memref<125000x8x64xf32, #tpu.memory_space<hbm>> -> memref<1x8x64xf32, #tpu.memory_space<hbm>>
      %dma_wait3A_944 = arith.constant 8 : i32
      %dma_wait3A_945 = arith.constant 0 : i32
      %dma_wait3A_946 = arith.constant 0 : i32
      %dma_wait3A_947 = tpu.memref_slice %arg9[%dma_wait3A_944, %dma_wait3A_945, %dma_wait3A_946] : memref<16x8x64xf32, #tpu.memory_space<vmem>> -> memref<1x8x64xf32, #tpu.memory_space<vmem>>
      %dma_wait3A_948 = arith.constant 0 : i32
      %dma_wait3A_949 = arith.constant 0 : i32
      %dma_wait3A_950 = tpu.memref_slice %arg5[%reduce_sum3A_226, %dma_wait3A_948, %dma_wait3A_949] : memref<125000x8x64xf32, #tpu.memory_space<hbm>> -> memref<1x8x64xf32, #tpu.memory_space<hbm>>
      tpu.wait_dma2 semaphore(%arg11 : memref<!tpu.dma_semaphore, #tpu.memory_space<semaphore_mem>>) src(%dma_wait3A_950 : memref<1x8x64xf32, #tpu.memory_space<hbm>>) dst(%dma_wait3A_947 : memref<1x8x64xf32, #tpu.memory_space<vmem>>)
      %dma_wait3A_951 = arith.constant 9 : i32
      %dma_wait3A_952 = arith.constant 0 : i32
      %dma_wait3A_953 = arith.constant 0 : i32
      %dma_wait3A_954 = tpu.memref_slice %arg9[%dma_wait3A_951, %dma_wait3A_952, %dma_wait3A_953] : memref<16x8x64xf32, #tpu.memory_space<vmem>> -> memref<1x8x64xf32, #tpu.memory_space<vmem>>
      %dma_wait3A_955 = arith.constant 0 : i32
      %dma_wait3A_956 = arith.constant 0 : i32
      %dma_wait3A_957 = tpu.memref_slice %arg5[%reduce_sum3A_251, %dma_wait3A_955, %dma_wait3A_956] : memref<125000x8x64xf32, #tpu.memory_space<hbm>> -> memref<1x8x64xf32, #tpu.memory_space<hbm>>
      %dma_wait3A_958 = arith.constant 9 : i32
      %dma_wait3A_959 = arith.constant 0 : i32
      %dma_wait3A_960 = arith.constant 0 : i32
      %dma_wait3A_961 = tpu.memref_slice %arg9[%dma_wait3A_958, %dma_wait3A_959, %dma_wait3A_960] : memref<16x8x64xf32, #tpu.memory_space<vmem>> -> memref<1x8x64xf32, #tpu.memory_space<vmem>>
      %dma_wait3A_962 = arith.constant 0 : i32
      %dma_wait3A_963 = arith.constant 0 : i32
      %dma_wait3A_964 = tpu.memref_slice %arg5[%reduce_sum3A_251, %dma_wait3A_962, %dma_wait3A_963] : memref<125000x8x64xf32, #tpu.memory_space<hbm>> -> memref<1x8x64xf32, #tpu.memory_space<hbm>>
      tpu.wait_dma2 semaphore(%arg11 : memref<!tpu.dma_semaphore, #tpu.memory_space<semaphore_mem>>) src(%dma_wait3A_964 : memref<1x8x64xf32, #tpu.memory_space<hbm>>) dst(%dma_wait3A_961 : memref<1x8x64xf32, #tpu.memory_space<vmem>>)
      %dma_wait3A_965 = arith.constant 10 : i32
      %dma_wait3A_966 = arith.constant 0 : i32
      %dma_wait3A_967 = arith.constant 0 : i32
      %dma_wait3A_968 = tpu.memref_slice %arg9[%dma_wait3A_965, %dma_wait3A_966, %dma_wait3A_967] : memref<16x8x64xf32, #tpu.memory_space<vmem>> -> memref<1x8x64xf32, #tpu.memory_space<vmem>>
      %dma_wait3A_969 = arith.constant 0 : i32
      %dma_wait3A_970 = arith.constant 0 : i32
      %dma_wait3A_971 = tpu.memref_slice %arg5[%reduce_sum3A_276, %dma_wait3A_969, %dma_wait3A_970] : memref<125000x8x64xf32, #tpu.memory_space<hbm>> -> memref<1x8x64xf32, #tpu.memory_space<hbm>>
      %dma_wait3A_972 = arith.constant 10 : i32
      %dma_wait3A_973 = arith.constant 0 : i32
      %dma_wait3A_974 = arith.constant 0 : i32
      %dma_wait3A_975 = tpu.memref_slice %arg9[%dma_wait3A_972, %dma_wait3A_973, %dma_wait3A_974] : memref<16x8x64xf32, #tpu.memory_space<vmem>> -> memref<1x8x64xf32, #tpu.memory_space<vmem>>
      %dma_wait3A_976 = arith.constant 0 : i32
      %dma_wait3A_977 = arith.constant 0 : i32
      %dma_wait3A_978 = tpu.memref_slice %arg5[%reduce_sum3A_276, %dma_wait3A_976, %dma_wait3A_977] : memref<125000x8x64xf32, #tpu.memory_space<hbm>> -> memref<1x8x64xf32, #tpu.memory_space<hbm>>
      tpu.wait_dma2 semaphore(%arg11 : memref<!tpu.dma_semaphore, #tpu.memory_space<semaphore_mem>>) src(%dma_wait3A_978 : memref<1x8x64xf32, #tpu.memory_space<hbm>>) dst(%dma_wait3A_975 : memref<1x8x64xf32, #tpu.memory_space<vmem>>)
      %dma_wait3A_979 = arith.constant 11 : i32
      %dma_wait3A_980 = arith.constant 0 : i32
      %dma_wait3A_981 = arith.constant 0 : i32
      %dma_wait3A_982 = tpu.memref_slice %arg9[%dma_wait3A_979, %dma_wait3A_980, %dma_wait3A_981] : memref<16x8x64xf32, #tpu.memory_space<vmem>> -> memref<1x8x64xf32, #tpu.memory_space<vmem>>
      %dma_wait3A_983 = arith.constant 0 : i32
      %dma_wait3A_984 = arith.constant 0 : i32
      %dma_wait3A_985 = tpu.memref_slice %arg5[%reduce_sum3A_301, %dma_wait3A_983, %dma_wait3A_984] : memref<125000x8x64xf32, #tpu.memory_space<hbm>> -> memref<1x8x64xf32, #tpu.memory_space<hbm>>
      %dma_wait3A_986 = arith.constant 11 : i32
      %dma_wait3A_987 = arith.constant 0 : i32
      %dma_wait3A_988 = arith.constant 0 : i32
      %dma_wait3A_989 = tpu.memref_slice %arg9[%dma_wait3A_986, %dma_wait3A_987, %dma_wait3A_988] : memref<16x8x64xf32, #tpu.memory_space<vmem>> -> memref<1x8x64xf32, #tpu.memory_space<vmem>>
      %dma_wait3A_990 = arith.constant 0 : i32
      %dma_wait3A_991 = arith.constant 0 : i32
      %dma_wait3A_992 = tpu.memref_slice %arg5[%reduce_sum3A_301, %dma_wait3A_990, %dma_wait3A_991] : memref<125000x8x64xf32, #tpu.memory_space<hbm>> -> memref<1x8x64xf32, #tpu.memory_space<hbm>>
      tpu.wait_dma2 semaphore(%arg11 : memref<!tpu.dma_semaphore, #tpu.memory_space<semaphore_mem>>) src(%dma_wait3A_992 : memref<1x8x64xf32, #tpu.memory_space<hbm>>) dst(%dma_wait3A_989 : memref<1x8x64xf32, #tpu.memory_space<vmem>>)
      %dma_wait3A_993 = arith.constant 12 : i32
      %dma_wait3A_994 = arith.constant 0 : i32
      %dma_wait3A_995 = arith.constant 0 : i32
      %dma_wait3A_996 = tpu.memref_slice %arg9[%dma_wait3A_993, %dma_wait3A_994, %dma_wait3A_995] : memref<16x8x64xf32, #tpu.memory_space<vmem>> -> memref<1x8x64xf32, #tpu.memory_space<vmem>>
      %dma_wait3A_997 = arith.constant 0 : i32
      %dma_wait3A_998 = arith.constant 0 : i32
      %dma_wait3A_999 = tpu.memref_slice %arg5[%reduce_sum3A_326, %dma_wait3A_997, %dma_wait3A_998] : memref<125000x8x64xf32, #tpu.memory_space<hbm>> -> memref<1x8x64xf32, #tpu.memory_space<hbm>>
      %dma_wait3A_1000 = arith.constant 12 : i32
      %dma_wait3A_1001 = arith.constant 0 : i32
      %dma_wait3A_1002 = arith.constant 0 : i32
      %dma_wait3A_1003 = tpu.memref_slice %arg9[%dma_wait3A_1000, %dma_wait3A_1001, %dma_wait3A_1002] : memref<16x8x64xf32, #tpu.memory_space<vmem>> -> memref<1x8x64xf32, #tpu.memory_space<vmem>>
      %dma_wait3A_1004 = arith.constant 0 : i32
      %dma_wait3A_1005 = arith.constant 0 : i32
      %dma_wait3A_1006 = tpu.memref_slice %arg5[%reduce_sum3A_326, %dma_wait3A_1004, %dma_wait3A_1005] : memref<125000x8x64xf32, #tpu.memory_space<hbm>> -> memref<1x8x64xf32, #tpu.memory_space<hbm>>
      tpu.wait_dma2 semaphore(%arg11 : memref<!tpu.dma_semaphore, #tpu.memory_space<semaphore_mem>>) src(%dma_wait3A_1006 : memref<1x8x64xf32, #tpu.memory_space<hbm>>) dst(%dma_wait3A_1003 : memref<1x8x64xf32, #tpu.memory_space<vmem>>)
      %dma_wait3A_1007 = arith.constant 13 : i32
      %dma_wait3A_1008 = arith.constant 0 : i32
      %dma_wait3A_1009 = arith.constant 0 : i32
      %dma_wait3A_1010 = tpu.memref_slice %arg9[%dma_wait3A_1007, %dma_wait3A_1008, %dma_wait3A_1009] : memref<16x8x64xf32, #tpu.memory_space<vmem>> -> memref<1x8x64xf32, #tpu.memory_space<vmem>>
      %dma_wait3A_1011 = arith.constant 0 : i32
      %dma_wait3A_1012 = arith.constant 0 : i32
      %dma_wait3A_1013 = tpu.memref_slice %arg5[%reduce_sum3A_351, %dma_wait3A_1011, %dma_wait3A_1012] : memref<125000x8x64xf32, #tpu.memory_space<hbm>> -> memref<1x8x64xf32, #tpu.memory_space<hbm>>
      %dma_wait3A_1014 = arith.constant 13 : i32
      %dma_wait3A_1015 = arith.constant 0 : i32
      %dma_wait3A_1016 = arith.constant 0 : i32
      %dma_wait3A_1017 = tpu.memref_slice %arg9[%dma_wait3A_1014, %dma_wait3A_1015, %dma_wait3A_1016] : memref<16x8x64xf32, #tpu.memory_space<vmem>> -> memref<1x8x64xf32, #tpu.memory_space<vmem>>
      %dma_wait3A_1018 = arith.constant 0 : i32
      %dma_wait3A_1019 = arith.constant 0 : i32
      %dma_wait3A_1020 = tpu.memref_slice %arg5[%reduce_sum3A_351, %dma_wait3A_1018, %dma_wait3A_1019] : memref<125000x8x64xf32, #tpu.memory_space<hbm>> -> memref<1x8x64xf32, #tpu.memory_space<hbm>>
      tpu.wait_dma2 semaphore(%arg11 : memref<!tpu.dma_semaphore, #tpu.memory_space<semaphore_mem>>) src(%dma_wait3A_1020 : memref<1x8x64xf32, #tpu.memory_space<hbm>>) dst(%dma_wait3A_1017 : memref<1x8x64xf32, #tpu.memory_space<vmem>>)
      %dma_wait3A_1021 = arith.constant 14 : i32
      %dma_wait3A_1022 = arith.constant 0 : i32
      %dma_wait3A_1023 = arith.constant 0 : i32
      %dma_wait3A_1024 = tpu.memref_slice %arg9[%dma_wait3A_1021, %dma_wait3A_1022, %dma_wait3A_1023] : memref<16x8x64xf32, #tpu.memory_space<vmem>> -> memref<1x8x64xf32, #tpu.memory_space<vmem>>
      %dma_wait3A_1025 = arith.constant 0 : i32
      %dma_wait3A_1026 = arith.constant 0 : i32
      %dma_wait3A_1027 = tpu.memref_slice %arg5[%reduce_sum3A_376, %dma_wait3A_1025, %dma_wait3A_1026] : memref<125000x8x64xf32, #tpu.memory_space<hbm>> -> memref<1x8x64xf32, #tpu.memory_space<hbm>>
      %dma_wait3A_1028 = arith.constant 14 : i32
      %dma_wait3A_1029 = arith.constant 0 : i32
      %dma_wait3A_1030 = arith.constant 0 : i32
      %dma_wait3A_1031 = tpu.memref_slice %arg9[%dma_wait3A_1028, %dma_wait3A_1029, %dma_wait3A_1030] : memref<16x8x64xf32, #tpu.memory_space<vmem>> -> memref<1x8x64xf32, #tpu.memory_space<vmem>>
      %dma_wait3A_1032 = arith.constant 0 : i32
      %dma_wait3A_1033 = arith.constant 0 : i32
      %dma_wait3A_1034 = tpu.memref_slice %arg5[%reduce_sum3A_376, %dma_wait3A_1032, %dma_wait3A_1033] : memref<125000x8x64xf32, #tpu.memory_space<hbm>> -> memref<1x8x64xf32, #tpu.memory_space<hbm>>
      tpu.wait_dma2 semaphore(%arg11 : memref<!tpu.dma_semaphore, #tpu.memory_space<semaphore_mem>>) src(%dma_wait3A_1034 : memref<1x8x64xf32, #tpu.memory_space<hbm>>) dst(%dma_wait3A_1031 : memref<1x8x64xf32, #tpu.memory_space<vmem>>)
      %dma_wait3A_1035 = arith.constant 15 : i32
      %dma_wait3A_1036 = arith.constant 0 : i32
      %dma_wait3A_1037 = arith.constant 0 : i32
      %dma_wait3A_1038 = tpu.memref_slice %arg9[%dma_wait3A_1035, %dma_wait3A_1036, %dma_wait3A_1037] : memref<16x8x64xf32, #tpu.memory_space<vmem>> -> memref<1x8x64xf32, #tpu.memory_space<vmem>>
      %dma_wait3A_1039 = arith.constant 0 : i32
      %dma_wait3A_1040 = arith.constant 0 : i32
      %dma_wait3A_1041 = tpu.memref_slice %arg5[%reduce_sum3A_401, %dma_wait3A_1039, %dma_wait3A_1040] : memref<125000x8x64xf32, #tpu.memory_space<hbm>> -> memref<1x8x64xf32, #tpu.memory_space<hbm>>
      %dma_wait3A_1042 = arith.constant 15 : i32
      %dma_wait3A_1043 = arith.constant 0 : i32
      %dma_wait3A_1044 = arith.constant 0 : i32
      %dma_wait3A_1045 = tpu.memref_slice %arg9[%dma_wait3A_1042, %dma_wait3A_1043, %dma_wait3A_1044] : memref<16x8x64xf32, #tpu.memory_space<vmem>> -> memref<1x8x64xf32, #tpu.memory_space<vmem>>
      %dma_wait3A_1046 = arith.constant 0 : i32
      %dma_wait3A_1047 = arith.constant 0 : i32
      %dma_wait3A_1048 = tpu.memref_slice %arg5[%reduce_sum3A_401, %dma_wait3A_1046, %dma_wait3A_1047] : memref<125000x8x64xf32, #tpu.memory_space<hbm>> -> memref<1x8x64xf32, #tpu.memory_space<hbm>>
      tpu.wait_dma2 semaphore(%arg11 : memref<!tpu.dma_semaphore, #tpu.memory_space<semaphore_mem>>) src(%dma_wait3A_1048 : memref<1x8x64xf32, #tpu.memory_space<hbm>>) dst(%dma_wait3A_1045 : memref<1x8x64xf32, #tpu.memory_space<vmem>>)
      %mul3A_1049 = arith.constant 16 : i32
      %mul3A_1050 = arith.muli %mul3A_825, %mul3A_1049 : i32
      %add3A_1051 = arith.addi %mul3A_2, %mul3A_1050 : i32
      %dma_start3A_1052 = arith.constant 0 : i32
      %dma_start3A_1053 = arith.constant 0 : i32
      %dma_start3A_1054 = tpu.memref_slice %arg7[%add3A_1051, %dma_start3A_1052, %dma_start3A_1053] : memref<4096x8x64xf32, #tpu.memory_space<hbm>> -> memref<16x8x64xf32, #tpu.memory_space<hbm>>
      %dma_start3A_1055 = arith.constant 0 : i32
      %dma_start3A_1056 = arith.constant 0 : i32
      %dma_start3A_1057 = tpu.memref_slice %arg7[%add3A_1051, %dma_start3A_1055, %dma_start3A_1056] : memref<4096x8x64xf32, #tpu.memory_space<hbm>> -> memref<16x8x64xf32, #tpu.memory_space<hbm>>
      tpu.enqueue_dma source(%arg9 : memref<16x8x64xf32, #tpu.memory_space<vmem>>) target(%dma_start3A_1057 : memref<16x8x64xf32, #tpu.memory_space<hbm>>) target_semaphore(%arg13 : memref<!tpu.dma_semaphore, #tpu.memory_space<semaphore_mem>>)
      %dma_wait3A_1058 = arith.constant 0 : i32
      %dma_wait3A_1059 = arith.constant 0 : i32
      %dma_wait3A_1060 = tpu.memref_slice %arg7[%add3A_1051, %dma_wait3A_1058, %dma_wait3A_1059] : memref<4096x8x64xf32, #tpu.memory_space<hbm>> -> memref<16x8x64xf32, #tpu.memory_space<hbm>>
      %dma_wait3A_1061 = arith.constant 0 : i32
      %dma_wait3A_1062 = arith.constant 0 : i32
      %dma_wait3A_1063 = tpu.memref_slice %arg7[%add3A_1051, %dma_wait3A_1061, %dma_wait3A_1062] : memref<4096x8x64xf32, #tpu.memory_space<hbm>> -> memref<16x8x64xf32, #tpu.memory_space<hbm>>
      tpu.wait_dma2 semaphore(%arg13 : memref<!tpu.dma_semaphore, #tpu.memory_space<semaphore_mem>>) src(%arg9 : memref<16x8x64xf32, #tpu.memory_space<vmem>>) dst(%dma_wait3A_1063 : memref<16x8x64xf32, #tpu.memory_space<hbm>>)
      %mul3A_1064 = arith.constant 2 : i32
      %mul3A_1065 = arith.muli %mul3A_1064, %scan3A_16 : i32
      %add3A_1066 = arith.constant 1 : i32
      %add3A_1067 = arith.addi %mul3A_1065, %add3A_1066 : i32
      %dma_wait3A_1068 = arith.constant 0 : i32
      %dma_wait3A_1069 = arith.constant 0 : i32
      %dma_wait3A_1070 = arith.constant 0 : i32
      %dma_wait3A_1071 = tpu.memref_slice %arg10[%dma_wait3A_1068, %dma_wait3A_1069, %dma_wait3A_1070] : memref<16x8x64xf32, #tpu.memory_space<vmem>> -> memref<1x8x64xf32, #tpu.memory_space<vmem>>
      %dma_wait3A_1072 = arith.constant 0 : i32
      %dma_wait3A_1073 = arith.constant 0 : i32
      %dma_wait3A_1074 = tpu.memref_slice %arg5[%reduce_sum3A_434, %dma_wait3A_1072, %dma_wait3A_1073] : memref<125000x8x64xf32, #tpu.memory_space<hbm>> -> memref<1x8x64xf32, #tpu.memory_space<hbm>>
      %dma_wait3A_1075 = arith.constant 0 : i32
      %dma_wait3A_1076 = arith.constant 0 : i32
      %dma_wait3A_1077 = arith.constant 0 : i32
      %dma_wait3A_1078 = tpu.memref_slice %arg10[%dma_wait3A_1075, %dma_wait3A_1076, %dma_wait3A_1077] : memref<16x8x64xf32, #tpu.memory_space<vmem>> -> memref<1x8x64xf32, #tpu.memory_space<vmem>>
      %dma_wait3A_1079 = arith.constant 0 : i32
      %dma_wait3A_1080 = arith.constant 0 : i32
      %dma_wait3A_1081 = tpu.memref_slice %arg5[%reduce_sum3A_434, %dma_wait3A_1079, %dma_wait3A_1080] : memref<125000x8x64xf32, #tpu.memory_space<hbm>> -> memref<1x8x64xf32, #tpu.memory_space<hbm>>
      tpu.wait_dma2 semaphore(%arg12 : memref<!tpu.dma_semaphore, #tpu.memory_space<semaphore_mem>>) src(%dma_wait3A_1081 : memref<1x8x64xf32, #tpu.memory_space<hbm>>) dst(%dma_wait3A_1078 : memref<1x8x64xf32, #tpu.memory_space<vmem>>)
      %dma_wait3A_1082 = arith.constant 1 : i32
      %dma_wait3A_1083 = arith.constant 0 : i32
      %dma_wait3A_1084 = arith.constant 0 : i32
      %dma_wait3A_1085 = tpu.memref_slice %arg10[%dma_wait3A_1082, %dma_wait3A_1083, %dma_wait3A_1084] : memref<16x8x64xf32, #tpu.memory_space<vmem>> -> memref<1x8x64xf32, #tpu.memory_space<vmem>>
      %dma_wait3A_1086 = arith.constant 0 : i32
      %dma_wait3A_1087 = arith.constant 0 : i32
      %dma_wait3A_1088 = tpu.memref_slice %arg5[%reduce_sum3A_459, %dma_wait3A_1086, %dma_wait3A_1087] : memref<125000x8x64xf32, #tpu.memory_space<hbm>> -> memref<1x8x64xf32, #tpu.memory_space<hbm>>
      %dma_wait3A_1089 = arith.constant 1 : i32
      %dma_wait3A_1090 = arith.constant 0 : i32
      %dma_wait3A_1091 = arith.constant 0 : i32
      %dma_wait3A_1092 = tpu.memref_slice %arg10[%dma_wait3A_1089, %dma_wait3A_1090, %dma_wait3A_1091] : memref<16x8x64xf32, #tpu.memory_space<vmem>> -> memref<1x8x64xf32, #tpu.memory_space<vmem>>
      %dma_wait3A_1093 = arith.constant 0 : i32
      %dma_wait3A_1094 = arith.constant 0 : i32
      %dma_wait3A_1095 = tpu.memref_slice %arg5[%reduce_sum3A_459, %dma_wait3A_1093, %dma_wait3A_1094] : memref<125000x8x64xf32, #tpu.memory_space<hbm>> -> memref<1x8x64xf32, #tpu.memory_space<hbm>>
      tpu.wait_dma2 semaphore(%arg12 : memref<!tpu.dma_semaphore, #tpu.memory_space<semaphore_mem>>) src(%dma_wait3A_1095 : memref<1x8x64xf32, #tpu.memory_space<hbm>>) dst(%dma_wait3A_1092 : memref<1x8x64xf32, #tpu.memory_space<vmem>>)
      %dma_wait3A_1096 = arith.constant 2 : i32
      %dma_wait3A_1097 = arith.constant 0 : i32
      %dma_wait3A_1098 = arith.constant 0 : i32
      %dma_wait3A_1099 = tpu.memref_slice %arg10[%dma_wait3A_1096, %dma_wait3A_1097, %dma_wait3A_1098] : memref<16x8x64xf32, #tpu.memory_space<vmem>> -> memref<1x8x64xf32, #tpu.memory_space<vmem>>
      %dma_wait3A_1100 = arith.constant 0 : i32
      %dma_wait3A_1101 = arith.constant 0 : i32
      %dma_wait3A_1102 = tpu.memref_slice %arg5[%reduce_sum3A_484, %dma_wait3A_1100, %dma_wait3A_1101] : memref<125000x8x64xf32, #tpu.memory_space<hbm>> -> memref<1x8x64xf32, #tpu.memory_space<hbm>>
      %dma_wait3A_1103 = arith.constant 2 : i32
      %dma_wait3A_1104 = arith.constant 0 : i32
      %dma_wait3A_1105 = arith.constant 0 : i32
      %dma_wait3A_1106 = tpu.memref_slice %arg10[%dma_wait3A_1103, %dma_wait3A_1104, %dma_wait3A_1105] : memref<16x8x64xf32, #tpu.memory_space<vmem>> -> memref<1x8x64xf32, #tpu.memory_space<vmem>>
      %dma_wait3A_1107 = arith.constant 0 : i32
      %dma_wait3A_1108 = arith.constant 0 : i32
      %dma_wait3A_1109 = tpu.memref_slice %arg5[%reduce_sum3A_484, %dma_wait3A_1107, %dma_wait3A_1108] : memref<125000x8x64xf32, #tpu.memory_space<hbm>> -> memref<1x8x64xf32, #tpu.memory_space<hbm>>
      tpu.wait_dma2 semaphore(%arg12 : memref<!tpu.dma_semaphore, #tpu.memory_space<semaphore_mem>>) src(%dma_wait3A_1109 : memref<1x8x64xf32, #tpu.memory_space<hbm>>) dst(%dma_wait3A_1106 : memref<1x8x64xf32, #tpu.memory_space<vmem>>)
      %dma_wait3A_1110 = arith.constant 3 : i32
      %dma_wait3A_1111 = arith.constant 0 : i32
      %dma_wait3A_1112 = arith.constant 0 : i32
      %dma_wait3A_1113 = tpu.memref_slice %arg10[%dma_wait3A_1110, %dma_wait3A_1111, %dma_wait3A_1112] : memref<16x8x64xf32, #tpu.memory_space<vmem>> -> memref<1x8x64xf32, #tpu.memory_space<vmem>>
      %dma_wait3A_1114 = arith.constant 0 : i32
      %dma_wait3A_1115 = arith.constant 0 : i32
      %dma_wait3A_1116 = tpu.memref_slice %arg5[%reduce_sum3A_509, %dma_wait3A_1114, %dma_wait3A_1115] : memref<125000x8x64xf32, #tpu.memory_space<hbm>> -> memref<1x8x64xf32, #tpu.memory_space<hbm>>
      %dma_wait3A_1117 = arith.constant 3 : i32
      %dma_wait3A_1118 = arith.constant 0 : i32
      %dma_wait3A_1119 = arith.constant 0 : i32
      %dma_wait3A_1120 = tpu.memref_slice %arg10[%dma_wait3A_1117, %dma_wait3A_1118, %dma_wait3A_1119] : memref<16x8x64xf32, #tpu.memory_space<vmem>> -> memref<1x8x64xf32, #tpu.memory_space<vmem>>
      %dma_wait3A_1121 = arith.constant 0 : i32
      %dma_wait3A_1122 = arith.constant 0 : i32
      %dma_wait3A_1123 = tpu.memref_slice %arg5[%reduce_sum3A_509, %dma_wait3A_1121, %dma_wait3A_1122] : memref<125000x8x64xf32, #tpu.memory_space<hbm>> -> memref<1x8x64xf32, #tpu.memory_space<hbm>>
      tpu.wait_dma2 semaphore(%arg12 : memref<!tpu.dma_semaphore, #tpu.memory_space<semaphore_mem>>) src(%dma_wait3A_1123 : memref<1x8x64xf32, #tpu.memory_space<hbm>>) dst(%dma_wait3A_1120 : memref<1x8x64xf32, #tpu.memory_space<vmem>>)
      %dma_wait3A_1124 = arith.constant 4 : i32
      %dma_wait3A_1125 = arith.constant 0 : i32
      %dma_wait3A_1126 = arith.constant 0 : i32
      %dma_wait3A_1127 = tpu.memref_slice %arg10[%dma_wait3A_1124, %dma_wait3A_1125, %dma_wait3A_1126] : memref<16x8x64xf32, #tpu.memory_space<vmem>> -> memref<1x8x64xf32, #tpu.memory_space<vmem>>
      %dma_wait3A_1128 = arith.constant 0 : i32
      %dma_wait3A_1129 = arith.constant 0 : i32
      %dma_wait3A_1130 = tpu.memref_slice %arg5[%reduce_sum3A_534, %dma_wait3A_1128, %dma_wait3A_1129] : memref<125000x8x64xf32, #tpu.memory_space<hbm>> -> memref<1x8x64xf32, #tpu.memory_space<hbm>>
      %dma_wait3A_1131 = arith.constant 4 : i32
      %dma_wait3A_1132 = arith.constant 0 : i32
      %dma_wait3A_1133 = arith.constant 0 : i32
      %dma_wait3A_1134 = tpu.memref_slice %arg10[%dma_wait3A_1131, %dma_wait3A_1132, %dma_wait3A_1133] : memref<16x8x64xf32, #tpu.memory_space<vmem>> -> memref<1x8x64xf32, #tpu.memory_space<vmem>>
      %dma_wait3A_1135 = arith.constant 0 : i32
      %dma_wait3A_1136 = arith.constant 0 : i32
      %dma_wait3A_1137 = tpu.memref_slice %arg5[%reduce_sum3A_534, %dma_wait3A_1135, %dma_wait3A_1136] : memref<125000x8x64xf32, #tpu.memory_space<hbm>> -> memref<1x8x64xf32, #tpu.memory_space<hbm>>
      tpu.wait_dma2 semaphore(%arg12 : memref<!tpu.dma_semaphore, #tpu.memory_space<semaphore_mem>>) src(%dma_wait3A_1137 : memref<1x8x64xf32, #tpu.memory_space<hbm>>) dst(%dma_wait3A_1134 : memref<1x8x64xf32, #tpu.memory_space<vmem>>)
      %dma_wait3A_1138 = arith.constant 5 : i32
      %dma_wait3A_1139 = arith.constant 0 : i32
      %dma_wait3A_1140 = arith.constant 0 : i32
      %dma_wait3A_1141 = tpu.memref_slice %arg10[%dma_wait3A_1138, %dma_wait3A_1139, %dma_wait3A_1140] : memref<16x8x64xf32, #tpu.memory_space<vmem>> -> memref<1x8x64xf32, #tpu.memory_space<vmem>>
      %dma_wait3A_1142 = arith.constant 0 : i32
      %dma_wait3A_1143 = arith.constant 0 : i32
      %dma_wait3A_1144 = tpu.memref_slice %arg5[%reduce_sum3A_559, %dma_wait3A_1142, %dma_wait3A_1143] : memref<125000x8x64xf32, #tpu.memory_space<hbm>> -> memref<1x8x64xf32, #tpu.memory_space<hbm>>
      %dma_wait3A_1145 = arith.constant 5 : i32
      %dma_wait3A_1146 = arith.constant 0 : i32
      %dma_wait3A_1147 = arith.constant 0 : i32
      %dma_wait3A_1148 = tpu.memref_slice %arg10[%dma_wait3A_1145, %dma_wait3A_1146, %dma_wait3A_1147] : memref<16x8x64xf32, #tpu.memory_space<vmem>> -> memref<1x8x64xf32, #tpu.memory_space<vmem>>
      %dma_wait3A_1149 = arith.constant 0 : i32
      %dma_wait3A_1150 = arith.constant 0 : i32
      %dma_wait3A_1151 = tpu.memref_slice %arg5[%reduce_sum3A_559, %dma_wait3A_1149, %dma_wait3A_1150] : memref<125000x8x64xf32, #tpu.memory_space<hbm>> -> memref<1x8x64xf32, #tpu.memory_space<hbm>>
      tpu.wait_dma2 semaphore(%arg12 : memref<!tpu.dma_semaphore, #tpu.memory_space<semaphore_mem>>) src(%dma_wait3A_1151 : memref<1x8x64xf32, #tpu.memory_space<hbm>>) dst(%dma_wait3A_1148 : memref<1x8x64xf32, #tpu.memory_space<vmem>>)
      %dma_wait3A_1152 = arith.constant 6 : i32
      %dma_wait3A_1153 = arith.constant 0 : i32
      %dma_wait3A_1154 = arith.constant 0 : i32
      %dma_wait3A_1155 = tpu.memref_slice %arg10[%dma_wait3A_1152, %dma_wait3A_1153, %dma_wait3A_1154] : memref<16x8x64xf32, #tpu.memory_space<vmem>> -> memref<1x8x64xf32, #tpu.memory_space<vmem>>
      %dma_wait3A_1156 = arith.constant 0 : i32
      %dma_wait3A_1157 = arith.constant 0 : i32
      %dma_wait3A_1158 = tpu.memref_slice %arg5[%reduce_sum3A_584, %dma_wait3A_1156, %dma_wait3A_1157] : memref<125000x8x64xf32, #tpu.memory_space<hbm>> -> memref<1x8x64xf32, #tpu.memory_space<hbm>>
      %dma_wait3A_1159 = arith.constant 6 : i32
      %dma_wait3A_1160 = arith.constant 0 : i32
      %dma_wait3A_1161 = arith.constant 0 : i32
      %dma_wait3A_1162 = tpu.memref_slice %arg10[%dma_wait3A_1159, %dma_wait3A_1160, %dma_wait3A_1161] : memref<16x8x64xf32, #tpu.memory_space<vmem>> -> memref<1x8x64xf32, #tpu.memory_space<vmem>>
      %dma_wait3A_1163 = arith.constant 0 : i32
      %dma_wait3A_1164 = arith.constant 0 : i32
      %dma_wait3A_1165 = tpu.memref_slice %arg5[%reduce_sum3A_584, %dma_wait3A_1163, %dma_wait3A_1164] : memref<125000x8x64xf32, #tpu.memory_space<hbm>> -> memref<1x8x64xf32, #tpu.memory_space<hbm>>
      tpu.wait_dma2 semaphore(%arg12 : memref<!tpu.dma_semaphore, #tpu.memory_space<semaphore_mem>>) src(%dma_wait3A_1165 : memref<1x8x64xf32, #tpu.memory_space<hbm>>) dst(%dma_wait3A_1162 : memref<1x8x64xf32, #tpu.memory_space<vmem>>)
      %dma_wait3A_1166 = arith.constant 7 : i32
      %dma_wait3A_1167 = arith.constant 0 : i32
      %dma_wait3A_1168 = arith.constant 0 : i32
      %dma_wait3A_1169 = tpu.memref_slice %arg10[%dma_wait3A_1166, %dma_wait3A_1167, %dma_wait3A_1168] : memref<16x8x64xf32, #tpu.memory_space<vmem>> -> memref<1x8x64xf32, #tpu.memory_space<vmem>>
      %dma_wait3A_1170 = arith.constant 0 : i32
      %dma_wait3A_1171 = arith.constant 0 : i32
      %dma_wait3A_1172 = tpu.memref_slice %arg5[%reduce_sum3A_609, %dma_wait3A_1170, %dma_wait3A_1171] : memref<125000x8x64xf32, #tpu.memory_space<hbm>> -> memref<1x8x64xf32, #tpu.memory_space<hbm>>
      %dma_wait3A_1173 = arith.constant 7 : i32
      %dma_wait3A_1174 = arith.constant 0 : i32
      %dma_wait3A_1175 = arith.constant 0 : i32
      %dma_wait3A_1176 = tpu.memref_slice %arg10[%dma_wait3A_1173, %dma_wait3A_1174, %dma_wait3A_1175] : memref<16x8x64xf32, #tpu.memory_space<vmem>> -> memref<1x8x64xf32, #tpu.memory_space<vmem>>
      %dma_wait3A_1177 = arith.constant 0 : i32
      %dma_wait3A_1178 = arith.constant 0 : i32
      %dma_wait3A_1179 = tpu.memref_slice %arg5[%reduce_sum3A_609, %dma_wait3A_1177, %dma_wait3A_1178] : memref<125000x8x64xf32, #tpu.memory_space<hbm>> -> memref<1x8x64xf32, #tpu.memory_space<hbm>>
      tpu.wait_dma2 semaphore(%arg12 : memref<!tpu.dma_semaphore, #tpu.memory_space<semaphore_mem>>) src(%dma_wait3A_1179 : memref<1x8x64xf32, #tpu.memory_space<hbm>>) dst(%dma_wait3A_1176 : memref<1x8x64xf32, #tpu.memory_space<vmem>>)
      %dma_wait3A_1180 = arith.constant 8 : i32
      %dma_wait3A_1181 = arith.constant 0 : i32
      %dma_wait3A_1182 = arith.constant 0 : i32
      %dma_wait3A_1183 = tpu.memref_slice %arg10[%dma_wait3A_1180, %dma_wait3A_1181, %dma_wait3A_1182] : memref<16x8x64xf32, #tpu.memory_space<vmem>> -> memref<1x8x64xf32, #tpu.memory_space<vmem>>
      %dma_wait3A_1184 = arith.constant 0 : i32
      %dma_wait3A_1185 = arith.constant 0 : i32
      %dma_wait3A_1186 = tpu.memref_slice %arg5[%reduce_sum3A_634, %dma_wait3A_1184, %dma_wait3A_1185] : memref<125000x8x64xf32, #tpu.memory_space<hbm>> -> memref<1x8x64xf32, #tpu.memory_space<hbm>>
      %dma_wait3A_1187 = arith.constant 8 : i32
      %dma_wait3A_1188 = arith.constant 0 : i32
      %dma_wait3A_1189 = arith.constant 0 : i32
      %dma_wait3A_1190 = tpu.memref_slice %arg10[%dma_wait3A_1187, %dma_wait3A_1188, %dma_wait3A_1189] : memref<16x8x64xf32, #tpu.memory_space<vmem>> -> memref<1x8x64xf32, #tpu.memory_space<vmem>>
      %dma_wait3A_1191 = arith.constant 0 : i32
      %dma_wait3A_1192 = arith.constant 0 : i32
      %dma_wait3A_1193 = tpu.memref_slice %arg5[%reduce_sum3A_634, %dma_wait3A_1191, %dma_wait3A_1192] : memref<125000x8x64xf32, #tpu.memory_space<hbm>> -> memref<1x8x64xf32, #tpu.memory_space<hbm>>
      tpu.wait_dma2 semaphore(%arg12 : memref<!tpu.dma_semaphore, #tpu.memory_space<semaphore_mem>>) src(%dma_wait3A_1193 : memref<1x8x64xf32, #tpu.memory_space<hbm>>) dst(%dma_wait3A_1190 : memref<1x8x64xf32, #tpu.memory_space<vmem>>)
      %dma_wait3A_1194 = arith.constant 9 : i32
      %dma_wait3A_1195 = arith.constant 0 : i32
      %dma_wait3A_1196 = arith.constant 0 : i32
      %dma_wait3A_1197 = tpu.memref_slice %arg10[%dma_wait3A_1194, %dma_wait3A_1195, %dma_wait3A_1196] : memref<16x8x64xf32, #tpu.memory_space<vmem>> -> memref<1x8x64xf32, #tpu.memory_space<vmem>>
      %dma_wait3A_1198 = arith.constant 0 : i32
      %dma_wait3A_1199 = arith.constant 0 : i32
      %dma_wait3A_1200 = tpu.memref_slice %arg5[%reduce_sum3A_659, %dma_wait3A_1198, %dma_wait3A_1199] : memref<125000x8x64xf32, #tpu.memory_space<hbm>> -> memref<1x8x64xf32, #tpu.memory_space<hbm>>
      %dma_wait3A_1201 = arith.constant 9 : i32
      %dma_wait3A_1202 = arith.constant 0 : i32
      %dma_wait3A_1203 = arith.constant 0 : i32
      %dma_wait3A_1204 = tpu.memref_slice %arg10[%dma_wait3A_1201, %dma_wait3A_1202, %dma_wait3A_1203] : memref<16x8x64xf32, #tpu.memory_space<vmem>> -> memref<1x8x64xf32, #tpu.memory_space<vmem>>
      %dma_wait3A_1205 = arith.constant 0 : i32
      %dma_wait3A_1206 = arith.constant 0 : i32
      %dma_wait3A_1207 = tpu.memref_slice %arg5[%reduce_sum3A_659, %dma_wait3A_1205, %dma_wait3A_1206] : memref<125000x8x64xf32, #tpu.memory_space<hbm>> -> memref<1x8x64xf32, #tpu.memory_space<hbm>>
      tpu.wait_dma2 semaphore(%arg12 : memref<!tpu.dma_semaphore, #tpu.memory_space<semaphore_mem>>) src(%dma_wait3A_1207 : memref<1x8x64xf32, #tpu.memory_space<hbm>>) dst(%dma_wait3A_1204 : memref<1x8x64xf32, #tpu.memory_space<vmem>>)
      %dma_wait3A_1208 = arith.constant 10 : i32
      %dma_wait3A_1209 = arith.constant 0 : i32
      %dma_wait3A_1210 = arith.constant 0 : i32
      %dma_wait3A_1211 = tpu.memref_slice %arg10[%dma_wait3A_1208, %dma_wait3A_1209, %dma_wait3A_1210] : memref<16x8x64xf32, #tpu.memory_space<vmem>> -> memref<1x8x64xf32, #tpu.memory_space<vmem>>
      %dma_wait3A_1212 = arith.constant 0 : i32
      %dma_wait3A_1213 = arith.constant 0 : i32
      %dma_wait3A_1214 = tpu.memref_slice %arg5[%reduce_sum3A_684, %dma_wait3A_1212, %dma_wait3A_1213] : memref<125000x8x64xf32, #tpu.memory_space<hbm>> -> memref<1x8x64xf32, #tpu.memory_space<hbm>>
      %dma_wait3A_1215 = arith.constant 10 : i32
      %dma_wait3A_1216 = arith.constant 0 : i32
      %dma_wait3A_1217 = arith.constant 0 : i32
      %dma_wait3A_1218 = tpu.memref_slice %arg10[%dma_wait3A_1215, %dma_wait3A_1216, %dma_wait3A_1217] : memref<16x8x64xf32, #tpu.memory_space<vmem>> -> memref<1x8x64xf32, #tpu.memory_space<vmem>>
      %dma_wait3A_1219 = arith.constant 0 : i32
      %dma_wait3A_1220 = arith.constant 0 : i32
      %dma_wait3A_1221 = tpu.memref_slice %arg5[%reduce_sum3A_684, %dma_wait3A_1219, %dma_wait3A_1220] : memref<125000x8x64xf32, #tpu.memory_space<hbm>> -> memref<1x8x64xf32, #tpu.memory_space<hbm>>
      tpu.wait_dma2 semaphore(%arg12 : memref<!tpu.dma_semaphore, #tpu.memory_space<semaphore_mem>>) src(%dma_wait3A_1221 : memref<1x8x64xf32, #tpu.memory_space<hbm>>) dst(%dma_wait3A_1218 : memref<1x8x64xf32, #tpu.memory_space<vmem>>)
      %dma_wait3A_1222 = arith.constant 11 : i32
      %dma_wait3A_1223 = arith.constant 0 : i32
      %dma_wait3A_1224 = arith.constant 0 : i32
      %dma_wait3A_1225 = tpu.memref_slice %arg10[%dma_wait3A_1222, %dma_wait3A_1223, %dma_wait3A_1224] : memref<16x8x64xf32, #tpu.memory_space<vmem>> -> memref<1x8x64xf32, #tpu.memory_space<vmem>>
      %dma_wait3A_1226 = arith.constant 0 : i32
      %dma_wait3A_1227 = arith.constant 0 : i32
      %dma_wait3A_1228 = tpu.memref_slice %arg5[%reduce_sum3A_709, %dma_wait3A_1226, %dma_wait3A_1227] : memref<125000x8x64xf32, #tpu.memory_space<hbm>> -> memref<1x8x64xf32, #tpu.memory_space<hbm>>
      %dma_wait3A_1229 = arith.constant 11 : i32
      %dma_wait3A_1230 = arith.constant 0 : i32
      %dma_wait3A_1231 = arith.constant 0 : i32
      %dma_wait3A_1232 = tpu.memref_slice %arg10[%dma_wait3A_1229, %dma_wait3A_1230, %dma_wait3A_1231] : memref<16x8x64xf32, #tpu.memory_space<vmem>> -> memref<1x8x64xf32, #tpu.memory_space<vmem>>
      %dma_wait3A_1233 = arith.constant 0 : i32
      %dma_wait3A_1234 = arith.constant 0 : i32
      %dma_wait3A_1235 = tpu.memref_slice %arg5[%reduce_sum3A_709, %dma_wait3A_1233, %dma_wait3A_1234] : memref<125000x8x64xf32, #tpu.memory_space<hbm>> -> memref<1x8x64xf32, #tpu.memory_space<hbm>>
      tpu.wait_dma2 semaphore(%arg12 : memref<!tpu.dma_semaphore, #tpu.memory_space<semaphore_mem>>) src(%dma_wait3A_1235 : memref<1x8x64xf32, #tpu.memory_space<hbm>>) dst(%dma_wait3A_1232 : memref<1x8x64xf32, #tpu.memory_space<vmem>>)
      %dma_wait3A_1236 = arith.constant 12 : i32
      %dma_wait3A_1237 = arith.constant 0 : i32
      %dma_wait3A_1238 = arith.constant 0 : i32
      %dma_wait3A_1239 = tpu.memref_slice %arg10[%dma_wait3A_1236, %dma_wait3A_1237, %dma_wait3A_1238] : memref<16x8x64xf32, #tpu.memory_space<vmem>> -> memref<1x8x64xf32, #tpu.memory_space<vmem>>
      %dma_wait3A_1240 = arith.constant 0 : i32
      %dma_wait3A_1241 = arith.constant 0 : i32
      %dma_wait3A_1242 = tpu.memref_slice %arg5[%reduce_sum3A_734, %dma_wait3A_1240, %dma_wait3A_1241] : memref<125000x8x64xf32, #tpu.memory_space<hbm>> -> memref<1x8x64xf32, #tpu.memory_space<hbm>>
      %dma_wait3A_1243 = arith.constant 12 : i32
      %dma_wait3A_1244 = arith.constant 0 : i32
      %dma_wait3A_1245 = arith.constant 0 : i32
      %dma_wait3A_1246 = tpu.memref_slice %arg10[%dma_wait3A_1243, %dma_wait3A_1244, %dma_wait3A_1245] : memref<16x8x64xf32, #tpu.memory_space<vmem>> -> memref<1x8x64xf32, #tpu.memory_space<vmem>>
      %dma_wait3A_1247 = arith.constant 0 : i32
      %dma_wait3A_1248 = arith.constant 0 : i32
      %dma_wait3A_1249 = tpu.memref_slice %arg5[%reduce_sum3A_734, %dma_wait3A_1247, %dma_wait3A_1248] : memref<125000x8x64xf32, #tpu.memory_space<hbm>> -> memref<1x8x64xf32, #tpu.memory_space<hbm>>
      tpu.wait_dma2 semaphore(%arg12 : memref<!tpu.dma_semaphore, #tpu.memory_space<semaphore_mem>>) src(%dma_wait3A_1249 : memref<1x8x64xf32, #tpu.memory_space<hbm>>) dst(%dma_wait3A_1246 : memref<1x8x64xf32, #tpu.memory_space<vmem>>)
      %dma_wait3A_1250 = arith.constant 13 : i32
      %dma_wait3A_1251 = arith.constant 0 : i32
      %dma_wait3A_1252 = arith.constant 0 : i32
      %dma_wait3A_1253 = tpu.memref_slice %arg10[%dma_wait3A_1250, %dma_wait3A_1251, %dma_wait3A_1252] : memref<16x8x64xf32, #tpu.memory_space<vmem>> -> memref<1x8x64xf32, #tpu.memory_space<vmem>>
      %dma_wait3A_1254 = arith.constant 0 : i32
      %dma_wait3A_1255 = arith.constant 0 : i32
      %dma_wait3A_1256 = tpu.memref_slice %arg5[%reduce_sum3A_759, %dma_wait3A_1254, %dma_wait3A_1255] : memref<125000x8x64xf32, #tpu.memory_space<hbm>> -> memref<1x8x64xf32, #tpu.memory_space<hbm>>
      %dma_wait3A_1257 = arith.constant 13 : i32
      %dma_wait3A_1258 = arith.constant 0 : i32
      %dma_wait3A_1259 = arith.constant 0 : i32
      %dma_wait3A_1260 = tpu.memref_slice %arg10[%dma_wait3A_1257, %dma_wait3A_1258, %dma_wait3A_1259] : memref<16x8x64xf32, #tpu.memory_space<vmem>> -> memref<1x8x64xf32, #tpu.memory_space<vmem>>
      %dma_wait3A_1261 = arith.constant 0 : i32
      %dma_wait3A_1262 = arith.constant 0 : i32
      %dma_wait3A_1263 = tpu.memref_slice %arg5[%reduce_sum3A_759, %dma_wait3A_1261, %dma_wait3A_1262] : memref<125000x8x64xf32, #tpu.memory_space<hbm>> -> memref<1x8x64xf32, #tpu.memory_space<hbm>>
      tpu.wait_dma2 semaphore(%arg12 : memref<!tpu.dma_semaphore, #tpu.memory_space<semaphore_mem>>) src(%dma_wait3A_1263 : memref<1x8x64xf32, #tpu.memory_space<hbm>>) dst(%dma_wait3A_1260 : memref<1x8x64xf32, #tpu.memory_space<vmem>>)
      %dma_wait3A_1264 = arith.constant 14 : i32
      %dma_wait3A_1265 = arith.constant 0 : i32
      %dma_wait3A_1266 = arith.constant 0 : i32
      %dma_wait3A_1267 = tpu.memref_slice %arg10[%dma_wait3A_1264, %dma_wait3A_1265, %dma_wait3A_1266] : memref<16x8x64xf32, #tpu.memory_space<vmem>> -> memref<1x8x64xf32, #tpu.memory_space<vmem>>
      %dma_wait3A_1268 = arith.constant 0 : i32
      %dma_wait3A_1269 = arith.constant 0 : i32
      %dma_wait3A_1270 = tpu.memref_slice %arg5[%reduce_sum3A_784, %dma_wait3A_1268, %dma_wait3A_1269] : memref<125000x8x64xf32, #tpu.memory_space<hbm>> -> memref<1x8x64xf32, #tpu.memory_space<hbm>>
      %dma_wait3A_1271 = arith.constant 14 : i32
      %dma_wait3A_1272 = arith.constant 0 : i32
      %dma_wait3A_1273 = arith.constant 0 : i32
      %dma_wait3A_1274 = tpu.memref_slice %arg10[%dma_wait3A_1271, %dma_wait3A_1272, %dma_wait3A_1273] : memref<16x8x64xf32, #tpu.memory_space<vmem>> -> memref<1x8x64xf32, #tpu.memory_space<vmem>>
      %dma_wait3A_1275 = arith.constant 0 : i32
      %dma_wait3A_1276 = arith.constant 0 : i32
      %dma_wait3A_1277 = tpu.memref_slice %arg5[%reduce_sum3A_784, %dma_wait3A_1275, %dma_wait3A_1276] : memref<125000x8x64xf32, #tpu.memory_space<hbm>> -> memref<1x8x64xf32, #tpu.memory_space<hbm>>
      tpu.wait_dma2 semaphore(%arg12 : memref<!tpu.dma_semaphore, #tpu.memory_space<semaphore_mem>>) src(%dma_wait3A_1277 : memref<1x8x64xf32, #tpu.memory_space<hbm>>) dst(%dma_wait3A_1274 : memref<1x8x64xf32, #tpu.memory_space<vmem>>)
      %dma_wait3A_1278 = arith.constant 15 : i32
      %dma_wait3A_1279 = arith.constant 0 : i32
      %dma_wait3A_1280 = arith.constant 0 : i32
      %dma_wait3A_1281 = tpu.memref_slice %arg10[%dma_wait3A_1278, %dma_wait3A_1279, %dma_wait3A_1280] : memref<16x8x64xf32, #tpu.memory_space<vmem>> -> memref<1x8x64xf32, #tpu.memory_space<vmem>>
      %dma_wait3A_1282 = arith.constant 0 : i32
      %dma_wait3A_1283 = arith.constant 0 : i32
      %dma_wait3A_1284 = tpu.memref_slice %arg5[%reduce_sum3A_809, %dma_wait3A_1282, %dma_wait3A_1283] : memref<125000x8x64xf32, #tpu.memory_space<hbm>> -> memref<1x8x64xf32, #tpu.memory_space<hbm>>
      %dma_wait3A_1285 = arith.constant 15 : i32
      %dma_wait3A_1286 = arith.constant 0 : i32
      %dma_wait3A_1287 = arith.constant 0 : i32
      %dma_wait3A_1288 = tpu.memref_slice %arg10[%dma_wait3A_1285, %dma_wait3A_1286, %dma_wait3A_1287] : memref<16x8x64xf32, #tpu.memory_space<vmem>> -> memref<1x8x64xf32, #tpu.memory_space<vmem>>
      %dma_wait3A_1289 = arith.constant 0 : i32
      %dma_wait3A_1290 = arith.constant 0 : i32
      %dma_wait3A_1291 = tpu.memref_slice %arg5[%reduce_sum3A_809, %dma_wait3A_1289, %dma_wait3A_1290] : memref<125000x8x64xf32, #tpu.memory_space<hbm>> -> memref<1x8x64xf32, #tpu.memory_space<hbm>>
      tpu.wait_dma2 semaphore(%arg12 : memref<!tpu.dma_semaphore, #tpu.memory_space<semaphore_mem>>) src(%dma_wait3A_1291 : memref<1x8x64xf32, #tpu.memory_space<hbm>>) dst(%dma_wait3A_1288 : memref<1x8x64xf32, #tpu.memory_space<vmem>>)
      %mul3A_1292 = arith.constant 16 : i32
      %mul3A_1293 = arith.muli %add3A_1067, %mul3A_1292 : i32
      %add3A_1294 = arith.addi %mul3A_2, %mul3A_1293 : i32
      %dma_start3A_1295 = arith.constant 0 : i32
      %dma_start3A_1296 = arith.constant 0 : i32
      %dma_start3A_1297 = tpu.memref_slice %arg7[%add3A_1294, %dma_start3A_1295, %dma_start3A_1296] : memref<4096x8x64xf32, #tpu.memory_space<hbm>> -> memref<16x8x64xf32, #tpu.memory_space<hbm>>
      %dma_start3A_1298 = arith.constant 0 : i32
      %dma_start3A_1299 = arith.constant 0 : i32
      %dma_start3A_1300 = tpu.memref_slice %arg7[%add3A_1294, %dma_start3A_1298, %dma_start3A_1299] : memref<4096x8x64xf32, #tpu.memory_space<hbm>> -> memref<16x8x64xf32, #tpu.memory_space<hbm>>
      tpu.enqueue_dma source(%arg10 : memref<16x8x64xf32, #tpu.memory_space<vmem>>) target(%dma_start3A_1300 : memref<16x8x64xf32, #tpu.memory_space<hbm>>) target_semaphore(%arg13 : memref<!tpu.dma_semaphore, #tpu.memory_space<semaphore_mem>>)
      %dma_wait3A_1301 = arith.constant 0 : i32
      %dma_wait3A_1302 = arith.constant 0 : i32
      %dma_wait3A_1303 = tpu.memref_slice %arg7[%add3A_1294, %dma_wait3A_1301, %dma_wait3A_1302] : memref<4096x8x64xf32, #tpu.memory_space<hbm>> -> memref<16x8x64xf32, #tpu.memory_space<hbm>>
      %dma_wait3A_1304 = arith.constant 0 : i32
      %dma_wait3A_1305 = arith.constant 0 : i32
      %dma_wait3A_1306 = tpu.memref_slice %arg7[%add3A_1294, %dma_wait3A_1304, %dma_wait3A_1305] : memref<4096x8x64xf32, #tpu.memory_space<hbm>> -> memref<16x8x64xf32, #tpu.memory_space<hbm>>
      tpu.wait_dma2 semaphore(%arg13 : memref<!tpu.dma_semaphore, #tpu.memory_space<semaphore_mem>>) src(%arg10 : memref<16x8x64xf32, #tpu.memory_space<vmem>>) dst(%dma_wait3A_1306 : memref<16x8x64xf32, #tpu.memory_space<hbm>>)
      %scan3A_1307 = arith.constant 0 : i32
      scf.yield %scan3A_1307 : i32
    }
    %scan3A_15 = arith.constant 4 : i32
    return
  }
}

</mosaic_0001>

<sc_bundles>
// kernel: _sc_gather_groups.3.cloned.1.call-start
scs
__scs_entry_jumppad:
0x0: {  	(pc) =	sbr.rel $0x88, $3  }
0x1: {  	(tag) =	ssettag $0x0;
	lr =	simm.s32 $0x1  }
0x2: {  	[smem:$0x3F9D] =	sst lr;
	_ =	strace $0xD0000000  }
0x3: {  	_ = 	snop  }
0x4: {  	_ = 	snop  }
0x5: {  	_ = 	snop  }
0x6: {  	_ = 	snop  }
0x7: {  	_ = 	snop  }
__scs_overlays_trampoline_lowered:
0x8: {  	[smem:$0x3FAC] =	sst s0  }
0x9: {  	[smem:$0x3FAD] =	sst s1  }
0xa: {  	[smem:$0x3FAE] =	sst s2  }
0xb: {  	[smem:$0x3FAF] =	sst s3  }
0xc: {  	[smem:$0x3FB0] =	sst s4  }
0xd: {  	[smem:$0x3FB1] =	sst s5  }
0xe: {  	[smem:$0x3FB2] =	sst s6  }
0xf: {  	[smem:$0x3FB3] =	sst s7  }
0x10: {  	[smem:$0x3FB4] =	sst s8  }
0x11: {  	[smem:$0x3FB5] =	sst s9;
	s0 =	simm.s32 @!p0 $0x0  }
0x12: {  	s1 =	sld [smem:$0x3F9B];
	s0 =	simm.s32 @p0 $0x1  }
0x13: {  	[smem:$0x3FB6] =	sst s0;
	s0 =	simm.s32 @!p1 $0x0  }
0x14: {  	s2 =	sld [smem:$0x3F9A];
	s0 =	simm.s32 @p1 $0x1  }
0x15: {  	[smem:$0x3FB7] =	sst s0;
	s0 =	simm.s32 @!p2 $0x0  }
0x16: {  	s3 =	sld [smem:$0x3FDB];
	s0 =	simm.s32 @p2 $0x1  }
0x17: {  	s4 =	simm.s32 $0x1BF5;
	[smem:$0x3FB9] =	sst s0  }
0x18: {  	s0 =	sld [smem:$0x3F9C];
	_ =	swait.ge [sflag:s4], $0x0  }
0x19: {  	s7 =	sld [smem:$0x3F9D]  }
0x1a: {  	s8 =	sadd.s32 $0xFFFFE003, lr  }
0x1b: {  	s9 =	sadd.s32 $0xFFFFFEF7, lr;
	s5 =	simm.s32 $0xFFFFFFFF;
	p2 =	slt.u32 s8, $0xFFFFF086  }
0x1c: {  	p1 =	slt.u32 s9, $0xF7A;
	s5 =	simm.s32 @!p2 $0x0  }
0x1d: {  	s5 =	simm.s32 @p1 $0x1;
	p0 =	seq.s32 s7, s2  }
0x1e: {  	s7 =	smul.u32 @!p0 $0xF7A, s2;
	p2 =	seq.s32 @!p0 s5, $0x0  }
0x1f: {  	s9 =	smul.u32 $0xF7A, s1;
	s8 =	simm.s32 @!p0 $0x1BF5;
	p2 =	por !p2, p0  }
0x20: {  	[sflag:s8] =	ssyncset.s32 @!p0 $0xFFFFF086;
	s6 =	sadd.s32 @!p0 s3, s7;
	s7 =	simm.s32 @!p0 $0x108  }
0x21: {  	s3 =	sadd.s32 s3, s9;
	s6 =	sadd.s32 @!p0 $0x88, s6;
	s7 =	simm.s32 @p2 $0x1082  }
0x22: {  	[simem:s7], [sflag:s8] =	dma.local @!p0 [hbm:s6], $0xF7A  }
0x23: {  	s9 =	sor.u32 $0xD0000000, s2;
	s6 =	simm.s32 $0x108;
	_ =	swait.ge @!p0 [sflag:s8], $0x0  }
0x24: {  	s3 =	sadd.s32 $0x88, s3;
	s6 =	simm.s32 @!p1 $0x1082;
	[sflag:s4] =	ssyncset.s32 $0xFFFFF086  }
0x25: {  	[simem:s6], [sflag:s4] =	dma.local [hbm:s3], $0xF7A  }
0x26: {  	[smem:$0x3F9D] =	sst s1;
	(tag) =	ssettag s2;
	_ =	strace s9  }
0x27: {  	s1 =	sld [smem:$0x3FAD]  }
0x28: {  	s2 =	sld [smem:$0x3FAE]  }
0x29: {  	s4 =	sld [smem:$0x3FB0]  }
0x2a: {  	p0 =	seq.s32 s5, $0x0;
	s5 =	sld [smem:$0x3FB1]  }
0x2b: {  	s6 =	sld [smem:$0x3FB2]  }
0x2c: {  	s7 =	sld [smem:$0x3FB3]  }
0x2d: {  	s3 =	simm.s32 $0x108;
	s8 =	sld [smem:$0x3FB4]  }
0x2e: {  	s3 =	simm.s32 @!p0 $0x1082;
	s9 =	sld [smem:$0x3FB5]  }
0x2f: {  	lr =	sadd.s32 s0, s3;
	s0 =	sld [smem:$0x3FAC]  }
0x30: {  	s3 =	sld [smem:$0x3FAF]  }
0x31: {  	[smem:$0x3FB8] =	sst s10  }
0x32: {  	s10 =	sld [smem:$0x3FB6];
	_ =	sdelay $0x3  }
0x33: {  	p0 =	seq.s32 s10, $0x1;
	s10 =	sld [smem:$0x3FB8];
	_ =	sdelay $0x3  }
0x34: {  	[smem:$0x3FB8] =	sst s10  }
0x35: {  	s10 =	sld [smem:$0x3FB7];
	_ =	sdelay $0x3  }
0x36: {  	p1 =	seq.s32 s10, $0x1;
	s10 =	sld [smem:$0x3FB8];
	_ =	sdelay $0x3  }
0x37: {  	[smem:$0x3FB8] =	sst s10  }
0x38: {  	s10 =	sld [smem:$0x3FB9]  }
0x39: {  	_ = 	snop;
	(pc) =	sbr.ind lr, $3  }
0x3a: {  	_ = 	snop  }
0x3b: {  	_ = 	snop  }
0x3c: {  	p2 =	seq.s32 s10, $0x1;
	s10 =	sld [smem:$0x3FB8]  }
0x3d: {  	_ =	shalt  }
0x3e: {  	_ =	shalt  }
0x3f: {  	_ =	shalt  }
0x40: {  	_ =	shalt  }
0x41: {  	_ =	shalt  }
0x42: {  	_ =	shalt  }
0x43: {  	_ =	shalt  }
0x44: {  	_ =	shalt  }
0x45: {  	_ =	shalt  }
0x46: {  	_ =	shalt  }
0x47: {  	_ =	shalt  }
0x48: {  	_ =	shalt  }
0x49: {  	_ =	shalt  }
0x4a: {  	_ =	shalt  }
0x4b: {  	_ =	shalt  }
0x4c: {  	_ =	shalt  }
0x4d: {  	_ =	shalt  }
0x4e: {  	_ =	shalt  }
0x4f: {  	_ =	shalt  }
0x50: {  	_ =	shalt  }
0x51: {  	_ =	shalt  }
0x52: {  	_ =	shalt  }
0x53: {  	_ =	shalt  }
0x54: {  	_ =	shalt  }
0x55: {  	_ =	shalt  }
0x56: {  	_ =	shalt  }
0x57: {  	_ =	shalt  }
0x58: {  	_ =	shalt  }
0x59: {  	_ =	shalt  }
0x5a: {  	_ =	shalt  }
0x5b: {  	_ =	shalt  }
0x5c: {  	_ =	shalt  }
0x5d: {  	_ =	shalt  }
0x5e: {  	_ =	shalt  }
0x5f: {  	_ =	shalt  }
0x60: {  	_ =	shalt  }
0x61: {  	_ =	shalt  }
0x62: {  	_ =	shalt  }
0x63: {  	_ =	shalt  }
0x64: {  	_ =	shalt  }
0x65: {  	_ =	shalt  }
0x66: {  	_ =	shalt  }
0x67: {  	_ =	shalt  }
0x68: {  	_ =	shalt  }
0x69: {  	_ =	shalt  }
0x6a: {  	_ =	shalt  }
0x6b: {  	_ =	shalt  }
0x6c: {  	_ =	shalt  }
0x6d: {  	_ =	shalt  }
0x6e: {  	_ =	shalt  }
0x6f: {  	_ =	shalt  }
0x70: {  	_ =	shalt  }
0x71: {  	_ =	shalt  }
0x72: {  	_ =	shalt  }
0x73: {  	_ =	shalt  }
0x74: {  	_ =	shalt  }
0x75: {  	_ =	shalt  }
0x76: {  	_ =	shalt  }
0x77: {  	_ =	shalt  }
0x78: {  	_ =	shalt  }
0x79: {  	_ =	shalt  }
0x7a: {  	_ =	shalt  }
0x7b: {  	_ =	shalt  }
0x7c: {  	_ =	shalt  }
0x7d: {  	_ =	shalt  }
0x7e: {  	_ =	shalt  }
0x7f: {  	_ =	shalt  }
0x80: {  	_ =	shalt  }
0x81: {  	_ =	shalt  }
0x82: {  	_ =	shalt  }
0x83: {  	_ =	shalt  }
0x84: {  	_ =	shalt  }
0x85: {  	_ =	shalt  }
0x86: {  	_ =	shalt  }
0x87: {  	_ =	shalt  }
.Lfunc_end0:
.L_simem_size_0:
called_computation_lowered:
.L_overlay_start_0:
0x88: {  	s2 =	sld [smem:$0x3FD9]  }
0x89: {  	s3 =	sld [smem:$0x3FFE];
	_ =	sdelay $0x1  }
0x8a: {  	s1 =	srdreg.scid  }
0x8b: {  	s0 =	sand.u32 $0x1, s1  }
0x8c: {  	s17 =	sshll.u32 s0, $0xA;
	s2 =	sadd.s32 s3, s2  }
0x8d: {  	s2 =	sadd.s32 s2, s17  }
0x8e: {  	[smem:$0x3FC4] =	sst s2  }
0x8f: {  	_ = 	snop  }
0x90: {  	s2 =	sld [smem:$0x3FC9]  }
0x91: {  	s18 =	sld [smem:$0x3FC8];
	(tm) =	ssettm $0x1  }
0x92: {  	s4 =	sld [smem:$0x3FFB];
	_ =	sdelay $0x3  }
0x93: {  	_ =	strace s4  }
0x94: {  	s4 =	sld [smem:$0x3FFC];
	_ =	sdelay $0x3  }
0x95: {  	_ =	strace s4  }
0x96: {  	s4 =	sld [smem:$0x3FFD];
	_ =	sdelay $0x3  }
0x97: {  	_ =	strace s4  }
0x98: {  	_ =	strace $0x8FFFFFFF  }
0x99: {  	s19 =	sld [smem:$0x3FDB];
	_ =	sdelay $0x1  }
0x9a: {  	s5 =	simm.s32 $_scs_section_size  }
0x9b: {  	s6 =	simm.s32 $_size__tile_overlayer_lowered;
	s7 =	simm.s32 $_tile_overlayer_lowered  }
0x9c: {  	s22 =	simm.s32 $0x1BFF;
	s21 =	sshll.u32 s7, $0x1;
	s4 =	sadd.s32 s5, s19  }
0x9d: {  	s8 =	simm.s32 $0x0;
	s20 =	sshll.u32 s6, $0x1;
	s6 =	sadd.s32 s21, s4  }
0x9e: {  	[timem:s8], [sflag:s22] =	dma.local [hbm:s6], s20  }
0x9f: {  	_ =	swait.ge [sflag:s22], s20  }
0xa0: {  	s5 =	ssub.s32 $0x0, s20;
	[sflag:s22] =	ssyncset.done $0x0  }
0xa1: {  	[sflag:s22] =	ssyncadd.s32 s5;
	_ =	sdelay $0x1  }
0xa2: {  	s23 =	simm.s32 $0x1B8B  }
0xa3: {  	_ =	swait.ge [sflag:s23], $0x1  }
0xa4: {  	[sflag:s23] =	ssyncset.done $0x0  }
0xa5: {  	s25 =	simm.s32 $0x1B8E;
	s24 =	sld [smem:$0x3FFE];
	[sflag:s23] =	ssyncadd.s32 $0xFFFFFFFF  }
0xa6: {  	s26 =	simm.s32 $execute0_lowered;
	[smem:$0x3FD2] =	sst s25  }
0xa7: {  	s6 =	sshll.u32 s26, $0x1;
	_ =	strace $0x80000046;
	[dreg:$0x1] =	wrdreg $0xFFFFFFFF  }
0xa8: {  	s28 =	simm.s32 $_size_execute0_lowered;
	s4 =	sadd.s32 s4, s6;
	[dreg:$0x0] =	wrdreg $0x0  }
0xa9: {  	s6 =	sshll.u32 s28, $0x1;
	[dreg:$0x2] =	wrdreg s4  }
0xaa: {  	[dreg:$0x3] =	wrdreg s6  }
0xab: {  	[dreg:$0x4] =	wrdreg $0xC0  }
0xac: {  	_ =	task [dreg:s8], $0x5FFFF  }
0xad: {  	[dreg:$0x1] =	wrdreg $0xFFFFFFFF  }
0xae: {  	[dreg:$0x0] =	wrdreg $0x60  }
0xaf: {  	[dreg:$0x2] =	wrdreg s2  }
0xb0: {  	[dreg:$0x3] =	wrdreg s18  }
0xb1: {  	[dreg:$0x4] =	wrdreg s24  }
0xb2: {  	[dreg:$0x5] =	wrdreg $0x9  }
0xb3: {  	_ =	task.clear_ibuf [dreg:s8], $0x6FFFF;
	_ =	strace $0x90000046  }
0xb4: {  	s29 =	simm.s32 $0x9;
	_ =	strace $0x80000048  }
0xb5: {  	_ =	swait.ge [sflag:s29], $0x1  }
0xb6: {  	[sflag:s29] =	ssyncadd.s32 $0xFFFFFFFF  }
0xb7: {  	_ =	strace $0x90000048  }
0xb8: {  	_ =	sfence  }
0xb9: {  	s30 =	sld [smem:$0x0];
	_ =	sdelay $0x2  }
0xba: {  	s31 =	sshll.u32 s1, $0xD;
	s1 =	sshrl.u32 s1, $0x2  }
0xbb: {  	s3 =	sand.u32 $0x4000, s31;
	s1 =	sadd.s32 s1, s30  }
0xbc: {  	s0 =	sor.u32 s3, s0;
	s1 =	sshll.u32 s1, $0x11  }
0xbd: {  	s0 =	sor.u32 s1, s0  }
0xbe: {  	s0 =	sadd.s32 $0x8F2B, s0  }
0xbf: {  	[sflag:s0] =	ssyncadd.remote.s32 $0x1  }
0xc0: {  	_ =	sfence.sel $0xFFFF  }
0xc1: {  	[dreg:$0x0] =	wrdreg $0xFFFFFFFF;
	(pc) =	sbr.abs _section_cstart, $3  }
0xc2: {  	[dreg:$0x1] =	wrdreg $0xFFFFFFFF  }
0xc3: {  	_ =	task.clear_ibuf [dreg:s8], $0x2FFFF;
	_ =	strace $0x9FFFFFFF  }
0xc4: {  	(tm) =	ssettm $0x7FFFFFFF  }
0xc5: {  	_ =	shalt  }
tec
execute0_lowered:
.L_overlay_start_1:
0x0: {  	(tag) =	ssettag $0x1  }
0x1: {  	s0 =	rddreg [dreg:$0x0]  }
0x2: {  	s2 =	rddreg [dreg:$0x1]  }
0x3: {  	s5 =	rddreg [dreg:$0x2];
	s1 =	simm.s32 $0x0  }
0x4: {  	s4 =	srdreg.scid;
	s9 =	stileid.u32;
	s11 =	simm.s32 $0x80  }
0x5: {  	s22 =	simm.s32 $0x880;
	s12 =	simm.s32 $0x3480;
	s13 =	simm.s32 $0x3880  }
0x6: {  	s14 =	simm.s32 $0x3C80;
	s28 =	simm.s32 $0x4080;
	s15 =	simm.s32 $0x4480  }
0x7: {  	s29 =	simm.s32 $0x4C80;
	s30 =	simm.s32 $0x5080;
	s31 =	simm.s32 $0x5480  }
0x8: {  	s16 =	simm.s32 $0x1;
	s17 =	simm.s32 $0x3;
	s18 =	simm.s32 $0x2  }
0x9: {  	s20 =	simm.s32 $0x0;
	[smem:$0x7FF] =	sst s1;
	s3 =	sadd.s32 $0x800, s5  }
0xa: {  	s6 =	sand.u32 $0x1, s4;
	s4 =	sadd.s32 $0xF42C00, s5;
	s7 =	sshll.u32 s9, $0x8  }
0xb: {  	s9 =	sshll.u32 s9, $0xF;
	_ =	strace $0x80000047;
	s8 =	sshll.u32 s6, $0x7  }
0xc: {  	s10 =	ssub.s32 $0x2, s6;
	s5 =	sadd.s32 s9, s5;
	s24 =	sshll.u32 s6, $0xE  }
0xd: {  	s6 =	simm.s32 $0x2080;
	s7 =	sor.u32 s8, s7;
	s23 =	sshrl.u32 s10, $0x1  }
0xe: {  	s9 =	simm.s32 $0x3080;
	s7 =	sshrl.u32 s7, $0x3;
	s8 =	ssub.s32 s10, s23  }
0xf: {  	s23 =	simm.s32 $0xC80;
	s10 =	simm.s32 $0x2880;
	s0 =	sadd.s32 s0, s7  }
0x10: {  	vm0 =	vmmov $0x1;
	s2 =	sadd.s32 s2, s7;
	s25 =	smax.u32 s8, $0x1;
	[dreg:$0x4] =	wrdreg s0  }
0x11: {  	vm1 =	vcmask $0x308;
	vm2 =	vcmask $0x70C;
	vm3 =	vcmask $0xB10;
	s7 =	simm.s32 $0x2480;
	s8 =	simm.s32 $0x2C80;
	[dreg:$0x5] =	wrdreg s2  }
0x12: {  	vm4 =	vcmask $0xF14;
	vm5 =	vcmask $0x1318;
	vm6 =	vcmask $0x171C;
	[dreg:$0x6] =	wrdreg s25;
	s0 =	sadd.s32 s24, s5;
	s24 =	simm.s32 $0x1080  }
0x13: {  	vm7 =	vcmask $0x1B20;
	vm8 =	vcmask $0x1F24;
	vm9 =	vcmask $0x2328;
	s2 =	simm.s32 $0x1880;
	s5 =	simm.s32 $0x1C80;
	s26 =	sadd.s32 $0x1E85000, s0  }
0x14: {  	vm10 =	vcmask $0x272C;
	vm11 =	vcmask $0x2B30;
	vm12 =	vcmask $0x2F34;
	s25 =	simm.s32 $0x4880;
	s0 =	sadd.s32 $0x1F05000, s0;
	[dreg:$0x7] =	wrdreg s26  }
0x15: {  	vm13 =	vcmask $0x3338;
	vm14 =	vcmask $0x373C;
	vm15 =	vmmov $0x7fff;
	[dreg:$0x8] =	wrdreg s0;
	s26 =	simm.s32 $0x480;
	s0 =	simm.s32 $0x1480  }
.LBB2_1:
0x16: {  	[dreg:$0x9] =	wrdreg s20  }
0x17: {  	s19 =	rddreg [dreg:$0x4];
	s20 =	simm.s32 $0x4  }
0x18: {  	[tilespmem:s1], [sflag:$0x4] =	stream.linear.gather [hbm4b:s19+s1], $0x80, $0x38;
	[tilespmem:$0x8080] =	vst v63  }
0x19: {  	_ =	swait.ge [sflag:s20], $0x80  }
0x1a: {  	[sflag:s20] =	ssyncset.done $0x0  }
0x1b: {  	s19 =	simm.s32 $0x0;
	[sflag:s20] =	ssyncadd.s32 $0xFFFFFF80  }
0x1c: {  	v0 =	vld [tilespmem:s19+$0x0];
	_ =	sdelay $0x4  }
0x1d: {  	v1 =	vnsel vm0, $0x0, v0  }
0x1e: {  	(xrf0) =	vadd.scan.msk.s32 $0xffff, v1  }
0x1f: {  	v4 =	vsel vm1, $0x0, v0  }
0x20: {  	(xrf0) =	vadd.scan.msk.s32 $0xffff, v4;
	_ =	sdelay $0x1  }
0x21: {  	v5 =	vsel vm2, $0x0, v0  }
0x22: {  	(xrf0) =	vadd.scan.msk.s32 $0xffff, v5  }
0x23: {  	v6, _, _ =	vpop (xrf0)  }
0x24: {  	v2 =	vsel vm3, $0x0, v0;
	(v2sf) =	vpush v6, $0xF  }
0x25: {  	(xrf0) =	vadd.scan.msk.s32 $0xffff, v2;
	v7, _, _ =	vpop (xrf0)  }
0x26: {  	(v2sf) =	vpush v7, $0xF  }
0x27: {  	v8 =	vsel vm4, $0x0, v0  }
0x28: {  	v10 =	vsel vm5, $0x0, v0;
	(xrf0) =	vadd.scan.msk.s32 $0xffff, v8;
	v9, _, _ =	vpop (xrf0)  }
0x29: {  	(xrf0) =	vadd.scan.msk.s32 $0xffff, v10;
	(v2sf) =	vpush v9, $0xF;
	_ =	sdelay $0x1  }
0x2a: {  	v11, _, _ =	vpop (xrf0)  }
0x2b: {  	(v2sf) =	vpush v11, $0xF;
	_ =	sdelay $0x1  }
0x2c: {  	v13, _, _ =	vpop (xrf0)  }
0x2d: {  	v12 =	vsel vm6, $0x0, v0;
	(v2sf) =	vpush v13, $0xF;
	v15, _, _ =	vpop (xrf0)  }
0x2e: {  	(xrf0) =	vadd.scan.msk.s32 $0xffff, v12;
	(v2sf) =	vpush v15, $0xF  }
0x2f: {  	v14 =	vsel vm7, $0x0, v0  }
0x30: {  	v16 =	vsel vm8, $0x0, v0;
	(xrf0) =	vadd.scan.msk.s32 $0xffff, v14  }
0x31: {  	(xrf0) =	vadd.scan.msk.s32 $0xffff, v16;
	s21 =	spop (v2sf)  }
0x32: {  	s20 =	sshll.u32 s21, $0x7  }
0x33: {  	v18 =	vsel vm9, $0x0, v0;
	s21 =	spop (v2sf);
	s20 =	sand.u32 $0x1FFFFF80, s20  }
0x34: {  	v17, _, _ =	vpop (xrf0);
	(xrf0) =	vadd.scan.msk.s32 $0xffff, v18;
	s21 =	sshll.u32 s21, $0x7;
	s20 =	sadd.s32 s3, s20  }
0x35: {  	(v2sf) =	vpush v17, $0xF;
	[tilespmem:s11], [sflag:$0x1] =	stream.linear.gather [hbm4b:s20+s1], $0x400, $0x38;
	[tilespmem:$0x8080] =	vst v63  }
0x36: {  	v20 =	vsel vm10, $0x0, v0;
	v19, _, _ =	vpop (xrf0);
	s21 =	sand.u32 $0x1FFFFF80, s21;
	s20 =	spop (v2sf)  }
0x37: {  	(xrf0) =	vadd.scan.msk.s32 $0xffff, v20;
	v21, _, _ =	vpop (xrf0);
	(v2sf) =	vpush v19, $0xF;
	s21 =	sadd.s32 s3, s21;
	s20 =	sshll.u32 s20, $0x7  }
0x38: {  	v22 =	vsel vm11, $0x0, v0;
	(v2sf) =	vpush v21, $0xF;
	[tilespmem:s26], [sflag:$0x1] =	stream.linear.gather [hbm4b:s21+s1], $0x400, $0x38;
	[tilespmem:$0x8080] =	vst v63  }
0x39: {  	(xrf0) =	vadd.scan.msk.s32 $0xffff, v22;
	s20 =	sand.u32 $0x1FFFFF80, s20;
	s21 =	spop (v2sf)  }
0x3a: {  	v23, _, _ =	vpop (xrf0);
	s20 =	sadd.s32 s3, s20;
	s21 =	sshll.u32 s21, $0x7  }
0x3b: {  	(v2sf) =	vpush v23, $0xF;
	[tilespmem:s22], [sflag:$0x1] =	stream.linear.gather [hbm4b:s20+s1], $0x400, $0x38;
	[tilespmem:$0x8080] =	vst v63  }
0x3c: {  	s22 =	spop (v2sf);
	s21 =	sand.u32 $0x1FFFFF80, s21  }
0x3d: {  	s20 =	sshll.u32 s22, $0x7;
	s21 =	sadd.s32 s3, s21;
	s22 =	spop (v2sf)  }
0x3e: {  	v24 =	vsel vm12, $0x0, v0;
	v25, _, _ =	vpop (xrf0);
	[tilespmem:s23], [sflag:$0x1] =	stream.linear.gather [hbm4b:s21+s1], $0x400, $0x38;
	[tilespmem:$0x8080] =	vst v63  }
0x3f: {  	v3 =	vsel vm13, $0x0, v0;
	(xrf0) =	vadd.scan.msk.s32 $0xffff, v24;
	v26, _, _ =	vpop (xrf0);
	(v2sf) =	vpush v25, $0xF;
	s20 =	sand.u32 $0x1FFFFF80, s20;
	s21 =	sshll.u32 s22, $0x7  }
0x40: {  	(xrf0) =	vadd.scan.msk.s32 $0xffff, v3;
	(v2sf) =	vpush v26, $0xF;
	s20 =	sadd.s32 s3, s20;
	s23 =	sand.u32 $0x1FFFFF80, s21  }
0x41: {  	[tilespmem:s24], [sflag:$0x1] =	stream.linear.gather [hbm4b:s20+s1], $0x400, $0x38;
	[tilespmem:$0x8080] =	vst v63  }
0x42: {  	s20 =	sadd.s32 s3, s23  }
0x43: {  	[tilespmem:s0], [sflag:$0x1] =	stream.linear.gather [hbm4b:s20+s1], $0x400, $0x38;
	[tilespmem:$0x8080] =	vst v63  }
0x44: {  	v27 =	vsel vm14, $0x0, v0;
	s24 =	spop (v2sf)  }
0x45: {  	(xrf0) =	vadd.scan.msk.s32 $0xffff, v27;
	s21 =	sshll.u32 s24, $0x7  }
0x46: {  	v0 =	vsel vm15, $0x0, v0;
	v28, _, _ =	vpop (xrf0);
	s0 =	spop (v2sf);
	s21 =	sand.u32 $0x1FFFFF80, s21  }
0x47: {  	(xrf0) =	vadd.scan.msk.s32 $0xffff, v0;
	v29, _, _ =	vpop (xrf0);
	(v2sf) =	vpush v28, $0xF;
	s20 =	sshll.u32 s0, $0x7;
	s22 =	spop (v2sf);
	s21 =	sadd.s32 s3, s21  }
0x48: {  	(v2sf) =	vpush v29, $0xF;
	[tilespmem:s2], [sflag:$0x1] =	stream.linear.gather [hbm4b:s21+s1], $0x400, $0x38;
	[tilespmem:$0x8080] =	vst v63  }
0x49: {  	s20 =	sand.u32 $0x1FFFFF80, s20;
	s21 =	sshll.u32 s22, $0x7  }
0x4a: {  	s23 =	spop (v2sf);
	s20 =	sadd.s32 s3, s20;
	s21 =	sand.u32 $0x1FFFFF80, s21  }
0x4b: {  	v30, _, _ =	vpop (xrf0);
	[tilespmem:s5], [sflag:$0x1] =	stream.linear.gather [hbm4b:s20+s1], $0x400, $0x38;
	[tilespmem:$0x8080] =	vst v63  }
0x4c: {  	(v2sf) =	vpush v30, $0xF;
	s20 =	sshll.u32 s23, $0x7;
	s21 =	sadd.s32 s3, s21  }
0x4d: {  	v31, _, _ =	vpop (xrf0);
	[tilespmem:s6], [sflag:$0x1] =	stream.linear.gather [hbm4b:s21+s1], $0x400, $0x38;
	[tilespmem:$0x8080] =	vst v63  }
0x4e: {  	(v2sf) =	vpush v31, $0xF;
	s20 =	sand.u32 $0x1FFFFF80, s20;
	s24 =	spop (v2sf)  }
0x4f: {  	s20 =	sadd.s32 s3, s20;
	s21 =	sshll.u32 s24, $0x7;
	s2 =	spop (v2sf)  }
0x50: {  	[tilespmem:s7], [sflag:$0x1] =	stream.linear.gather [hbm4b:s20+s1], $0x400, $0x38;
	[tilespmem:$0x8080] =	vst v63  }
0x51: {  	s0 =	sand.u32 $0x1FFFFF80, s21;
	s21 =	sshll.u32 s2, $0x7  }
0x52: {  	s20 =	sadd.s32 s3, s0;
	s5 =	sand.u32 $0x1FFFFF80, s21  }
0x53: {  	[tilespmem:s10], [sflag:$0x1] =	stream.linear.gather [hbm4b:s20+s1], $0x400, $0x38;
	[tilespmem:$0x8080] =	vst v63  }
0x54: {  	s20 =	sadd.s32 s3, s5  }
0x55: {  	[tilespmem:s8], [sflag:$0x1] =	stream.linear.gather [hbm4b:s20+s1], $0x400, $0x38;
	[tilespmem:$0x8080] =	vst v63  }
0x56: {  	s6 =	spop (v2sf)  }
0x57: {  	s7 =	sshll.u32 s6, $0x7;
	s8 =	spop (v2sf)  }
0x58: {  	s20 =	sand.u32 $0x1FFFFF80, s7;
	s21 =	sshll.u32 s8, $0x7  }
0x59: {  	s20 =	sadd.s32 s3, s20;
	s21 =	sand.u32 $0x1FFFFF80, s21  }
0x5a: {  	[tilespmem:s9], [sflag:$0x1] =	stream.linear.gather [hbm4b:s20+s1], $0x400, $0x38;
	[tilespmem:$0x8080] =	vst v63  }
0x5b: {  	s10 =	spop (v2sf);
	s21 =	sadd.s32 s3, s21  }
0x5c: {  	[tilespmem:s12], [sflag:$0x1] =	stream.linear.gather [hbm4b:s21+s1], $0x400, $0x38;
	[tilespmem:$0x8080] =	vst v63  }
0x5d: {  	s20 =	sshll.u32 s10, $0x7;
	s12 =	spop (v2sf)  }
0x5e: {  	s20 =	sand.u32 $0x1FFFFF80, s20;
	s21 =	sshll.u32 s12, $0x7  }
0x5f: {  	s20 =	sadd.s32 s3, s20;
	s21 =	sand.u32 $0x1FFFFF80, s21  }
0x60: {  	[tilespmem:s13], [sflag:$0x1] =	stream.linear.gather [hbm4b:s20+s1], $0x400, $0x38;
	[tilespmem:$0x8080] =	vst v63  }
0x61: {  	s13 =	sadd.s32 s3, s21  }
0x62: {  	[tilespmem:s14], [sflag:$0x1] =	stream.linear.gather [hbm4b:s13+s1], $0x400, $0x38;
	[tilespmem:$0x8080] =	vst v63  }
0x63: {  	v32 =	vld [tilespmem:s19+$0x10];
	_ =	sdelay $0x4  }
0x64: {  	v33 =	vnsel vm0, $0x0, v32  }
0x65: {  	v34 =	vsel vm1, $0x0, v32;
	(xrf0) =	vadd.scan.msk.s32 $0xffff, v33  }
0x66: {  	(xrf0) =	vadd.scan.msk.s32 $0xffff, v34  }
0x67: {  	v35 =	vsel vm2, $0x0, v32  }
0x68: {  	v36 =	vsel vm3, $0x0, v32;
	(xrf0) =	vadd.scan.msk.s32 $0xffff, v35  }
0x69: {  	(xrf0) =	vadd.scan.msk.s32 $0xffff, v36;
	_ =	sdelay $0x1  }
0x6a: {  	v38, _, _ =	vpop (xrf0)  }
0x6b: {  	v37 =	vsel vm4, $0x0, v32;
	(v2sf) =	vpush v38, $0xF;
	v39, _, _ =	vpop (xrf0)  }
0x6c: {  	v40 =	vsel vm5, $0x0, v32;
	(xrf0) =	vadd.scan.msk.s32 $0xffff, v37;
	(v2sf) =	vpush v39, $0xF  }
0x6d: {  	(xrf0) =	vadd.scan.msk.s32 $0xffff, v40;
	v41, _, _ =	vpop (xrf0)  }
0x6e: {  	v42 =	vsel vm6, $0x0, v32;
	(v2sf) =	vpush v41, $0xF;
	v43, _, _ =	vpop (xrf0)  }
0x6f: {  	(xrf0) =	vadd.scan.msk.s32 $0xffff, v42;
	(v2sf) =	vpush v43, $0xF;
	_ =	sdelay $0x2  }
0x70: {  	v44 =	vsel vm7, $0x0, v32;
	v45, _, _ =	vpop (xrf0)  }
0x71: {  	(xrf0) =	vadd.scan.msk.s32 $0xffff, v44;
	(v2sf) =	vpush v45, $0xF;
	v47, _, _ =	vpop (xrf0)  }
0x72: {  	(v2sf) =	vpush v47, $0xF  }
0x73: {  	v46 =	vsel vm8, $0x0, v32;
	v49, _, _ =	vpop (xrf0)  }
0x74: {  	(xrf0) =	vadd.scan.msk.s32 $0xffff, v46;
	(v2sf) =	vpush v49, $0xF  }
0x75: {  	v48 =	vsel vm9, $0x0, v32  }
0x76: {  	(xrf0) =	vadd.scan.msk.s32 $0xffff, v48  }
0x77: {  	v50, _, _ =	vpop (xrf0)  }
0x78: {  	v51 =	vsel vm10, $0x0, v32;
	(v2sf) =	vpush v50, $0xF;
	s20 =	spop (v2sf)  }
0x79: {  	s9 =	simm.s32 $0x5880;
	v52 =	vsel vm11, $0x0, v32;
	(xrf0) =	vadd.scan.msk.s32 $0xffff, v51;
	s19 =	sshll.u32 s20, $0x7;
	s21 =	spop (v2sf)  }
0x7a: {  	s13 =	simm.s32 $0x5C80;
	v53, _, _ =	vpop (xrf0);
	(xrf0) =	vadd.scan.msk.s32 $0xffff, v52;
	s19 =	sand.u32 $0x1FFFFF80, s19;
	s20 =	sshll.u32 s21, $0x7  }
0x7b: {  	(v2sf) =	vpush v53, $0xF;
	s22 =	spop (v2sf);
	s19 =	sadd.s32 s3, s19;
	s20 =	sand.u32 $0x1FFFFF80, s20  }
0x7c: {  	v55, _, _ =	vpop (xrf0);
	s23 =	sshll.u32 s22, $0x7;
	s24 =	spop (v2sf);
	s22 =	simm.s32 $0x6080  }
0x7d: {  	v54 =	vsel vm12, $0x0, v32;
	(v2sf) =	vpush v55, $0xF;
	[tilespmem:s28], [sflag:$0x2] =	stream.linear.gather [hbm4b:s19+s1], $0x400, $0x38;
	[tilespmem:$0x8080] =	vst v63  }
0x7e: {  	(xrf0) =	vadd.scan.msk.s32 $0xffff, v54;
	s20 =	sadd.s32 s3, s20;
	s19 =	sand.u32 $0x1FFFFF80, s23;
	s0 =	sshll.u32 s24, $0x7  }
0x7f: {  	v56 =	vsel vm13, $0x0, v32;
	v57, _, _ =	vpop (xrf0);
	[tilespmem:s15], [sflag:$0x2] =	stream.linear.gather [hbm4b:s20+s1], $0x400, $0x38;
	[tilespmem:$0x8080] =	vst v63  }
0x80: {  	(xrf0) =	vadd.scan.msk.s32 $0xffff, v56;
	(v2sf) =	vpush v57, $0xF;
	v59, _, _ =	vpop (xrf0);
	s19 =	sadd.s32 s3, s19;
	s2 =	spop (v2sf);
	s20 =	sand.u32 $0x1FFFFF80, s0  }
0x81: {  	(v2sf) =	vpush v59, $0xF;
	s21 =	sshll.u32 s2, $0x7;
	s5 =	spop (v2sf);
	s20 =	sadd.s32 s3, s20  }
0x82: {  	v58 =	vsel vm14, $0x0, v32;
	[tilespmem:s25], [sflag:$0x2] =	stream.linear.gather [hbm4b:s19+s1], $0x400, $0x38;
	[tilespmem:$0x8080] =	vst v63  }
0x83: {  	(xrf0) =	vadd.scan.msk.s32 $0xffff, v58;
	s21 =	sand.u32 $0x1FFFFF80, s21;
	s19 =	sshll.u32 s5, $0x7;
	s6 =	spop (v2sf)  }
0x84: {  	v0 =	vsel vm15, $0x0, v32;
	v60, _, _ =	vpop (xrf0);
	[tilespmem:s29], [sflag:$0x2] =	stream.linear.gather [hbm4b:s20+s1], $0x400, $0x38;
	[tilespmem:$0x8080] =	vst v63  }
0x85: {  	(xrf0) =	vadd.scan.msk.s32 $0xffff, v0;
	(v2sf) =	vpush v60, $0xF;
	s25 =	simm.s32 $0x6480;
	s21 =	sadd.s32 s3, s21;
	s19 =	sand.u32 $0x1FFFFF80, s19  }
0x86: {  	v61, _, _ =	vpop (xrf0);
	[tilespmem:s30], [sflag:$0x2] =	stream.linear.gather [hbm4b:s21+s1], $0x400, $0x38;
	[tilespmem:$0x8080] =	vst v63  }
0x87: {  	(v2sf) =	vpush v61, $0xF;
	s20 =	sshll.u32 s6, $0x7;
	s19 =	sadd.s32 s3, s19;
	s7 =	spop (v2sf)  }
0x88: {  	s6 =	simm.s32 $0x6880;
	s20 =	sand.u32 $0x1FFFFF80, s20;
	s21 =	sshll.u32 s7, $0x7  }
0x89: {  	v62, _, _ =	vpop (xrf0);
	[tilespmem:s31], [sflag:$0x2] =	stream.linear.gather [hbm4b:s19+s1], $0x400, $0x38;
	[tilespmem:$0x8080] =	vst v63  }
0x8a: {  	(v2sf) =	vpush v62, $0xF;
	s20 =	sadd.s32 s3, s20;
	s21 =	sand.u32 $0x1FFFFF80, s21;
	s8 =	spop (v2sf)  }
0x8b: {  	v63, _, _ =	vpop (xrf0);
	[tilespmem:s9], [sflag:$0x2] =	stream.linear.gather [hbm4b:s20+s1], $0x400, $0x38;
	[tilespmem:$0x8080] =	vst v63  }
0x8c: {  	(v2sf) =	vpush v63, $0xF;
	s10 =	sadd.s32 s3, s21;
	s19 =	sshll.u32 s8, $0x7;
	s12 =	spop (v2sf)  }
0x8d: {  	s9 =	simm.s32 $0x6C80;
	s19 =	sand.u32 $0x1FFFFF80, s19;
	s14 =	sshll.u32 s12, $0x7  }
0x8e: {  	[tilespmem:s13], [sflag:$0x2] =	stream.linear.gather [hbm4b:s10+s1], $0x400, $0x38;
	[tilespmem:$0x8080] =	vst v63  }
0x8f: {  	s19 =	sadd.s32 s3, s19;
	s15 =	spop (v2sf);
	s20 =	sand.u32 $0x1FFFFF80, s14  }
0x90: {  	s13 =	simm.s32 $0x7080;
	s23 =	sshll.u32 s15, $0x7;
	s24 =	spop (v2sf)  }
0x91: {  	[tilespmem:s22], [sflag:$0x2] =	stream.linear.gather [hbm4b:s19+s1], $0x400, $0x38;
	[tilespmem:$0x8080] =	vst v63  }
0x92: {  	s20 =	sadd.s32 s3, s20;
	s15 =	simm.s32 $0x7480;
	s19 =	sand.u32 $0x1FFFFF80, s23  }
0x93: {  	[tilespmem:s25], [sflag:$0x2] =	stream.linear.gather [hbm4b:s20+s1], $0x400, $0x38;
	[tilespmem:$0x8080] =	vst v63  }
0x94: {  	s2 =	sshll.u32 s24, $0x7;
	s5 =	spop (v2sf);
	s19 =	sadd.s32 s3, s19  }
0x95: {  	[tilespmem:s6], [sflag:$0x2] =	stream.linear.gather [hbm4b:s19+s1], $0x400, $0x38;
	[tilespmem:$0x8080] =	vst v63  }
0x96: {  	s20 =	sand.u32 $0x1FFFFF80, s2;
	s21 =	sshll.u32 s5, $0x7;
	s8 =	spop (v2sf)  }
0x97: {  	s7 =	sadd.s32 s3, s20;
	s21 =	sand.u32 $0x1FFFFF80, s21;
	s10 =	sshll.u32 s8, $0x7  }
0x98: {  	[tilespmem:s9], [sflag:$0x2] =	stream.linear.gather [hbm4b:s7+s1], $0x400, $0x38;
	[tilespmem:$0x8080] =	vst v63  }
0x99: {  	s21 =	sadd.s32 s3, s21;
	s12 =	spop (v2sf);
	s19 =	sand.u32 $0x1FFFFF80, s10  }
0x9a: {  	[tilespmem:s13], [sflag:$0x2] =	stream.linear.gather [hbm4b:s21+s1], $0x400, $0x38;
	[tilespmem:$0x8080] =	vst v63  }
0x9b: {  	s20 =	sshll.u32 s12, $0x7;
	s19 =	sadd.s32 s3, s19;
	s14 =	spop (v2sf)  }
0x9c: {  	[tilespmem:s15], [sflag:$0x2] =	stream.linear.gather [hbm4b:s19+s1], $0x400, $0x38;
	[tilespmem:$0x8080] =	vst v63  }
0x9d: {  	s20 =	sand.u32 $0x1FFFFF80, s20;
	s21 =	sshll.u32 s14, $0x7  }
0x9e: {  	s23 =	simm.s32 $0x7880;
	s20 =	sadd.s32 s3, s20;
	s22 =	sand.u32 $0x1FFFFF80, s21  }
0x9f: {  	[tilespmem:s23], [sflag:$0x2] =	stream.linear.gather [hbm4b:s20+s1], $0x400, $0x38;
	[tilespmem:$0x8080] =	vst v63  }
0xa0: {  	s25 =	simm.s32 $0x7C80;
	s24 =	sadd.s32 s3, s22  }
0xa1: {  	[tilespmem:s25], [sflag:$0x2] =	stream.linear.gather [hbm4b:s24+s1], $0x400, $0x38;
	[tilespmem:$0x8080] =	vst v63  }
0xa2: {  	_ =	swait.ge [sflag:s16], $0x400  }
0xa3: {  	[sflag:s16] =	ssyncset.done $0x0  }
0xa4: {  	[sflag:s16] =	ssyncadd.s32 $0xFFFFFC00  }
0xa5: {  	_ =	swait.ge [sflag:s16], $0x400  }
0xa6: {  	[sflag:s16] =	ssyncset.done $0x0  }
0xa7: {  	[sflag:s16] =	ssyncadd.s32 $0xFFFFFC00  }
0xa8: {  	_ =	swait.ge [sflag:s16], $0x400  }
0xa9: {  	[sflag:s16] =	ssyncset.done $0x0  }
0xaa: {  	[sflag:s16] =	ssyncadd.s32 $0xFFFFFC00  }
0xab: {  	_ =	swait.ge [sflag:s16], $0x400  }
0xac: {  	[sflag:s16] =	ssyncset.done $0x0  }
0xad: {  	[sflag:s16] =	ssyncadd.s32 $0xFFFFFC00  }
0xae: {  	_ =	swait.ge [sflag:s16], $0x400  }
0xaf: {  	[sflag:s16] =	ssyncset.done $0x0  }
0xb0: {  	[sflag:s16] =	ssyncadd.s32 $0xFFFFFC00  }
0xb1: {  	_ =	swait.ge [sflag:s16], $0x400  }
0xb2: {  	[sflag:s16] =	ssyncset.done $0x0  }
0xb3: {  	[sflag:s16] =	ssyncadd.s32 $0xFFFFFC00  }
0xb4: {  	_ =	swait.ge [sflag:s16], $0x400  }
0xb5: {  	[sflag:s16] =	ssyncset.done $0x0  }
0xb6: {  	[sflag:s16] =	ssyncadd.s32 $0xFFFFFC00  }
0xb7: {  	_ =	swait.ge [sflag:s16], $0x400  }
0xb8: {  	[sflag:s16] =	ssyncset.done $0x0  }
0xb9: {  	[sflag:s16] =	ssyncadd.s32 $0xFFFFFC00  }
0xba: {  	_ =	swait.ge [sflag:s16], $0x400  }
0xbb: {  	[sflag:s16] =	ssyncset.done $0x0  }
0xbc: {  	[sflag:s16] =	ssyncadd.s32 $0xFFFFFC00  }
0xbd: {  	_ =	swait.ge [sflag:s16], $0x400  }
0xbe: {  	[sflag:s16] =	ssyncset.done $0x0  }
0xbf: {  	[sflag:s16] =	ssyncadd.s32 $0xFFFFFC00  }
0xc0: {  	_ =	swait.ge [sflag:s16], $0x400  }
0xc1: {  	[sflag:s16] =	ssyncset.done $0x0  }
0xc2: {  	[sflag:s16] =	ssyncadd.s32 $0xFFFFFC00  }
0xc3: {  	_ =	swait.ge [sflag:s16], $0x400  }
0xc4: {  	[sflag:s16] =	ssyncset.done $0x0  }
0xc5: {  	[sflag:s16] =	ssyncadd.s32 $0xFFFFFC00  }
0xc6: {  	_ =	swait.ge [sflag:s16], $0x400  }
0xc7: {  	[sflag:s16] =	ssyncset.done $0x0  }
0xc8: {  	[sflag:s16] =	ssyncadd.s32 $0xFFFFFC00  }
0xc9: {  	_ =	swait.ge [sflag:s16], $0x400  }
0xca: {  	[sflag:s16] =	ssyncset.done $0x0  }
0xcb: {  	[sflag:s16] =	ssyncadd.s32 $0xFFFFFC00  }
0xcc: {  	_ =	swait.ge [sflag:s16], $0x400  }
0xcd: {  	[sflag:s16] =	ssyncset.done $0x0  }
0xce: {  	[sflag:s16] =	ssyncadd.s32 $0xFFFFFC00  }
0xcf: {  	_ =	swait.ge [sflag:s16], $0x400  }
0xd0: {  	[sflag:s16] =	ssyncset.done $0x0  }
0xd1: {  	s19 =	rddreg [dreg:$0x7];
	[sflag:s16] =	ssyncadd.s32 $0xFFFFFC00  }
0xd2: {  	[hbm4b:s19+s1] =	stream.linear.scatter [tilespmem:s11], [sflag:$0x3], $0x4000, $0x38;
	[tilespmem:$0x8080] =	vst v63  }
0xd3: {  	_ =	swait.ge [sflag:s17], $0x4000  }
0xd4: {  	[sflag:s17] =	ssyncset.done $0x0  }
0xd5: {  	[sflag:s17] =	ssyncadd.s32 $0xFFFFC000  }
0xd6: {  	_ =	swait.ge [sflag:s18], $0x400  }
0xd7: {  	[sflag:s18] =	ssyncset.done $0x0  }
0xd8: {  	[sflag:s18] =	ssyncadd.s32 $0xFFFFFC00  }
0xd9: {  	_ =	swait.ge [sflag:s18], $0x400  }
0xda: {  	[sflag:s18] =	ssyncset.done $0x0  }
0xdb: {  	[sflag:s18] =	ssyncadd.s32 $0xFFFFFC00  }
0xdc: {  	_ =	swait.ge [sflag:s18], $0x400  }
0xdd: {  	[sflag:s18] =	ssyncset.done $0x0  }
0xde: {  	[sflag:s18] =	ssyncadd.s32 $0xFFFFFC00  }
0xdf: {  	_ =	swait.ge [sflag:s18], $0x400  }
0xe0: {  	[sflag:s18] =	ssyncset.done $0x0  }
0xe1: {  	[sflag:s18] =	ssyncadd.s32 $0xFFFFFC00  }
0xe2: {  	_ =	swait.ge [sflag:s18], $0x400  }
0xe3: {  	[sflag:s18] =	ssyncset.done $0x0  }
0xe4: {  	[sflag:s18] =	ssyncadd.s32 $0xFFFFFC00  }
0xe5: {  	_ =	swait.ge [sflag:s18], $0x400  }
0xe6: {  	[sflag:s18] =	ssyncset.done $0x0  }
0xe7: {  	[sflag:s18] =	ssyncadd.s32 $0xFFFFFC00  }
0xe8: {  	_ =	swait.ge [sflag:s18], $0x400  }
0xe9: {  	[sflag:s18] =	ssyncset.done $0x0  }
0xea: {  	[sflag:s18] =	ssyncadd.s32 $0xFFFFFC00  }
0xeb: {  	_ =	swait.ge [sflag:s18], $0x400  }
0xec: {  	[sflag:s18] =	ssyncset.done $0x0  }
0xed: {  	[sflag:s18] =	ssyncadd.s32 $0xFFFFFC00  }
0xee: {  	_ =	swait.ge [sflag:s18], $0x400  }
0xef: {  	[sflag:s18] =	ssyncset.done $0x0  }
0xf0: {  	[sflag:s18] =	ssyncadd.s32 $0xFFFFFC00  }
0xf1: {  	_ =	swait.ge [sflag:s18], $0x400  }
0xf2: {  	[sflag:s18] =	ssyncset.done $0x0  }
0xf3: {  	[sflag:s18] =	ssyncadd.s32 $0xFFFFFC00  }
0xf4: {  	_ =	swait.ge [sflag:s18], $0x400  }
0xf5: {  	[sflag:s18] =	ssyncset.done $0x0  }
0xf6: {  	[sflag:s18] =	ssyncadd.s32 $0xFFFFFC00  }
0xf7: {  	_ =	swait.ge [sflag:s18], $0x400  }
0xf8: {  	s0 =	simm.s32 $0x5480;
	[sflag:s18] =	ssyncset.done $0x0  }
0xf9: {  	s29 =	simm.s32 $0x4880;
	s30 =	simm.s32 $0x4C80;
	[sflag:s18] =	ssyncadd.s32 $0xFFFFFC00  }
0xfa: {  	s31 =	simm.s32 $0x5080;
	s8 =	simm.s32 $0x2C80;
	_ =	swait.ge [sflag:s18], $0x400  }
0xfb: {  	s10 =	simm.s32 $0x880;
	s9 =	simm.s32 $0x3080;
	[sflag:s18] =	ssyncset.done $0x0  }
0xfc: {  	s12 =	simm.s32 $0x3480;
	s13 =	simm.s32 $0x3880;
	[sflag:s18] =	ssyncadd.s32 $0xFFFFFC00  }
0xfd: {  	s15 =	simm.s32 $0x4480;
	s14 =	simm.s32 $0x3C80;
	_ =	swait.ge [sflag:s18], $0x400  }
0xfe: {  	s20 =	simm.s32 $0x80;
	s21 =	smov.u32 s19;
	[sflag:s18] =	ssyncset.done $0x0  }
.LBB2_2:
0xff: {  	p0 =	sne.s32 s20, $0x180  }
0x100: {  	[sflag:s18] =	ssyncadd.s32 $0xFFFFFC00;
	s21 =	sadd.s32 $0x1000, s21;
	s7 =	simm.s32 $0x7C80  }
0x101: {  	s22 =	smov.u32 s20;
	s20 =	sadd.s32 $0x80, s20;
	_ =	swait.ge [sflag:s18], $0x400  }
0x102: {  	[sflag:s18] =	ssyncset.done $0x0  }
0x103: {  	[sflag:s18] =	ssyncadd.s32 $0xFFFFFC00  }
0x104: {  	s6 =	simm.s32 $0x7880;
	_ =	swait.ge [sflag:s18], $0x400  }
0x105: {  	s23 =	sadd.s32 $0x800, s19;
	s19 =	smov.u32 s21;
	[sflag:s18] =	ssyncset.done $0x0  }
0x106: {  	[sflag:s18] =	ssyncadd.s32 $0xFFFFFC00  }
0x107: {  	[hbm4b:s23+s1] =	stream.linear.scatter [tilespmem:s28], [sflag:$0x3], $0x4000, $0x38;
	[tilespmem:$0x8080] =	vst v63  }
0x108: {  	_ =	swait.ge [sflag:s17], $0x4000  }
0x109: {  	[sflag:s17] =	ssyncset.done $0x0  }
0x10a: {  	s22 =	sshra.s32 s22, $0x2;
	[sflag:s17] =	ssyncadd.s32 $0xFFFFC000  }
0x10b: {  	v0 =	vld [tilespmem:s22+$0x0];
	_ =	sdelay $0x4  }
0x10c: {  	v1 =	vnsel vm0, $0x0, v0;
	v2 =	vsel vm1, $0x0, v0;
	v3 =	vsel vm2, $0x0, v0  }
0x10d: {  	v4 =	vsel vm3, $0x0, v0;
	v5 =	vsel vm4, $0x0, v0;
	v6 =	vsel vm5, $0x0, v0;
	(xrf0) =	vadd.scan.msk.s32 $0xffff, v1  }
0x10e: {  	v7 =	vsel vm7, $0x0, v0;
	v8 =	vsel vm8, $0x0, v0;
	v1 =	vsel vm6, $0x0, v0;
	(xrf0) =	vadd.scan.msk.s32 $0xffff, v2  }
0x10f: {  	v9 =	vsel vm10, $0x0, v0;
	v10 =	vsel vm11, $0x0, v0;
	v2 =	vsel vm9, $0x0, v0;
	(xrf0) =	vadd.scan.msk.s32 $0xffff, v3  }
0x110: {  	v11 =	vsel vm13, $0x0, v0;
	v12 =	vsel vm14, $0x0, v0;
	v3 =	vsel vm12, $0x0, v0;
	(xrf0) =	vadd.scan.msk.s32 $0xffff, v4  }
0x111: {  	v0 =	vsel vm15, $0x0, v0;
	(xrf0) =	vadd.scan.msk.s32 $0xffff, v5  }
0x112: {  	(xrf0) =	vadd.scan.msk.s32 $0xffff, v6  }
0x113: {  	v4, _, _ =	vpop (xrf0);
	(xrf0) =	vadd.scan.msk.s32 $0xffff, v1  }
0x114: {  	(v2sf) =	vpush v4, $0xF;
	v1, _, _ =	vpop (xrf0);
	(xrf0) =	vadd.scan.msk.s32 $0xffff, v7  }
0x115: {  	(v2sf) =	vpush v1, $0xF;
	v1, _, _ =	vpop (xrf0);
	(xrf0) =	vadd.scan.msk.s32 $0xffff, v8  }
0x116: {  	(v2sf) =	vpush v1, $0xF;
	v1, _, _ =	vpop (xrf0);
	(xrf0) =	vadd.scan.msk.s32 $0xffff, v2  }
0x117: {  	v2, _, _ =	vpop (xrf0);
	(xrf0) =	vadd.scan.msk.s32 $0xffff, v9  }
0x118: {  	v4, _, _ =	vpop (xrf0);
	(xrf0) =	vadd.scan.msk.s32 $0xffff, v10  }
0x119: {  	(v2sf) =	vpush v1, $0xF;
	v1, _, _ =	vpop (xrf0);
	(xrf0) =	vadd.scan.msk.s32 $0xffff, v3  }
0x11a: {  	v3, _, _ =	vpop (xrf0);
	(xrf0) =	vadd.scan.msk.s32 $0xffff, v11  }
0x11b: {  	(v2sf) =	vpush v2, $0xF;
	v2, _, _ =	vpop (xrf0);
	(xrf0) =	vadd.scan.msk.s32 $0xffff, v12  }
0x11c: {  	v5, _, _ =	vpop (xrf0);
	(xrf0) =	vadd.scan.msk.s32 $0xffff, v0  }
0x11d: {  	(v2sf) =	vpush v4, $0xF;
	v0, _, _ =	vpop (xrf0)  }
0x11e: {  	v4, _, _ =	vpop (xrf0)  }
0x11f: {  	v6, _, _ =	vpop (xrf0)  }
0x120: {  	(v2sf) =	vpush v1, $0xF;
	v1, _, _ =	vpop (xrf0)  }
0x121: {  	(v2sf) =	vpush v3, $0xF;
	v3, _, _ =	vpop (xrf0)  }
0x122: {  	v7, _, _ =	vpop (xrf0)  }
0x123: {  	s23 =	spop (v2sf)  }
0x124: {  	s2 =	simm.s32 $0xC80;
	s23 =	sshll.u32 s23, $0x7;
	s24 =	spop (v2sf)  }
0x125: {  	s23 =	sand.u32 $0x1FFFFF80, s23;
	s24 =	sshll.u32 s24, $0x7;
	s25 =	spop (v2sf);
	(v2sf) =	vpush v2, $0xF  }
0x126: {  	s23 =	sadd.s32 s3, s23;
	s24 =	sand.u32 $0x1FFFFF80, s24;
	s25 =	sshll.u32 s25, $0x7  }
0x127: {  	[tilespmem:s11], [sflag:$0x1] =	stream.linear.gather [hbm4b:s23+s1], $0x400, $0x38;
	(v2sf) =	vpush v5, $0xF;
	[tilespmem:$0x8080] =	vst v63  }
0x128: {  	s23 =	sadd.s32 s3, s24;
	s24 =	sand.u32 $0x1FFFFF80, s25;
	s25 =	spop (v2sf)  }
0x129: {  	[tilespmem:s26], [sflag:$0x1] =	stream.linear.gather [hbm4b:s23+s1], $0x400, $0x38;
	(v2sf) =	vpush v0, $0xF;
	[tilespmem:$0x8080] =	vst v63  }
0x12a: {  	s23 =	sadd.s32 s3, s24;
	s24 =	sshll.u32 s25, $0x7;
	s25 =	spop (v2sf)  }
0x12b: {  	[tilespmem:s10], [sflag:$0x1] =	stream.linear.gather [hbm4b:s23+s1], $0x400, $0x38;
	[tilespmem:$0x8080] =	vst v63  }
0x12c: {  	s23 =	sand.u32 $0x1FFFFF80, s24;
	s24 =	sshll.u32 s25, $0x7;
	s25 =	spop (v2sf);
	(v2sf) =	vpush v4, $0xF  }
0x12d: {  	s23 =	sadd.s32 s3, s23;
	s24 =	sand.u32 $0x1FFFFF80, s24;
	s25 =	sshll.u32 s25, $0x7  }
0x12e: {  	[tilespmem:s2], [sflag:$0x1] =	stream.linear.gather [hbm4b:s23+s1], $0x400, $0x38;
	(v2sf) =	vpush v6, $0xF;
	[tilespmem:$0x8080] =	vst v63  }
0x12f: {  	s23 =	sadd.s32 s3, s24;
	s24 =	sand.u32 $0x1FFFFF80, s25;
	s25 =	spop (v2sf)  }
0x130: {  	s2 =	simm.s32 $0x1080;
	s25 =	sshll.u32 s25, $0x7;
	s26 =	spop (v2sf);
	(v2sf) =	vpush v1, $0xF  }
0x131: {  	[tilespmem:s2], [sflag:$0x1] =	stream.linear.gather [hbm4b:s23+s1], $0x400, $0x38;
	[tilespmem:$0x8080] =	vst v63  }
0x132: {  	s23 =	sadd.s32 s3, s24  }
0x133: {  	s24 =	sand.u32 $0x1FFFFF80, s25;
	s25 =	sshll.u32 s26, $0x7;
	s2 =	simm.s32 $0x1480  }
0x134: {  	[tilespmem:s2], [sflag:$0x1] =	stream.linear.gather [hbm4b:s23+s1], $0x400, $0x38;
	[tilespmem:$0x8080] =	vst v63  }
0x135: {  	(v2sf) =	vpush v3, $0xF;
	s23 =	sadd.s32 s3, s24  }
0x136: {  	s24 =	sand.u32 $0x1FFFFF80, s25;
	s2 =	simm.s32 $0x1880;
	s25 =	spop (v2sf)  }
0x137: {  	[tilespmem:s2], [sflag:$0x1] =	stream.linear.gather [hbm4b:s23+s1], $0x400, $0x38;
	[tilespmem:$0x8080] =	vst v63  }
0x138: {  	(v2sf) =	vpush v7, $0xF;
	s23 =	sadd.s32 s3, s24  }
0x139: {  	s24 =	sshll.u32 s25, $0x7;
	s2 =	simm.s32 $0x1C80;
	s25 =	spop (v2sf)  }
0x13a: {  	[tilespmem:s2], [sflag:$0x1] =	stream.linear.gather [hbm4b:s23+s1], $0x400, $0x38;
	[tilespmem:$0x8080] =	vst v63  }
0x13b: {  	s23 =	sand.u32 $0x1FFFFF80, s24  }
0x13c: {  	s24 =	sshll.u32 s25, $0x7;
	s2 =	simm.s32 $0x2080;
	s25 =	spop (v2sf)  }
0x13d: {  	s23 =	sadd.s32 s3, s23;
	s24 =	sand.u32 $0x1FFFFF80, s24;
	s25 =	sshll.u32 s25, $0x7  }
0x13e: {  	[tilespmem:s2], [sflag:$0x1] =	stream.linear.gather [hbm4b:s23+s1], $0x400, $0x38;
	[tilespmem:$0x8080] =	vst v63  }
0x13f: {  	s23 =	sadd.s32 s3, s24  }
0x140: {  	s24 =	sand.u32 $0x1FFFFF80, s25;
	s2 =	simm.s32 $0x2480;
	s25 =	spop (v2sf)  }
0x141: {  	[tilespmem:s2], [sflag:$0x1] =	stream.linear.gather [hbm4b:s23+s1], $0x400, $0x38;
	[tilespmem:$0x8080] =	vst v63  }
0x142: {  	s23 =	sadd.s32 s3, s24  }
0x143: {  	s24 =	sshll.u32 s25, $0x7;
	s2 =	simm.s32 $0x2880;
	s25 =	spop (v2sf)  }
0x144: {  	[tilespmem:s2], [sflag:$0x1] =	stream.linear.gather [hbm4b:s23+s1], $0x400, $0x38;
	[tilespmem:$0x8080] =	vst v63  }
0x145: {  	s23 =	sand.u32 $0x1FFFFF80, s24;
	s24 =	sshll.u32 s25, $0x7;
	s25 =	spop (v2sf)  }
0x146: {  	s23 =	sadd.s32 s3, s23;
	s24 =	sand.u32 $0x1FFFFF80, s24;
	s25 =	sshll.u32 s25, $0x7  }
0x147: {  	[tilespmem:s8], [sflag:$0x1] =	stream.linear.gather [hbm4b:s23+s1], $0x400, $0x38;
	[tilespmem:$0x8080] =	vst v63  }
0x148: {  	s23 =	sadd.s32 s3, s24;
	s24 =	sand.u32 $0x1FFFFF80, s25;
	s25 =	spop (v2sf)  }
0x149: {  	[tilespmem:s9], [sflag:$0x1] =	stream.linear.gather [hbm4b:s23+s1], $0x400, $0x38;
	[tilespmem:$0x8080] =	vst v63  }
0x14a: {  	s23 =	sadd.s32 s3, s24;
	s24 =	sshll.u32 s25, $0x7;
	s25 =	spop (v2sf)  }
0x14b: {  	[tilespmem:s12], [sflag:$0x1] =	stream.linear.gather [hbm4b:s23+s1], $0x400, $0x38;
	[tilespmem:$0x8080] =	vst v63  }
0x14c: {  	s23 =	sand.u32 $0x1FFFFF80, s24;
	s24 =	sshll.u32 s25, $0x7  }
0x14d: {  	s23 =	sadd.s32 s3, s23;
	s24 =	sand.u32 $0x1FFFFF80, s24  }
0x14e: {  	[tilespmem:s13], [sflag:$0x1] =	stream.linear.gather [hbm4b:s23+s1], $0x400, $0x38;
	[tilespmem:$0x8080] =	vst v63  }
0x14f: {  	s23 =	sadd.s32 s3, s24  }
0x150: {  	[tilespmem:s14], [sflag:$0x1] =	stream.linear.gather [hbm4b:s23+s1], $0x400, $0x38;
	[tilespmem:$0x8080] =	vst v63  }
0x151: {  	v0 =	vld [tilespmem:s22+$0x10];
	_ =	sdelay $0x4  }
0x152: {  	v1 =	vnsel vm0, $0x0, v0;
	v2 =	vsel vm1, $0x0, v0;
	v3 =	vsel vm2, $0x0, v0  }
0x153: {  	v4 =	vsel vm3, $0x0, v0;
	v5 =	vsel vm4, $0x0, v0;
	v6 =	vsel vm5, $0x0, v0;
	(xrf0) =	vadd.scan.msk.s32 $0xffff, v1  }
0x154: {  	v7 =	vsel vm7, $0x0, v0;
	v8 =	vsel vm8, $0x0, v0;
	v1 =	vsel vm6, $0x0, v0;
	(xrf0) =	vadd.scan.msk.s32 $0xffff, v2  }
0x155: {  	v9 =	vsel vm10, $0x0, v0;
	v10 =	vsel vm11, $0x0, v0;
	v2 =	vsel vm9, $0x0, v0;
	(xrf0) =	vadd.scan.msk.s32 $0xffff, v3  }
0x156: {  	v11 =	vsel vm13, $0x0, v0;
	v12 =	vsel vm14, $0x0, v0;
	v3 =	vsel vm12, $0x0, v0;
	(xrf0) =	vadd.scan.msk.s32 $0xffff, v4  }
0x157: {  	v0 =	vsel vm15, $0x0, v0;
	(xrf0) =	vadd.scan.msk.s32 $0xffff, v5  }
0x158: {  	(xrf0) =	vadd.scan.msk.s32 $0xffff, v6  }
0x159: {  	v4, _, _ =	vpop (xrf0);
	(xrf0) =	vadd.scan.msk.s32 $0xffff, v1  }
0x15a: {  	(v2sf) =	vpush v4, $0xF;
	v1, _, _ =	vpop (xrf0);
	(xrf0) =	vadd.scan.msk.s32 $0xffff, v7  }
0x15b: {  	(v2sf) =	vpush v1, $0xF;
	v1, _, _ =	vpop (xrf0);
	(xrf0) =	vadd.scan.msk.s32 $0xffff, v8  }
0x15c: {  	(v2sf) =	vpush v1, $0xF;
	v1, _, _ =	vpop (xrf0);
	(xrf0) =	vadd.scan.msk.s32 $0xffff, v2  }
0x15d: {  	v2, _, _ =	vpop (xrf0);
	(xrf0) =	vadd.scan.msk.s32 $0xffff, v9  }
0x15e: {  	v4, _, _ =	vpop (xrf0);
	(xrf0) =	vadd.scan.msk.s32 $0xffff, v10  }
0x15f: {  	(v2sf) =	vpush v1, $0xF;
	v1, _, _ =	vpop (xrf0);
	(xrf0) =	vadd.scan.msk.s32 $0xffff, v3  }
0x160: {  	v3, _, _ =	vpop (xrf0);
	(xrf0) =	vadd.scan.msk.s32 $0xffff, v11  }
0x161: {  	(v2sf) =	vpush v2, $0xF;
	v2, _, _ =	vpop (xrf0);
	(xrf0) =	vadd.scan.msk.s32 $0xffff, v12  }
0x162: {  	(v2sf) =	vpush v4, $0xF;
	v4, _, _ =	vpop (xrf0);
	(xrf0) =	vadd.scan.msk.s32 $0xffff, v0  }
0x163: {  	(v2sf) =	vpush v1, $0xF;
	v0, _, _ =	vpop (xrf0)  }
0x164: {  	v1, _, _ =	vpop (xrf0)  }
0x165: {  	v5, _, _ =	vpop (xrf0)  }
0x166: {  	v6, _, _ =	vpop (xrf0)  }
0x167: {  	(v2sf) =	vpush v3, $0xF;
	v3, _, _ =	vpop (xrf0)  }
0x168: {  	v7, _, _ =	vpop (xrf0)  }
0x169: {  	s22 =	spop (v2sf);
	(v2sf) =	vpush v2, $0xF  }
0x16a: {  	s22 =	sshll.u32 s22, $0x7;
	s23 =	spop (v2sf)  }
0x16b: {  	s22 =	sand.u32 $0x1FFFFF80, s22;
	s23 =	sshll.u32 s23, $0x7;
	s24 =	spop (v2sf)  }
0x16c: {  	s22 =	sadd.s32 s3, s22;
	s23 =	sand.u32 $0x1FFFFF80, s23;
	s24 =	sshll.u32 s24, $0x7  }
0x16d: {  	[tilespmem:s28], [sflag:$0x2] =	stream.linear.gather [hbm4b:s22+s1], $0x400, $0x38;
	(v2sf) =	vpush v4, $0xF;
	[tilespmem:$0x8080] =	vst v63  }
0x16e: {  	s22 =	sadd.s32 s3, s23;
	s23 =	sand.u32 $0x1FFFFF80, s24;
	s24 =	spop (v2sf)  }
0x16f: {  	[tilespmem:s15], [sflag:$0x2] =	stream.linear.gather [hbm4b:s22+s1], $0x400, $0x38;
	(v2sf) =	vpush v0, $0xF;
	[tilespmem:$0x8080] =	vst v63  }
0x170: {  	s22 =	sadd.s32 s3, s23;
	s23 =	sshll.u32 s24, $0x7;
	s24 =	spop (v2sf);
	(v2sf) =	vpush v1, $0xF  }
0x171: {  	s23 =	sand.u32 $0x1FFFFF80, s23;
	s24 =	sshll.u32 s24, $0x7;
	s25 =	spop (v2sf)  }
0x172: {  	s24 =	sand.u32 $0x1FFFFF80, s24;
	s25 =	sshll.u32 s25, $0x7;
	s26 =	spop (v2sf)  }
0x173: {  	[tilespmem:s29], [sflag:$0x2] =	stream.linear.gather [hbm4b:s22+s1], $0x400, $0x38;
	[tilespmem:$0x8080] =	vst v63  }
0x174: {  	s2 =	simm.s32 $0x5880;
	(v2sf) =	vpush v5, $0xF;
	s22 =	sadd.s32 s3, s23  }
0x175: {  	s23 =	sand.u32 $0x1FFFFF80, s25;
	s25 =	sshll.u32 s26, $0x7;
	s26 =	simm.s32 $0x480  }
0x176: {  	[tilespmem:s30], [sflag:$0x2] =	stream.linear.gather [hbm4b:s22+s1], $0x400, $0x38;
	(v2sf) =	vpush v6, $0xF;
	[tilespmem:$0x8080] =	vst v63  }
0x177: {  	s22 =	sadd.s32 s3, s24;
	s24 =	sand.u32 $0x1FFFFF80, s25;
	s25 =	spop (v2sf)  }
0x178: {  	[tilespmem:s31], [sflag:$0x2] =	stream.linear.gather [hbm4b:s22+s1], $0x400, $0x38;
	(v2sf) =	vpush v3, $0xF;
	[tilespmem:$0x8080] =	vst v63  }
0x179: {  	s22 =	sadd.s32 s3, s23;
	s23 =	sshll.u32 s25, $0x7;
	s25 =	spop (v2sf)  }
0x17a: {  	[tilespmem:s0], [sflag:$0x2] =	stream.linear.gather [hbm4b:s22+s1], $0x400, $0x38;
	[tilespmem:$0x8080] =	vst v63  }
0x17b: {  	s23 =	sand.u32 $0x1FFFFF80, s23;
	s22 =	sadd.s32 s3, s24;
	s24 =	sshll.u32 s25, $0x7  }
0x17c: {  	[tilespmem:s2], [sflag:$0x2] =	stream.linear.gather [hbm4b:s22+s1], $0x400, $0x38;
	[tilespmem:$0x8080] =	vst v63  }
0x17d: {  	(v2sf) =	vpush v7, $0xF;
	s22 =	sadd.s32 s3, s23  }
0x17e: {  	s23 =	sand.u32 $0x1FFFFF80, s24;
	s2 =	simm.s32 $0x5C80;
	s24 =	spop (v2sf)  }
0x17f: {  	[tilespmem:s2], [sflag:$0x2] =	stream.linear.gather [hbm4b:s22+s1], $0x400, $0x38;
	[tilespmem:$0x8080] =	vst v63  }
0x180: {  	s22 =	sadd.s32 s3, s23  }
0x181: {  	s23 =	sshll.u32 s24, $0x7;
	s2 =	simm.s32 $0x6080;
	s24 =	spop (v2sf)  }
0x182: {  	s23 =	sand.u32 $0x1FFFFF80, s23;
	s24 =	sshll.u32 s24, $0x7;
	s25 =	spop (v2sf)  }
0x183: {  	s23 =	sadd.s32 s3, s23;
	s24 =	sand.u32 $0x1FFFFF80, s24;
	s25 =	sshll.u32 s25, $0x7  }
0x184: {  	[tilespmem:s2], [sflag:$0x2] =	stream.linear.gather [hbm4b:s22+s1], $0x400, $0x38;
	[tilespmem:$0x8080] =	vst v63  }
0x185: {  	s22 =	sadd.s32 s3, s24  }
0x186: {  	s24 =	sand.u32 $0x1FFFFF80, s25;
	s2 =	simm.s32 $0x6480;
	s25 =	spop (v2sf)  }
0x187: {  	[tilespmem:s2], [sflag:$0x2] =	stream.linear.gather [hbm4b:s23+s1], $0x400, $0x38;
	[tilespmem:$0x8080] =	vst v63  }
0x188: {  	s23 =	sadd.s32 s3, s24  }
0x189: {  	s24 =	sshll.u32 s25, $0x7;
	s2 =	simm.s32 $0x6880;
	s25 =	spop (v2sf)  }
0x18a: {  	[tilespmem:s2], [sflag:$0x2] =	stream.linear.gather [hbm4b:s22+s1], $0x400, $0x38;
	[tilespmem:$0x8080] =	vst v63  }
0x18b: {  	s5 =	simm.s32 $0x7480;
	s22 =	sand.u32 $0x1FFFFF80, s24;
	s24 =	sshll.u32 s25, $0x7  }
0x18c: {  	s2 =	simm.s32 $0x6C80;
	s25 =	spop (v2sf);
	s22 =	sadd.s32 s3, s22  }
0x18d: {  	[tilespmem:s2], [sflag:$0x2] =	stream.linear.gather [hbm4b:s23+s1], $0x400, $0x38;
	[tilespmem:$0x8080] =	vst v63  }
0x18e: {  	s23 =	sand.u32 $0x1FFFFF80, s24;
	s24 =	sshll.u32 s25, $0x7;
	s2 =	simm.s32 $0x7080  }
0x18f: {  	[tilespmem:s2], [sflag:$0x2] =	stream.linear.gather [hbm4b:s22+s1], $0x400, $0x38;
	[tilespmem:$0x8080] =	vst v63  }
0x190: {  	s22 =	sadd.s32 s3, s23;
	s23 =	sand.u32 $0x1FFFFF80, s24;
	s24 =	spop (v2sf)  }
0x191: {  	s23 =	sadd.s32 s3, s23;
	s24 =	sshll.u32 s24, $0x7  }
0x192: {  	[tilespmem:s5], [sflag:$0x2] =	stream.linear.gather [hbm4b:s22+s1], $0x400, $0x38;
	[tilespmem:$0x8080] =	vst v63  }
0x193: {  	s22 =	sand.u32 $0x1FFFFF80, s24  }
0x194: {  	[tilespmem:s6], [sflag:$0x2] =	stream.linear.gather [hbm4b:s23+s1], $0x400, $0x38;
	[tilespmem:$0x8080] =	vst v63  }
0x195: {  	s6 =	simm.s32 $0x7880  }
0x196: {  	s22 =	sadd.s32 s3, s22  }
0x197: {  	[tilespmem:s7], [sflag:$0x2] =	stream.linear.gather [hbm4b:s22+s1], $0x400, $0x38;
	[tilespmem:$0x8080] =	vst v63  }
0x198: {  	s7 =	simm.s32 $0x7C80  }
0x199: {  	_ =	swait.ge [sflag:s16], $0x400  }
0x19a: {  	[sflag:s16] =	ssyncset.done $0x0  }
0x19b: {  	[sflag:s16] =	ssyncadd.s32 $0xFFFFFC00  }
0x19c: {  	_ =	swait.ge [sflag:s16], $0x400  }
0x19d: {  	[sflag:s16] =	ssyncset.done $0x0  }
0x19e: {  	[sflag:s16] =	ssyncadd.s32 $0xFFFFFC00  }
0x19f: {  	_ =	swait.ge [sflag:s16], $0x400  }
0x1a0: {  	[sflag:s16] =	ssyncset.done $0x0  }
0x1a1: {  	[sflag:s16] =	ssyncadd.s32 $0xFFFFFC00  }
0x1a2: {  	_ =	swait.ge [sflag:s16], $0x400  }
0x1a3: {  	[sflag:s16] =	ssyncset.done $0x0  }
0x1a4: {  	[sflag:s16] =	ssyncadd.s32 $0xFFFFFC00  }
0x1a5: {  	_ =	swait.ge [sflag:s16], $0x400  }
0x1a6: {  	[sflag:s16] =	ssyncset.done $0x0  }
0x1a7: {  	[sflag:s16] =	ssyncadd.s32 $0xFFFFFC00  }
0x1a8: {  	_ =	swait.ge [sflag:s16], $0x400  }
0x1a9: {  	[sflag:s16] =	ssyncset.done $0x0  }
0x1aa: {  	[sflag:s16] =	ssyncadd.s32 $0xFFFFFC00  }
0x1ab: {  	_ =	swait.ge [sflag:s16], $0x400  }
0x1ac: {  	[sflag:s16] =	ssyncset.done $0x0  }
0x1ad: {  	[sflag:s16] =	ssyncadd.s32 $0xFFFFFC00  }
0x1ae: {  	_ =	swait.ge [sflag:s16], $0x400  }
0x1af: {  	[sflag:s16] =	ssyncset.done $0x0  }
0x1b0: {  	[sflag:s16] =	ssyncadd.s32 $0xFFFFFC00  }
0x1b1: {  	_ =	swait.ge [sflag:s16], $0x400  }
0x1b2: {  	[sflag:s16] =	ssyncset.done $0x0  }
0x1b3: {  	[sflag:s16] =	ssyncadd.s32 $0xFFFFFC00  }
0x1b4: {  	_ =	swait.ge [sflag:s16], $0x400  }
0x1b5: {  	[sflag:s16] =	ssyncset.done $0x0  }
0x1b6: {  	[sflag:s16] =	ssyncadd.s32 $0xFFFFFC00  }
0x1b7: {  	_ =	swait.ge [sflag:s16], $0x400  }
0x1b8: {  	[sflag:s16] =	ssyncset.done $0x0  }
0x1b9: {  	[sflag:s16] =	ssyncadd.s32 $0xFFFFFC00  }
0x1ba: {  	_ =	swait.ge [sflag:s16], $0x400  }
0x1bb: {  	[sflag:s16] =	ssyncset.done $0x0  }
0x1bc: {  	[sflag:s16] =	ssyncadd.s32 $0xFFFFFC00  }
0x1bd: {  	_ =	swait.ge [sflag:s16], $0x400  }
0x1be: {  	[sflag:s16] =	ssyncset.done $0x0  }
0x1bf: {  	[sflag:s16] =	ssyncadd.s32 $0xFFFFFC00  }
0x1c0: {  	_ =	swait.ge [sflag:s16], $0x400  }
0x1c1: {  	[sflag:s16] =	ssyncset.done $0x0  }
0x1c2: {  	[sflag:s16] =	ssyncadd.s32 $0xFFFFFC00  }
0x1c3: {  	_ =	swait.ge [sflag:s16], $0x400  }
0x1c4: {  	[sflag:s16] =	ssyncset.done $0x0  }
0x1c5: {  	[sflag:s16] =	ssyncadd.s32 $0xFFFFFC00  }
0x1c6: {  	_ =	swait.ge [sflag:s16], $0x400  }
0x1c7: {  	[sflag:s16] =	ssyncset.done $0x0  }
0x1c8: {  	[sflag:s16] =	ssyncadd.s32 $0xFFFFFC00  }
0x1c9: {  	[hbm4b:s21+s1] =	stream.linear.scatter [tilespmem:s11], [sflag:$0x3], $0x4000, $0x38;
	[tilespmem:$0x8080] =	vst v63  }
0x1ca: {  	_ =	swait.ge [sflag:s17], $0x4000  }
0x1cb: {  	[sflag:s17] =	ssyncset.done $0x0  }
0x1cc: {  	[sflag:s17] =	ssyncadd.s32 $0xFFFFC000  }
0x1cd: {  	_ =	swait.ge [sflag:s18], $0x400  }
0x1ce: {  	[sflag:s18] =	ssyncset.done $0x0  }
0x1cf: {  	[sflag:s18] =	ssyncadd.s32 $0xFFFFFC00  }
0x1d0: {  	_ =	swait.ge [sflag:s18], $0x400  }
0x1d1: {  	[sflag:s18] =	ssyncset.done $0x0  }
0x1d2: {  	[sflag:s18] =	ssyncadd.s32 $0xFFFFFC00  }
0x1d3: {  	_ =	swait.ge [sflag:s18], $0x400  }
0x1d4: {  	[sflag:s18] =	ssyncset.done $0x0  }
0x1d5: {  	[sflag:s18] =	ssyncadd.s32 $0xFFFFFC00  }
0x1d6: {  	_ =	swait.ge [sflag:s18], $0x400  }
0x1d7: {  	[sflag:s18] =	ssyncset.done $0x0  }
0x1d8: {  	[sflag:s18] =	ssyncadd.s32 $0xFFFFFC00  }
0x1d9: {  	_ =	swait.ge [sflag:s18], $0x400  }
0x1da: {  	[sflag:s18] =	ssyncset.done $0x0  }
0x1db: {  	[sflag:s18] =	ssyncadd.s32 $0xFFFFFC00  }
0x1dc: {  	_ =	swait.ge [sflag:s18], $0x400  }
0x1dd: {  	[sflag:s18] =	ssyncset.done $0x0  }
0x1de: {  	[sflag:s18] =	ssyncadd.s32 $0xFFFFFC00  }
0x1df: {  	_ =	swait.ge [sflag:s18], $0x400  }
0x1e0: {  	[sflag:s18] =	ssyncset.done $0x0  }
0x1e1: {  	[sflag:s18] =	ssyncadd.s32 $0xFFFFFC00  }
0x1e2: {  	_ =	swait.ge [sflag:s18], $0x400  }
0x1e3: {  	[sflag:s18] =	ssyncset.done $0x0  }
0x1e4: {  	[sflag:s18] =	ssyncadd.s32 $0xFFFFFC00  }
0x1e5: {  	_ =	swait.ge [sflag:s18], $0x400  }
0x1e6: {  	[sflag:s18] =	ssyncset.done $0x0  }
0x1e7: {  	[sflag:s18] =	ssyncadd.s32 $0xFFFFFC00  }
0x1e8: {  	_ =	swait.ge [sflag:s18], $0x400  }
0x1e9: {  	[sflag:s18] =	ssyncset.done $0x0  }
0x1ea: {  	[sflag:s18] =	ssyncadd.s32 $0xFFFFFC00  }
0x1eb: {  	_ =	swait.ge [sflag:s18], $0x400  }
0x1ec: {  	[sflag:s18] =	ssyncset.done $0x0  }
0x1ed: {  	[sflag:s18] =	ssyncadd.s32 $0xFFFFFC00  }
0x1ee: {  	_ =	swait.ge [sflag:s18], $0x400  }
0x1ef: {  	[sflag:s18] =	ssyncset.done $0x0  }
0x1f0: {  	[sflag:s18] =	ssyncadd.s32 $0xFFFFFC00  }
.Ltmp0:
0x1f1: {  	_ =	swait.ge [sflag:s18], $0x400;
	(pc) =	sbr.rel @p0 .LBB2_2-.Ltmp0, $4  }
0x1f2: {  	[sflag:s18] =	ssyncset.done $0x0  }
0x1f3: {  	[sflag:s18] =	ssyncadd.s32 $0xFFFFFC00  }
0x1f4: {  	_ =	swait.ge [sflag:s18], $0x400  }
0x1f5: {  	[sflag:s18] =	ssyncset.done $0x0  }
0x1f6: {  	[sflag:s18] =	ssyncadd.s32 $0xFFFFFC00  }
0x1f7: {  	_ =	swait.ge [sflag:s18], $0x400  }
0x1f8: {  	[sflag:s18] =	ssyncset.done $0x0  }
0x1f9: {  	[sflag:s18] =	ssyncadd.s32 $0xFFFFFC00  }
0x1fa: {  	_ =	swait.ge [sflag:s18], $0x400  }
0x1fb: {  	[sflag:s18] =	ssyncset.done $0x0  }
0x1fc: {  	s19 =	sadd.s32 $0x800, s19;
	[sflag:s18] =	ssyncadd.s32 $0xFFFFFC00  }
0x1fd: {  	[hbm4b:s19+s1] =	stream.linear.scatter [tilespmem:s28], [sflag:$0x3], $0x4000, $0x38;
	[tilespmem:$0x8080] =	vst v63  }
0x1fe: {  	_ =	swait.ge [sflag:s17], $0x4000  }
0x1ff: {  	s21 =	simm.s32 $0x0;
	[sflag:s17] =	ssyncset.done $0x0  }
0x200: {  	s22 =	simm.s32 $0x4;
	s20 =	rddreg [dreg:$0x5];
	[sflag:s17] =	ssyncadd.s32 $0xFFFFC000  }
0x201: {  	[tilespmem:s21], [sflag:$0x4] =	stream.linear.gather [hbm4b:s20+s21], $0x80, $0x38;
	[tilespmem:$0x8080] =	vst v63  }
0x202: {  	_ =	swait.ge [sflag:s22], $0x80  }
0x203: {  	[sflag:s22] =	ssyncset.done $0x0  }
0x204: {  	s19 =	simm.s32 $0x0;
	[sflag:s22] =	ssyncadd.s32 $0xFFFFFF80  }
0x205: {  	v0 =	vld [tilespmem:s19+$0x0];
	_ =	sdelay $0x4  }
0x206: {  	v1 =	vnsel vm0, $0x0, v0  }
0x207: {  	v4 =	vsel vm1, $0x0, v0;
	(xrf0) =	vadd.scan.msk.s32 $0xffff, v1  }
0x208: {  	(xrf0) =	vadd.scan.msk.s32 $0xffff, v4  }
0x209: {  	v5 =	vsel vm2, $0x0, v0  }
0x20a: {  	(xrf0) =	vadd.scan.msk.s32 $0xffff, v5;
	_ =	sdelay $0x2  }
0x20b: {  	v2 =	vsel vm3, $0x0, v0;
	v6, _, _ =	vpop (xrf0)  }
0x20c: {  	(xrf0) =	vadd.scan.msk.s32 $0xffff, v2;
	(v2sf) =	vpush v6, $0xF;
	v7, _, _ =	vpop (xrf0)  }
0x20d: {  	(v2sf) =	vpush v7, $0xF  }
0x20e: {  	v8 =	vsel vm4, $0x0, v0;
	v9, _, _ =	vpop (xrf0)  }
0x20f: {  	v10 =	vsel vm5, $0x0, v0;
	(xrf0) =	vadd.scan.msk.s32 $0xffff, v8;
	(v2sf) =	vpush v9, $0xF  }
0x210: {  	(xrf0) =	vadd.scan.msk.s32 $0xffff, v10;
	_ =	sdelay $0x1  }
0x211: {  	v11, _, _ =	vpop (xrf0)  }
0x212: {  	(v2sf) =	vpush v11, $0xF;
	_ =	sdelay $0x1  }
0x213: {  	v12 =	vsel vm6, $0x0, v0;
	v13, _, _ =	vpop (xrf0)  }
0x214: {  	(xrf0) =	vadd.scan.msk.s32 $0xffff, v12;
	(v2sf) =	vpush v13, $0xF;
	v15, _, _ =	vpop (xrf0)  }
0x215: {  	v14 =	vsel vm7, $0x0, v0;
	(v2sf) =	vpush v15, $0xF  }
0x216: {  	(xrf0) =	vadd.scan.msk.s32 $0xffff, v14  }
0x217: {  	v16 =	vsel vm8, $0x0, v0  }
0x218: {  	(xrf0) =	vadd.scan.msk.s32 $0xffff, v16  }
0x219: {  	v18 =	vsel vm9, $0x0, v0;
	s23 =	spop (v2sf)  }
0x21a: {  	v17, _, _ =	vpop (xrf0);
	(xrf0) =	vadd.scan.msk.s32 $0xffff, v18;
	s20 =	sshll.u32 s23, $0x7;
	s21 =	spop (v2sf)  }
0x21b: {  	v20 =	vsel vm10, $0x0, v0;
	s20 =	sand.u32 $0x1FFFFF80, s20;
	s21 =	sshll.u32 s21, $0x7  }
0x21c: {  	v19, _, _ =	vpop (xrf0);
	(xrf0) =	vadd.scan.msk.s32 $0xffff, v20;
	(v2sf) =	vpush v17, $0xF;
	s24 =	spop (v2sf);
	s20 =	sadd.s32 s4, s20;
	s21 =	sand.u32 $0x1FFFFF80, s21  }
0x21d: {  	v22 =	vsel vm11, $0x0, v0;
	(v2sf) =	vpush v19, $0xF;
	[tilespmem:s11], [sflag:$0x1] =	stream.linear.gather [hbm4b:s20+s1], $0x400, $0x38;
	[tilespmem:$0x8080] =	vst v63  }
0x21e: {  	v21, _, _ =	vpop (xrf0);
	(xrf0) =	vadd.scan.msk.s32 $0xffff, v22;
	s20 =	sshll.u32 s24, $0x7;
	s21 =	sadd.s32 s4, s21  }
0x21f: {  	(v2sf) =	vpush v21, $0xF;
	[tilespmem:s26], [sflag:$0x1] =	stream.linear.gather [hbm4b:s21+s1], $0x400, $0x38;
	[tilespmem:$0x8080] =	vst v63  }
0x220: {  	v23, _, _ =	vpop (xrf0);
	s20 =	sand.u32 $0x1FFFFF80, s20;
	s25 =	spop (v2sf)  }
0x221: {  	(v2sf) =	vpush v23, $0xF;
	s20 =	sadd.s32 s4, s20;
	s21 =	sshll.u32 s25, $0x7  }
0x222: {  	[tilespmem:s10], [sflag:$0x1] =	stream.linear.gather [hbm4b:s20+s1], $0x400, $0x38;
	[tilespmem:$0x8080] =	vst v63  }
0x223: {  	v24 =	vsel vm12, $0x0, v0;
	s23 =	simm.s32 $0xC80;
	v25, _, _ =	vpop (xrf0);
	s22 =	spop (v2sf);
	s21 =	sand.u32 $0x1FFFFF80, s21  }
0x224: {  	(xrf0) =	vadd.scan.msk.s32 $0xffff, v24;
	(v2sf) =	vpush v25, $0xF;
	s20 =	sshll.u32 s22, $0x7;
	s24 =	spop (v2sf);
	s21 =	sadd.s32 s4, s21  }
0x225: {  	v26, _, _ =	vpop (xrf0);
	[tilespmem:s23], [sflag:$0x1] =	stream.linear.gather [hbm4b:s21+s1], $0x400, $0x38;
	[tilespmem:$0x8080] =	vst v63  }
0x226: {  	v3 =	vsel vm13, $0x0, v0;
	(v2sf) =	vpush v26, $0xF;
	s20 =	sand.u32 $0x1FFFFF80, s20;
	s21 =	sshll.u32 s24, $0x7  }
0x227: {  	(xrf0) =	vadd.scan.msk.s32 $0xffff, v3;
	s25 =	simm.s32 $0x1080;
	s20 =	sadd.s32 s4, s20;
	s10 =	sand.u32 $0x1FFFFF80, s21  }
0x228: {  	v27 =	vsel vm14, $0x0, v0;
	[tilespmem:s25], [sflag:$0x1] =	stream.linear.gather [hbm4b:s20+s1], $0x400, $0x38;
	[tilespmem:$0x8080] =	vst v63  }
0x229: {  	(xrf0) =	vadd.scan.msk.s32 $0xffff, v27;
	s23 =	simm.s32 $0x1480;
	s20 =	sadd.s32 s4, s10  }
0x22a: {  	v0 =	vsel vm15, $0x0, v0;
	[tilespmem:s23], [sflag:$0x1] =	stream.linear.gather [hbm4b:s20+s1], $0x400, $0x38;
	[tilespmem:$0x8080] =	vst v63  }
0x22b: {  	v28, _, _ =	vpop (xrf0);
	(xrf0) =	vadd.scan.msk.s32 $0xffff, v0;
	s22 =	spop (v2sf)  }
0x22c: {  	s25 =	simm.s32 $0x1880;
	s21 =	sshll.u32 s22, $0x7;
	s24 =	spop (v2sf)  }
0x22d: {  	v29, _, _ =	vpop (xrf0);
	s23 =	simm.s32 $0x1C80;
	(v2sf) =	vpush v28, $0xF;
	s21 =	sand.u32 $0x1FFFFF80, s21;
	s20 =	sshll.u32 s24, $0x7  }
0x22e: {  	(v2sf) =	vpush v29, $0xF;
	s22 =	spop (v2sf);
	s21 =	sadd.s32 s4, s21;
	s20 =	sand.u32 $0x1FFFFF80, s20  }
0x22f: {  	v30, _, _ =	vpop (xrf0);
	[tilespmem:s25], [sflag:$0x1] =	stream.linear.gather [hbm4b:s21+s1], $0x400, $0x38;
	[tilespmem:$0x8080] =	vst v63  }
0x230: {  	(v2sf) =	vpush v30, $0xF;
	s24 =	spop (v2sf);
	s20 =	sadd.s32 s4, s20;
	s21 =	sshll.u32 s22, $0x7  }
0x231: {  	v31, _, _ =	vpop (xrf0);
	s25 =	simm.s32 $0x2080;
	s22 =	simm.s32 $0x2480;
	s21 =	sand.u32 $0x1FFFFF80, s21  }
0x232: {  	(v2sf) =	vpush v31, $0xF;
	[tilespmem:s23], [sflag:$0x1] =	stream.linear.gather [hbm4b:s20+s1], $0x400, $0x38;
	[tilespmem:$0x8080] =	vst v63  }
0x233: {  	s20 =	sshll.u32 s24, $0x7;
	s21 =	sadd.s32 s4, s21;
	s10 =	spop (v2sf)  }
0x234: {  	[tilespmem:s25], [sflag:$0x1] =	stream.linear.gather [hbm4b:s21+s1], $0x400, $0x38;
	[tilespmem:$0x8080] =	vst v63  }
0x235: {  	s20 =	sand.u32 $0x1FFFFF80, s20;
	s21 =	sshll.u32 s10, $0x7;
	s24 =	spop (v2sf)  }
0x236: {  	s20 =	sadd.s32 s4, s20;
	s23 =	sand.u32 $0x1FFFFF80, s21;
	s21 =	sshll.u32 s24, $0x7  }
0x237: {  	[tilespmem:s22], [sflag:$0x1] =	stream.linear.gather [hbm4b:s20+s1], $0x400, $0x38;
	[tilespmem:$0x8080] =	vst v63  }
0x238: {  	s25 =	simm.s32 $0x2880;
	s20 =	sadd.s32 s4, s23;
	s22 =	sand.u32 $0x1FFFFF80, s21  }
0x239: {  	[tilespmem:s25], [sflag:$0x1] =	stream.linear.gather [hbm4b:s20+s1], $0x400, $0x38;
	[tilespmem:$0x8080] =	vst v63  }
0x23a: {  	s20 =	sadd.s32 s4, s22  }
0x23b: {  	[tilespmem:s8], [sflag:$0x1] =	stream.linear.gather [hbm4b:s20+s1], $0x400, $0x38;
	[tilespmem:$0x8080] =	vst v63  }
0x23c: {  	s23 =	spop (v2sf)  }
0x23d: {  	s24 =	sshll.u32 s23, $0x7;
	s25 =	spop (v2sf)  }
0x23e: {  	s20 =	sand.u32 $0x1FFFFF80, s24;
	s21 =	sshll.u32 s25, $0x7  }
0x23f: {  	s10 =	spop (v2sf);
	s20 =	sadd.s32 s4, s20;
	s21 =	sand.u32 $0x1FFFFF80, s21  }
0x240: {  	[tilespmem:s9], [sflag:$0x1] =	stream.linear.gather [hbm4b:s20+s1], $0x400, $0x38;
	[tilespmem:$0x8080] =	vst v63  }
0x241: {  	s22 =	spop (v2sf);
	s21 =	sadd.s32 s4, s21;
	s20 =	sshll.u32 s10, $0x7  }
0x242: {  	[tilespmem:s12], [sflag:$0x1] =	stream.linear.gather [hbm4b:s21+s1], $0x400, $0x38;
	[tilespmem:$0x8080] =	vst v63  }
0x243: {  	s20 =	sand.u32 $0x1FFFFF80, s20;
	s21 =	sshll.u32 s22, $0x7  }
0x244: {  	s20 =	sadd.s32 s4, s20;
	s21 =	sand.u32 $0x1FFFFF80, s21  }
0x245: {  	[tilespmem:s13], [sflag:$0x1] =	stream.linear.gather [hbm4b:s20+s1], $0x400, $0x38;
	[tilespmem:$0x8080] =	vst v63  }
0x246: {  	s23 =	sadd.s32 s4, s21  }
0x247: {  	[tilespmem:s14], [sflag:$0x1] =	stream.linear.gather [hbm4b:s23+s1], $0x400, $0x38;
	[tilespmem:$0x8080] =	vst v63  }
0x248: {  	v32 =	vld [tilespmem:s19+$0x10];
	_ =	sdelay $0x4  }
0x249: {  	v33 =	vnsel vm0, $0x0, v32  }
0x24a: {  	v34 =	vsel vm1, $0x0, v32;
	(xrf0) =	vadd.scan.msk.s32 $0xffff, v33  }
0x24b: {  	(xrf0) =	vadd.scan.msk.s32 $0xffff, v34  }
0x24c: {  	v35 =	vsel vm2, $0x0, v32  }
0x24d: {  	(xrf0) =	vadd.scan.msk.s32 $0xffff, v35  }
0x24e: {  	v36 =	vsel vm3, $0x0, v32  }
0x24f: {  	(xrf0) =	vadd.scan.msk.s32 $0xffff, v36  }
0x250: {  	v37 =	vsel vm4, $0x0, v32;
	v38, _, _ =	vpop (xrf0)  }
0x251: {  	(xrf0) =	vadd.scan.msk.s32 $0xffff, v37;
	(v2sf) =	vpush v38, $0xF;
	v39, _, _ =	vpop (xrf0)  }
0x252: {  	(v2sf) =	vpush v39, $0xF  }
0x253: {  	v40 =	vsel vm5, $0x0, v32;
	v41, _, _ =	vpop (xrf0)  }
0x254: {  	(xrf0) =	vadd.scan.msk.s32 $0xffff, v40;
	(v2sf) =	vpush v41, $0xF  }
0x255: {  	v42 =	vsel vm6, $0x0, v32;
	v43, _, _ =	vpop (xrf0)  }
0x256: {  	(xrf0) =	vadd.scan.msk.s32 $0xffff, v42;
	(v2sf) =	vpush v43, $0xF  }
0x257: {  	v44 =	vsel vm7, $0x0, v32;
	v45, _, _ =	vpop (xrf0)  }
0x258: {  	(xrf0) =	vadd.scan.msk.s32 $0xffff, v44;
	(v2sf) =	vpush v45, $0xF;
	_ =	sdelay $0x1  }
0x259: {  	v47, _, _ =	vpop (xrf0)  }
0x25a: {  	v46 =	vsel vm8, $0x0, v32;
	(v2sf) =	vpush v47, $0xF  }
0x25b: {  	(xrf0) =	vadd.scan.msk.s32 $0xffff, v46;
	v49, _, _ =	vpop (xrf0)  }
0x25c: {  	v48 =	vsel vm9, $0x0, v32;
	(v2sf) =	vpush v49, $0xF  }
0x25d: {  	(xrf0) =	vadd.scan.msk.s32 $0xffff, v48;
	v50, _, _ =	vpop (xrf0)  }
0x25e: {  	v51 =	vsel vm10, $0x0, v32;
	(v2sf) =	vpush v50, $0xF  }
0x25f: {  	(xrf0) =	vadd.scan.msk.s32 $0xffff, v51;
	s24 =	spop (v2sf)  }
0x260: {  	v52 =	vsel vm11, $0x0, v32;
	s19 =	sshll.u32 s24, $0x7;
	s25 =	spop (v2sf)  }
0x261: {  	v53, _, _ =	vpop (xrf0);
	(xrf0) =	vadd.scan.msk.s32 $0xffff, v52;
	s19 =	sand.u32 $0x1FFFFF80, s19;
	s20 =	sshll.u32 s25, $0x7  }
0x262: {  	(v2sf) =	vpush v53, $0xF;
	s10 =	spop (v2sf);
	s19 =	sadd.s32 s4, s19;
	s20 =	sand.u32 $0x1FFFFF80, s20  }
0x263: {  	v54 =	vsel vm12, $0x0, v32;
	v55, _, _ =	vpop (xrf0);
	[tilespmem:s28], [sflag:$0x2] =	stream.linear.gather [hbm4b:s19+s1], $0x400, $0x38;
	[tilespmem:$0x8080] =	vst v63  }
0x264: {  	(xrf0) =	vadd.scan.msk.s32 $0xffff, v54;
	(v2sf) =	vpush v55, $0xF;
	s21 =	sshll.u32 s10, $0x7;
	s22 =	spop (v2sf);
	s20 =	sadd.s32 s4, s20  }
0x265: {  	v57, _, _ =	vpop (xrf0);
	[tilespmem:s15], [sflag:$0x2] =	stream.linear.gather [hbm4b:s20+s1], $0x400, $0x38;
	[tilespmem:$0x8080] =	vst v63  }
0x266: {  	v56 =	vsel vm13, $0x0, v32;
	(v2sf) =	vpush v57, $0xF;
	s19 =	sand.u32 $0x1FFFFF80, s21;
	s23 =	sshll.u32 s22, $0x7;
	s24 =	spop (v2sf)  }
0x267: {  	(xrf0) =	vadd.scan.msk.s32 $0xffff, v56;
	v59, _, _ =	vpop (xrf0);
	s19 =	sadd.s32 s4, s19;
	s20 =	sand.u32 $0x1FFFFF80, s23;
	s21 =	sshll.u32 s24, $0x7  }
0x268: {  	v58 =	vsel vm14, $0x0, v32;
	(v2sf) =	vpush v59, $0xF;
	[tilespmem:s29], [sflag:$0x2] =	stream.linear.gather [hbm4b:s19+s1], $0x400, $0x38;
	[tilespmem:$0x8080] =	vst v63  }
0x269: {  	(xrf0) =	vadd.scan.msk.s32 $0xffff, v58;
	s25 =	spop (v2sf);
	s20 =	sadd.s32 s4, s20;
	s21 =	sand.u32 $0x1FFFFF80, s21  }
0x26a: {  	v0 =	vsel vm15, $0x0, v32;
	[tilespmem:s30], [sflag:$0x2] =	stream.linear.gather [hbm4b:s20+s1], $0x400, $0x38;
	[tilespmem:$0x8080] =	vst v63  }
0x26b: {  	(xrf0) =	vadd.scan.msk.s32 $0xffff, v0;
	v60, _, _ =	vpop (xrf0);
	s19 =	sshll.u32 s25, $0x7;
	s10 =	spop (v2sf);
	s21 =	sadd.s32 s4, s21  }
0x26c: {  	(v2sf) =	vpush v60, $0xF;
	[tilespmem:s31], [sflag:$0x2] =	stream.linear.gather [hbm4b:s21+s1], $0x400, $0x38;
	[tilespmem:$0x8080] =	vst v63  }
0x26d: {  	v61, _, _ =	vpop (xrf0);
	s19 =	sand.u32 $0x1FFFFF80, s19;
	s20 =	sshll.u32 s10, $0x7;
	s22 =	spop (v2sf)  }
0x26e: {  	(v2sf) =	vpush v61, $0xF;
	s19 =	sadd.s32 s4, s19;
	s20 =	sand.u32 $0x1FFFFF80, s20;
	s21 =	sshll.u32 s22, $0x7  }
0x26f: {  	[tilespmem:s0], [sflag:$0x2] =	stream.linear.gather [hbm4b:s19+s1], $0x400, $0x38;
	[tilespmem:$0x8080] =	vst v63  }
0x270: {  	v62, _, _ =	vpop (xrf0);
	s10 =	simm.s32 $0x5C80;
	s20 =	sadd.s32 s4, s20;
	s21 =	sand.u32 $0x1FFFFF80, s21  }
0x271: {  	(v2sf) =	vpush v62, $0xF;
	s22 =	simm.s32 $0x5880;
	s23 =	spop (v2sf);
	s24 =	sadd.s32 s4, s21  }
0x272: {  	v63, _, _ =	vpop (xrf0);
	[tilespmem:s22], [sflag:$0x2] =	stream.linear.gather [hbm4b:s20+s1], $0x400, $0x38;
	[tilespmem:$0x8080] =	vst v63  }
0x273: {  	(v2sf) =	vpush v63, $0xF;
	s19 =	sshll.u32 s23, $0x7;
	s25 =	spop (v2sf);
	s23 =	simm.s32 $0x6080  }
0x274: {  	[tilespmem:s10], [sflag:$0x2] =	stream.linear.gather [hbm4b:s24+s1], $0x400, $0x38;
	[tilespmem:$0x8080] =	vst v63  }
0x275: {  	s19 =	sand.u32 $0x1FFFFF80, s19;
	s21 =	sshll.u32 s25, $0x7;
	s22 =	spop (v2sf)  }
0x276: {  	s19 =	sadd.s32 s4, s19;
	s20 =	sand.u32 $0x1FFFFF80, s21;
	s24 =	sshll.u32 s22, $0x7  }
0x277: {  	s25 =	spop (v2sf);
	s20 =	sadd.s32 s4, s20;
	s22 =	simm.s32 $0x6480  }
0x278: {  	[tilespmem:s23], [sflag:$0x2] =	stream.linear.gather [hbm4b:s19+s1], $0x400, $0x38;
	[tilespmem:$0x8080] =	vst v63  }
0x279: {  	s19 =	sand.u32 $0x1FFFFF80, s24;
	s23 =	sshll.u32 s25, $0x7;
	s25 =	simm.s32 $0x6880  }
0x27a: {  	[tilespmem:s22], [sflag:$0x2] =	stream.linear.gather [hbm4b:s20+s1], $0x400, $0x38;
	[tilespmem:$0x8080] =	vst v63  }
0x27b: {  	s24 =	spop (v2sf);
	s19 =	sadd.s32 s4, s19;
	s20 =	sand.u32 $0x1FFFFF80, s23  }
0x27c: {  	[tilespmem:s25], [sflag:$0x2] =	stream.linear.gather [hbm4b:s19+s1], $0x400, $0x38;
	[tilespmem:$0x8080] =	vst v63  }
0x27d: {  	s21 =	sshll.u32 s24, $0x7;
	s24 =	simm.s32 $0x6C80;
	s23 =	spop (v2sf)  }
0x27e: {  	s22 =	sadd.s32 s4, s20;
	s21 =	sand.u32 $0x1FFFFF80, s21;
	s25 =	sshll.u32 s23, $0x7  }
0x27f: {  	[tilespmem:s24], [sflag:$0x2] =	stream.linear.gather [hbm4b:s22+s1], $0x400, $0x38;
	[tilespmem:$0x8080] =	vst v63  }
0x280: {  	s21 =	sadd.s32 s4, s21;
	s10 =	spop (v2sf);
	s19 =	sand.u32 $0x1FFFFF80, s25  }
0x281: {  	[tilespmem:s2], [sflag:$0x2] =	stream.linear.gather [hbm4b:s21+s1], $0x400, $0x38;
	[tilespmem:$0x8080] =	vst v63  }
0x282: {  	s20 =	sshll.u32 s10, $0x7;
	s19 =	sadd.s32 s4, s19;
	s22 =	spop (v2sf)  }
0x283: {  	[tilespmem:s5], [sflag:$0x2] =	stream.linear.gather [hbm4b:s19+s1], $0x400, $0x38;
	[tilespmem:$0x8080] =	vst v63  }
0x284: {  	s20 =	sand.u32 $0x1FFFFF80, s20;
	s21 =	sshll.u32 s22, $0x7  }
0x285: {  	s23 =	sadd.s32 s4, s20;
	s24 =	sand.u32 $0x1FFFFF80, s21  }
0x286: {  	[tilespmem:s6], [sflag:$0x2] =	stream.linear.gather [hbm4b:s23+s1], $0x400, $0x38;
	[tilespmem:$0x8080] =	vst v63  }
0x287: {  	s25 =	sadd.s32 s4, s24  }
0x288: {  	[tilespmem:s7], [sflag:$0x2] =	stream.linear.gather [hbm4b:s25+s1], $0x400, $0x38;
	[tilespmem:$0x8080] =	vst v63  }
0x289: {  	_ =	swait.ge [sflag:s16], $0x400  }
0x28a: {  	[sflag:s16] =	ssyncset.done $0x0  }
0x28b: {  	[sflag:s16] =	ssyncadd.s32 $0xFFFFFC00  }
0x28c: {  	_ =	swait.ge [sflag:s16], $0x400  }
0x28d: {  	[sflag:s16] =	ssyncset.done $0x0  }
0x28e: {  	[sflag:s16] =	ssyncadd.s32 $0xFFFFFC00  }
0x28f: {  	_ =	swait.ge [sflag:s16], $0x400  }
0x290: {  	[sflag:s16] =	ssyncset.done $0x0  }
0x291: {  	[sflag:s16] =	ssyncadd.s32 $0xFFFFFC00  }
0x292: {  	_ =	swait.ge [sflag:s16], $0x400  }
0x293: {  	[sflag:s16] =	ssyncset.done $0x0  }
0x294: {  	[sflag:s16] =	ssyncadd.s32 $0xFFFFFC00  }
0x295: {  	_ =	swait.ge [sflag:s16], $0x400  }
0x296: {  	[sflag:s16] =	ssyncset.done $0x0  }
0x297: {  	[sflag:s16] =	ssyncadd.s32 $0xFFFFFC00  }
0x298: {  	_ =	swait.ge [sflag:s16], $0x400  }
0x299: {  	[sflag:s16] =	ssyncset.done $0x0  }
0x29a: {  	[sflag:s16] =	ssyncadd.s32 $0xFFFFFC00  }
0x29b: {  	_ =	swait.ge [sflag:s16], $0x400  }
0x29c: {  	[sflag:s16] =	ssyncset.done $0x0  }
0x29d: {  	[sflag:s16] =	ssyncadd.s32 $0xFFFFFC00  }
0x29e: {  	_ =	swait.ge [sflag:s16], $0x400  }
0x29f: {  	[sflag:s16] =	ssyncset.done $0x0  }
0x2a0: {  	[sflag:s16] =	ssyncadd.s32 $0xFFFFFC00  }
0x2a1: {  	_ =	swait.ge [sflag:s16], $0x400  }
0x2a2: {  	[sflag:s16] =	ssyncset.done $0x0  }
0x2a3: {  	[sflag:s16] =	ssyncadd.s32 $0xFFFFFC00  }
0x2a4: {  	_ =	swait.ge [sflag:s16], $0x400  }
0x2a5: {  	[sflag:s16] =	ssyncset.done $0x0  }
0x2a6: {  	[sflag:s16] =	ssyncadd.s32 $0xFFFFFC00  }
0x2a7: {  	_ =	swait.ge [sflag:s16], $0x400  }
0x2a8: {  	[sflag:s16] =	ssyncset.done $0x0  }
0x2a9: {  	[sflag:s16] =	ssyncadd.s32 $0xFFFFFC00  }
0x2aa: {  	_ =	swait.ge [sflag:s16], $0x400  }
0x2ab: {  	[sflag:s16] =	ssyncset.done $0x0  }
0x2ac: {  	[sflag:s16] =	ssyncadd.s32 $0xFFFFFC00  }
0x2ad: {  	_ =	swait.ge [sflag:s16], $0x400  }
0x2ae: {  	[sflag:s16] =	ssyncset.done $0x0  }
0x2af: {  	[sflag:s16] =	ssyncadd.s32 $0xFFFFFC00  }
0x2b0: {  	_ =	swait.ge [sflag:s16], $0x400  }
0x2b1: {  	[sflag:s16] =	ssyncset.done $0x0  }
0x2b2: {  	[sflag:s16] =	ssyncadd.s32 $0xFFFFFC00  }
0x2b3: {  	_ =	swait.ge [sflag:s16], $0x400  }
0x2b4: {  	[sflag:s16] =	ssyncset.done $0x0  }
0x2b5: {  	[sflag:s16] =	ssyncadd.s32 $0xFFFFFC00  }
0x2b6: {  	_ =	swait.ge [sflag:s16], $0x400  }
0x2b7: {  	[sflag:s16] =	ssyncset.done $0x0  }
0x2b8: {  	s19 =	rddreg [dreg:$0x8];
	[sflag:s16] =	ssyncadd.s32 $0xFFFFFC00  }
0x2b9: {  	[hbm4b:s19+s1] =	stream.linear.scatter [tilespmem:s11], [sflag:$0x3], $0x4000, $0x38;
	[tilespmem:$0x8080] =	vst v63  }
0x2ba: {  	_ =	swait.ge [sflag:s17], $0x4000  }
0x2bb: {  	[sflag:s17] =	ssyncset.done $0x0  }
0x2bc: {  	[sflag:s17] =	ssyncadd.s32 $0xFFFFC000  }
0x2bd: {  	_ =	swait.ge [sflag:s18], $0x400  }
0x2be: {  	[sflag:s18] =	ssyncset.done $0x0  }
0x2bf: {  	[sflag:s18] =	ssyncadd.s32 $0xFFFFFC00  }
0x2c0: {  	_ =	swait.ge [sflag:s18], $0x400  }
0x2c1: {  	[sflag:s18] =	ssyncset.done $0x0  }
0x2c2: {  	[sflag:s18] =	ssyncadd.s32 $0xFFFFFC00  }
0x2c3: {  	_ =	swait.ge [sflag:s18], $0x400  }
0x2c4: {  	[sflag:s18] =	ssyncset.done $0x0  }
0x2c5: {  	[sflag:s18] =	ssyncadd.s32 $0xFFFFFC00  }
0x2c6: {  	_ =	swait.ge [sflag:s18], $0x400  }
0x2c7: {  	[sflag:s18] =	ssyncset.done $0x0  }
0x2c8: {  	[sflag:s18] =	ssyncadd.s32 $0xFFFFFC00  }
0x2c9: {  	_ =	swait.ge [sflag:s18], $0x400  }
0x2ca: {  	[sflag:s18] =	ssyncset.done $0x0  }
0x2cb: {  	[sflag:s18] =	ssyncadd.s32 $0xFFFFFC00  }
0x2cc: {  	_ =	swait.ge [sflag:s18], $0x400  }
0x2cd: {  	[sflag:s18] =	ssyncset.done $0x0  }
0x2ce: {  	[sflag:s18] =	ssyncadd.s32 $0xFFFFFC00  }
0x2cf: {  	_ =	swait.ge [sflag:s18], $0x400  }
0x2d0: {  	[sflag:s18] =	ssyncset.done $0x0  }
0x2d1: {  	[sflag:s18] =	ssyncadd.s32 $0xFFFFFC00  }
0x2d2: {  	_ =	swait.ge [sflag:s18], $0x400  }
0x2d3: {  	[sflag:s18] =	ssyncset.done $0x0  }
0x2d4: {  	[sflag:s18] =	ssyncadd.s32 $0xFFFFFC00  }
0x2d5: {  	_ =	swait.ge [sflag:s18], $0x400  }
0x2d6: {  	[sflag:s18] =	ssyncset.done $0x0  }
0x2d7: {  	[sflag:s18] =	ssyncadd.s32 $0xFFFFFC00  }
0x2d8: {  	_ =	swait.ge [sflag:s18], $0x400  }
0x2d9: {  	[sflag:s18] =	ssyncset.done $0x0  }
0x2da: {  	[sflag:s18] =	ssyncadd.s32 $0xFFFFFC00  }
0x2db: {  	_ =	swait.ge [sflag:s18], $0x400  }
0x2dc: {  	[sflag:s18] =	ssyncset.done $0x0  }
0x2dd: {  	[sflag:s18] =	ssyncadd.s32 $0xFFFFFC00  }
0x2de: {  	_ =	swait.ge [sflag:s18], $0x400  }
0x2df: {  	[sflag:s18] =	ssyncset.done $0x0  }
0x2e0: {  	[sflag:s18] =	ssyncadd.s32 $0xFFFFFC00  }
0x2e1: {  	_ =	swait.ge [sflag:s18], $0x400  }
0x2e2: {  	[sflag:s18] =	ssyncset.done $0x0  }
0x2e3: {  	s20 =	simm.s32 $0x80;
	s2 =	simm.s32 $0x7080;
	[sflag:s18] =	ssyncadd.s32 $0xFFFFFC00  }
0x2e4: {  	s5 =	simm.s32 $0x7480;
	s6 =	simm.s32 $0x7880;
	_ =	swait.ge [sflag:s18], $0x400  }
0x2e5: {  	s7 =	simm.s32 $0x7C80;
	s21 =	smov.u32 s19;
	[sflag:s18] =	ssyncset.done $0x0  }
.LBB2_4:
0x2e6: {  	p0 =	sne.s32 s20, $0x180;
	[sflag:s18] =	ssyncadd.s32 $0xFFFFFC00;
	s21 =	sadd.s32 $0x1000, s21  }
0x2e7: {  	s22 =	smov.u32 s20;
	s20 =	sadd.s32 $0x80, s20;
	_ =	swait.ge [sflag:s18], $0x400  }
0x2e8: {  	[sflag:s18] =	ssyncset.done $0x0  }
0x2e9: {  	[sflag:s18] =	ssyncadd.s32 $0xFFFFFC00  }
0x2ea: {  	_ =	swait.ge [sflag:s18], $0x400  }
0x2eb: {  	s23 =	sadd.s32 $0x800, s19;
	s19 =	smov.u32 s21;
	[sflag:s18] =	ssyncset.done $0x0  }
0x2ec: {  	[sflag:s18] =	ssyncadd.s32 $0xFFFFFC00  }
0x2ed: {  	[hbm4b:s23+s1] =	stream.linear.scatter [tilespmem:s28], [sflag:$0x3], $0x4000, $0x38;
	[tilespmem:$0x8080] =	vst v63  }
0x2ee: {  	_ =	swait.ge [sflag:s17], $0x4000  }
0x2ef: {  	[sflag:s17] =	ssyncset.done $0x0  }
0x2f0: {  	s22 =	sshra.s32 s22, $0x2;
	[sflag:s17] =	ssyncadd.s32 $0xFFFFC000  }
0x2f1: {  	v0 =	vld [tilespmem:s22+$0x0];
	_ =	sdelay $0x4  }
0x2f2: {  	v1 =	vnsel vm0, $0x0, v0;
	v2 =	vsel vm1, $0x0, v0;
	v3 =	vsel vm2, $0x0, v0  }
0x2f3: {  	v4 =	vsel vm3, $0x0, v0;
	v5 =	vsel vm4, $0x0, v0;
	v6 =	vsel vm5, $0x0, v0;
	(xrf0) =	vadd.scan.msk.s32 $0xffff, v1  }
0x2f4: {  	v7 =	vsel vm7, $0x0, v0;
	v8 =	vsel vm8, $0x0, v0;
	v1 =	vsel vm6, $0x0, v0;
	(xrf0) =	vadd.scan.msk.s32 $0xffff, v2  }
0x2f5: {  	v9 =	vsel vm10, $0x0, v0;
	v10 =	vsel vm11, $0x0, v0;
	v2 =	vsel vm9, $0x0, v0;
	(xrf0) =	vadd.scan.msk.s32 $0xffff, v3  }
0x2f6: {  	v11 =	vsel vm13, $0x0, v0;
	v12 =	vsel vm14, $0x0, v0;
	v3 =	vsel vm12, $0x0, v0;
	(xrf0) =	vadd.scan.msk.s32 $0xffff, v4  }
0x2f7: {  	v0 =	vsel vm15, $0x0, v0;
	(xrf0) =	vadd.scan.msk.s32 $0xffff, v5  }
0x2f8: {  	(xrf0) =	vadd.scan.msk.s32 $0xffff, v6  }
0x2f9: {  	v4, _, _ =	vpop (xrf0);
	(xrf0) =	vadd.scan.msk.s32 $0xffff, v1  }
0x2fa: {  	(v2sf) =	vpush v4, $0xF;
	v1, _, _ =	vpop (xrf0);
	(xrf0) =	vadd.scan.msk.s32 $0xffff, v7  }
0x2fb: {  	(v2sf) =	vpush v1, $0xF;
	v1, _, _ =	vpop (xrf0);
	(xrf0) =	vadd.scan.msk.s32 $0xffff, v8  }
0x2fc: {  	(v2sf) =	vpush v1, $0xF;
	v1, _, _ =	vpop (xrf0);
	(xrf0) =	vadd.scan.msk.s32 $0xffff, v2  }
0x2fd: {  	v2, _, _ =	vpop (xrf0);
	(xrf0) =	vadd.scan.msk.s32 $0xffff, v9  }
0x2fe: {  	v4, _, _ =	vpop (xrf0);
	(xrf0) =	vadd.scan.msk.s32 $0xffff, v10  }
0x2ff: {  	(v2sf) =	vpush v1, $0xF;
	v1, _, _ =	vpop (xrf0);
	(xrf0) =	vadd.scan.msk.s32 $0xffff, v3  }
0x300: {  	v3, _, _ =	vpop (xrf0);
	(xrf0) =	vadd.scan.msk.s32 $0xffff, v11  }
0x301: {  	(v2sf) =	vpush v2, $0xF;
	v2, _, _ =	vpop (xrf0);
	(xrf0) =	vadd.scan.msk.s32 $0xffff, v12  }
0x302: {  	v5, _, _ =	vpop (xrf0);
	(xrf0) =	vadd.scan.msk.s32 $0xffff, v0  }
0x303: {  	(v2sf) =	vpush v4, $0xF;
	v0, _, _ =	vpop (xrf0)  }
0x304: {  	v4, _, _ =	vpop (xrf0)  }
0x305: {  	v6, _, _ =	vpop (xrf0)  }
0x306: {  	(v2sf) =	vpush v1, $0xF;
	v1, _, _ =	vpop (xrf0)  }
0x307: {  	(v2sf) =	vpush v3, $0xF;
	v3, _, _ =	vpop (xrf0)  }
0x308: {  	v7, _, _ =	vpop (xrf0)  }
0x309: {  	s23 =	spop (v2sf)  }
0x30a: {  	s10 =	simm.s32 $0x880;
	s23 =	sshll.u32 s23, $0x7;
	s24 =	spop (v2sf)  }
0x30b: {  	s23 =	sand.u32 $0x1FFFFF80, s23;
	s24 =	sshll.u32 s24, $0x7;
	s25 =	spop (v2sf);
	(v2sf) =	vpush v2, $0xF  }
0x30c: {  	s23 =	sadd.s32 s4, s23;
	s24 =	sand.u32 $0x1FFFFF80, s24;
	s25 =	sshll.u32 s25, $0x7  }
0x30d: {  	[tilespmem:s11], [sflag:$0x1] =	stream.linear.gather [hbm4b:s23+s1], $0x400, $0x38;
	(v2sf) =	vpush v5, $0xF;
	[tilespmem:$0x8080] =	vst v63  }
0x30e: {  	s23 =	sadd.s32 s4, s24;
	s24 =	sand.u32 $0x1FFFFF80, s25;
	s25 =	spop (v2sf)  }
0x30f: {  	[tilespmem:s26], [sflag:$0x1] =	stream.linear.gather [hbm4b:s23+s1], $0x400, $0x38;
	(v2sf) =	vpush v0, $0xF;
	[tilespmem:$0x8080] =	vst v63  }
0x310: {  	s23 =	sadd.s32 s4, s24;
	s24 =	sshll.u32 s25, $0x7;
	s25 =	spop (v2sf)  }
0x311: {  	[tilespmem:s10], [sflag:$0x1] =	stream.linear.gather [hbm4b:s23+s1], $0x400, $0x38;
	[tilespmem:$0x8080] =	vst v63  }
0x312: {  	s23 =	sand.u32 $0x1FFFFF80, s24  }
0x313: {  	s24 =	sshll.u32 s25, $0x7;
	s10 =	simm.s32 $0xC80;
	s25 =	spop (v2sf);
	(v2sf) =	vpush v4, $0xF  }
0x314: {  	s23 =	sadd.s32 s4, s23;
	s24 =	sand.u32 $0x1FFFFF80, s24;
	s25 =	sshll.u32 s25, $0x7  }
0x315: {  	[tilespmem:s10], [sflag:$0x1] =	stream.linear.gather [hbm4b:s23+s1], $0x400, $0x38;
	(v2sf) =	vpush v6, $0xF;
	[tilespmem:$0x8080] =	vst v63  }
0x316: {  	s23 =	sadd.s32 s4, s24;
	s24 =	sand.u32 $0x1FFFFF80, s25;
	s25 =	spop (v2sf)  }
0x317: {  	s10 =	simm.s32 $0x1080;
	s25 =	sshll.u32 s25, $0x7;
	s26 =	spop (v2sf);
	(v2sf) =	vpush v1, $0xF  }
0x318: {  	[tilespmem:s10], [sflag:$0x1] =	stream.linear.gather [hbm4b:s23+s1], $0x400, $0x38;
	[tilespmem:$0x8080] =	vst v63  }
0x319: {  	s23 =	sadd.s32 s4, s24  }
0x31a: {  	s24 =	sand.u32 $0x1FFFFF80, s25;
	s25 =	sshll.u32 s26, $0x7;
	s10 =	simm.s32 $0x1480  }
0x31b: {  	[tilespmem:s10], [sflag:$0x1] =	stream.linear.gather [hbm4b:s23+s1], $0x400, $0x38;
	[tilespmem:$0x8080] =	vst v63  }
0x31c: {  	(v2sf) =	vpush v3, $0xF;
	s23 =	sadd.s32 s4, s24  }
0x31d: {  	s24 =	sand.u32 $0x1FFFFF80, s25;
	s10 =	simm.s32 $0x1880;
	s25 =	spop (v2sf)  }
0x31e: {  	[tilespmem:s10], [sflag:$0x1] =	stream.linear.gather [hbm4b:s23+s1], $0x400, $0x38;
	[tilespmem:$0x8080] =	vst v63  }
0x31f: {  	(v2sf) =	vpush v7, $0xF;
	s23 =	sadd.s32 s4, s24  }
0x320: {  	s24 =	sshll.u32 s25, $0x7;
	s10 =	simm.s32 $0x1C80;
	s25 =	spop (v2sf)  }
0x321: {  	[tilespmem:s10], [sflag:$0x1] =	stream.linear.gather [hbm4b:s23+s1], $0x400, $0x38;
	[tilespmem:$0x8080] =	vst v63  }
0x322: {  	s23 =	sand.u32 $0x1FFFFF80, s24  }
0x323: {  	s24 =	sshll.u32 s25, $0x7;
	s10 =	simm.s32 $0x2080;
	s25 =	spop (v2sf)  }
0x324: {  	s23 =	sadd.s32 s4, s23;
	s24 =	sand.u32 $0x1FFFFF80, s24;
	s25 =	sshll.u32 s25, $0x7  }
0x325: {  	[tilespmem:s10], [sflag:$0x1] =	stream.linear.gather [hbm4b:s23+s1], $0x400, $0x38;
	[tilespmem:$0x8080] =	vst v63  }
0x326: {  	s23 =	sadd.s32 s4, s24  }
0x327: {  	s24 =	sand.u32 $0x1FFFFF80, s25;
	s10 =	simm.s32 $0x2480;
	s25 =	spop (v2sf)  }
0x328: {  	[tilespmem:s10], [sflag:$0x1] =	stream.linear.gather [hbm4b:s23+s1], $0x400, $0x38;
	[tilespmem:$0x8080] =	vst v63  }
0x329: {  	s23 =	sadd.s32 s4, s24  }
0x32a: {  	s24 =	sshll.u32 s25, $0x7;
	s10 =	simm.s32 $0x2880;
	s25 =	spop (v2sf)  }
0x32b: {  	[tilespmem:s10], [sflag:$0x1] =	stream.linear.gather [hbm4b:s23+s1], $0x400, $0x38;
	[tilespmem:$0x8080] =	vst v63  }
0x32c: {  	s23 =	sand.u32 $0x1FFFFF80, s24;
	s24 =	sshll.u32 s25, $0x7;
	s25 =	spop (v2sf)  }
0x32d: {  	s23 =	sadd.s32 s4, s23;
	s24 =	sand.u32 $0x1FFFFF80, s24;
	s25 =	sshll.u32 s25, $0x7  }
0x32e: {  	[tilespmem:s8], [sflag:$0x1] =	stream.linear.gather [hbm4b:s23+s1], $0x400, $0x38;
	[tilespmem:$0x8080] =	vst v63  }
0x32f: {  	s23 =	sadd.s32 s4, s24;
	s24 =	sand.u32 $0x1FFFFF80, s25;
	s25 =	spop (v2sf)  }
0x330: {  	[tilespmem:s9], [sflag:$0x1] =	stream.linear.gather [hbm4b:s23+s1], $0x400, $0x38;
	[tilespmem:$0x8080] =	vst v63  }
0x331: {  	s23 =	sadd.s32 s4, s24;
	s24 =	sshll.u32 s25, $0x7;
	s25 =	spop (v2sf)  }
0x332: {  	[tilespmem:s12], [sflag:$0x1] =	stream.linear.gather [hbm4b:s23+s1], $0x400, $0x38;
	[tilespmem:$0x8080] =	vst v63  }
0x333: {  	s23 =	sand.u32 $0x1FFFFF80, s24;
	s24 =	sshll.u32 s25, $0x7  }
0x334: {  	s23 =	sadd.s32 s4, s23;
	s24 =	sand.u32 $0x1FFFFF80, s24  }
0x335: {  	[tilespmem:s13], [sflag:$0x1] =	stream.linear.gather [hbm4b:s23+s1], $0x400, $0x38;
	[tilespmem:$0x8080] =	vst v63  }
0x336: {  	s23 =	sadd.s32 s4, s24  }
0x337: {  	[tilespmem:s14], [sflag:$0x1] =	stream.linear.gather [hbm4b:s23+s1], $0x400, $0x38;
	[tilespmem:$0x8080] =	vst v63  }
0x338: {  	v0 =	vld [tilespmem:s22+$0x10];
	_ =	sdelay $0x4  }
0x339: {  	v1 =	vnsel vm0, $0x0, v0;
	v2 =	vsel vm1, $0x0, v0;
	v3 =	vsel vm2, $0x0, v0  }
0x33a: {  	v4 =	vsel vm3, $0x0, v0;
	v5 =	vsel vm4, $0x0, v0;
	v6 =	vsel vm5, $0x0, v0;
	(xrf0) =	vadd.scan.msk.s32 $0xffff, v1  }
0x33b: {  	v7 =	vsel vm7, $0x0, v0;
	v8 =	vsel vm8, $0x0, v0;
	v1 =	vsel vm6, $0x0, v0;
	(xrf0) =	vadd.scan.msk.s32 $0xffff, v2  }
0x33c: {  	v9 =	vsel vm10, $0x0, v0;
	v10 =	vsel vm11, $0x0, v0;
	v2 =	vsel vm9, $0x0, v0;
	(xrf0) =	vadd.scan.msk.s32 $0xffff, v3  }
0x33d: {  	v11 =	vsel vm13, $0x0, v0;
	v12 =	vsel vm14, $0x0, v0;
	v3 =	vsel vm12, $0x0, v0;
	(xrf0) =	vadd.scan.msk.s32 $0xffff, v4  }
0x33e: {  	v0 =	vsel vm15, $0x0, v0;
	(xrf0) =	vadd.scan.msk.s32 $0xffff, v5  }
0x33f: {  	(xrf0) =	vadd.scan.msk.s32 $0xffff, v6  }
0x340: {  	v4, _, _ =	vpop (xrf0);
	(xrf0) =	vadd.scan.msk.s32 $0xffff, v1  }
0x341: {  	(v2sf) =	vpush v4, $0xF;
	v1, _, _ =	vpop (xrf0);
	(xrf0) =	vadd.scan.msk.s32 $0xffff, v7  }
0x342: {  	(v2sf) =	vpush v1, $0xF;
	v1, _, _ =	vpop (xrf0);
	(xrf0) =	vadd.scan.msk.s32 $0xffff, v8  }
0x343: {  	(v2sf) =	vpush v1, $0xF;
	v1, _, _ =	vpop (xrf0);
	(xrf0) =	vadd.scan.msk.s32 $0xffff, v2  }
0x344: {  	v2, _, _ =	vpop (xrf0);
	(xrf0) =	vadd.scan.msk.s32 $0xffff, v9  }
0x345: {  	v4, _, _ =	vpop (xrf0);
	(xrf0) =	vadd.scan.msk.s32 $0xffff, v10  }
0x346: {  	(v2sf) =	vpush v1, $0xF;
	v1, _, _ =	vpop (xrf0);
	(xrf0) =	vadd.scan.msk.s32 $0xffff, v3  }
0x347: {  	v3, _, _ =	vpop (xrf0);
	(xrf0) =	vadd.scan.msk.s32 $0xffff, v11  }
0x348: {  	(v2sf) =	vpush v2, $0xF;
	v2, _, _ =	vpop (xrf0);
	(xrf0) =	vadd.scan.msk.s32 $0xffff, v12  }
0x349: {  	(v2sf) =	vpush v4, $0xF;
	v4, _, _ =	vpop (xrf0);
	(xrf0) =	vadd.scan.msk.s32 $0xffff, v0  }
0x34a: {  	(v2sf) =	vpush v1, $0xF;
	v0, _, _ =	vpop (xrf0)  }
0x34b: {  	v1, _, _ =	vpop (xrf0)  }
0x34c: {  	v5, _, _ =	vpop (xrf0)  }
0x34d: {  	v6, _, _ =	vpop (xrf0)  }
0x34e: {  	(v2sf) =	vpush v3, $0xF;
	v3, _, _ =	vpop (xrf0)  }
0x34f: {  	v7, _, _ =	vpop (xrf0)  }
0x350: {  	s22 =	spop (v2sf);
	(v2sf) =	vpush v2, $0xF  }
0x351: {  	s22 =	sshll.u32 s22, $0x7;
	s23 =	spop (v2sf)  }
0x352: {  	s22 =	sand.u32 $0x1FFFFF80, s22;
	s23 =	sshll.u32 s23, $0x7;
	s24 =	spop (v2sf)  }
0x353: {  	s22 =	sadd.s32 s4, s22;
	s23 =	sand.u32 $0x1FFFFF80, s23;
	s24 =	sshll.u32 s24, $0x7  }
0x354: {  	[tilespmem:s28], [sflag:$0x2] =	stream.linear.gather [hbm4b:s22+s1], $0x400, $0x38;
	(v2sf) =	vpush v4, $0xF;
	[tilespmem:$0x8080] =	vst v63  }
0x355: {  	s22 =	sadd.s32 s4, s23;
	s23 =	sand.u32 $0x1FFFFF80, s24;
	s24 =	spop (v2sf)  }
0x356: {  	[tilespmem:s15], [sflag:$0x2] =	stream.linear.gather [hbm4b:s22+s1], $0x400, $0x38;
	(v2sf) =	vpush v0, $0xF;
	[tilespmem:$0x8080] =	vst v63  }
0x357: {  	s22 =	sadd.s32 s4, s23;
	s23 =	sshll.u32 s24, $0x7;
	s24 =	spop (v2sf);
	(v2sf) =	vpush v1, $0xF  }
0x358: {  	s23 =	sand.u32 $0x1FFFFF80, s23;
	s24 =	sshll.u32 s24, $0x7;
	s25 =	spop (v2sf)  }
0x359: {  	s24 =	sand.u32 $0x1FFFFF80, s24;
	s25 =	sshll.u32 s25, $0x7;
	s26 =	spop (v2sf)  }
0x35a: {  	[tilespmem:s29], [sflag:$0x2] =	stream.linear.gather [hbm4b:s22+s1], $0x400, $0x38;
	[tilespmem:$0x8080] =	vst v63  }
0x35b: {  	(v2sf) =	vpush v5, $0xF;
	s22 =	sadd.s32 s4, s23  }
0x35c: {  	s23 =	sand.u32 $0x1FFFFF80, s25;
	s25 =	sshll.u32 s26, $0x7;
	s26 =	simm.s32 $0x480  }
0x35d: {  	[tilespmem:s30], [sflag:$0x2] =	stream.linear.gather [hbm4b:s22+s1], $0x400, $0x38;
	(v2sf) =	vpush v6, $0xF;
	[tilespmem:$0x8080] =	vst v63  }
0x35e: {  	s22 =	sadd.s32 s4, s24;
	s24 =	sand.u32 $0x1FFFFF80, s25;
	s25 =	spop (v2sf)  }
0x35f: {  	[tilespmem:s31], [sflag:$0x2] =	stream.linear.gather [hbm4b:s22+s1], $0x400, $0x38;
	[tilespmem:$0x8080] =	vst v63  }
0x360: {  	(v2sf) =	vpush v3, $0xF;
	s22 =	sadd.s32 s4, s23;
	s23 =	sshll.u32 s25, $0x7  }
0x361: {  	s25 =	spop (v2sf);
	s23 =	sand.u32 $0x1FFFFF80, s23  }
0x362: {  	[tilespmem:s0], [sflag:$0x2] =	stream.linear.gather [hbm4b:s22+s1], $0x400, $0x38;
	[tilespmem:$0x8080] =	vst v63  }
0x363: {  	s22 =	sadd.s32 s4, s24;
	s24 =	sshll.u32 s25, $0x7;
	s25 =	simm.s32 $0x5880  }
0x364: {  	[tilespmem:s25], [sflag:$0x2] =	stream.linear.gather [hbm4b:s22+s1], $0x400, $0x38;
	[tilespmem:$0x8080] =	vst v63  }
0x365: {  	s10 =	simm.s32 $0x6080;
	(v2sf) =	vpush v7, $0xF;
	s22 =	sadd.s32 s4, s23  }
0x366: {  	s23 =	sand.u32 $0x1FFFFF80, s24;
	s25 =	simm.s32 $0x5C80;
	s24 =	spop (v2sf)  }
0x367: {  	[tilespmem:s25], [sflag:$0x2] =	stream.linear.gather [hbm4b:s22+s1], $0x400, $0x38;
	[tilespmem:$0x8080] =	vst v63  }
0x368: {  	s22 =	sadd.s32 s4, s23;
	s23 =	sshll.u32 s24, $0x7;
	s24 =	spop (v2sf)  }
0x369: {  	s23 =	sand.u32 $0x1FFFFF80, s23;
	s24 =	sshll.u32 s24, $0x7;
	s25 =	spop (v2sf)  }
0x36a: {  	s23 =	sadd.s32 s4, s23;
	s24 =	sand.u32 $0x1FFFFF80, s24;
	s25 =	sshll.u32 s25, $0x7  }
0x36b: {  	[tilespmem:s10], [sflag:$0x2] =	stream.linear.gather [hbm4b:s22+s1], $0x400, $0x38;
	[tilespmem:$0x8080] =	vst v63  }
0x36c: {  	s22 =	sadd.s32 s4, s24  }
0x36d: {  	s24 =	sand.u32 $0x1FFFFF80, s25;
	s10 =	simm.s32 $0x6480;
	s25 =	spop (v2sf)  }
0x36e: {  	[tilespmem:s10], [sflag:$0x2] =	stream.linear.gather [hbm4b:s23+s1], $0x400, $0x38;
	[tilespmem:$0x8080] =	vst v63  }
0x36f: {  	s23 =	sadd.s32 s4, s24  }
0x370: {  	s24 =	sshll.u32 s25, $0x7;
	s10 =	simm.s32 $0x6880;
	s25 =	spop (v2sf)  }
0x371: {  	[tilespmem:s10], [sflag:$0x2] =	stream.linear.gather [hbm4b:s22+s1], $0x400, $0x38;
	[tilespmem:$0x8080] =	vst v63  }
0x372: {  	s22 =	sand.u32 $0x1FFFFF80, s24  }
0x373: {  	s24 =	sshll.u32 s25, $0x7;
	s10 =	simm.s32 $0x6C80;
	s25 =	spop (v2sf)  }
0x374: {  	[tilespmem:s10], [sflag:$0x2] =	stream.linear.gather [hbm4b:s23+s1], $0x400, $0x38;
	[tilespmem:$0x8080] =	vst v63  }
0x375: {  	s22 =	sadd.s32 s4, s22;
	s23 =	sand.u32 $0x1FFFFF80, s24;
	s24 =	sshll.u32 s25, $0x7  }
0x376: {  	[tilespmem:s2], [sflag:$0x2] =	stream.linear.gather [hbm4b:s22+s1], $0x400, $0x38;
	[tilespmem:$0x8080] =	vst v63  }
0x377: {  	s22 =	sadd.s32 s4, s23;
	s23 =	sand.u32 $0x1FFFFF80, s24;
	s24 =	spop (v2sf)  }
0x378: {  	s23 =	sadd.s32 s4, s23;
	s24 =	sshll.u32 s24, $0x7  }
0x379: {  	[tilespmem:s5], [sflag:$0x2] =	stream.linear.gather [hbm4b:s22+s1], $0x400, $0x38;
	[tilespmem:$0x8080] =	vst v63  }
0x37a: {  	s22 =	sand.u32 $0x1FFFFF80, s24  }
0x37b: {  	[tilespmem:s6], [sflag:$0x2] =	stream.linear.gather [hbm4b:s23+s1], $0x400, $0x38;
	[tilespmem:$0x8080] =	vst v63  }
0x37c: {  	s22 =	sadd.s32 s4, s22  }
0x37d: {  	[tilespmem:s7], [sflag:$0x2] =	stream.linear.gather [hbm4b:s22+s1], $0x400, $0x38;
	[tilespmem:$0x8080] =	vst v63  }
0x37e: {  	_ =	swait.ge [sflag:s16], $0x400  }
0x37f: {  	[sflag:s16] =	ssyncset.done $0x0  }
0x380: {  	[sflag:s16] =	ssyncadd.s32 $0xFFFFFC00  }
0x381: {  	_ =	swait.ge [sflag:s16], $0x400  }
0x382: {  	[sflag:s16] =	ssyncset.done $0x0  }
0x383: {  	[sflag:s16] =	ssyncadd.s32 $0xFFFFFC00  }
0x384: {  	_ =	swait.ge [sflag:s16], $0x400  }
0x385: {  	[sflag:s16] =	ssyncset.done $0x0  }
0x386: {  	[sflag:s16] =	ssyncadd.s32 $0xFFFFFC00  }
0x387: {  	_ =	swait.ge [sflag:s16], $0x400  }
0x388: {  	[sflag:s16] =	ssyncset.done $0x0  }
0x389: {  	[sflag:s16] =	ssyncadd.s32 $0xFFFFFC00  }
0x38a: {  	_ =	swait.ge [sflag:s16], $0x400  }
0x38b: {  	[sflag:s16] =	ssyncset.done $0x0  }
0x38c: {  	[sflag:s16] =	ssyncadd.s32 $0xFFFFFC00  }
0x38d: {  	_ =	swait.ge [sflag:s16], $0x400  }
0x38e: {  	[sflag:s16] =	ssyncset.done $0x0  }
0x38f: {  	[sflag:s16] =	ssyncadd.s32 $0xFFFFFC00  }
0x390: {  	_ =	swait.ge [sflag:s16], $0x400  }
0x391: {  	[sflag:s16] =	ssyncset.done $0x0  }
0x392: {  	[sflag:s16] =	ssyncadd.s32 $0xFFFFFC00  }
0x393: {  	_ =	swait.ge [sflag:s16], $0x400  }
0x394: {  	[sflag:s16] =	ssyncset.done $0x0  }
0x395: {  	[sflag:s16] =	ssyncadd.s32 $0xFFFFFC00  }
0x396: {  	_ =	swait.ge [sflag:s16], $0x400  }
0x397: {  	[sflag:s16] =	ssyncset.done $0x0  }
0x398: {  	[sflag:s16] =	ssyncadd.s32 $0xFFFFFC00  }
0x399: {  	_ =	swait.ge [sflag:s16], $0x400  }
0x39a: {  	[sflag:s16] =	ssyncset.done $0x0  }
0x39b: {  	[sflag:s16] =	ssyncadd.s32 $0xFFFFFC00  }
0x39c: {  	_ =	swait.ge [sflag:s16], $0x400  }
0x39d: {  	[sflag:s16] =	ssyncset.done $0x0  }
0x39e: {  	[sflag:s16] =	ssyncadd.s32 $0xFFFFFC00  }
0x39f: {  	_ =	swait.ge [sflag:s16], $0x400  }
0x3a0: {  	[sflag:s16] =	ssyncset.done $0x0  }
0x3a1: {  	[sflag:s16] =	ssyncadd.s32 $0xFFFFFC00  }
0x3a2: {  	_ =	swait.ge [sflag:s16], $0x400  }
0x3a3: {  	[sflag:s16] =	ssyncset.done $0x0  }
0x3a4: {  	[sflag:s16] =	ssyncadd.s32 $0xFFFFFC00  }
0x3a5: {  	_ =	swait.ge [sflag:s16], $0x400  }
0x3a6: {  	[sflag:s16] =	ssyncset.done $0x0  }
0x3a7: {  	[sflag:s16] =	ssyncadd.s32 $0xFFFFFC00  }
0x3a8: {  	_ =	swait.ge [sflag:s16], $0x400  }
0x3a9: {  	[sflag:s16] =	ssyncset.done $0x0  }
0x3aa: {  	[sflag:s16] =	ssyncadd.s32 $0xFFFFFC00  }
0x3ab: {  	_ =	swait.ge [sflag:s16], $0x400  }
0x3ac: {  	[sflag:s16] =	ssyncset.done $0x0  }
0x3ad: {  	[sflag:s16] =	ssyncadd.s32 $0xFFFFFC00  }
0x3ae: {  	[hbm4b:s21+s1] =	stream.linear.scatter [tilespmem:s11], [sflag:$0x3], $0x4000, $0x38;
	[tilespmem:$0x8080] =	vst v63  }
0x3af: {  	_ =	swait.ge [sflag:s17], $0x4000  }
0x3b0: {  	[sflag:s17] =	ssyncset.done $0x0  }
0x3b1: {  	[sflag:s17] =	ssyncadd.s32 $0xFFFFC000  }
0x3b2: {  	_ =	swait.ge [sflag:s18], $0x400  }
0x3b3: {  	[sflag:s18] =	ssyncset.done $0x0  }
0x3b4: {  	[sflag:s18] =	ssyncadd.s32 $0xFFFFFC00  }
0x3b5: {  	_ =	swait.ge [sflag:s18], $0x400  }
0x3b6: {  	[sflag:s18] =	ssyncset.done $0x0  }
0x3b7: {  	[sflag:s18] =	ssyncadd.s32 $0xFFFFFC00  }
0x3b8: {  	_ =	swait.ge [sflag:s18], $0x400  }
0x3b9: {  	[sflag:s18] =	ssyncset.done $0x0  }
0x3ba: {  	[sflag:s18] =	ssyncadd.s32 $0xFFFFFC00  }
0x3bb: {  	_ =	swait.ge [sflag:s18], $0x400  }
0x3bc: {  	[sflag:s18] =	ssyncset.done $0x0  }
0x3bd: {  	[sflag:s18] =	ssyncadd.s32 $0xFFFFFC00  }
0x3be: {  	_ =	swait.ge [sflag:s18], $0x400  }
0x3bf: {  	[sflag:s18] =	ssyncset.done $0x0  }
0x3c0: {  	[sflag:s18] =	ssyncadd.s32 $0xFFFFFC00  }
0x3c1: {  	_ =	swait.ge [sflag:s18], $0x400  }
0x3c2: {  	[sflag:s18] =	ssyncset.done $0x0  }
0x3c3: {  	[sflag:s18] =	ssyncadd.s32 $0xFFFFFC00  }
0x3c4: {  	_ =	swait.ge [sflag:s18], $0x400  }
0x3c5: {  	[sflag:s18] =	ssyncset.done $0x0  }
0x3c6: {  	[sflag:s18] =	ssyncadd.s32 $0xFFFFFC00  }
0x3c7: {  	_ =	swait.ge [sflag:s18], $0x400  }
0x3c8: {  	[sflag:s18] =	ssyncset.done $0x0  }
0x3c9: {  	[sflag:s18] =	ssyncadd.s32 $0xFFFFFC00  }
0x3ca: {  	_ =	swait.ge [sflag:s18], $0x400  }
0x3cb: {  	[sflag:s18] =	ssyncset.done $0x0  }
0x3cc: {  	[sflag:s18] =	ssyncadd.s32 $0xFFFFFC00  }
0x3cd: {  	_ =	swait.ge [sflag:s18], $0x400  }
0x3ce: {  	[sflag:s18] =	ssyncset.done $0x0  }
0x3cf: {  	[sflag:s18] =	ssyncadd.s32 $0xFFFFFC00  }
0x3d0: {  	_ =	swait.ge [sflag:s18], $0x400  }
0x3d1: {  	[sflag:s18] =	ssyncset.done $0x0  }
0x3d2: {  	[sflag:s18] =	ssyncadd.s32 $0xFFFFFC00  }
0x3d3: {  	_ =	swait.ge [sflag:s18], $0x400  }
0x3d4: {  	[sflag:s18] =	ssyncset.done $0x0  }
0x3d5: {  	[sflag:s18] =	ssyncadd.s32 $0xFFFFFC00  }
.Ltmp1:
0x3d6: {  	_ =	swait.ge [sflag:s18], $0x400;
	(pc) =	sbr.rel @p0 .LBB2_4-.Ltmp1, $4  }
0x3d7: {  	[sflag:s18] =	ssyncset.done $0x0  }
0x3d8: {  	[sflag:s18] =	ssyncadd.s32 $0xFFFFFC00  }
0x3d9: {  	_ =	swait.ge [sflag:s18], $0x400  }
0x3da: {  	[sflag:s18] =	ssyncset.done $0x0  }
0x3db: {  	[sflag:s18] =	ssyncadd.s32 $0xFFFFFC00  }
0x3dc: {  	_ =	swait.ge [sflag:s18], $0x400  }
0x3dd: {  	[sflag:s18] =	ssyncset.done $0x0  }
0x3de: {  	[sflag:s18] =	ssyncadd.s32 $0xFFFFFC00  }
0x3df: {  	_ =	swait.ge [sflag:s18], $0x400  }
0x3e0: {  	[sflag:s18] =	ssyncset.done $0x0  }
0x3e1: {  	s19 =	sadd.s32 $0x800, s19;
	[sflag:s18] =	ssyncadd.s32 $0xFFFFFC00  }
0x3e2: {  	[hbm4b:s19+s1] =	stream.linear.scatter [tilespmem:s28], [sflag:$0x3], $0x4000, $0x38;
	[tilespmem:$0x8080] =	vst v63  }
0x3e3: {  	s22 =	simm.s32 $0x880;
	s23 =	simm.s32 $0xC80;
	_ =	swait.ge [sflag:s17], $0x4000  }
0x3e4: {  	s24 =	simm.s32 $0x1080;
	s0 =	simm.s32 $0x1480;
	s20 =	rddreg [dreg:$0x9]  }
0x3e5: {  	s2 =	simm.s32 $0x1880;
	s25 =	rddreg [dreg:$0x6];
	s20 =	sadd.s32 $0x1, s20  }
0x3e6: {  	s5 =	simm.s32 $0x1C80;
	s6 =	simm.s32 $0x2080;
	p0 =	sne.s32 s20, s25  }
.Ltmp2:
0x3e7: {  	s7 =	simm.s32 $0x2480;
	s10 =	simm.s32 $0x2880;
	(pc) =	sbr.rel @p0 .LBB2_1-.Ltmp2, $4  }
0x3e8: {  	s8 =	simm.s32 $0x2C80;
	s9 =	simm.s32 $0x3080;
	s12 =	simm.s32 $0x3480  }
0x3e9: {  	s13 =	simm.s32 $0x3880;
	s14 =	simm.s32 $0x3C80;
	s15 =	simm.s32 $0x4480  }
0x3ea: {  	s29 =	simm.s32 $0x4C80;
	s30 =	simm.s32 $0x5080;
	[sflag:s17] =	ssyncset.done $0x0  }
0x3eb: {  	s31 =	simm.s32 $0x5480;
	[sflag:s17] =	ssyncadd.s32 $0xFFFFC000;
	s25 =	simm.s32 $0x4880  }
0x3ec: {  	_ =	sfence.sel $0x180000  }
0x3ed: {  	[bflag:$0x0] =	sbarrier.arrive $0xFFFF  }
0x3ee: {  	_ =	strace $0x90000047  }
0x3ef: {  	s0 =	stileid.u32;
	[bflag:$0x2] =	sbarrier.arrive $0xFFFF  }
0x3f0: {  	p0 =	sne.s32 s0, $0x0;
	s0 =	rddreg [dreg:$0x3]  }
0x3f1: {  	s0 =	sadd.s32 @!p0 $0x100000, s0  }
0x3f2: {  	[sflag:s0] =	ssyncadd.tile.s32 @!p0 $0x1;
	_ =	shalt  }
.Lfunc_end2:
_tile_overlayer_lowered:
.L_overlay_start_2:
0x3f3: {  	(tag) =	ssettag $0x2  }
0x3f4: {  	s0 =	rddreg [dreg:$0x0];
	s2 =	stileid.u32  }
0x3f5: {  	s1 =	rddreg [dreg:$0x1];
	p0 =	sne.s32 s2, $0x0  }
0x3f6: {  	s3 =	rddreg [dreg:$0x2];
	[bflag:$0x3] =	sbarrier.arrive $0xFFFF;
	s2 =	simm.s32 @!p0 $0x1C04  }
0x3f7: {  	[timem:s3], [sflag:s2] =	dma.local @!p0 [hbm:s0], s1  }
0x3f8: {  	s0 =	simm.s32 @!p0 $0x4  }
0x3f9: {  	_ =	swait.ge @!p0 [sflag:s0], s1  }
0x3fa: {  	s1 =	ssub.s32 @!p0 $0x0, s1;
	[sflag:s0] =	ssyncset.done @!p0 $0x0  }
0x3fb: {  	[sflag:s0] =	ssyncadd.s32 @!p0 s1  }
0x3fc: {  	[bflag:$0x3] =	sbarrier.arrive $0xFFFF  }
0x3fd: {  	_ =	shalt  }

</sc_bundles>
